<compile_context>
chip_gen: v7x
topology: tpu7x:2x2x1
jax: 0.10.2.dev20260603
libtpu: 0.0.44.dev20260713+nightly
codegen_flags: <defaults>
</compile_context>

<pallas_src>
import functools

import jax
import jax.numpy as jnp
from jax import lax
from jax.experimental import pallas as pl
from jax.experimental.pallas import tpu as pltpu
from jax.experimental.pallas import tpu_sc as plsc

N_ROWS = 65536
N_COLS = 1024
ROW_BLOCK = 4096
STRIP = 128
LANES = 128


def _argmax_body(k_ref, idx_ref):
    lanef = lax.broadcasted_iota(jnp.int32, (STRIP, LANES), 1).astype(
        jnp.float32
    )
    rows = []
    for s in range(ROW_BLOCK // STRIP):
        r0 = s * STRIP
        mr = k_ref[pl.ds(r0, STRIP), pl.ds(0, LANES)]
        for j in range(1, N_COLS // LANES):
            mr = jnp.maximum(mr, k_ref[pl.ds(r0, STRIP), pl.ds(j * LANES, LANES)])
        jwin = jnp.full((STRIP, LANES), 8.0, jnp.float32)
        for j in range(N_COLS // LANES):
            xj = k_ref[pl.ds(r0, STRIP), pl.ds(j * LANES, LANES)]
            jwin = jnp.minimum(jwin, jnp.where(xj == mr, jnp.float32(j), 8.0))
        m = jnp.max(mr, axis=1, keepdims=True)
        comb = jnp.where(mr == m, jwin * 128.0 + lanef, 2048.0)
        amax = jnp.min(comb, axis=1, keepdims=True)
        rows.append(jnp.transpose(amax))
    idx_ref[...] = jnp.concatenate(rows, axis=0).astype(jnp.int32)


def _tc_argmax(k):
    n_strips = N_ROWS // STRIP
    blk = ROW_BLOCK // STRIP
    return pl.pallas_call(
        _argmax_body,
        grid=(N_ROWS // ROW_BLOCK,),
        in_specs=[pl.BlockSpec((ROW_BLOCK, N_COLS), lambda i: (i, 0))],
        out_specs=pl.BlockSpec((blk, STRIP), lambda i: (i, 0)),
        out_shape=jax.ShapeDtypeStruct((n_strips, STRIP), jnp.int32),
        compiler_params=pltpu.CompilerParams(
            vmem_limit_bytes=100 * 1024 * 1024,
        ),
    )(k)


def _make_sc_gather():
    info = plsc.get_sparse_core_info()
    nw = info.num_cores * info.num_subcores
    b_per_w = N_ROWS // nw
    lanes = 16
    mesh = plsc.VectorSubcoreMesh(core_axis_name="c", subcore_axis_name="s")

    @functools.partial(
        pl.kernel,
        mesh=mesh,
        out_type=jax.ShapeDtypeStruct((N_ROWS,), jnp.float32),
        scratch_types=[
            pltpu.VMEM((b_per_w,), jnp.int32),
            pltpu.VMEM((b_per_w,), jnp.int32),
            pltpu.VMEM((b_per_w,), jnp.float32),
            pltpu.SemaphoreType.DMA,
        ],
    )
    def gather(vflat_hbm, colq_hbm, out_hbm, colq_v, phys_v, vals_v, sem):
        wid = lax.axis_index("s") * info.num_cores + lax.axis_index("c")
        base = wid * b_per_w
        pltpu.sync_copy(colq_hbm.at[pl.ds(base, b_per_w)], colq_v)

        def step(i, _):
            c = colq_v[pl.ds(i * lanes, lanes)]
            r0 = (((i >> 6) << 3) + ((i >> 3) & 7)) * 128 + ((i & 7) << 4)
            r = base + r0 + lax.iota(jnp.int32, lanes)
            phys_v[pl.ds(r0, lanes)] = (
                ((r >> 3) << 13)
                + ((c >> 7) << 10)
                + ((r & 7) << 7)
                + (c & 127)
            )
            return 0

        lax.fori_loop(0, b_per_w // lanes, step, 0)

        pltpu.async_copy(vflat_hbm.at[phys_v], vals_v, sem).wait()
        pltpu.sync_copy(vals_v, out_hbm.at[pl.ds(base, b_per_w)])

    return gather


_sc_gather = _make_sc_gather()


def kernel(v, k):
    col2d = _tc_argmax(k)
    v_view = (
        v.reshape(N_ROWS // 8, 8, N_COLS // 128, 128)
        .transpose(0, 2, 1, 3)
        .reshape(-1)
    )
    colq = (
        col2d.reshape(N_ROWS // STRIP // 8, 8, 1, STRIP)
        .transpose(0, 2, 1, 3)
        .reshape(-1)
    )
    return _sc_gather(v_view, colq)

# --- scband reference (transcript-rebuilt; emitter-appended) ---
"""Pipeline reference for scband-asymmetrical-lookup-21844203667952 (READ-ONLY COPY).

The authoritative reference and input builder live on the scoring server;
editing this copy changes nothing except your own understanding.
"""

import jax, jax.numpy as jnp
import numpy as np


def setup_inputs(seed: int = 0) -> dict:
    key = jax.random.key(seed)
    k1, k2 = jax.random.split(key)
    v = jax.random.normal(k1, (65536, 1024), dtype=jnp.float32)
    k = jax.random.normal(k2, (65536, 1024), dtype=jnp.float32)
    return {"v": v, "k": k}


def reference(v, k):
    # AsymmetricalVectoredLookup.forward: select v[i, argmax(k[i])] per row
    b_idx = jnp.argmax(k, axis=-1)
    a_idx = jnp.arange(b_idx.shape[0])
    forward_result = v[a_idx, b_idx]
    return forward_result

if __name__ == "__main__":
    import jax
    _d = setup_inputs()
    print(jax.jit(kernel)(*tuple(_d.values())))

</pallas_src>

<mosaic_0001>
#map = affine_map<(d0, d1) -> (0)>
module attributes {stable_mosaic.version = 14 : i64} {
  func.func @gather(%arg0: i32, %arg1: i32, %arg2: memref<67108864xf32, #tpu.memory_space<hbm>>, %arg3: memref<65536xi32, #tpu.memory_space<hbm>>, %arg4: memref<65536xf32, #tpu.memory_space<hbm>>, %arg5: memref<2048xi32, #tpu.memory_space<vmem>>, %arg6: memref<2048xi32, #tpu.memory_space<vmem>>, %arg7: memref<2048xf32, #tpu.memory_space<vmem>>, %arg8: memref<!tpu.dma_semaphore, #tpu.memory_space<semaphore_mem>>) attributes {dimension_semantics = [#tpu.dimension_semantics<core_parallel>, #tpu.dimension_semantics<subcore_parallel>], iteration_bounds = array<i64: 2, 16>, scalar_prefetch = 0 : i64, scratch_operands = 4 : i64, tpu.core_type = #tpu.core_type<sc_vector_subcore>, window_params = [{transform_indices = #map}, {transform_indices = #map}, {transform_indices = #map}]} {
    %mul3A = arith.constant 2 : i32
    %mul3A_0 = arith.muli %arg1, %mul3A : i32
    %add3A = arith.addi %mul3A_0, %arg0 : i32
    %mul3A_1 = arith.constant 2048 : i32
    %mul3A_2 = arith.muli %add3A, %mul3A_1 : i32
    "tpu.region"() ({
      %run_scoped3A = tpu.sem_alloc : memref<!tpu.dma_semaphore, #tpu.memory_space<semaphore_mem>>
      %dma_start3A_11 = tpu.memref_slice %arg3[%mul3A_2] : memref<65536xi32, #tpu.memory_space<hbm>> -> memref<2048xi32, #tpu.memory_space<hbm>>
      %dma_start3A_12 = tpu.memref_slice %arg3[%mul3A_2] : memref<65536xi32, #tpu.memory_space<hbm>> -> memref<2048xi32, #tpu.memory_space<hbm>>
      tpu.enqueue_dma source(%dma_start3A_12 : memref<2048xi32, #tpu.memory_space<hbm>>) target(%arg5 : memref<2048xi32, #tpu.memory_space<vmem>>) target_semaphore(%run_scoped3A : memref<!tpu.dma_semaphore, #tpu.memory_space<semaphore_mem>>)
      %dma_wait3A_13 = tpu.memref_slice %arg3[%mul3A_2] : memref<65536xi32, #tpu.memory_space<hbm>> -> memref<2048xi32, #tpu.memory_space<hbm>>
      %dma_wait3A_14 = tpu.memref_slice %arg3[%mul3A_2] : memref<65536xi32, #tpu.memory_space<hbm>> -> memref<2048xi32, #tpu.memory_space<hbm>>
      tpu.wait_dma2 semaphore(%run_scoped3A : memref<!tpu.dma_semaphore, #tpu.memory_space<semaphore_mem>>) src(%dma_wait3A_14 : memref<2048xi32, #tpu.memory_space<hbm>>) dst(%arg5 : memref<2048xi32, #tpu.memory_space<vmem>>)
      tpu.yield
    }) : () -> ()
    %scan3A = arith.constant 0 : i32
    %scan3A_3 = arith.constant 0 : i32
    %scan3A_4 = arith.constant 128 : i32
    %scan3A_5 = arith.addi %scan3A_3, %scan3A_4 : i32
    %scan3A_6 = arith.constant 1 : i32
    %scan3A_7 = scf.for %scan3A_11 = %scan3A_3 to %scan3A_5 step %scan3A_6 iter_args(%scan3A_12 = %scan3A) -> (i32)  : i32 {
      %mul3A_13 = arith.constant 16 : i32
      %mul3A_14 = arith.muli %scan3A_11, %mul3A_13 : i32
      %get3A = arith.index_cast %mul3A_14 : i32 to index
      %get3A_15 = tpu.vector_load %arg5[%get3A] {strides = array<i32>} : memref<2048xi32, #tpu.memory_space<vmem>>, vector<16xi32>,
      %get3A_16 = vector.shape_cast %get3A_15 : vector<16xi32> to vector<16xi32>
      %shift_right_arithmetic3A = arith.constant 6 : i32
      %shift_right_arithmetic3A_17 = arith.shrsi %scan3A_11, %shift_right_arithmetic3A : i32
      %shift_left3A = arith.constant 3 : i32
      %shift_left3A_18 = arith.shli %shift_right_arithmetic3A_17, %shift_left3A : i32
      %shift_right_arithmetic3A_19 = arith.constant 3 : i32
      %shift_right_arithmetic3A_20 = arith.shrsi %scan3A_11, %shift_right_arithmetic3A_19 : i32
      %and3A = arith.constant 7 : i32
      %and3A_21 = arith.andi %shift_right_arithmetic3A_20, %and3A : i32
      %add3A_22 = arith.addi %shift_left3A_18, %and3A_21 : i32
      %mul3A_23 = arith.constant 128 : i32
      %mul3A_24 = arith.muli %add3A_22, %mul3A_23 : i32
      %and3A_25 = arith.constant 7 : i32
      %and3A_26 = arith.andi %scan3A_11, %and3A_25 : i32
      %shift_left3A_27 = arith.constant 4 : i32
      %shift_left3A_28 = arith.shli %and3A_26, %shift_left3A_27 : i32
      %add3A_29 = arith.addi %mul3A_24, %shift_left3A_28 : i32
      %add3A_30 = arith.addi %mul3A_2, %add3A_29 : i32
      %iota3A = tpu.iota {dimensions = array<i32: 0>} : vector<16xi32>
      %add3A_31 = vector.broadcast %add3A_30 : i32 to vector<16xi32>
      %add3A_32 = arith.addi %add3A_31, %iota3A : vector<16xi32>
      %shift_right_arithmetic3A_33 = arith.constant 3 : i32
      %shift_right_arithmetic3A_34 = vector.broadcast %shift_right_arithmetic3A_33 : i32 to vector<16xi32>
      %shift_right_arithmetic3A_35 = arith.shrsi %add3A_32, %shift_right_arithmetic3A_34 : vector<16xi32>
      %shift_left3A_36 = arith.constant 13 : i32
      %shift_left3A_37 = vector.broadcast %shift_left3A_36 : i32 to vector<16xi32>
      %shift_left3A_38 = arith.shli %shift_right_arithmetic3A_35, %shift_left3A_37 : vector<16xi32>
      %shift_right_arithmetic3A_39 = arith.constant 7 : i32
      %shift_right_arithmetic3A_40 = vector.broadcast %shift_right_arithmetic3A_39 : i32 to vector<16xi32>
      %shift_right_arithmetic3A_41 = arith.shrsi %get3A_16, %shift_right_arithmetic3A_40 : vector<16xi32>
      %shift_left3A_42 = arith.constant 10 : i32
      %shift_left3A_43 = vector.broadcast %shift_left3A_42 : i32 to vector<16xi32>
      %shift_left3A_44 = arith.shli %shift_right_arithmetic3A_41, %shift_left3A_43 : vector<16xi32>
      %add3A_45 = arith.addi %shift_left3A_38, %shift_left3A_44 : vector<16xi32>
      %and3A_46 = arith.constant 7 : i32
      %and3A_47 = vector.broadcast %and3A_46 : i32 to vector<16xi32>
      %and3A_48 = arith.andi %add3A_32, %and3A_47 : vector<16xi32>
      %shift_left3A_49 = arith.constant 7 : i32
      %shift_left3A_50 = vector.broadcast %shift_left3A_49 : i32 to vector<16xi32>
      %shift_left3A_51 = arith.shli %and3A_48, %shift_left3A_50 : vector<16xi32>
      %add3A_52 = arith.addi %add3A_45, %shift_left3A_51 : vector<16xi32>
      %and3A_53 = arith.constant 127 : i32
      %and3A_54 = vector.broadcast %and3A_53 : i32 to vector<16xi32>
      %and3A_55 = arith.andi %get3A_16, %and3A_54 : vector<16xi32>
      %add3A_56 = arith.addi %add3A_52, %and3A_55 : vector<16xi32>
      %swap3A = arith.index_cast %add3A_29 : i32 to index
      %swap3A_57 = tpu.vector_load %arg6[%swap3A] {strides = array<i32>} : memref<2048xi32, #tpu.memory_space<vmem>>, vector<16xi32>,
      %swap3A_58 = vector.shape_cast %swap3A_57 : vector<16xi32> to vector<16xi32>
      %swap3A_59 = vector.shape_cast %add3A_56 : vector<16xi32> to vector<16xi32>
      tpu.vector_store %arg6[%swap3A], %swap3A_59 {strides = array<i32>} : memref<2048xi32, #tpu.memory_space<vmem>>, vector<16xi32>,
      %scan3A_60 = arith.constant 0 : i32
      scf.yield %scan3A_60 : i32
    }
    %scan3A_8 = arith.constant 128 : i32
    %dma_start3A = arith.constant 0 : i32
    %dma_start3A_9 = tpu.memref_slice %arg2[%dma_start3A] : memref<67108864xf32, #tpu.memory_space<hbm>> -> memref<67108864xf32, #tpu.memory_space<hbm>>
    tpu.enqueue_indirect_dma source(%dma_start3A_9 : memref<67108864xf32, #tpu.memory_space<hbm>>) target(%arg7 : memref<2048xf32, #tpu.memory_space<vmem>>) offsets(%arg6 : memref<2048xi32, #tpu.memory_space<vmem>>) semaphore(%arg8 : memref<!tpu.dma_semaphore, #tpu.memory_space<semaphore_mem>>)
    %dma_wait3A = arith.constant 0 : i32
    %dma_wait3A_10 = tpu.memref_slice %arg2[%dma_wait3A] : memref<67108864xf32, #tpu.memory_space<hbm>> -> memref<67108864xf32, #tpu.memory_space<hbm>>
    tpu.wait_indirect_dma semaphore(%arg8 : memref<!tpu.dma_semaphore, #tpu.memory_space<semaphore_mem>>) src(%dma_wait3A_10 : memref<67108864xf32, #tpu.memory_space<hbm>>) dst(%arg7 : memref<2048xf32, #tpu.memory_space<vmem>>)
    "tpu.region"() ({
      %run_scoped3A = tpu.sem_alloc : memref<!tpu.dma_semaphore, #tpu.memory_space<semaphore_mem>>
      %dma_start3A_11 = tpu.memref_slice %arg4[%mul3A_2] : memref<65536xf32, #tpu.memory_space<hbm>> -> memref<2048xf32, #tpu.memory_space<hbm>>
      %dma_start3A_12 = tpu.memref_slice %arg4[%mul3A_2] : memref<65536xf32, #tpu.memory_space<hbm>> -> memref<2048xf32, #tpu.memory_space<hbm>>
      tpu.enqueue_dma source(%arg7 : memref<2048xf32, #tpu.memory_space<vmem>>) target(%dma_start3A_12 : memref<2048xf32, #tpu.memory_space<hbm>>) target_semaphore(%run_scoped3A : memref<!tpu.dma_semaphore, #tpu.memory_space<semaphore_mem>>)
      %dma_wait3A_13 = tpu.memref_slice %arg4[%mul3A_2] : memref<65536xf32, #tpu.memory_space<hbm>> -> memref<2048xf32, #tpu.memory_space<hbm>>
      %dma_wait3A_14 = tpu.memref_slice %arg4[%mul3A_2] : memref<65536xf32, #tpu.memory_space<hbm>> -> memref<2048xf32, #tpu.memory_space<hbm>>
      tpu.wait_dma2 semaphore(%run_scoped3A : memref<!tpu.dma_semaphore, #tpu.memory_space<semaphore_mem>>) src(%arg7 : memref<2048xf32, #tpu.memory_space<vmem>>) dst(%dma_wait3A_14 : memref<2048xf32, #tpu.memory_space<hbm>>)
      tpu.yield
    }) : () -> ()
    return
  }
}

module attributes {stable_mosaic.version = 14 : i64} {
  func.func @_argmax_body(%arg0: i32, %arg1: memref<4096x1024xf32, #tpu.memory_space<vmem>>, %arg2: memref<32x128xi32, #tpu.memory_space<vmem>>) attributes {dimension_semantics = [#tpu.dimension_semantics<arbitrary>], iteration_bounds = array<i64: 16>, scalar_prefetch = 0 : i64, scratch_operands = 0 : i64, tpu.core_type = #tpu.core_type<tc>, window_params = [{transform_indices = @transform_0, window_bounds = array<i64: 4096, 1024>}, {transform_indices = @transform_1, window_bounds = array<i64: 32, 128>}]} {
    %iota3A = tpu.iota {dimensions = array<i32: 1>} : vector<128x128xi32>
    %convert_element_type3A = arith.sitofp %iota3A : vector<128x128xi32> to vector<128x128xf32>
    %get3A = arith.constant 0 : index
    %get3A_0 = arith.constant 0 : index
    %get3A_1 = vector.load %arg1[%get3A, %get3A_0] : memref<4096x1024xf32, #tpu.memory_space<vmem>>, vector<128x128xf32>
    %get3A_2 = arith.constant 0 : index
    %get3A_3 = arith.constant 128 : index
    %get3A_4 = vector.load %arg1[%get3A_2, %get3A_3] : memref<4096x1024xf32, #tpu.memory_space<vmem>>, vector<128x128xf32>
    %max3A = arith.maximumf %get3A_1, %get3A_4 : vector<128x128xf32>
    %get3A_5 = arith.constant 0 : index
    %get3A_6 = arith.constant 256 : index
    %get3A_7 = vector.load %arg1[%get3A_5, %get3A_6] : memref<4096x1024xf32, #tpu.memory_space<vmem>>, vector<128x128xf32>
    %max3A_8 = arith.maximumf %max3A, %get3A_7 : vector<128x128xf32>
    %get3A_9 = arith.constant 0 : index
    %get3A_10 = arith.constant 384 : index
    %get3A_11 = vector.load %arg1[%get3A_9, %get3A_10] : memref<4096x1024xf32, #tpu.memory_space<vmem>>, vector<128x128xf32>
    %max3A_12 = arith.maximumf %max3A_8, %get3A_11 : vector<128x128xf32>
    %get3A_13 = arith.constant 0 : index
    %get3A_14 = arith.constant 512 : index
    %get3A_15 = vector.load %arg1[%get3A_13, %get3A_14] : memref<4096x1024xf32, #tpu.memory_space<vmem>>, vector<128x128xf32>
    %max3A_16 = arith.maximumf %max3A_12, %get3A_15 : vector<128x128xf32>
    %get3A_17 = arith.constant 0 : index
    %get3A_18 = arith.constant 640 : index
    %get3A_19 = vector.load %arg1[%get3A_17, %get3A_18] : memref<4096x1024xf32, #tpu.memory_space<vmem>>, vector<128x128xf32>
    %max3A_20 = arith.maximumf %max3A_16, %get3A_19 : vector<128x128xf32>
    %get3A_21 = arith.constant 0 : index
    %get3A_22 = arith.constant 768 : index
    %get3A_23 = vector.load %arg1[%get3A_21, %get3A_22] : memref<4096x1024xf32, #tpu.memory_space<vmem>>, vector<128x128xf32>
    %max3A_24 = arith.maximumf %max3A_20, %get3A_23 : vector<128x128xf32>
    %get3A_25 = arith.constant 0 : index
    %get3A_26 = arith.constant 896 : index
    %get3A_27 = vector.load %arg1[%get3A_25, %get3A_26] : memref<4096x1024xf32, #tpu.memory_space<vmem>>, vector<128x128xf32>
    %max3A_28 = arith.maximumf %max3A_24, %get3A_27 : vector<128x128xf32>
    %broadcast_in_dim3A = arith.constant 8.000000e+00 : f32
    %broadcast_in_dim3A_29 = vector.broadcast %broadcast_in_dim3A : f32 to vector<128x128xf32>
    %get3A_30 = arith.constant 0 : index
    %get3A_31 = arith.constant 0 : index
    %get3A_32 = vector.load %arg1[%get3A_30, %get3A_31] : memref<4096x1024xf32, #tpu.memory_space<vmem>>, vector<128x128xf32>
    %eq3A = arith.cmpf oeq, %get3A_32, %max3A_28 : vector<128x128xf32>
    %jit3A = arith.constant 0.000000e+00 : f32
    %jit3A_33 = arith.constant 8.000000e+00 : f32
    %broadcast_in_dim3A_34 = vector.broadcast %jit3A : f32 to vector<128x128xf32>
    %broadcast_in_dim3A_35 = vector.broadcast %jit3A_33 : f32 to vector<128x128xf32>
    %select_n3A = arith.select %eq3A, %broadcast_in_dim3A_34, %broadcast_in_dim3A_35 : vector<128x128xi1>, vector<128x128xf32>
    %min3A = arith.minimumf %broadcast_in_dim3A_29, %select_n3A : vector<128x128xf32>
    %get3A_36 = arith.constant 0 : index
    %get3A_37 = arith.constant 128 : index
    %get3A_38 = vector.load %arg1[%get3A_36, %get3A_37] : memref<4096x1024xf32, #tpu.memory_space<vmem>>, vector<128x128xf32>
    %eq3A_39 = arith.cmpf oeq, %get3A_38, %max3A_28 : vector<128x128xf32>
    %jit3A_40 = arith.constant 1.000000e+00 : f32
    %jit3A_41 = arith.constant 8.000000e+00 : f32
    %broadcast_in_dim3A_42 = vector.broadcast %jit3A_40 : f32 to vector<128x128xf32>
    %broadcast_in_dim3A_43 = vector.broadcast %jit3A_41 : f32 to vector<128x128xf32>
    %select_n3A_44 = arith.select %eq3A_39, %broadcast_in_dim3A_42, %broadcast_in_dim3A_43 : vector<128x128xi1>, vector<128x128xf32>
    %min3A_45 = arith.minimumf %min3A, %select_n3A_44 : vector<128x128xf32>
    %get3A_46 = arith.constant 0 : index
    %get3A_47 = arith.constant 256 : index
    %get3A_48 = vector.load %arg1[%get3A_46, %get3A_47] : memref<4096x1024xf32, #tpu.memory_space<vmem>>, vector<128x128xf32>
    %eq3A_49 = arith.cmpf oeq, %get3A_48, %max3A_28 : vector<128x128xf32>
    %jit3A_50 = arith.constant 2.000000e+00 : f32
    %jit3A_51 = arith.constant 8.000000e+00 : f32
    %broadcast_in_dim3A_52 = vector.broadcast %jit3A_50 : f32 to vector<128x128xf32>
    %broadcast_in_dim3A_53 = vector.broadcast %jit3A_51 : f32 to vector<128x128xf32>
    %select_n3A_54 = arith.select %eq3A_49, %broadcast_in_dim3A_52, %broadcast_in_dim3A_53 : vector<128x128xi1>, vector<128x128xf32>
    %min3A_55 = arith.minimumf %min3A_45, %select_n3A_54 : vector<128x128xf32>
    %get3A_56 = arith.constant 0 : index
    %get3A_57 = arith.constant 384 : index
    %get3A_58 = vector.load %arg1[%get3A_56, %get3A_57] : memref<4096x1024xf32, #tpu.memory_space<vmem>>, vector<128x128xf32>
    %eq3A_59 = arith.cmpf oeq, %get3A_58, %max3A_28 : vector<128x128xf32>
    %jit3A_60 = arith.constant 3.000000e+00 : f32
    %jit3A_61 = arith.constant 8.000000e+00 : f32
    %broadcast_in_dim3A_62 = vector.broadcast %jit3A_60 : f32 to vector<128x128xf32>
    %broadcast_in_dim3A_63 = vector.broadcast %jit3A_61 : f32 to vector<128x128xf32>
    %select_n3A_64 = arith.select %eq3A_59, %broadcast_in_dim3A_62, %broadcast_in_dim3A_63 : vector<128x128xi1>, vector<128x128xf32>
    %min3A_65 = arith.minimumf %min3A_55, %select_n3A_64 : vector<128x128xf32>
    %get3A_66 = arith.constant 0 : index
    %get3A_67 = arith.constant 512 : index
    %get3A_68 = vector.load %arg1[%get3A_66, %get3A_67] : memref<4096x1024xf32, #tpu.memory_space<vmem>>, vector<128x128xf32>
    %eq3A_69 = arith.cmpf oeq, %get3A_68, %max3A_28 : vector<128x128xf32>
    %jit3A_70 = arith.constant 4.000000e+00 : f32
    %jit3A_71 = arith.constant 8.000000e+00 : f32
    %broadcast_in_dim3A_72 = vector.broadcast %jit3A_70 : f32 to vector<128x128xf32>
    %broadcast_in_dim3A_73 = vector.broadcast %jit3A_71 : f32 to vector<128x128xf32>
    %select_n3A_74 = arith.select %eq3A_69, %broadcast_in_dim3A_72, %broadcast_in_dim3A_73 : vector<128x128xi1>, vector<128x128xf32>
    %min3A_75 = arith.minimumf %min3A_65, %select_n3A_74 : vector<128x128xf32>
    %get3A_76 = arith.constant 0 : index
    %get3A_77 = arith.constant 640 : index
    %get3A_78 = vector.load %arg1[%get3A_76, %get3A_77] : memref<4096x1024xf32, #tpu.memory_space<vmem>>, vector<128x128xf32>
    %eq3A_79 = arith.cmpf oeq, %get3A_78, %max3A_28 : vector<128x128xf32>
    %jit3A_80 = arith.constant 5.000000e+00 : f32
    %jit3A_81 = arith.constant 8.000000e+00 : f32
    %broadcast_in_dim3A_82 = vector.broadcast %jit3A_80 : f32 to vector<128x128xf32>
    %broadcast_in_dim3A_83 = vector.broadcast %jit3A_81 : f32 to vector<128x128xf32>
    %select_n3A_84 = arith.select %eq3A_79, %broadcast_in_dim3A_82, %broadcast_in_dim3A_83 : vector<128x128xi1>, vector<128x128xf32>
    %min3A_85 = arith.minimumf %min3A_75, %select_n3A_84 : vector<128x128xf32>
    %get3A_86 = arith.constant 0 : index
    %get3A_87 = arith.constant 768 : index
    %get3A_88 = vector.load %arg1[%get3A_86, %get3A_87] : memref<4096x1024xf32, #tpu.memory_space<vmem>>, vector<128x128xf32>
    %eq3A_89 = arith.cmpf oeq, %get3A_88, %max3A_28 : vector<128x128xf32>
    %jit3A_90 = arith.constant 6.000000e+00 : f32
    %jit3A_91 = arith.constant 8.000000e+00 : f32
    %broadcast_in_dim3A_92 = vector.broadcast %jit3A_90 : f32 to vector<128x128xf32>
    %broadcast_in_dim3A_93 = vector.broadcast %jit3A_91 : f32 to vector<128x128xf32>
    %select_n3A_94 = arith.select %eq3A_89, %broadcast_in_dim3A_92, %broadcast_in_dim3A_93 : vector<128x128xi1>, vector<128x128xf32>
    %min3A_95 = arith.minimumf %min3A_85, %select_n3A_94 : vector<128x128xf32>
    %get3A_96 = arith.constant 0 : index
    %get3A_97 = arith.constant 896 : index
    %get3A_98 = vector.load %arg1[%get3A_96, %get3A_97] : memref<4096x1024xf32, #tpu.memory_space<vmem>>, vector<128x128xf32>
    %eq3A_99 = arith.cmpf oeq, %get3A_98, %max3A_28 : vector<128x128xf32>
    %jit3A_100 = arith.constant 7.000000e+00 : f32
    %jit3A_101 = arith.constant 8.000000e+00 : f32
    %broadcast_in_dim3A_102 = vector.broadcast %jit3A_100 : f32 to vector<128x128xf32>
    %broadcast_in_dim3A_103 = vector.broadcast %jit3A_101 : f32 to vector<128x128xf32>
    %select_n3A_104 = arith.select %eq3A_99, %broadcast_in_dim3A_102, %broadcast_in_dim3A_103 : vector<128x128xi1>, vector<128x128xf32>
    %min3A_105 = arith.minimumf %min3A_95, %select_n3A_104 : vector<128x128xf32>
    %reduce_max3A = arith.constant dense<0xFF800000> : vector<128xf32>
    %reduce_max3A_106 = vector.multi_reduction <maximumf>, %max3A_28, %reduce_max3A [1] : vector<128x128xf32> to vector<128xf32>
    %broadcast_in_dim3A_107 = vector.shape_cast %reduce_max3A_106 : vector<128xf32> to vector<128x1xf32>
    %eq3A_108 = vector.broadcast %broadcast_in_dim3A_107 : vector<128x1xf32> to vector<128x128xf32>
    %eq3A_109 = arith.cmpf oeq, %max3A_28, %eq3A_108 : vector<128x128xf32>
    %mul3A = arith.constant 1.280000e+02 : f32
    %mul3A_110 = vector.broadcast %mul3A : f32 to vector<128x128xf32>
    %mul3A_111 = arith.mulf %min3A_105, %mul3A_110 : vector<128x128xf32>
    %add3A = arith.addf %mul3A_111, %convert_element_type3A : vector<128x128xf32>
    %jit3A_112 = arith.constant 2.048000e+03 : f32
    %broadcast_in_dim3A_113 = vector.broadcast %jit3A_112 : f32 to vector<128x128xf32>
    %select_n3A_114 = arith.select %eq3A_109, %add3A, %broadcast_in_dim3A_113 : vector<128x128xi1>, vector<128x128xf32>
    %reduce_min3A = arith.constant dense<0x7F800000> : vector<128xf32>
    %reduce_min3A_115 = vector.multi_reduction <minimumf>, %select_n3A_114, %reduce_min3A [1] : vector<128x128xf32> to vector<128xf32>
    %broadcast_in_dim3A_116 = vector.shape_cast %reduce_min3A_115 : vector<128xf32> to vector<128x1xf32>
    %transpose3A = tpu.transpose %broadcast_in_dim3A_116, [1, 0] : vector<128x1xf32> -> vector<1x128xf32>
    %get3A_117 = arith.constant 128 : index
    %get3A_118 = arith.constant 0 : index
    %get3A_119 = vector.load %arg1[%get3A_117, %get3A_118] : memref<4096x1024xf32, #tpu.memory_space<vmem>>, vector<128x128xf32>
    %get3A_120 = arith.constant 128 : index
    %get3A_121 = arith.constant 128 : index
    %get3A_122 = vector.load %arg1[%get3A_120, %get3A_121] : memref<4096x1024xf32, #tpu.memory_space<vmem>>, vector<128x128xf32>
    %max3A_123 = arith.maximumf %get3A_119, %get3A_122 : vector<128x128xf32>
    %get3A_124 = arith.constant 128 : index
    %get3A_125 = arith.constant 256 : index
    %get3A_126 = vector.load %arg1[%get3A_124, %get3A_125] : memref<4096x1024xf32, #tpu.memory_space<vmem>>, vector<128x128xf32>
    %max3A_127 = arith.maximumf %max3A_123, %get3A_126 : vector<128x128xf32>
    %get3A_128 = arith.constant 128 : index
    %get3A_129 = arith.constant 384 : index
    %get3A_130 = vector.load %arg1[%get3A_128, %get3A_129] : memref<4096x1024xf32, #tpu.memory_space<vmem>>, vector<128x128xf32>
    %max3A_131 = arith.maximumf %max3A_127, %get3A_130 : vector<128x128xf32>
    %get3A_132 = arith.constant 128 : index
    %get3A_133 = arith.constant 512 : index
    %get3A_134 = vector.load %arg1[%get3A_132, %get3A_133] : memref<4096x1024xf32, #tpu.memory_space<vmem>>, vector<128x128xf32>
    %max3A_135 = arith.maximumf %max3A_131, %get3A_134 : vector<128x128xf32>
    %get3A_136 = arith.constant 128 : index
    %get3A_137 = arith.constant 640 : index
    %get3A_138 = vector.load %arg1[%get3A_136, %get3A_137] : memref<4096x1024xf32, #tpu.memory_space<vmem>>, vector<128x128xf32>
    %max3A_139 = arith.maximumf %max3A_135, %get3A_138 : vector<128x128xf32>
    %get3A_140 = arith.constant 128 : index
    %get3A_141 = arith.constant 768 : index
    %get3A_142 = vector.load %arg1[%get3A_140, %get3A_141] : memref<4096x1024xf32, #tpu.memory_space<vmem>>, vector<128x128xf32>
    %max3A_143 = arith.maximumf %max3A_139, %get3A_142 : vector<128x128xf32>
    %get3A_144 = arith.constant 128 : index
    %get3A_145 = arith.constant 896 : index
    %get3A_146 = vector.load %arg1[%get3A_144, %get3A_145] : memref<4096x1024xf32, #tpu.memory_space<vmem>>, vector<128x128xf32>
    %max3A_147 = arith.maximumf %max3A_143, %get3A_146 : vector<128x128xf32>
    %broadcast_in_dim3A_148 = arith.constant 8.000000e+00 : f32
    %broadcast_in_dim3A_149 = vector.broadcast %broadcast_in_dim3A_148 : f32 to vector<128x128xf32>
    %get3A_150 = arith.constant 128 : index
    %get3A_151 = arith.constant 0 : index
    %get3A_152 = vector.load %arg1[%get3A_150, %get3A_151] : memref<4096x1024xf32, #tpu.memory_space<vmem>>, vector<128x128xf32>
    %eq3A_153 = arith.cmpf oeq, %get3A_152, %max3A_147 : vector<128x128xf32>
    %jit3A_154 = arith.constant 0.000000e+00 : f32
    %jit3A_155 = arith.constant 8.000000e+00 : f32
    %broadcast_in_dim3A_156 = vector.broadcast %jit3A_154 : f32 to vector<128x128xf32>
    %broadcast_in_dim3A_157 = vector.broadcast %jit3A_155 : f32 to vector<128x128xf32>
    %select_n3A_158 = arith.select %eq3A_153, %broadcast_in_dim3A_156, %broadcast_in_dim3A_157 : vector<128x128xi1>, vector<128x128xf32>
    %min3A_159 = arith.minimumf %broadcast_in_dim3A_149, %select_n3A_158 : vector<128x128xf32>
    %get3A_160 = arith.constant 128 : index
    %get3A_161 = arith.constant 128 : index
    %get3A_162 = vector.load %arg1[%get3A_160, %get3A_161] : memref<4096x1024xf32, #tpu.memory_space<vmem>>, vector<128x128xf32>
    %eq3A_163 = arith.cmpf oeq, %get3A_162, %max3A_147 : vector<128x128xf32>
    %jit3A_164 = arith.constant 1.000000e+00 : f32
    %jit3A_165 = arith.constant 8.000000e+00 : f32
    %broadcast_in_dim3A_166 = vector.broadcast %jit3A_164 : f32 to vector<128x128xf32>
    %broadcast_in_dim3A_167 = vector.broadcast %jit3A_165 : f32 to vector<128x128xf32>
    %select_n3A_168 = arith.select %eq3A_163, %broadcast_in_dim3A_166, %broadcast_in_dim3A_167 : vector<128x128xi1>, vector<128x128xf32>
    %min3A_169 = arith.minimumf %min3A_159, %select_n3A_168 : vector<128x128xf32>
    %get3A_170 = arith.constant 128 : index
    %get3A_171 = arith.constant 256 : index
    %get3A_172 = vector.load %arg1[%get3A_170, %get3A_171] : memref<4096x1024xf32, #tpu.memory_space<vmem>>, vector<128x128xf32>
    %eq3A_173 = arith.cmpf oeq, %get3A_172, %max3A_147 : vector<128x128xf32>
    %jit3A_174 = arith.constant 2.000000e+00 : f32
    %jit3A_175 = arith.constant 8.000000e+00 : f32
    %broadcast_in_dim3A_176 = vector.broadcast %jit3A_174 : f32 to vector<128x128xf32>
    %broadcast_in_dim3A_177 = vector.broadcast %jit3A_175 : f32 to vector<128x128xf32>
    %select_n3A_178 = arith.select %eq3A_173, %broadcast_in_dim3A_176, %broadcast_in_dim3A_177 : vector<128x128xi1>, vector<128x128xf32>
    %min3A_179 = arith.minimumf %min3A_169, %select_n3A_178 : vector<128x128xf32>
    %get3A_180 = arith.constant 128 : index
    %get3A_181 = arith.constant 384 : index
    %get3A_182 = vector.load %arg1[%get3A_180, %get3A_181] : memref<4096x1024xf32, #tpu.memory_space<vmem>>, vector<128x128xf32>
    %eq3A_183 = arith.cmpf oeq, %get3A_182, %max3A_147 : vector<128x128xf32>
    %jit3A_184 = arith.constant 3.000000e+00 : f32
    %jit3A_185 = arith.constant 8.000000e+00 : f32
    %broadcast_in_dim3A_186 = vector.broadcast %jit3A_184 : f32 to vector<128x128xf32>
    %broadcast_in_dim3A_187 = vector.broadcast %jit3A_185 : f32 to vector<128x128xf32>
    %select_n3A_188 = arith.select %eq3A_183, %broadcast_in_dim3A_186, %broadcast_in_dim3A_187 : vector<128x128xi1>, vector<128x128xf32>
    %min3A_189 = arith.minimumf %min3A_179, %select_n3A_188 : vector<128x128xf32>
    %get3A_190 = arith.constant 128 : index
    %get3A_191 = arith.constant 512 : index
    %get3A_192 = vector.load %arg1[%get3A_190, %get3A_191] : memref<4096x1024xf32, #tpu.memory_space<vmem>>, vector<128x128xf32>
    %eq3A_193 = arith.cmpf oeq, %get3A_192, %max3A_147 : vector<128x128xf32>
    %jit3A_194 = arith.constant 4.000000e+00 : f32
    %jit3A_195 = arith.constant 8.000000e+00 : f32
    %broadcast_in_dim3A_196 = vector.broadcast %jit3A_194 : f32 to vector<128x128xf32>
    %broadcast_in_dim3A_197 = vector.broadcast %jit3A_195 : f32 to vector<128x128xf32>
    %select_n3A_198 = arith.select %eq3A_193, %broadcast_in_dim3A_196, %broadcast_in_dim3A_197 : vector<128x128xi1>, vector<128x128xf32>
    %min3A_199 = arith.minimumf %min3A_189, %select_n3A_198 : vector<128x128xf32>
    %get3A_200 = arith.constant 128 : index
    %get3A_201 = arith.constant 640 : index
    %get3A_202 = vector.load %arg1[%get3A_200, %get3A_201] : memref<4096x1024xf32, #tpu.memory_space<vmem>>, vector<128x128xf32>
    %eq3A_203 = arith.cmpf oeq, %get3A_202, %max3A_147 : vector<128x128xf32>
    %jit3A_204 = arith.constant 5.000000e+00 : f32
    %jit3A_205 = arith.constant 8.000000e+00 : f32
    %broadcast_in_dim3A_206 = vector.broadcast %jit3A_204 : f32 to vector<128x128xf32>
    %broadcast_in_dim3A_207 = vector.broadcast %jit3A_205 : f32 to vector<128x128xf32>
    %select_n3A_208 = arith.select %eq3A_203, %broadcast_in_dim3A_206, %broadcast_in_dim3A_207 : vector<128x128xi1>, vector<128x128xf32>
    %min3A_209 = arith.minimumf %min3A_199, %select_n3A_208 : vector<128x128xf32>
    %get3A_210 = arith.constant 128 : index
    %get3A_211 = arith.constant 768 : index
    %get3A_212 = vector.load %arg1[%get3A_210, %get3A_211] : memref<4096x1024xf32, #tpu.memory_space<vmem>>, vector<128x128xf32>
    %eq3A_213 = arith.cmpf oeq, %get3A_212, %max3A_147 : vector<128x128xf32>
    %jit3A_214 = arith.constant 6.000000e+00 : f32
    %jit3A_215 = arith.constant 8.000000e+00 : f32
    %broadcast_in_dim3A_216 = vector.broadcast %jit3A_214 : f32 to vector<128x128xf32>
    %broadcast_in_dim3A_217 = vector.broadcast %jit3A_215 : f32 to vector<128x128xf32>
    %select_n3A_218 = arith.select %eq3A_213, %broadcast_in_dim3A_216, %broadcast_in_dim3A_217 : vector<128x128xi1>, vector<128x128xf32>
    %min3A_219 = arith.minimumf %min3A_209, %select_n3A_218 : vector<128x128xf32>
    %get3A_220 = arith.constant 128 : index
    %get3A_221 = arith.constant 896 : index
    %get3A_222 = vector.load %arg1[%get3A_220, %get3A_221] : memref<4096x1024xf32, #tpu.memory_space<vmem>>, vector<128x128xf32>
    %eq3A_223 = arith.cmpf oeq, %get3A_222, %max3A_147 : vector<128x128xf32>
    %jit3A_224 = arith.constant 7.000000e+00 : f32
    %jit3A_225 = arith.constant 8.000000e+00 : f32
    %broadcast_in_dim3A_226 = vector.broadcast %jit3A_224 : f32 to vector<128x128xf32>
    %broadcast_in_dim3A_227 = vector.broadcast %jit3A_225 : f32 to vector<128x128xf32>
    %select_n3A_228 = arith.select %eq3A_223, %broadcast_in_dim3A_226, %broadcast_in_dim3A_227 : vector<128x128xi1>, vector<128x128xf32>
    %min3A_229 = arith.minimumf %min3A_219, %select_n3A_228 : vector<128x128xf32>
    %reduce_max3A_230 = arith.constant dense<0xFF800000> : vector<128xf32>
    %reduce_max3A_231 = vector.multi_reduction <maximumf>, %max3A_147, %reduce_max3A_230 [1] : vector<128x128xf32> to vector<128xf32>
    %broadcast_in_dim3A_232 = vector.shape_cast %reduce_max3A_231 : vector<128xf32> to vector<128x1xf32>
    %eq3A_233 = vector.broadcast %broadcast_in_dim3A_232 : vector<128x1xf32> to vector<128x128xf32>
    %eq3A_234 = arith.cmpf oeq, %max3A_147, %eq3A_233 : vector<128x128xf32>
    %mul3A_235 = arith.constant 1.280000e+02 : f32
    %mul3A_236 = vector.broadcast %mul3A_235 : f32 to vector<128x128xf32>
    %mul3A_237 = arith.mulf %min3A_229, %mul3A_236 : vector<128x128xf32>
    %add3A_238 = arith.addf %mul3A_237, %convert_element_type3A : vector<128x128xf32>
    %jit3A_239 = arith.constant 2.048000e+03 : f32
    %broadcast_in_dim3A_240 = vector.broadcast %jit3A_239 : f32 to vector<128x128xf32>
    %select_n3A_241 = arith.select %eq3A_234, %add3A_238, %broadcast_in_dim3A_240 : vector<128x128xi1>, vector<128x128xf32>
    %reduce_min3A_242 = arith.constant dense<0x7F800000> : vector<128xf32>
    %reduce_min3A_243 = vector.multi_reduction <minimumf>, %select_n3A_241, %reduce_min3A_242 [1] : vector<128x128xf32> to vector<128xf32>
    %broadcast_in_dim3A_244 = vector.shape_cast %reduce_min3A_243 : vector<128xf32> to vector<128x1xf32>
    %transpose3A_245 = tpu.transpose %broadcast_in_dim3A_244, [1, 0] : vector<128x1xf32> -> vector<1x128xf32>
    %get3A_246 = arith.constant 256 : index
    %get3A_247 = arith.constant 0 : index
    %get3A_248 = vector.load %arg1[%get3A_246, %get3A_247] : memref<4096x1024xf32, #tpu.memory_space<vmem>>, vector<128x128xf32>
    %get3A_249 = arith.constant 256 : index
    %get3A_250 = arith.constant 128 : index
    %get3A_251 = vector.load %arg1[%get3A_249, %get3A_250] : memref<4096x1024xf32, #tpu.memory_space<vmem>>, vector<128x128xf32>
    %max3A_252 = arith.maximumf %get3A_248, %get3A_251 : vector<128x128xf32>
    %get3A_253 = arith.constant 256 : index
    %get3A_254 = arith.constant 256 : index
    %get3A_255 = vector.load %arg1[%get3A_253, %get3A_254] : memref<4096x1024xf32, #tpu.memory_space<vmem>>, vector<128x128xf32>
    %max3A_256 = arith.maximumf %max3A_252, %get3A_255 : vector<128x128xf32>
    %get3A_257 = arith.constant 256 : index
    %get3A_258 = arith.constant 384 : index
    %get3A_259 = vector.load %arg1[%get3A_257, %get3A_258] : memref<4096x1024xf32, #tpu.memory_space<vmem>>, vector<128x128xf32>
    %max3A_260 = arith.maximumf %max3A_256, %get3A_259 : vector<128x128xf32>
    %get3A_261 = arith.constant 256 : index
    %get3A_262 = arith.constant 512 : index
    %get3A_263 = vector.load %arg1[%get3A_261, %get3A_262] : memref<4096x1024xf32, #tpu.memory_space<vmem>>, vector<128x128xf32>
    %max3A_264 = arith.maximumf %max3A_260, %get3A_263 : vector<128x128xf32>
    %get3A_265 = arith.constant 256 : index
    %get3A_266 = arith.constant 640 : index
    %get3A_267 = vector.load %arg1[%get3A_265, %get3A_266] : memref<4096x1024xf32, #tpu.memory_space<vmem>>, vector<128x128xf32>
    %max3A_268 = arith.maximumf %max3A_264, %get3A_267 : vector<128x128xf32>
    %get3A_269 = arith.constant 256 : index
    %get3A_270 = arith.constant 768 : index
    %get3A_271 = vector.load %arg1[%get3A_269, %get3A_270] : memref<4096x1024xf32, #tpu.memory_space<vmem>>, vector<128x128xf32>
    %max3A_272 = arith.maximumf %max3A_268, %get3A_271 : vector<128x128xf32>
    %get3A_273 = arith.constant 256 : index
    %get3A_274 = arith.constant 896 : index
    %get3A_275 = vector.load %arg1[%get3A_273, %get3A_274] : memref<4096x1024xf32, #tpu.memory_space<vmem>>, vector<128x128xf32>
    %max3A_276 = arith.maximumf %max3A_272, %get3A_275 : vector<128x128xf32>
    %broadcast_in_dim3A_277 = arith.constant 8.000000e+00 : f32
    %broadcast_in_dim3A_278 = vector.broadcast %broadcast_in_dim3A_277 : f32 to vector<128x128xf32>
    %get3A_279 = arith.constant 256 : index
    %get3A_280 = arith.constant 0 : index
    %get3A_281 = vector.load %arg1[%get3A_279, %get3A_280] : memref<4096x1024xf32, #tpu.memory_space<vmem>>, vector<128x128xf32>
    %eq3A_282 = arith.cmpf oeq, %get3A_281, %max3A_276 : vector<128x128xf32>
    %jit3A_283 = arith.constant 0.000000e+00 : f32
    %jit3A_284 = arith.constant 8.000000e+00 : f32
    %broadcast_in_dim3A_285 = vector.broadcast %jit3A_283 : f32 to vector<128x128xf32>
    %broadcast_in_dim3A_286 = vector.broadcast %jit3A_284 : f32 to vector<128x128xf32>
    %select_n3A_287 = arith.select %eq3A_282, %broadcast_in_dim3A_285, %broadcast_in_dim3A_286 : vector<128x128xi1>, vector<128x128xf32>
    %min3A_288 = arith.minimumf %broadcast_in_dim3A_278, %select_n3A_287 : vector<128x128xf32>
    %get3A_289 = arith.constant 256 : index
    %get3A_290 = arith.constant 128 : index
    %get3A_291 = vector.load %arg1[%get3A_289, %get3A_290] : memref<4096x1024xf32, #tpu.memory_space<vmem>>, vector<128x128xf32>
    %eq3A_292 = arith.cmpf oeq, %get3A_291, %max3A_276 : vector<128x128xf32>
    %jit3A_293 = arith.constant 1.000000e+00 : f32
    %jit3A_294 = arith.constant 8.000000e+00 : f32
    %broadcast_in_dim3A_295 = vector.broadcast %jit3A_293 : f32 to vector<128x128xf32>
    %broadcast_in_dim3A_296 = vector.broadcast %jit3A_294 : f32 to vector<128x128xf32>
    %select_n3A_297 = arith.select %eq3A_292, %broadcast_in_dim3A_295, %broadcast_in_dim3A_296 : vector<128x128xi1>, vector<128x128xf32>
    %min3A_298 = arith.minimumf %min3A_288, %select_n3A_297 : vector<128x128xf32>
    %get3A_299 = arith.constant 256 : index
    %get3A_300 = arith.constant 256 : index
    %get3A_301 = vector.load %arg1[%get3A_299, %get3A_300] : memref<4096x1024xf32, #tpu.memory_space<vmem>>, vector<128x128xf32>
    %eq3A_302 = arith.cmpf oeq, %get3A_301, %max3A_276 : vector<128x128xf32>
    %jit3A_303 = arith.constant 2.000000e+00 : f32
    %jit3A_304 = arith.constant 8.000000e+00 : f32
    %broadcast_in_dim3A_305 = vector.broadcast %jit3A_303 : f32 to vector<128x128xf32>
    %broadcast_in_dim3A_306 = vector.broadcast %jit3A_304 : f32 to vector<128x128xf32>
    %select_n3A_307 = arith.select %eq3A_302, %broadcast_in_dim3A_305, %broadcast_in_dim3A_306 : vector<128x128xi1>, vector<128x128xf32>
    %min3A_308 = arith.minimumf %min3A_298, %select_n3A_307 : vector<128x128xf32>
    %get3A_309 = arith.constant 256 : index
    %get3A_310 = arith.constant 384 : index
    %get3A_311 = vector.load %arg1[%get3A_309, %get3A_310] : memref<4096x1024xf32, #tpu.memory_space<vmem>>, vector<128x128xf32>
    %eq3A_312 = arith.cmpf oeq, %get3A_311, %max3A_276 : vector<128x128xf32>
    %jit3A_313 = arith.constant 3.000000e+00 : f32
    %jit3A_314 = arith.constant 8.000000e+00 : f32
    %broadcast_in_dim3A_315 = vector.broadcast %jit3A_313 : f32 to vector<128x128xf32>
    %broadcast_in_dim3A_316 = vector.broadcast %jit3A_314 : f32 to vector<128x128xf32>
    %select_n3A_317 = arith.select %eq3A_312, %broadcast_in_dim3A_315, %broadcast_in_dim3A_316 : vector<128x128xi1>, vector<128x128xf32>
    %min3A_318 = arith.minimumf %min3A_308, %select_n3A_317 : vector<128x128xf32>
    %get3A_319 = arith.constant 256 : index
    %get3A_320 = arith.constant 512 : index
    %get3A_321 = vector.load %arg1[%get3A_319, %get3A_320] : memref<4096x1024xf32, #tpu.memory_space<vmem>>, vector<128x128xf32>
    %eq3A_322 = arith.cmpf oeq, %get3A_321, %max3A_276 : vector<128x128xf32>
    %jit3A_323 = arith.constant 4.000000e+00 : f32
    %jit3A_324 = arith.constant 8.000000e+00 : f32
    %broadcast_in_dim3A_325 = vector.broadcast %jit3A_323 : f32 to vector<128x128xf32>
    %broadcast_in_dim3A_326 = vector.broadcast %jit3A_324 : f32 to vector<128x128xf32>
    %select_n3A_327 = arith.select %eq3A_322, %broadcast_in_dim3A_325, %broadcast_in_dim3A_326 : vector<128x128xi1>, vector<128x128xf32>
    %min3A_328 = arith.minimumf %min3A_318, %select_n3A_327 : vector<128x128xf32>
    %get3A_329 = arith.constant 256 : index
    %get3A_330 = arith.constant 640 : index
    %get3A_331 = vector.load %arg1[%get3A_329, %get3A_330] : memref<4096x1024xf32, #tpu.memory_space<vmem>>, vector<128x128xf32>
    %eq3A_332 = arith.cmpf oeq, %get3A_331, %max3A_276 : vector<128x128xf32>
    %jit3A_333 = arith.constant 5.000000e+00 : f32
    %jit3A_334 = arith.constant 8.000000e+00 : f32
    %broadcast_in_dim3A_335 = vector.broadcast %jit3A_333 : f32 to vector<128x128xf32>
    %broadcast_in_dim3A_336 = vector.broadcast %jit3A_334 : f32 to vector<128x128xf32>
    %select_n3A_337 = arith.select %eq3A_332, %broadcast_in_dim3A_335, %broadcast_in_dim3A_336 : vector<128x128xi1>, vector<128x128xf32>
    %min3A_338 = arith.minimumf %min3A_328, %select_n3A_337 : vector<128x128xf32>
    %get3A_339 = arith.constant 256 : index
    %get3A_340 = arith.constant 768 : index
    %get3A_341 = vector.load %arg1[%get3A_339, %get3A_340] : memref<4096x1024xf32, #tpu.memory_space<vmem>>, vector<128x128xf32>
    %eq3A_342 = arith.cmpf oeq, %get3A_341, %max3A_276 : vector<128x128xf32>
    %jit3A_343 = arith.constant 6.000000e+00 : f32
    %jit3A_344 = arith.constant 8.000000e+00 : f32
    %broadcast_in_dim3A_345 = vector.broadcast %jit3A_343 : f32 to vector<128x128xf32>
    %broadcast_in_dim3A_346 = vector.broadcast %jit3A_344 : f32 to vector<128x128xf32>
    %select_n3A_347 = arith.select %eq3A_342, %broadcast_in_dim3A_345, %broadcast_in_dim3A_346 : vector<128x128xi1>, vector<128x128xf32>
    %min3A_348 = arith.minimumf %min3A_338, %select_n3A_347 : vector<128x128xf32>
    %get3A_349 = arith.constant 256 : index
    %get3A_350 = arith.constant 896 : index
    %get3A_351 = vector.load %arg1[%get3A_349, %get3A_350] : memref<4096x1024xf32, #tpu.memory_space<vmem>>, vector<128x128xf32>
    %eq3A_352 = arith.cmpf oeq, %get3A_351, %max3A_276 : vector<128x128xf32>
    %jit3A_353 = arith.constant 7.000000e+00 : f32
    %jit3A_354 = arith.constant 8.000000e+00 : f32
    %broadcast_in_dim3A_355 = vector.broadcast %jit3A_353 : f32 to vector<128x128xf32>
    %broadcast_in_dim3A_356 = vector.broadcast %jit3A_354 : f32 to vector<128x128xf32>
    %select_n3A_357 = arith.select %eq3A_352, %broadcast_in_dim3A_355, %broadcast_in_dim3A_356 : vector<128x128xi1>, vector<128x128xf32>
    %min3A_358 = arith.minimumf %min3A_348, %select_n3A_357 : vector<128x128xf32>
    %reduce_max3A_359 = arith.constant dense<0xFF800000> : vector<128xf32>
    %reduce_max3A_360 = vector.multi_reduction <maximumf>, %max3A_276, %reduce_max3A_359 [1] : vector<128x128xf32> to vector<128xf32>
    %broadcast_in_dim3A_361 = vector.shape_cast %reduce_max3A_360 : vector<128xf32> to vector<128x1xf32>
    %eq3A_362 = vector.broadcast %broadcast_in_dim3A_361 : vector<128x1xf32> to vector<128x128xf32>
    %eq3A_363 = arith.cmpf oeq, %max3A_276, %eq3A_362 : vector<128x128xf32>
    %mul3A_364 = arith.constant 1.280000e+02 : f32
    %mul3A_365 = vector.broadcast %mul3A_364 : f32 to vector<128x128xf32>
    %mul3A_366 = arith.mulf %min3A_358, %mul3A_365 : vector<128x128xf32>
    %add3A_367 = arith.addf %mul3A_366, %convert_element_type3A : vector<128x128xf32>
    %jit3A_368 = arith.constant 2.048000e+03 : f32
    %broadcast_in_dim3A_369 = vector.broadcast %jit3A_368 : f32 to vector<128x128xf32>
    %select_n3A_370 = arith.select %eq3A_363, %add3A_367, %broadcast_in_dim3A_369 : vector<128x128xi1>, vector<128x128xf32>
    %reduce_min3A_371 = arith.constant dense<0x7F800000> : vector<128xf32>
    %reduce_min3A_372 = vector.multi_reduction <minimumf>, %select_n3A_370, %reduce_min3A_371 [1] : vector<128x128xf32> to vector<128xf32>
    %broadcast_in_dim3A_373 = vector.shape_cast %reduce_min3A_372 : vector<128xf32> to vector<128x1xf32>
    %transpose3A_374 = tpu.transpose %broadcast_in_dim3A_373, [1, 0] : vector<128x1xf32> -> vector<1x128xf32>
    %get3A_375 = arith.constant 384 : index
    %get3A_376 = arith.constant 0 : index
    %get3A_377 = vector.load %arg1[%get3A_375, %get3A_376] : memref<4096x1024xf32, #tpu.memory_space<vmem>>, vector<128x128xf32>
    %get3A_378 = arith.constant 384 : index
    %get3A_379 = arith.constant 128 : index
    %get3A_380 = vector.load %arg1[%get3A_378, %get3A_379] : memref<4096x1024xf32, #tpu.memory_space<vmem>>, vector<128x128xf32>
    %max3A_381 = arith.maximumf %get3A_377, %get3A_380 : vector<128x128xf32>
    %get3A_382 = arith.constant 384 : index
    %get3A_383 = arith.constant 256 : index
    %get3A_384 = vector.load %arg1[%get3A_382, %get3A_383] : memref<4096x1024xf32, #tpu.memory_space<vmem>>, vector<128x128xf32>
    %max3A_385 = arith.maximumf %max3A_381, %get3A_384 : vector<128x128xf32>
    %get3A_386 = arith.constant 384 : index
    %get3A_387 = arith.constant 384 : index
    %get3A_388 = vector.load %arg1[%get3A_386, %get3A_387] : memref<4096x1024xf32, #tpu.memory_space<vmem>>, vector<128x128xf32>
    %max3A_389 = arith.maximumf %max3A_385, %get3A_388 : vector<128x128xf32>
    %get3A_390 = arith.constant 384 : index
    %get3A_391 = arith.constant 512 : index
    %get3A_392 = vector.load %arg1[%get3A_390, %get3A_391] : memref<4096x1024xf32, #tpu.memory_space<vmem>>, vector<128x128xf32>
    %max3A_393 = arith.maximumf %max3A_389, %get3A_392 : vector<128x128xf32>
    %get3A_394 = arith.constant 384 : index
    %get3A_395 = arith.constant 640 : index
    %get3A_396 = vector.load %arg1[%get3A_394, %get3A_395] : memref<4096x1024xf32, #tpu.memory_space<vmem>>, vector<128x128xf32>
    %max3A_397 = arith.maximumf %max3A_393, %get3A_396 : vector<128x128xf32>
    %get3A_398 = arith.constant 384 : index
    %get3A_399 = arith.constant 768 : index
    %get3A_400 = vector.load %arg1[%get3A_398, %get3A_399] : memref<4096x1024xf32, #tpu.memory_space<vmem>>, vector<128x128xf32>
    %max3A_401 = arith.maximumf %max3A_397, %get3A_400 : vector<128x128xf32>
    %get3A_402 = arith.constant 384 : index
    %get3A_403 = arith.constant 896 : index
    %get3A_404 = vector.load %arg1[%get3A_402, %get3A_403] : memref<4096x1024xf32, #tpu.memory_space<vmem>>, vector<128x128xf32>
    %max3A_405 = arith.maximumf %max3A_401, %get3A_404 : vector<128x128xf32>
    %broadcast_in_dim3A_406 = arith.constant 8.000000e+00 : f32
    %broadcast_in_dim3A_407 = vector.broadcast %broadcast_in_dim3A_406 : f32 to vector<128x128xf32>
    %get3A_408 = arith.constant 384 : index
    %get3A_409 = arith.constant 0 : index
    %get3A_410 = vector.load %arg1[%get3A_408, %get3A_409] : memref<4096x1024xf32, #tpu.memory_space<vmem>>, vector<128x128xf32>
    %eq3A_411 = arith.cmpf oeq, %get3A_410, %max3A_405 : vector<128x128xf32>
    %jit3A_412 = arith.constant 0.000000e+00 : f32
    %jit3A_413 = arith.constant 8.000000e+00 : f32
    %broadcast_in_dim3A_414 = vector.broadcast %jit3A_412 : f32 to vector<128x128xf32>
    %broadcast_in_dim3A_415 = vector.broadcast %jit3A_413 : f32 to vector<128x128xf32>
    %select_n3A_416 = arith.select %eq3A_411, %broadcast_in_dim3A_414, %broadcast_in_dim3A_415 : vector<128x128xi1>, vector<128x128xf32>
    %min3A_417 = arith.minimumf %broadcast_in_dim3A_407, %select_n3A_416 : vector<128x128xf32>
    %get3A_418 = arith.constant 384 : index
    %get3A_419 = arith.constant 128 : index
    %get3A_420 = vector.load %arg1[%get3A_418, %get3A_419] : memref<4096x1024xf32, #tpu.memory_space<vmem>>, vector<128x128xf32>
    %eq3A_421 = arith.cmpf oeq, %get3A_420, %max3A_405 : vector<128x128xf32>
    %jit3A_422 = arith.constant 1.000000e+00 : f32
    %jit3A_423 = arith.constant 8.000000e+00 : f32
    %broadcast_in_dim3A_424 = vector.broadcast %jit3A_422 : f32 to vector<128x128xf32>
    %broadcast_in_dim3A_425 = vector.broadcast %jit3A_423 : f32 to vector<128x128xf32>
    %select_n3A_426 = arith.select %eq3A_421, %broadcast_in_dim3A_424, %broadcast_in_dim3A_425 : vector<128x128xi1>, vector<128x128xf32>
    %min3A_427 = arith.minimumf %min3A_417, %select_n3A_426 : vector<128x128xf32>
    %get3A_428 = arith.constant 384 : index
    %get3A_429 = arith.constant 256 : index
    %get3A_430 = vector.load %arg1[%get3A_428, %get3A_429] : memref<4096x1024xf32, #tpu.memory_space<vmem>>, vector<128x128xf32>
    %eq3A_431 = arith.cmpf oeq, %get3A_430, %max3A_405 : vector<128x128xf32>
    %jit3A_432 = arith.constant 2.000000e+00 : f32
    %jit3A_433 = arith.constant 8.000000e+00 : f32
    %broadcast_in_dim3A_434 = vector.broadcast %jit3A_432 : f32 to vector<128x128xf32>
    %broadcast_in_dim3A_435 = vector.broadcast %jit3A_433 : f32 to vector<128x128xf32>
    %select_n3A_436 = arith.select %eq3A_431, %broadcast_in_dim3A_434, %broadcast_in_dim3A_435 : vector<128x128xi1>, vector<128x128xf32>
    %min3A_437 = arith.minimumf %min3A_427, %select_n3A_436 : vector<128x128xf32>
    %get3A_438 = arith.constant 384 : index
    %get3A_439 = arith.constant 384 : index
    %get3A_440 = vector.load %arg1[%get3A_438, %get3A_439] : memref<4096x1024xf32, #tpu.memory_space<vmem>>, vector<128x128xf32>
    %eq3A_441 = arith.cmpf oeq, %get3A_440, %max3A_405 : vector<128x128xf32>
    %jit3A_442 = arith.constant 3.000000e+00 : f32
    %jit3A_443 = arith.constant 8.000000e+00 : f32
    %broadcast_in_dim3A_444 = vector.broadcast %jit3A_442 : f32 to vector<128x128xf32>
    %broadcast_in_dim3A_445 = vector.broadcast %jit3A_443 : f32 to vector<128x128xf32>
    %select_n3A_446 = arith.select %eq3A_441, %broadcast_in_dim3A_444, %broadcast_in_dim3A_445 : vector<128x128xi1>, vector<128x128xf32>
    %min3A_447 = arith.minimumf %min3A_437, %select_n3A_446 : vector<128x128xf32>
    %get3A_448 = arith.constant 384 : index
    %get3A_449 = arith.constant 512 : index
    %get3A_450 = vector.load %arg1[%get3A_448, %get3A_449] : memref<4096x1024xf32, #tpu.memory_space<vmem>>, vector<128x128xf32>
    %eq3A_451 = arith.cmpf oeq, %get3A_450, %max3A_405 : vector<128x128xf32>
    %jit3A_452 = arith.constant 4.000000e+00 : f32
    %jit3A_453 = arith.constant 8.000000e+00 : f32
    %broadcast_in_dim3A_454 = vector.broadcast %jit3A_452 : f32 to vector<128x128xf32>
    %broadcast_in_dim3A_455 = vector.broadcast %jit3A_453 : f32 to vector<128x128xf32>
    %select_n3A_456 = arith.select %eq3A_451, %broadcast_in_dim3A_454, %broadcast_in_dim3A_455 : vector<128x128xi1>, vector<128x128xf32>
    %min3A_457 = arith.minimumf %min3A_447, %select_n3A_456 : vector<128x128xf32>
    %get3A_458 = arith.constant 384 : index
    %get3A_459 = arith.constant 640 : index
    %get3A_460 = vector.load %arg1[%get3A_458, %get3A_459] : memref<4096x1024xf32, #tpu.memory_space<vmem>>, vector<128x128xf32>
    %eq3A_461 = arith.cmpf oeq, %get3A_460, %max3A_405 : vector<128x128xf32>
    %jit3A_462 = arith.constant 5.000000e+00 : f32
    %jit3A_463 = arith.constant 8.000000e+00 : f32
    %broadcast_in_dim3A_464 = vector.broadcast %jit3A_462 : f32 to vector<128x128xf32>
    %broadcast_in_dim3A_465 = vector.broadcast %jit3A_463 : f32 to vector<128x128xf32>
    %select_n3A_466 = arith.select %eq3A_461, %broadcast_in_dim3A_464, %broadcast_in_dim3A_465 : vector<128x128xi1>, vector<128x128xf32>
    %min3A_467 = arith.minimumf %min3A_457, %select_n3A_466 : vector<128x128xf32>
    %get3A_468 = arith.constant 384 : index
    %get3A_469 = arith.constant 768 : index
    %get3A_470 = vector.load %arg1[%get3A_468, %get3A_469] : memref<4096x1024xf32, #tpu.memory_space<vmem>>, vector<128x128xf32>
    %eq3A_471 = arith.cmpf oeq, %get3A_470, %max3A_405 : vector<128x128xf32>
    %jit3A_472 = arith.constant 6.000000e+00 : f32
    %jit3A_473 = arith.constant 8.000000e+00 : f32
    %broadcast_in_dim3A_474 = vector.broadcast %jit3A_472 : f32 to vector<128x128xf32>
    %broadcast_in_dim3A_475 = vector.broadcast %jit3A_473 : f32 to vector<128x128xf32>
    %select_n3A_476 = arith.select %eq3A_471, %broadcast_in_dim3A_474, %broadcast_in_dim3A_475 : vector<128x128xi1>, vector<128x128xf32>
    %min3A_477 = arith.minimumf %min3A_467, %select_n3A_476 : vector<128x128xf32>
    %get3A_478 = arith.constant 384 : index
    %get3A_479 = arith.constant 896 : index
    %get3A_480 = vector.load %arg1[%get3A_478, %get3A_479] : memref<4096x1024xf32, #tpu.memory_space<vmem>>, vector<128x128xf32>
    %eq3A_481 = arith.cmpf oeq, %get3A_480, %max3A_405 : vector<128x128xf32>
    %jit3A_482 = arith.constant 7.000000e+00 : f32
    %jit3A_483 = arith.constant 8.000000e+00 : f32
    %broadcast_in_dim3A_484 = vector.broadcast %jit3A_482 : f32 to vector<128x128xf32>
    %broadcast_in_dim3A_485 = vector.broadcast %jit3A_483 : f32 to vector<128x128xf32>
    %select_n3A_486 = arith.select %eq3A_481, %broadcast_in_dim3A_484, %broadcast_in_dim3A_485 : vector<128x128xi1>, vector<128x128xf32>
    %min3A_487 = arith.minimumf %min3A_477, %select_n3A_486 : vector<128x128xf32>
    %reduce_max3A_488 = arith.constant dense<0xFF800000> : vector<128xf32>
    %reduce_max3A_489 = vector.multi_reduction <maximumf>, %max3A_405, %reduce_max3A_488 [1] : vector<128x128xf32> to vector<128xf32>
    %broadcast_in_dim3A_490 = vector.shape_cast %reduce_max3A_489 : vector<128xf32> to vector<128x1xf32>
    %eq3A_491 = vector.broadcast %broadcast_in_dim3A_490 : vector<128x1xf32> to vector<128x128xf32>
    %eq3A_492 = arith.cmpf oeq, %max3A_405, %eq3A_491 : vector<128x128xf32>
    %mul3A_493 = arith.constant 1.280000e+02 : f32
    %mul3A_494 = vector.broadcast %mul3A_493 : f32 to vector<128x128xf32>
    %mul3A_495 = arith.mulf %min3A_487, %mul3A_494 : vector<128x128xf32>
    %add3A_496 = arith.addf %mul3A_495, %convert_element_type3A : vector<128x128xf32>
    %jit3A_497 = arith.constant 2.048000e+03 : f32
    %broadcast_in_dim3A_498 = vector.broadcast %jit3A_497 : f32 to vector<128x128xf32>
    %select_n3A_499 = arith.select %eq3A_492, %add3A_496, %broadcast_in_dim3A_498 : vector<128x128xi1>, vector<128x128xf32>
    %reduce_min3A_500 = arith.constant dense<0x7F800000> : vector<128xf32>
    %reduce_min3A_501 = vector.multi_reduction <minimumf>, %select_n3A_499, %reduce_min3A_500 [1] : vector<128x128xf32> to vector<128xf32>
    %broadcast_in_dim3A_502 = vector.shape_cast %reduce_min3A_501 : vector<128xf32> to vector<128x1xf32>
    %transpose3A_503 = tpu.transpose %broadcast_in_dim3A_502, [1, 0] : vector<128x1xf32> -> vector<1x128xf32>
    %get3A_504 = arith.constant 512 : index
    %get3A_505 = arith.constant 0 : index
    %get3A_506 = vector.load %arg1[%get3A_504, %get3A_505] : memref<4096x1024xf32, #tpu.memory_space<vmem>>, vector<128x128xf32>
    %get3A_507 = arith.constant 512 : index
    %get3A_508 = arith.constant 128 : index
    %get3A_509 = vector.load %arg1[%get3A_507, %get3A_508] : memref<4096x1024xf32, #tpu.memory_space<vmem>>, vector<128x128xf32>
    %max3A_510 = arith.maximumf %get3A_506, %get3A_509 : vector<128x128xf32>
    %get3A_511 = arith.constant 512 : index
    %get3A_512 = arith.constant 256 : index
    %get3A_513 = vector.load %arg1[%get3A_511, %get3A_512] : memref<4096x1024xf32, #tpu.memory_space<vmem>>, vector<128x128xf32>
    %max3A_514 = arith.maximumf %max3A_510, %get3A_513 : vector<128x128xf32>
    %get3A_515 = arith.constant 512 : index
    %get3A_516 = arith.constant 384 : index
    %get3A_517 = vector.load %arg1[%get3A_515, %get3A_516] : memref<4096x1024xf32, #tpu.memory_space<vmem>>, vector<128x128xf32>
    %max3A_518 = arith.maximumf %max3A_514, %get3A_517 : vector<128x128xf32>
    %get3A_519 = arith.constant 512 : index
    %get3A_520 = arith.constant 512 : index
    %get3A_521 = vector.load %arg1[%get3A_519, %get3A_520] : memref<4096x1024xf32, #tpu.memory_space<vmem>>, vector<128x128xf32>
    %max3A_522 = arith.maximumf %max3A_518, %get3A_521 : vector<128x128xf32>
    %get3A_523 = arith.constant 512 : index
    %get3A_524 = arith.constant 640 : index
    %get3A_525 = vector.load %arg1[%get3A_523, %get3A_524] : memref<4096x1024xf32, #tpu.memory_space<vmem>>, vector<128x128xf32>
    %max3A_526 = arith.maximumf %max3A_522, %get3A_525 : vector<128x128xf32>
    %get3A_527 = arith.constant 512 : index
    %get3A_528 = arith.constant 768 : index
    %get3A_529 = vector.load %arg1[%get3A_527, %get3A_528] : memref<4096x1024xf32, #tpu.memory_space<vmem>>, vector<128x128xf32>
    %max3A_530 = arith.maximumf %max3A_526, %get3A_529 : vector<128x128xf32>
    %get3A_531 = arith.constant 512 : index
    %get3A_532 = arith.constant 896 : index
    %get3A_533 = vector.load %arg1[%get3A_531, %get3A_532] : memref<4096x1024xf32, #tpu.memory_space<vmem>>, vector<128x128xf32>
    %max3A_534 = arith.maximumf %max3A_530, %get3A_533 : vector<128x128xf32>
    %broadcast_in_dim3A_535 = arith.constant 8.000000e+00 : f32
    %broadcast_in_dim3A_536 = vector.broadcast %broadcast_in_dim3A_535 : f32 to vector<128x128xf32>
    %get3A_537 = arith.constant 512 : index
    %get3A_538 = arith.constant 0 : index
    %get3A_539 = vector.load %arg1[%get3A_537, %get3A_538] : memref<4096x1024xf32, #tpu.memory_space<vmem>>, vector<128x128xf32>
    %eq3A_540 = arith.cmpf oeq, %get3A_539, %max3A_534 : vector<128x128xf32>
    %jit3A_541 = arith.constant 0.000000e+00 : f32
    %jit3A_542 = arith.constant 8.000000e+00 : f32
    %broadcast_in_dim3A_543 = vector.broadcast %jit3A_541 : f32 to vector<128x128xf32>
    %broadcast_in_dim3A_544 = vector.broadcast %jit3A_542 : f32 to vector<128x128xf32>
    %select_n3A_545 = arith.select %eq3A_540, %broadcast_in_dim3A_543, %broadcast_in_dim3A_544 : vector<128x128xi1>, vector<128x128xf32>
    %min3A_546 = arith.minimumf %broadcast_in_dim3A_536, %select_n3A_545 : vector<128x128xf32>
    %get3A_547 = arith.constant 512 : index
    %get3A_548 = arith.constant 128 : index
    %get3A_549 = vector.load %arg1[%get3A_547, %get3A_548] : memref<4096x1024xf32, #tpu.memory_space<vmem>>, vector<128x128xf32>
    %eq3A_550 = arith.cmpf oeq, %get3A_549, %max3A_534 : vector<128x128xf32>
    %jit3A_551 = arith.constant 1.000000e+00 : f32
    %jit3A_552 = arith.constant 8.000000e+00 : f32
    %broadcast_in_dim3A_553 = vector.broadcast %jit3A_551 : f32 to vector<128x128xf32>
    %broadcast_in_dim3A_554 = vector.broadcast %jit3A_552 : f32 to vector<128x128xf32>
    %select_n3A_555 = arith.select %eq3A_550, %broadcast_in_dim3A_553, %broadcast_in_dim3A_554 : vector<128x128xi1>, vector<128x128xf32>
    %min3A_556 = arith.minimumf %min3A_546, %select_n3A_555 : vector<128x128xf32>
    %get3A_557 = arith.constant 512 : index
    %get3A_558 = arith.constant 256 : index
    %get3A_559 = vector.load %arg1[%get3A_557, %get3A_558] : memref<4096x1024xf32, #tpu.memory_space<vmem>>, vector<128x128xf32>
    %eq3A_560 = arith.cmpf oeq, %get3A_559, %max3A_534 : vector<128x128xf32>
    %jit3A_561 = arith.constant 2.000000e+00 : f32
    %jit3A_562 = arith.constant 8.000000e+00 : f32
    %broadcast_in_dim3A_563 = vector.broadcast %jit3A_561 : f32 to vector<128x128xf32>
    %broadcast_in_dim3A_564 = vector.broadcast %jit3A_562 : f32 to vector<128x128xf32>
    %select_n3A_565 = arith.select %eq3A_560, %broadcast_in_dim3A_563, %broadcast_in_dim3A_564 : vector<128x128xi1>, vector<128x128xf32>
    %min3A_566 = arith.minimumf %min3A_556, %select_n3A_565 : vector<128x128xf32>
    %get3A_567 = arith.constant 512 : index
    %get3A_568 = arith.constant 384 : index
    %get3A_569 = vector.load %arg1[%get3A_567, %get3A_568] : memref<4096x1024xf32, #tpu.memory_space<vmem>>, vector<128x128xf32>
    %eq3A_570 = arith.cmpf oeq, %get3A_569, %max3A_534 : vector<128x128xf32>
    %jit3A_571 = arith.constant 3.000000e+00 : f32
    %jit3A_572 = arith.constant 8.000000e+00 : f32
    %broadcast_in_dim3A_573 = vector.broadcast %jit3A_571 : f32 to vector<128x128xf32>
    %broadcast_in_dim3A_574 = vector.broadcast %jit3A_572 : f32 to vector<128x128xf32>
    %select_n3A_575 = arith.select %eq3A_570, %broadcast_in_dim3A_573, %broadcast_in_dim3A_574 : vector<128x128xi1>, vector<128x128xf32>
    %min3A_576 = arith.minimumf %min3A_566, %select_n3A_575 : vector<128x128xf32>
    %get3A_577 = arith.constant 512 : index
    %get3A_578 = arith.constant 512 : index
    %get3A_579 = vector.load %arg1[%get3A_577, %get3A_578] : memref<4096x1024xf32, #tpu.memory_space<vmem>>, vector<128x128xf32>
    %eq3A_580 = arith.cmpf oeq, %get3A_579, %max3A_534 : vector<128x128xf32>
    %jit3A_581 = arith.constant 4.000000e+00 : f32
    %jit3A_582 = arith.constant 8.000000e+00 : f32
    %broadcast_in_dim3A_583 = vector.broadcast %jit3A_581 : f32 to vector<128x128xf32>
    %broadcast_in_dim3A_584 = vector.broadcast %jit3A_582 : f32 to vector<128x128xf32>
    %select_n3A_585 = arith.select %eq3A_580, %broadcast_in_dim3A_583, %broadcast_in_dim3A_584 : vector<128x128xi1>, vector<128x128xf32>
    %min3A_586 = arith.minimumf %min3A_576, %select_n3A_585 : vector<128x128xf32>
    %get3A_587 = arith.constant 512 : index
    %get3A_588 = arith.constant 640 : index
    %get3A_589 = vector.load %arg1[%get3A_587, %get3A_588] : memref<4096x1024xf32, #tpu.memory_space<vmem>>, vector<128x128xf32>
    %eq3A_590 = arith.cmpf oeq, %get3A_589, %max3A_534 : vector<128x128xf32>
    %jit3A_591 = arith.constant 5.000000e+00 : f32
    %jit3A_592 = arith.constant 8.000000e+00 : f32
    %broadcast_in_dim3A_593 = vector.broadcast %jit3A_591 : f32 to vector<128x128xf32>
    %broadcast_in_dim3A_594 = vector.broadcast %jit3A_592 : f32 to vector<128x128xf32>
    %select_n3A_595 = arith.select %eq3A_590, %broadcast_in_dim3A_593, %broadcast_in_dim3A_594 : vector<128x128xi1>, vector<128x128xf32>
    %min3A_596 = arith.minimumf %min3A_586, %select_n3A_595 : vector<128x128xf32>
    %get3A_597 = arith.constant 512 : index
    %get3A_598 = arith.constant 768 : index
    %get3A_599 = vector.load %arg1[%get3A_597, %get3A_598] : memref<4096x1024xf32, #tpu.memory_space<vmem>>, vector<128x128xf32>
    %eq3A_600 = arith.cmpf oeq, %get3A_599, %max3A_534 : vector<128x128xf32>
    %jit3A_601 = arith.constant 6.000000e+00 : f32
    %jit3A_602 = arith.constant 8.000000e+00 : f32
    %broadcast_in_dim3A_603 = vector.broadcast %jit3A_601 : f32 to vector<128x128xf32>
    %broadcast_in_dim3A_604 = vector.broadcast %jit3A_602 : f32 to vector<128x128xf32>
    %select_n3A_605 = arith.select %eq3A_600, %broadcast_in_dim3A_603, %broadcast_in_dim3A_604 : vector<128x128xi1>, vector<128x128xf32>
    %min3A_606 = arith.minimumf %min3A_596, %select_n3A_605 : vector<128x128xf32>
    %get3A_607 = arith.constant 512 : index
    %get3A_608 = arith.constant 896 : index
    %get3A_609 = vector.load %arg1[%get3A_607, %get3A_608] : memref<4096x1024xf32, #tpu.memory_space<vmem>>, vector<128x128xf32>
    %eq3A_610 = arith.cmpf oeq, %get3A_609, %max3A_534 : vector<128x128xf32>
    %jit3A_611 = arith.constant 7.000000e+00 : f32
    %jit3A_612 = arith.constant 8.000000e+00 : f32
    %broadcast_in_dim3A_613 = vector.broadcast %jit3A_611 : f32 to vector<128x128xf32>
    %broadcast_in_dim3A_614 = vector.broadcast %jit3A_612 : f32 to vector<128x128xf32>
    %select_n3A_615 = arith.select %eq3A_610, %broadcast_in_dim3A_613, %broadcast_in_dim3A_614 : vector<128x128xi1>, vector<128x128xf32>
    %min3A_616 = arith.minimumf %min3A_606, %select_n3A_615 : vector<128x128xf32>
    %reduce_max3A_617 = arith.constant dense<0xFF800000> : vector<128xf32>
    %reduce_max3A_618 = vector.multi_reduction <maximumf>, %max3A_534, %reduce_max3A_617 [1] : vector<128x128xf32> to vector<128xf32>
    %broadcast_in_dim3A_619 = vector.shape_cast %reduce_max3A_618 : vector<128xf32> to vector<128x1xf32>
    %eq3A_620 = vector.broadcast %broadcast_in_dim3A_619 : vector<128x1xf32> to vector<128x128xf32>
    %eq3A_621 = arith.cmpf oeq, %max3A_534, %eq3A_620 : vector<128x128xf32>
    %mul3A_622 = arith.constant 1.280000e+02 : f32
    %mul3A_623 = vector.broadcast %mul3A_622 : f32 to vector<128x128xf32>
    %mul3A_624 = arith.mulf %min3A_616, %mul3A_623 : vector<128x128xf32>
    %add3A_625 = arith.addf %mul3A_624, %convert_element_type3A : vector<128x128xf32>
    %jit3A_626 = arith.constant 2.048000e+03 : f32
    %broadcast_in_dim3A_627 = vector.broadcast %jit3A_626 : f32 to vector<128x128xf32>
    %select_n3A_628 = arith.select %eq3A_621, %add3A_625, %broadcast_in_dim3A_627 : vector<128x128xi1>, vector<128x128xf32>
    %reduce_min3A_629 = arith.constant dense<0x7F800000> : vector<128xf32>
    %reduce_min3A_630 = vector.multi_reduction <minimumf>, %select_n3A_628, %reduce_min3A_629 [1] : vector<128x128xf32> to vector<128xf32>
    %broadcast_in_dim3A_631 = vector.shape_cast %reduce_min3A_630 : vector<128xf32> to vector<128x1xf32>
    %transpose3A_632 = tpu.transpose %broadcast_in_dim3A_631, [1, 0] : vector<128x1xf32> -> vector<1x128xf32>
    %get3A_633 = arith.constant 640 : index
    %get3A_634 = arith.constant 0 : index
    %get3A_635 = vector.load %arg1[%get3A_633, %get3A_634] : memref<4096x1024xf32, #tpu.memory_space<vmem>>, vector<128x128xf32>
    %get3A_636 = arith.constant 640 : index
    %get3A_637 = arith.constant 128 : index
    %get3A_638 = vector.load %arg1[%get3A_636, %get3A_637] : memref<4096x1024xf32, #tpu.memory_space<vmem>>, vector<128x128xf32>
    %max3A_639 = arith.maximumf %get3A_635, %get3A_638 : vector<128x128xf32>
    %get3A_640 = arith.constant 640 : index
    %get3A_641 = arith.constant 256 : index
    %get3A_642 = vector.load %arg1[%get3A_640, %get3A_641] : memref<4096x1024xf32, #tpu.memory_space<vmem>>, vector<128x128xf32>
    %max3A_643 = arith.maximumf %max3A_639, %get3A_642 : vector<128x128xf32>
    %get3A_644 = arith.constant 640 : index
    %get3A_645 = arith.constant 384 : index
    %get3A_646 = vector.load %arg1[%get3A_644, %get3A_645] : memref<4096x1024xf32, #tpu.memory_space<vmem>>, vector<128x128xf32>
    %max3A_647 = arith.maximumf %max3A_643, %get3A_646 : vector<128x128xf32>
    %get3A_648 = arith.constant 640 : index
    %get3A_649 = arith.constant 512 : index
    %get3A_650 = vector.load %arg1[%get3A_648, %get3A_649] : memref<4096x1024xf32, #tpu.memory_space<vmem>>, vector<128x128xf32>
    %max3A_651 = arith.maximumf %max3A_647, %get3A_650 : vector<128x128xf32>
    %get3A_652 = arith.constant 640 : index
    %get3A_653 = arith.constant 640 : index
    %get3A_654 = vector.load %arg1[%get3A_652, %get3A_653] : memref<4096x1024xf32, #tpu.memory_space<vmem>>, vector<128x128xf32>
    %max3A_655 = arith.maximumf %max3A_651, %get3A_654 : vector<128x128xf32>
    %get3A_656 = arith.constant 640 : index
    %get3A_657 = arith.constant 768 : index
    %get3A_658 = vector.load %arg1[%get3A_656, %get3A_657] : memref<4096x1024xf32, #tpu.memory_space<vmem>>, vector<128x128xf32>
    %max3A_659 = arith.maximumf %max3A_655, %get3A_658 : vector<128x128xf32>
    %get3A_660 = arith.constant 640 : index
    %get3A_661 = arith.constant 896 : index
    %get3A_662 = vector.load %arg1[%get3A_660, %get3A_661] : memref<4096x1024xf32, #tpu.memory_space<vmem>>, vector<128x128xf32>
    %max3A_663 = arith.maximumf %max3A_659, %get3A_662 : vector<128x128xf32>
    %broadcast_in_dim3A_664 = arith.constant 8.000000e+00 : f32
    %broadcast_in_dim3A_665 = vector.broadcast %broadcast_in_dim3A_664 : f32 to vector<128x128xf32>
    %get3A_666 = arith.constant 640 : index
    %get3A_667 = arith.constant 0 : index
    %get3A_668 = vector.load %arg1[%get3A_666, %get3A_667] : memref<4096x1024xf32, #tpu.memory_space<vmem>>, vector<128x128xf32>
    %eq3A_669 = arith.cmpf oeq, %get3A_668, %max3A_663 : vector<128x128xf32>
    %jit3A_670 = arith.constant 0.000000e+00 : f32
    %jit3A_671 = arith.constant 8.000000e+00 : f32
    %broadcast_in_dim3A_672 = vector.broadcast %jit3A_670 : f32 to vector<128x128xf32>
    %broadcast_in_dim3A_673 = vector.broadcast %jit3A_671 : f32 to vector<128x128xf32>
    %select_n3A_674 = arith.select %eq3A_669, %broadcast_in_dim3A_672, %broadcast_in_dim3A_673 : vector<128x128xi1>, vector<128x128xf32>
    %min3A_675 = arith.minimumf %broadcast_in_dim3A_665, %select_n3A_674 : vector<128x128xf32>
    %get3A_676 = arith.constant 640 : index
    %get3A_677 = arith.constant 128 : index
    %get3A_678 = vector.load %arg1[%get3A_676, %get3A_677] : memref<4096x1024xf32, #tpu.memory_space<vmem>>, vector<128x128xf32>
    %eq3A_679 = arith.cmpf oeq, %get3A_678, %max3A_663 : vector<128x128xf32>
    %jit3A_680 = arith.constant 1.000000e+00 : f32
    %jit3A_681 = arith.constant 8.000000e+00 : f32
    %broadcast_in_dim3A_682 = vector.broadcast %jit3A_680 : f32 to vector<128x128xf32>
    %broadcast_in_dim3A_683 = vector.broadcast %jit3A_681 : f32 to vector<128x128xf32>
    %select_n3A_684 = arith.select %eq3A_679, %broadcast_in_dim3A_682, %broadcast_in_dim3A_683 : vector<128x128xi1>, vector<128x128xf32>
    %min3A_685 = arith.minimumf %min3A_675, %select_n3A_684 : vector<128x128xf32>
    %get3A_686 = arith.constant 640 : index
    %get3A_687 = arith.constant 256 : index
    %get3A_688 = vector.load %arg1[%get3A_686, %get3A_687] : memref<4096x1024xf32, #tpu.memory_space<vmem>>, vector<128x128xf32>
    %eq3A_689 = arith.cmpf oeq, %get3A_688, %max3A_663 : vector<128x128xf32>
    %jit3A_690 = arith.constant 2.000000e+00 : f32
    %jit3A_691 = arith.constant 8.000000e+00 : f32
    %broadcast_in_dim3A_692 = vector.broadcast %jit3A_690 : f32 to vector<128x128xf32>
    %broadcast_in_dim3A_693 = vector.broadcast %jit3A_691 : f32 to vector<128x128xf32>
    %select_n3A_694 = arith.select %eq3A_689, %broadcast_in_dim3A_692, %broadcast_in_dim3A_693 : vector<128x128xi1>, vector<128x128xf32>
    %min3A_695 = arith.minimumf %min3A_685, %select_n3A_694 : vector<128x128xf32>
    %get3A_696 = arith.constant 640 : index
    %get3A_697 = arith.constant 384 : index
    %get3A_698 = vector.load %arg1[%get3A_696, %get3A_697] : memref<4096x1024xf32, #tpu.memory_space<vmem>>, vector<128x128xf32>
    %eq3A_699 = arith.cmpf oeq, %get3A_698, %max3A_663 : vector<128x128xf32>
    %jit3A_700 = arith.constant 3.000000e+00 : f32
    %jit3A_701 = arith.constant 8.000000e+00 : f32
    %broadcast_in_dim3A_702 = vector.broadcast %jit3A_700 : f32 to vector<128x128xf32>
    %broadcast_in_dim3A_703 = vector.broadcast %jit3A_701 : f32 to vector<128x128xf32>
    %select_n3A_704 = arith.select %eq3A_699, %broadcast_in_dim3A_702, %broadcast_in_dim3A_703 : vector<128x128xi1>, vector<128x128xf32>
    %min3A_705 = arith.minimumf %min3A_695, %select_n3A_704 : vector<128x128xf32>
    %get3A_706 = arith.constant 640 : index
    %get3A_707 = arith.constant 512 : index
    %get3A_708 = vector.load %arg1[%get3A_706, %get3A_707] : memref<4096x1024xf32, #tpu.memory_space<vmem>>, vector<128x128xf32>
    %eq3A_709 = arith.cmpf oeq, %get3A_708, %max3A_663 : vector<128x128xf32>
    %jit3A_710 = arith.constant 4.000000e+00 : f32
    %jit3A_711 = arith.constant 8.000000e+00 : f32
    %broadcast_in_dim3A_712 = vector.broadcast %jit3A_710 : f32 to vector<128x128xf32>
    %broadcast_in_dim3A_713 = vector.broadcast %jit3A_711 : f32 to vector<128x128xf32>
    %select_n3A_714 = arith.select %eq3A_709, %broadcast_in_dim3A_712, %broadcast_in_dim3A_713 : vector<128x128xi1>, vector<128x128xf32>
    %min3A_715 = arith.minimumf %min3A_705, %select_n3A_714 : vector<128x128xf32>
    %get3A_716 = arith.constant 640 : index
    %get3A_717 = arith.constant 640 : index
    %get3A_718 = vector.load %arg1[%get3A_716, %get3A_717] : memref<4096x1024xf32, #tpu.memory_space<vmem>>, vector<128x128xf32>
    %eq3A_719 = arith.cmpf oeq, %get3A_718, %max3A_663 : vector<128x128xf32>
    %jit3A_720 = arith.constant 5.000000e+00 : f32
    %jit3A_721 = arith.constant 8.000000e+00 : f32
    %broadcast_in_dim3A_722 = vector.broadcast %jit3A_720 : f32 to vector<128x128xf32>
    %broadcast_in_dim3A_723 = vector.broadcast %jit3A_721 : f32 to vector<128x128xf32>
    %select_n3A_724 = arith.select %eq3A_719, %broadcast_in_dim3A_722, %broadcast_in_dim3A_723 : vector<128x128xi1>, vector<128x128xf32>
    %min3A_725 = arith.minimumf %min3A_715, %select_n3A_724 : vector<128x128xf32>
    %get3A_726 = arith.constant 640 : index
    %get3A_727 = arith.constant 768 : index
    %get3A_728 = vector.load %arg1[%get3A_726, %get3A_727] : memref<4096x1024xf32, #tpu.memory_space<vmem>>, vector<128x128xf32>
    %eq3A_729 = arith.cmpf oeq, %get3A_728, %max3A_663 : vector<128x128xf32>
    %jit3A_730 = arith.constant 6.000000e+00 : f32
    %jit3A_731 = arith.constant 8.000000e+00 : f32
    %broadcast_in_dim3A_732 = vector.broadcast %jit3A_730 : f32 to vector<128x128xf32>
    %broadcast_in_dim3A_733 = vector.broadcast %jit3A_731 : f32 to vector<128x128xf32>
    %select_n3A_734 = arith.select %eq3A_729, %broadcast_in_dim3A_732, %broadcast_in_dim3A_733 : vector<128x128xi1>, vector<128x128xf32>
    %min3A_735 = arith.minimumf %min3A_725, %select_n3A_734 : vector<128x128xf32>
    %get3A_736 = arith.constant 640 : index
    %get3A_737 = arith.constant 896 : index
    %get3A_738 = vector.load %arg1[%get3A_736, %get3A_737] : memref<4096x1024xf32, #tpu.memory_space<vmem>>, vector<128x128xf32>
    %eq3A_739 = arith.cmpf oeq, %get3A_738, %max3A_663 : vector<128x128xf32>
    %jit3A_740 = arith.constant 7.000000e+00 : f32
    %jit3A_741 = arith.constant 8.000000e+00 : f32
    %broadcast_in_dim3A_742 = vector.broadcast %jit3A_740 : f32 to vector<128x128xf32>
    %broadcast_in_dim3A_743 = vector.broadcast %jit3A_741 : f32 to vector<128x128xf32>
    %select_n3A_744 = arith.select %eq3A_739, %broadcast_in_dim3A_742, %broadcast_in_dim3A_743 : vector<128x128xi1>, vector<128x128xf32>
    %min3A_745 = arith.minimumf %min3A_735, %select_n3A_744 : vector<128x128xf32>
    %reduce_max3A_746 = arith.constant dense<0xFF800000> : vector<128xf32>
    %reduce_max3A_747 = vector.multi_reduction <maximumf>, %max3A_663, %reduce_max3A_746 [1] : vector<128x128xf32> to vector<128xf32>
    %broadcast_in_dim3A_748 = vector.shape_cast %reduce_max3A_747 : vector<128xf32> to vector<128x1xf32>
    %eq3A_749 = vector.broadcast %broadcast_in_dim3A_748 : vector<128x1xf32> to vector<128x128xf32>
    %eq3A_750 = arith.cmpf oeq, %max3A_663, %eq3A_749 : vector<128x128xf32>
    %mul3A_751 = arith.constant 1.280000e+02 : f32
    %mul3A_752 = vector.broadcast %mul3A_751 : f32 to vector<128x128xf32>
    %mul3A_753 = arith.mulf %min3A_745, %mul3A_752 : vector<128x128xf32>
    %add3A_754 = arith.addf %mul3A_753, %convert_element_type3A : vector<128x128xf32>
    %jit3A_755 = arith.constant 2.048000e+03 : f32
    %broadcast_in_dim3A_756 = vector.broadcast %jit3A_755 : f32 to vector<128x128xf32>
    %select_n3A_757 = arith.select %eq3A_750, %add3A_754, %broadcast_in_dim3A_756 : vector<128x128xi1>, vector<128x128xf32>
    %reduce_min3A_758 = arith.constant dense<0x7F800000> : vector<128xf32>
    %reduce_min3A_759 = vector.multi_reduction <minimumf>, %select_n3A_757, %reduce_min3A_758 [1] : vector<128x128xf32> to vector<128xf32>
    %broadcast_in_dim3A_760 = vector.shape_cast %reduce_min3A_759 : vector<128xf32> to vector<128x1xf32>
    %transpose3A_761 = tpu.transpose %broadcast_in_dim3A_760, [1, 0] : vector<128x1xf32> -> vector<1x128xf32>
    %get3A_762 = arith.constant 768 : index
    %get3A_763 = arith.constant 0 : index
    %get3A_764 = vector.load %arg1[%get3A_762, %get3A_763] : memref<4096x1024xf32, #tpu.memory_space<vmem>>, vector<128x128xf32>
    %get3A_765 = arith.constant 768 : index
    %get3A_766 = arith.constant 128 : index
    %get3A_767 = vector.load %arg1[%get3A_765, %get3A_766] : memref<4096x1024xf32, #tpu.memory_space<vmem>>, vector<128x128xf32>
    %max3A_768 = arith.maximumf %get3A_764, %get3A_767 : vector<128x128xf32>
    %get3A_769 = arith.constant 768 : index
    %get3A_770 = arith.constant 256 : index
    %get3A_771 = vector.load %arg1[%get3A_769, %get3A_770] : memref<4096x1024xf32, #tpu.memory_space<vmem>>, vector<128x128xf32>
    %max3A_772 = arith.maximumf %max3A_768, %get3A_771 : vector<128x128xf32>
    %get3A_773 = arith.constant 768 : index
    %get3A_774 = arith.constant 384 : index
    %get3A_775 = vector.load %arg1[%get3A_773, %get3A_774] : memref<4096x1024xf32, #tpu.memory_space<vmem>>, vector<128x128xf32>
    %max3A_776 = arith.maximumf %max3A_772, %get3A_775 : vector<128x128xf32>
    %get3A_777 = arith.constant 768 : index
    %get3A_778 = arith.constant 512 : index
    %get3A_779 = vector.load %arg1[%get3A_777, %get3A_778] : memref<4096x1024xf32, #tpu.memory_space<vmem>>, vector<128x128xf32>
    %max3A_780 = arith.maximumf %max3A_776, %get3A_779 : vector<128x128xf32>
    %get3A_781 = arith.constant 768 : index
    %get3A_782 = arith.constant 640 : index
    %get3A_783 = vector.load %arg1[%get3A_781, %get3A_782] : memref<4096x1024xf32, #tpu.memory_space<vmem>>, vector<128x128xf32>
    %max3A_784 = arith.maximumf %max3A_780, %get3A_783 : vector<128x128xf32>
    %get3A_785 = arith.constant 768 : index
    %get3A_786 = arith.constant 768 : index
    %get3A_787 = vector.load %arg1[%get3A_785, %get3A_786] : memref<4096x1024xf32, #tpu.memory_space<vmem>>, vector<128x128xf32>
    %max3A_788 = arith.maximumf %max3A_784, %get3A_787 : vector<128x128xf32>
    %get3A_789 = arith.constant 768 : index
    %get3A_790 = arith.constant 896 : index
    %get3A_791 = vector.load %arg1[%get3A_789, %get3A_790] : memref<4096x1024xf32, #tpu.memory_space<vmem>>, vector<128x128xf32>
    %max3A_792 = arith.maximumf %max3A_788, %get3A_791 : vector<128x128xf32>
    %broadcast_in_dim3A_793 = arith.constant 8.000000e+00 : f32
    %broadcast_in_dim3A_794 = vector.broadcast %broadcast_in_dim3A_793 : f32 to vector<128x128xf32>
    %get3A_795 = arith.constant 768 : index
    %get3A_796 = arith.constant 0 : index
    %get3A_797 = vector.load %arg1[%get3A_795, %get3A_796] : memref<4096x1024xf32, #tpu.memory_space<vmem>>, vector<128x128xf32>
    %eq3A_798 = arith.cmpf oeq, %get3A_797, %max3A_792 : vector<128x128xf32>
    %jit3A_799 = arith.constant 0.000000e+00 : f32
    %jit3A_800 = arith.constant 8.000000e+00 : f32
    %broadcast_in_dim3A_801 = vector.broadcast %jit3A_799 : f32 to vector<128x128xf32>
    %broadcast_in_dim3A_802 = vector.broadcast %jit3A_800 : f32 to vector<128x128xf32>
    %select_n3A_803 = arith.select %eq3A_798, %broadcast_in_dim3A_801, %broadcast_in_dim3A_802 : vector<128x128xi1>, vector<128x128xf32>
    %min3A_804 = arith.minimumf %broadcast_in_dim3A_794, %select_n3A_803 : vector<128x128xf32>
    %get3A_805 = arith.constant 768 : index
    %get3A_806 = arith.constant 128 : index
    %get3A_807 = vector.load %arg1[%get3A_805, %get3A_806] : memref<4096x1024xf32, #tpu.memory_space<vmem>>, vector<128x128xf32>
    %eq3A_808 = arith.cmpf oeq, %get3A_807, %max3A_792 : vector<128x128xf32>
    %jit3A_809 = arith.constant 1.000000e+00 : f32
    %jit3A_810 = arith.constant 8.000000e+00 : f32
    %broadcast_in_dim3A_811 = vector.broadcast %jit3A_809 : f32 to vector<128x128xf32>
    %broadcast_in_dim3A_812 = vector.broadcast %jit3A_810 : f32 to vector<128x128xf32>
    %select_n3A_813 = arith.select %eq3A_808, %broadcast_in_dim3A_811, %broadcast_in_dim3A_812 : vector<128x128xi1>, vector<128x128xf32>
    %min3A_814 = arith.minimumf %min3A_804, %select_n3A_813 : vector<128x128xf32>
    %get3A_815 = arith.constant 768 : index
    %get3A_816 = arith.constant 256 : index
    %get3A_817 = vector.load %arg1[%get3A_815, %get3A_816] : memref<4096x1024xf32, #tpu.memory_space<vmem>>, vector<128x128xf32>
    %eq3A_818 = arith.cmpf oeq, %get3A_817, %max3A_792 : vector<128x128xf32>
    %jit3A_819 = arith.constant 2.000000e+00 : f32
    %jit3A_820 = arith.constant 8.000000e+00 : f32
    %broadcast_in_dim3A_821 = vector.broadcast %jit3A_819 : f32 to vector<128x128xf32>
    %broadcast_in_dim3A_822 = vector.broadcast %jit3A_820 : f32 to vector<128x128xf32>
    %select_n3A_823 = arith.select %eq3A_818, %broadcast_in_dim3A_821, %broadcast_in_dim3A_822 : vector<128x128xi1>, vector<128x128xf32>
    %min3A_824 = arith.minimumf %min3A_814, %select_n3A_823 : vector<128x128xf32>
    %get3A_825 = arith.constant 768 : index
    %get3A_826 = arith.constant 384 : index
    %get3A_827 = vector.load %arg1[%get3A_825, %get3A_826] : memref<4096x1024xf32, #tpu.memory_space<vmem>>, vector<128x128xf32>
    %eq3A_828 = arith.cmpf oeq, %get3A_827, %max3A_792 : vector<128x128xf32>
    %jit3A_829 = arith.constant 3.000000e+00 : f32
    %jit3A_830 = arith.constant 8.000000e+00 : f32
    %broadcast_in_dim3A_831 = vector.broadcast %jit3A_829 : f32 to vector<128x128xf32>
    %broadcast_in_dim3A_832 = vector.broadcast %jit3A_830 : f32 to vector<128x128xf32>
    %select_n3A_833 = arith.select %eq3A_828, %broadcast_in_dim3A_831, %broadcast_in_dim3A_832 : vector<128x128xi1>, vector<128x128xf32>
    %min3A_834 = arith.minimumf %min3A_824, %select_n3A_833 : vector<128x128xf32>
    %get3A_835 = arith.constant 768 : index
    %get3A_836 = arith.constant 512 : index
    %get3A_837 = vector.load %arg1[%get3A_835, %get3A_836] : memref<4096x1024xf32, #tpu.memory_space<vmem>>, vector<128x128xf32>
    %eq3A_838 = arith.cmpf oeq, %get3A_837, %max3A_792 : vector<128x128xf32>
    %jit3A_839 = arith.constant 4.000000e+00 : f32
    %jit3A_840 = arith.constant 8.000000e+00 : f32
    %broadcast_in_dim3A_841 = vector.broadcast %jit3A_839 : f32 to vector<128x128xf32>
    %broadcast_in_dim3A_842 = vector.broadcast %jit3A_840 : f32 to vector<128x128xf32>
    %select_n3A_843 = arith.select %eq3A_838, %broadcast_in_dim3A_841, %broadcast_in_dim3A_842 : vector<128x128xi1>, vector<128x128xf32>
    %min3A_844 = arith.minimumf %min3A_834, %select_n3A_843 : vector<128x128xf32>
    %get3A_845 = arith.constant 768 : index
    %get3A_846 = arith.constant 640 : index
    %get3A_847 = vector.load %arg1[%get3A_845, %get3A_846] : memref<4096x1024xf32, #tpu.memory_space<vmem>>, vector<128x128xf32>
    %eq3A_848 = arith.cmpf oeq, %get3A_847, %max3A_792 : vector<128x128xf32>
    %jit3A_849 = arith.constant 5.000000e+00 : f32
    %jit3A_850 = arith.constant 8.000000e+00 : f32
    %broadcast_in_dim3A_851 = vector.broadcast %jit3A_849 : f32 to vector<128x128xf32>
    %broadcast_in_dim3A_852 = vector.broadcast %jit3A_850 : f32 to vector<128x128xf32>
    %select_n3A_853 = arith.select %eq3A_848, %broadcast_in_dim3A_851, %broadcast_in_dim3A_852 : vector<128x128xi1>, vector<128x128xf32>
    %min3A_854 = arith.minimumf %min3A_844, %select_n3A_853 : vector<128x128xf32>
    %get3A_855 = arith.constant 768 : index
    %get3A_856 = arith.constant 768 : index
    %get3A_857 = vector.load %arg1[%get3A_855, %get3A_856] : memref<4096x1024xf32, #tpu.memory_space<vmem>>, vector<128x128xf32>
    %eq3A_858 = arith.cmpf oeq, %get3A_857, %max3A_792 : vector<128x128xf32>
    %jit3A_859 = arith.constant 6.000000e+00 : f32
    %jit3A_860 = arith.constant 8.000000e+00 : f32
    %broadcast_in_dim3A_861 = vector.broadcast %jit3A_859 : f32 to vector<128x128xf32>
    %broadcast_in_dim3A_862 = vector.broadcast %jit3A_860 : f32 to vector<128x128xf32>
    %select_n3A_863 = arith.select %eq3A_858, %broadcast_in_dim3A_861, %broadcast_in_dim3A_862 : vector<128x128xi1>, vector<128x128xf32>
    %min3A_864 = arith.minimumf %min3A_854, %select_n3A_863 : vector<128x128xf32>
    %get3A_865 = arith.constant 768 : index
    %get3A_866 = arith.constant 896 : index
    %get3A_867 = vector.load %arg1[%get3A_865, %get3A_866] : memref<4096x1024xf32, #tpu.memory_space<vmem>>, vector<128x128xf32>
    %eq3A_868 = arith.cmpf oeq, %get3A_867, %max3A_792 : vector<128x128xf32>
    %jit3A_869 = arith.constant 7.000000e+00 : f32
    %jit3A_870 = arith.constant 8.000000e+00 : f32
    %broadcast_in_dim3A_871 = vector.broadcast %jit3A_869 : f32 to vector<128x128xf32>
    %broadcast_in_dim3A_872 = vector.broadcast %jit3A_870 : f32 to vector<128x128xf32>
    %select_n3A_873 = arith.select %eq3A_868, %broadcast_in_dim3A_871, %broadcast_in_dim3A_872 : vector<128x128xi1>, vector<128x128xf32>
    %min3A_874 = arith.minimumf %min3A_864, %select_n3A_873 : vector<128x128xf32>
    %reduce_max3A_875 = arith.constant dense<0xFF800000> : vector<128xf32>
    %reduce_max3A_876 = vector.multi_reduction <maximumf>, %max3A_792, %reduce_max3A_875 [1] : vector<128x128xf32> to vector<128xf32>
    %broadcast_in_dim3A_877 = vector.shape_cast %reduce_max3A_876 : vector<128xf32> to vector<128x1xf32>
    %eq3A_878 = vector.broadcast %broadcast_in_dim3A_877 : vector<128x1xf32> to vector<128x128xf32>
    %eq3A_879 = arith.cmpf oeq, %max3A_792, %eq3A_878 : vector<128x128xf32>
    %mul3A_880 = arith.constant 1.280000e+02 : f32
    %mul3A_881 = vector.broadcast %mul3A_880 : f32 to vector<128x128xf32>
    %mul3A_882 = arith.mulf %min3A_874, %mul3A_881 : vector<128x128xf32>
    %add3A_883 = arith.addf %mul3A_882, %convert_element_type3A : vector<128x128xf32>
    %jit3A_884 = arith.constant 2.048000e+03 : f32
    %broadcast_in_dim3A_885 = vector.broadcast %jit3A_884 : f32 to vector<128x128xf32>
    %select_n3A_886 = arith.select %eq3A_879, %add3A_883, %broadcast_in_dim3A_885 : vector<128x128xi1>, vector<128x128xf32>
    %reduce_min3A_887 = arith.constant dense<0x7F800000> : vector<128xf32>
    %reduce_min3A_888 = vector.multi_reduction <minimumf>, %select_n3A_886, %reduce_min3A_887 [1] : vector<128x128xf32> to vector<128xf32>
    %broadcast_in_dim3A_889 = vector.shape_cast %reduce_min3A_888 : vector<128xf32> to vector<128x1xf32>
    %transpose3A_890 = tpu.transpose %broadcast_in_dim3A_889, [1, 0] : vector<128x1xf32> -> vector<1x128xf32>
    %get3A_891 = arith.constant 896 : index
    %get3A_892 = arith.constant 0 : index
    %get3A_893 = vector.load %arg1[%get3A_891, %get3A_892] : memref<4096x1024xf32, #tpu.memory_space<vmem>>, vector<128x128xf32>
    %get3A_894 = arith.constant 896 : index
    %get3A_895 = arith.constant 128 : index
    %get3A_896 = vector.load %arg1[%get3A_894, %get3A_895] : memref<4096x1024xf32, #tpu.memory_space<vmem>>, vector<128x128xf32>
    %max3A_897 = arith.maximumf %get3A_893, %get3A_896 : vector<128x128xf32>
    %get3A_898 = arith.constant 896 : index
    %get3A_899 = arith.constant 256 : index
    %get3A_900 = vector.load %arg1[%get3A_898, %get3A_899] : memref<4096x1024xf32, #tpu.memory_space<vmem>>, vector<128x128xf32>
    %max3A_901 = arith.maximumf %max3A_897, %get3A_900 : vector<128x128xf32>
    %get3A_902 = arith.constant 896 : index
    %get3A_903 = arith.constant 384 : index
    %get3A_904 = vector.load %arg1[%get3A_902, %get3A_903] : memref<4096x1024xf32, #tpu.memory_space<vmem>>, vector<128x128xf32>
    %max3A_905 = arith.maximumf %max3A_901, %get3A_904 : vector<128x128xf32>
    %get3A_906 = arith.constant 896 : index
    %get3A_907 = arith.constant 512 : index
    %get3A_908 = vector.load %arg1[%get3A_906, %get3A_907] : memref<4096x1024xf32, #tpu.memory_space<vmem>>, vector<128x128xf32>
    %max3A_909 = arith.maximumf %max3A_905, %get3A_908 : vector<128x128xf32>
    %get3A_910 = arith.constant 896 : index
    %get3A_911 = arith.constant 640 : index
    %get3A_912 = vector.load %arg1[%get3A_910, %get3A_911] : memref<4096x1024xf32, #tpu.memory_space<vmem>>, vector<128x128xf32>
    %max3A_913 = arith.maximumf %max3A_909, %get3A_912 : vector<128x128xf32>
    %get3A_914 = arith.constant 896 : index
    %get3A_915 = arith.constant 768 : index
    %get3A_916 = vector.load %arg1[%get3A_914, %get3A_915] : memref<4096x1024xf32, #tpu.memory_space<vmem>>, vector<128x128xf32>
    %max3A_917 = arith.maximumf %max3A_913, %get3A_916 : vector<128x128xf32>
    %get3A_918 = arith.constant 896 : index
    %get3A_919 = arith.constant 896 : index
    %get3A_920 = vector.load %arg1[%get3A_918, %get3A_919] : memref<4096x1024xf32, #tpu.memory_space<vmem>>, vector<128x128xf32>
    %max3A_921 = arith.maximumf %max3A_917, %get3A_920 : vector<128x128xf32>
    %broadcast_in_dim3A_922 = arith.constant 8.000000e+00 : f32
    %broadcast_in_dim3A_923 = vector.broadcast %broadcast_in_dim3A_922 : f32 to vector<128x128xf32>
    %get3A_924 = arith.constant 896 : index
    %get3A_925 = arith.constant 0 : index
    %get3A_926 = vector.load %arg1[%get3A_924, %get3A_925] : memref<4096x1024xf32, #tpu.memory_space<vmem>>, vector<128x128xf32>
    %eq3A_927 = arith.cmpf oeq, %get3A_926, %max3A_921 : vector<128x128xf32>
    %jit3A_928 = arith.constant 0.000000e+00 : f32
    %jit3A_929 = arith.constant 8.000000e+00 : f32
    %broadcast_in_dim3A_930 = vector.broadcast %jit3A_928 : f32 to vector<128x128xf32>
    %broadcast_in_dim3A_931 = vector.broadcast %jit3A_929 : f32 to vector<128x128xf32>
    %select_n3A_932 = arith.select %eq3A_927, %broadcast_in_dim3A_930, %broadcast_in_dim3A_931 : vector<128x128xi1>, vector<128x128xf32>
    %min3A_933 = arith.minimumf %broadcast_in_dim3A_923, %select_n3A_932 : vector<128x128xf32>
    %get3A_934 = arith.constant 896 : index
    %get3A_935 = arith.constant 128 : index
    %get3A_936 = vector.load %arg1[%get3A_934, %get3A_935] : memref<4096x1024xf32, #tpu.memory_space<vmem>>, vector<128x128xf32>
    %eq3A_937 = arith.cmpf oeq, %get3A_936, %max3A_921 : vector<128x128xf32>
    %jit3A_938 = arith.constant 1.000000e+00 : f32
    %jit3A_939 = arith.constant 8.000000e+00 : f32
    %broadcast_in_dim3A_940 = vector.broadcast %jit3A_938 : f32 to vector<128x128xf32>
    %broadcast_in_dim3A_941 = vector.broadcast %jit3A_939 : f32 to vector<128x128xf32>
    %select_n3A_942 = arith.select %eq3A_937, %broadcast_in_dim3A_940, %broadcast_in_dim3A_941 : vector<128x128xi1>, vector<128x128xf32>
    %min3A_943 = arith.minimumf %min3A_933, %select_n3A_942 : vector<128x128xf32>
    %get3A_944 = arith.constant 896 : index
    %get3A_945 = arith.constant 256 : index
    %get3A_946 = vector.load %arg1[%get3A_944, %get3A_945] : memref<4096x1024xf32, #tpu.memory_space<vmem>>, vector<128x128xf32>
    %eq3A_947 = arith.cmpf oeq, %get3A_946, %max3A_921 : vector<128x128xf32>
    %jit3A_948 = arith.constant 2.000000e+00 : f32
    %jit3A_949 = arith.constant 8.000000e+00 : f32
    %broadcast_in_dim3A_950 = vector.broadcast %jit3A_948 : f32 to vector<128x128xf32>
    %broadcast_in_dim3A_951 = vector.broadcast %jit3A_949 : f32 to vector<128x128xf32>
    %select_n3A_952 = arith.select %eq3A_947, %broadcast_in_dim3A_950, %broadcast_in_dim3A_951 : vector<128x128xi1>, vector<128x128xf32>
    %min3A_953 = arith.minimumf %min3A_943, %select_n3A_952 : vector<128x128xf32>
    %get3A_954 = arith.constant 896 : index
    %get3A_955 = arith.constant 384 : index
    %get3A_956 = vector.load %arg1[%get3A_954, %get3A_955] : memref<4096x1024xf32, #tpu.memory_space<vmem>>, vector<128x128xf32>
    %eq3A_957 = arith.cmpf oeq, %get3A_956, %max3A_921 : vector<128x128xf32>
    %jit3A_958 = arith.constant 3.000000e+00 : f32
    %jit3A_959 = arith.constant 8.000000e+00 : f32
    %broadcast_in_dim3A_960 = vector.broadcast %jit3A_958 : f32 to vector<128x128xf32>
    %broadcast_in_dim3A_961 = vector.broadcast %jit3A_959 : f32 to vector<128x128xf32>
    %select_n3A_962 = arith.select %eq3A_957, %broadcast_in_dim3A_960, %broadcast_in_dim3A_961 : vector<128x128xi1>, vector<128x128xf32>
    %min3A_963 = arith.minimumf %min3A_953, %select_n3A_962 : vector<128x128xf32>
    %get3A_964 = arith.constant 896 : index
    %get3A_965 = arith.constant 512 : index
    %get3A_966 = vector.load %arg1[%get3A_964, %get3A_965] : memref<4096x1024xf32, #tpu.memory_space<vmem>>, vector<128x128xf32>
    %eq3A_967 = arith.cmpf oeq, %get3A_966, %max3A_921 : vector<128x128xf32>
    %jit3A_968 = arith.constant 4.000000e+00 : f32
    %jit3A_969 = arith.constant 8.000000e+00 : f32
    %broadcast_in_dim3A_970 = vector.broadcast %jit3A_968 : f32 to vector<128x128xf32>
    %broadcast_in_dim3A_971 = vector.broadcast %jit3A_969 : f32 to vector<128x128xf32>
    %select_n3A_972 = arith.select %eq3A_967, %broadcast_in_dim3A_970, %broadcast_in_dim3A_971 : vector<128x128xi1>, vector<128x128xf32>
    %min3A_973 = arith.minimumf %min3A_963, %select_n3A_972 : vector<128x128xf32>
    %get3A_974 = arith.constant 896 : index
    %get3A_975 = arith.constant 640 : index
    %get3A_976 = vector.load %arg1[%get3A_974, %get3A_975] : memref<4096x1024xf32, #tpu.memory_space<vmem>>, vector<128x128xf32>
    %eq3A_977 = arith.cmpf oeq, %get3A_976, %max3A_921 : vector<128x128xf32>
    %jit3A_978 = arith.constant 5.000000e+00 : f32
    %jit3A_979 = arith.constant 8.000000e+00 : f32
    %broadcast_in_dim3A_980 = vector.broadcast %jit3A_978 : f32 to vector<128x128xf32>
    %broadcast_in_dim3A_981 = vector.broadcast %jit3A_979 : f32 to vector<128x128xf32>
    %select_n3A_982 = arith.select %eq3A_977, %broadcast_in_dim3A_980, %broadcast_in_dim3A_981 : vector<128x128xi1>, vector<128x128xf32>
    %min3A_983 = arith.minimumf %min3A_973, %select_n3A_982 : vector<128x128xf32>
    %get3A_984 = arith.constant 896 : index
    %get3A_985 = arith.constant 768 : index
    %get3A_986 = vector.load %arg1[%get3A_984, %get3A_985] : memref<4096x1024xf32, #tpu.memory_space<vmem>>, vector<128x128xf32>
    %eq3A_987 = arith.cmpf oeq, %get3A_986, %max3A_921 : vector<128x128xf32>
    %jit3A_988 = arith.constant 6.000000e+00 : f32
    %jit3A_989 = arith.constant 8.000000e+00 : f32
    %broadcast_in_dim3A_990 = vector.broadcast %jit3A_988 : f32 to vector<128x128xf32>
    %broadcast_in_dim3A_991 = vector.broadcast %jit3A_989 : f32 to vector<128x128xf32>
    %select_n3A_992 = arith.select %eq3A_987, %broadcast_in_dim3A_990, %broadcast_in_dim3A_991 : vector<128x128xi1>, vector<128x128xf32>
    %min3A_993 = arith.minimumf %min3A_983, %select_n3A_992 : vector<128x128xf32>
    %get3A_994 = arith.constant 896 : index
    %get3A_995 = arith.constant 896 : index
    %get3A_996 = vector.load %arg1[%get3A_994, %get3A_995] : memref<4096x1024xf32, #tpu.memory_space<vmem>>, vector<128x128xf32>
    %eq3A_997 = arith.cmpf oeq, %get3A_996, %max3A_921 : vector<128x128xf32>
    %jit3A_998 = arith.constant 7.000000e+00 : f32
    %jit3A_999 = arith.constant 8.000000e+00 : f32
    %broadcast_in_dim3A_1000 = vector.broadcast %jit3A_998 : f32 to vector<128x128xf32>
    %broadcast_in_dim3A_1001 = vector.broadcast %jit3A_999 : f32 to vector<128x128xf32>
    %select_n3A_1002 = arith.select %eq3A_997, %broadcast_in_dim3A_1000, %broadcast_in_dim3A_1001 : vector<128x128xi1>, vector<128x128xf32>
    %min3A_1003 = arith.minimumf %min3A_993, %select_n3A_1002 : vector<128x128xf32>
    %reduce_max3A_1004 = arith.constant dense<0xFF800000> : vector<128xf32>
    %reduce_max3A_1005 = vector.multi_reduction <maximumf>, %max3A_921, %reduce_max3A_1004 [1] : vector<128x128xf32> to vector<128xf32>
    %broadcast_in_dim3A_1006 = vector.shape_cast %reduce_max3A_1005 : vector<128xf32> to vector<128x1xf32>
    %eq3A_1007 = vector.broadcast %broadcast_in_dim3A_1006 : vector<128x1xf32> to vector<128x128xf32>
    %eq3A_1008 = arith.cmpf oeq, %max3A_921, %eq3A_1007 : vector<128x128xf32>
    %mul3A_1009 = arith.constant 1.280000e+02 : f32
    %mul3A_1010 = vector.broadcast %mul3A_1009 : f32 to vector<128x128xf32>
    %mul3A_1011 = arith.mulf %min3A_1003, %mul3A_1010 : vector<128x128xf32>
    %add3A_1012 = arith.addf %mul3A_1011, %convert_element_type3A : vector<128x128xf32>
    %jit3A_1013 = arith.constant 2.048000e+03 : f32
    %broadcast_in_dim3A_1014 = vector.broadcast %jit3A_1013 : f32 to vector<128x128xf32>
    %select_n3A_1015 = arith.select %eq3A_1008, %add3A_1012, %broadcast_in_dim3A_1014 : vector<128x128xi1>, vector<128x128xf32>
    %reduce_min3A_1016 = arith.constant dense<0x7F800000> : vector<128xf32>
    %reduce_min3A_1017 = vector.multi_reduction <minimumf>, %select_n3A_1015, %reduce_min3A_1016 [1] : vector<128x128xf32> to vector<128xf32>
    %broadcast_in_dim3A_1018 = vector.shape_cast %reduce_min3A_1017 : vector<128xf32> to vector<128x1xf32>
    %transpose3A_1019 = tpu.transpose %broadcast_in_dim3A_1018, [1, 0] : vector<128x1xf32> -> vector<1x128xf32>
    %get3A_1020 = arith.constant 1024 : index
    %get3A_1021 = arith.constant 0 : index
    %get3A_1022 = vector.load %arg1[%get3A_1020, %get3A_1021] : memref<4096x1024xf32, #tpu.memory_space<vmem>>, vector<128x128xf32>
    %get3A_1023 = arith.constant 1024 : index
    %get3A_1024 = arith.constant 128 : index
    %get3A_1025 = vector.load %arg1[%get3A_1023, %get3A_1024] : memref<4096x1024xf32, #tpu.memory_space<vmem>>, vector<128x128xf32>
    %max3A_1026 = arith.maximumf %get3A_1022, %get3A_1025 : vector<128x128xf32>
    %get3A_1027 = arith.constant 1024 : index
    %get3A_1028 = arith.constant 256 : index
    %get3A_1029 = vector.load %arg1[%get3A_1027, %get3A_1028] : memref<4096x1024xf32, #tpu.memory_space<vmem>>, vector<128x128xf32>
    %max3A_1030 = arith.maximumf %max3A_1026, %get3A_1029 : vector<128x128xf32>
    %get3A_1031 = arith.constant 1024 : index
    %get3A_1032 = arith.constant 384 : index
    %get3A_1033 = vector.load %arg1[%get3A_1031, %get3A_1032] : memref<4096x1024xf32, #tpu.memory_space<vmem>>, vector<128x128xf32>
    %max3A_1034 = arith.maximumf %max3A_1030, %get3A_1033 : vector<128x128xf32>
    %get3A_1035 = arith.constant 1024 : index
    %get3A_1036 = arith.constant 512 : index
    %get3A_1037 = vector.load %arg1[%get3A_1035, %get3A_1036] : memref<4096x1024xf32, #tpu.memory_space<vmem>>, vector<128x128xf32>
    %max3A_1038 = arith.maximumf %max3A_1034, %get3A_1037 : vector<128x128xf32>
    %get3A_1039 = arith.constant 1024 : index
    %get3A_1040 = arith.constant 640 : index
    %get3A_1041 = vector.load %arg1[%get3A_1039, %get3A_1040] : memref<4096x1024xf32, #tpu.memory_space<vmem>>, vector<128x128xf32>
    %max3A_1042 = arith.maximumf %max3A_1038, %get3A_1041 : vector<128x128xf32>
    %get3A_1043 = arith.constant 1024 : index
    %get3A_1044 = arith.constant 768 : index
    %get3A_1045 = vector.load %arg1[%get3A_1043, %get3A_1044] : memref<4096x1024xf32, #tpu.memory_space<vmem>>, vector<128x128xf32>
    %max3A_1046 = arith.maximumf %max3A_1042, %get3A_1045 : vector<128x128xf32>
    %get3A_1047 = arith.constant 1024 : index
    %get3A_1048 = arith.constant 896 : index
    %get3A_1049 = vector.load %arg1[%get3A_1047, %get3A_1048] : memref<4096x1024xf32, #tpu.memory_space<vmem>>, vector<128x128xf32>
    %max3A_1050 = arith.maximumf %max3A_1046, %get3A_1049 : vector<128x128xf32>
    %broadcast_in_dim3A_1051 = arith.constant 8.000000e+00 : f32
    %broadcast_in_dim3A_1052 = vector.broadcast %broadcast_in_dim3A_1051 : f32 to vector<128x128xf32>
    %get3A_1053 = arith.constant 1024 : index
    %get3A_1054 = arith.constant 0 : index
    %get3A_1055 = vector.load %arg1[%get3A_1053, %get3A_1054] : memref<4096x1024xf32, #tpu.memory_space<vmem>>, vector<128x128xf32>
    %eq3A_1056 = arith.cmpf oeq, %get3A_1055, %max3A_1050 : vector<128x128xf32>
    %jit3A_1057 = arith.constant 0.000000e+00 : f32
    %jit3A_1058 = arith.constant 8.000000e+00 : f32
    %broadcast_in_dim3A_1059 = vector.broadcast %jit3A_1057 : f32 to vector<128x128xf32>
    %broadcast_in_dim3A_1060 = vector.broadcast %jit3A_1058 : f32 to vector<128x128xf32>
    %select_n3A_1061 = arith.select %eq3A_1056, %broadcast_in_dim3A_1059, %broadcast_in_dim3A_1060 : vector<128x128xi1>, vector<128x128xf32>
    %min3A_1062 = arith.minimumf %broadcast_in_dim3A_1052, %select_n3A_1061 : vector<128x128xf32>
    %get3A_1063 = arith.constant 1024 : index
    %get3A_1064 = arith.constant 128 : index
    %get3A_1065 = vector.load %arg1[%get3A_1063, %get3A_1064] : memref<4096x1024xf32, #tpu.memory_space<vmem>>, vector<128x128xf32>
    %eq3A_1066 = arith.cmpf oeq, %get3A_1065, %max3A_1050 : vector<128x128xf32>
    %jit3A_1067 = arith.constant 1.000000e+00 : f32
    %jit3A_1068 = arith.constant 8.000000e+00 : f32
    %broadcast_in_dim3A_1069 = vector.broadcast %jit3A_1067 : f32 to vector<128x128xf32>
    %broadcast_in_dim3A_1070 = vector.broadcast %jit3A_1068 : f32 to vector<128x128xf32>
    %select_n3A_1071 = arith.select %eq3A_1066, %broadcast_in_dim3A_1069, %broadcast_in_dim3A_1070 : vector<128x128xi1>, vector<128x128xf32>
    %min3A_1072 = arith.minimumf %min3A_1062, %select_n3A_1071 : vector<128x128xf32>
    %get3A_1073 = arith.constant 1024 : index
    %get3A_1074 = arith.constant 256 : index
    %get3A_1075 = vector.load %arg1[%get3A_1073, %get3A_1074] : memref<4096x1024xf32, #tpu.memory_space<vmem>>, vector<128x128xf32>
    %eq3A_1076 = arith.cmpf oeq, %get3A_1075, %max3A_1050 : vector<128x128xf32>
    %jit3A_1077 = arith.constant 2.000000e+00 : f32
    %jit3A_1078 = arith.constant 8.000000e+00 : f32
    %broadcast_in_dim3A_1079 = vector.broadcast %jit3A_1077 : f32 to vector<128x128xf32>
    %broadcast_in_dim3A_1080 = vector.broadcast %jit3A_1078 : f32 to vector<128x128xf32>
    %select_n3A_1081 = arith.select %eq3A_1076, %broadcast_in_dim3A_1079, %broadcast_in_dim3A_1080 : vector<128x128xi1>, vector<128x128xf32>
    %min3A_1082 = arith.minimumf %min3A_1072, %select_n3A_1081 : vector<128x128xf32>
    %get3A_1083 = arith.constant 1024 : index
    %get3A_1084 = arith.constant 384 : index
    %get3A_1085 = vector.load %arg1[%get3A_1083, %get3A_1084] : memref<4096x1024xf32, #tpu.memory_space<vmem>>, vector<128x128xf32>
    %eq3A_1086 = arith.cmpf oeq, %get3A_1085, %max3A_1050 : vector<128x128xf32>
    %jit3A_1087 = arith.constant 3.000000e+00 : f32
    %jit3A_1088 = arith.constant 8.000000e+00 : f32
    %broadcast_in_dim3A_1089 = vector.broadcast %jit3A_1087 : f32 to vector<128x128xf32>
    %broadcast_in_dim3A_1090 = vector.broadcast %jit3A_1088 : f32 to vector<128x128xf32>
    %select_n3A_1091 = arith.select %eq3A_1086, %broadcast_in_dim3A_1089, %broadcast_in_dim3A_1090 : vector<128x128xi1>, vector<128x128xf32>
    %min3A_1092 = arith.minimumf %min3A_1082, %select_n3A_1091 : vector<128x128xf32>
    %get3A_1093 = arith.constant 1024 : index
    %get3A_1094 = arith.constant 512 : index
    %get3A_1095 = vector.load %arg1[%get3A_1093, %get3A_1094] : memref<4096x1024xf32, #tpu.memory_space<vmem>>, vector<128x128xf32>
    %eq3A_1096 = arith.cmpf oeq, %get3A_1095, %max3A_1050 : vector<128x128xf32>
    %jit3A_1097 = arith.constant 4.000000e+00 : f32
    %jit3A_1098 = arith.constant 8.000000e+00 : f32
    %broadcast_in_dim3A_1099 = vector.broadcast %jit3A_1097 : f32 to vector<128x128xf32>
    %broadcast_in_dim3A_1100 = vector.broadcast %jit3A_1098 : f32 to vector<128x128xf32>
    %select_n3A_1101 = arith.select %eq3A_1096, %broadcast_in_dim3A_1099, %broadcast_in_dim3A_1100 : vector<128x128xi1>, vector<128x128xf32>
    %min3A_1102 = arith.minimumf %min3A_1092, %select_n3A_1101 : vector<128x128xf32>
    %get3A_1103 = arith.constant 1024 : index
    %get3A_1104 = arith.constant 640 : index
    %get3A_1105 = vector.load %arg1[%get3A_1103, %get3A_1104] : memref<4096x1024xf32, #tpu.memory_space<vmem>>, vector<128x128xf32>
    %eq3A_1106 = arith.cmpf oeq, %get3A_1105, %max3A_1050 : vector<128x128xf32>
    %jit3A_1107 = arith.constant 5.000000e+00 : f32
    %jit3A_1108 = arith.constant 8.000000e+00 : f32
    %broadcast_in_dim3A_1109 = vector.broadcast %jit3A_1107 : f32 to vector<128x128xf32>
    %broadcast_in_dim3A_1110 = vector.broadcast %jit3A_1108 : f32 to vector<128x128xf32>
    %select_n3A_1111 = arith.select %eq3A_1106, %broadcast_in_dim3A_1109, %broadcast_in_dim3A_1110 : vector<128x128xi1>, vector<128x128xf32>
    %min3A_1112 = arith.minimumf %min3A_1102, %select_n3A_1111 : vector<128x128xf32>
    %get3A_1113 = arith.constant 1024 : index
    %get3A_1114 = arith.constant 768 : index
    %get3A_1115 = vector.load %arg1[%get3A_1113, %get3A_1114] : memref<4096x1024xf32, #tpu.memory_space<vmem>>, vector<128x128xf32>
    %eq3A_1116 = arith.cmpf oeq, %get3A_1115, %max3A_1050 : vector<128x128xf32>
    %jit3A_1117 = arith.constant 6.000000e+00 : f32
    %jit3A_1118 = arith.constant 8.000000e+00 : f32
    %broadcast_in_dim3A_1119 = vector.broadcast %jit3A_1117 : f32 to vector<128x128xf32>
    %broadcast_in_dim3A_1120 = vector.broadcast %jit3A_1118 : f32 to vector<128x128xf32>
    %select_n3A_1121 = arith.select %eq3A_1116, %broadcast_in_dim3A_1119, %broadcast_in_dim3A_1120 : vector<128x128xi1>, vector<128x128xf32>
    %min3A_1122 = arith.minimumf %min3A_1112, %select_n3A_1121 : vector<128x128xf32>
    %get3A_1123 = arith.constant 1024 : index
    %get3A_1124 = arith.constant 896 : index
    %get3A_1125 = vector.load %arg1[%get3A_1123, %get3A_1124] : memref<4096x1024xf32, #tpu.memory_space<vmem>>, vector<128x128xf32>
    %eq3A_1126 = arith.cmpf oeq, %get3A_1125, %max3A_1050 : vector<128x128xf32>
    %jit3A_1127 = arith.constant 7.000000e+00 : f32
    %jit3A_1128 = arith.constant 8.000000e+00 : f32
    %broadcast_in_dim3A_1129 = vector.broadcast %jit3A_1127 : f32 to vector<128x128xf32>
    %broadcast_in_dim3A_1130 = vector.broadcast %jit3A_1128 : f32 to vector<128x128xf32>
    %select_n3A_1131 = arith.select %eq3A_1126, %broadcast_in_dim3A_1129, %broadcast_in_dim3A_1130 : vector<128x128xi1>, vector<128x128xf32>
    %min3A_1132 = arith.minimumf %min3A_1122, %select_n3A_1131 : vector<128x128xf32>
    %reduce_max3A_1133 = arith.constant dense<0xFF800000> : vector<128xf32>
    %reduce_max3A_1134 = vector.multi_reduction <maximumf>, %max3A_1050, %reduce_max3A_1133 [1] : vector<128x128xf32> to vector<128xf32>
    %broadcast_in_dim3A_1135 = vector.shape_cast %reduce_max3A_1134 : vector<128xf32> to vector<128x1xf32>
    %eq3A_1136 = vector.broadcast %broadcast_in_dim3A_1135 : vector<128x1xf32> to vector<128x128xf32>
    %eq3A_1137 = arith.cmpf oeq, %max3A_1050, %eq3A_1136 : vector<128x128xf32>
    %mul3A_1138 = arith.constant 1.280000e+02 : f32
    %mul3A_1139 = vector.broadcast %mul3A_1138 : f32 to vector<128x128xf32>
    %mul3A_1140 = arith.mulf %min3A_1132, %mul3A_1139 : vector<128x128xf32>
    %add3A_1141 = arith.addf %mul3A_1140, %convert_element_type3A : vector<128x128xf32>
    %jit3A_1142 = arith.constant 2.048000e+03 : f32
    %broadcast_in_dim3A_1143 = vector.broadcast %jit3A_1142 : f32 to vector<128x128xf32>
    %select_n3A_1144 = arith.select %eq3A_1137, %add3A_1141, %broadcast_in_dim3A_1143 : vector<128x128xi1>, vector<128x128xf32>
    %reduce_min3A_1145 = arith.constant dense<0x7F800000> : vector<128xf32>
    %reduce_min3A_1146 = vector.multi_reduction <minimumf>, %select_n3A_1144, %reduce_min3A_1145 [1] : vector<128x128xf32> to vector<128xf32>
    %broadcast_in_dim3A_1147 = vector.shape_cast %reduce_min3A_1146 : vector<128xf32> to vector<128x1xf32>
    %transpose3A_1148 = tpu.transpose %broadcast_in_dim3A_1147, [1, 0] : vector<128x1xf32> -> vector<1x128xf32>
    %get3A_1149 = arith.constant 1152 : index
    %get3A_1150 = arith.constant 0 : index
    %get3A_1151 = vector.load %arg1[%get3A_1149, %get3A_1150] : memref<4096x1024xf32, #tpu.memory_space<vmem>>, vector<128x128xf32>
    %get3A_1152 = arith.constant 1152 : index
    %get3A_1153 = arith.constant 128 : index
    %get3A_1154 = vector.load %arg1[%get3A_1152, %get3A_1153] : memref<4096x1024xf32, #tpu.memory_space<vmem>>, vector<128x128xf32>
    %max3A_1155 = arith.maximumf %get3A_1151, %get3A_1154 : vector<128x128xf32>
    %get3A_1156 = arith.constant 1152 : index
    %get3A_1157 = arith.constant 256 : index
    %get3A_1158 = vector.load %arg1[%get3A_1156, %get3A_1157] : memref<4096x1024xf32, #tpu.memory_space<vmem>>, vector<128x128xf32>
    %max3A_1159 = arith.maximumf %max3A_1155, %get3A_1158 : vector<128x128xf32>
    %get3A_1160 = arith.constant 1152 : index
    %get3A_1161 = arith.constant 384 : index
    %get3A_1162 = vector.load %arg1[%get3A_1160, %get3A_1161] : memref<4096x1024xf32, #tpu.memory_space<vmem>>, vector<128x128xf32>
    %max3A_1163 = arith.maximumf %max3A_1159, %get3A_1162 : vector<128x128xf32>
    %get3A_1164 = arith.constant 1152 : index
    %get3A_1165 = arith.constant 512 : index
    %get3A_1166 = vector.load %arg1[%get3A_1164, %get3A_1165] : memref<4096x1024xf32, #tpu.memory_space<vmem>>, vector<128x128xf32>
    %max3A_1167 = arith.maximumf %max3A_1163, %get3A_1166 : vector<128x128xf32>
    %get3A_1168 = arith.constant 1152 : index
    %get3A_1169 = arith.constant 640 : index
    %get3A_1170 = vector.load %arg1[%get3A_1168, %get3A_1169] : memref<4096x1024xf32, #tpu.memory_space<vmem>>, vector<128x128xf32>
    %max3A_1171 = arith.maximumf %max3A_1167, %get3A_1170 : vector<128x128xf32>
    %get3A_1172 = arith.constant 1152 : index
    %get3A_1173 = arith.constant 768 : index
    %get3A_1174 = vector.load %arg1[%get3A_1172, %get3A_1173] : memref<4096x1024xf32, #tpu.memory_space<vmem>>, vector<128x128xf32>
    %max3A_1175 = arith.maximumf %max3A_1171, %get3A_1174 : vector<128x128xf32>
    %get3A_1176 = arith.constant 1152 : index
    %get3A_1177 = arith.constant 896 : index
    %get3A_1178 = vector.load %arg1[%get3A_1176, %get3A_1177] : memref<4096x1024xf32, #tpu.memory_space<vmem>>, vector<128x128xf32>
    %max3A_1179 = arith.maximumf %max3A_1175, %get3A_1178 : vector<128x128xf32>
    %broadcast_in_dim3A_1180 = arith.constant 8.000000e+00 : f32
    %broadcast_in_dim3A_1181 = vector.broadcast %broadcast_in_dim3A_1180 : f32 to vector<128x128xf32>
    %get3A_1182 = arith.constant 1152 : index
    %get3A_1183 = arith.constant 0 : index
    %get3A_1184 = vector.load %arg1[%get3A_1182, %get3A_1183] : memref<4096x1024xf32, #tpu.memory_space<vmem>>, vector<128x128xf32>
    %eq3A_1185 = arith.cmpf oeq, %get3A_1184, %max3A_1179 : vector<128x128xf32>
    %jit3A_1186 = arith.constant 0.000000e+00 : f32
    %jit3A_1187 = arith.constant 8.000000e+00 : f32
    %broadcast_in_dim3A_1188 = vector.broadcast %jit3A_1186 : f32 to vector<128x128xf32>
    %broadcast_in_dim3A_1189 = vector.broadcast %jit3A_1187 : f32 to vector<128x128xf32>
    %select_n3A_1190 = arith.select %eq3A_1185, %broadcast_in_dim3A_1188, %broadcast_in_dim3A_1189 : vector<128x128xi1>, vector<128x128xf32>
    %min3A_1191 = arith.minimumf %broadcast_in_dim3A_1181, %select_n3A_1190 : vector<128x128xf32>
    %get3A_1192 = arith.constant 1152 : index
    %get3A_1193 = arith.constant 128 : index
    %get3A_1194 = vector.load %arg1[%get3A_1192, %get3A_1193] : memref<4096x1024xf32, #tpu.memory_space<vmem>>, vector<128x128xf32>
    %eq3A_1195 = arith.cmpf oeq, %get3A_1194, %max3A_1179 : vector<128x128xf32>
    %jit3A_1196 = arith.constant 1.000000e+00 : f32
    %jit3A_1197 = arith.constant 8.000000e+00 : f32
    %broadcast_in_dim3A_1198 = vector.broadcast %jit3A_1196 : f32 to vector<128x128xf32>
    %broadcast_in_dim3A_1199 = vector.broadcast %jit3A_1197 : f32 to vector<128x128xf32>
    %select_n3A_1200 = arith.select %eq3A_1195, %broadcast_in_dim3A_1198, %broadcast_in_dim3A_1199 : vector<128x128xi1>, vector<128x128xf32>
    %min3A_1201 = arith.minimumf %min3A_1191, %select_n3A_1200 : vector<128x128xf32>
    %get3A_1202 = arith.constant 1152 : index
    %get3A_1203 = arith.constant 256 : index
    %get3A_1204 = vector.load %arg1[%get3A_1202, %get3A_1203] : memref<4096x1024xf32, #tpu.memory_space<vmem>>, vector<128x128xf32>
    %eq3A_1205 = arith.cmpf oeq, %get3A_1204, %max3A_1179 : vector<128x128xf32>
    %jit3A_1206 = arith.constant 2.000000e+00 : f32
    %jit3A_1207 = arith.constant 8.000000e+00 : f32
    %broadcast_in_dim3A_1208 = vector.broadcast %jit3A_1206 : f32 to vector<128x128xf32>
    %broadcast_in_dim3A_1209 = vector.broadcast %jit3A_1207 : f32 to vector<128x128xf32>
    %select_n3A_1210 = arith.select %eq3A_1205, %broadcast_in_dim3A_1208, %broadcast_in_dim3A_1209 : vector<128x128xi1>, vector<128x128xf32>
    %min3A_1211 = arith.minimumf %min3A_1201, %select_n3A_1210 : vector<128x128xf32>
    %get3A_1212 = arith.constant 1152 : index
    %get3A_1213 = arith.constant 384 : index
    %get3A_1214 = vector.load %arg1[%get3A_1212, %get3A_1213] : memref<4096x1024xf32, #tpu.memory_space<vmem>>, vector<128x128xf32>
    %eq3A_1215 = arith.cmpf oeq, %get3A_1214, %max3A_1179 : vector<128x128xf32>
    %jit3A_1216 = arith.constant 3.000000e+00 : f32
    %jit3A_1217 = arith.constant 8.000000e+00 : f32
    %broadcast_in_dim3A_1218 = vector.broadcast %jit3A_1216 : f32 to vector<128x128xf32>
    %broadcast_in_dim3A_1219 = vector.broadcast %jit3A_1217 : f32 to vector<128x128xf32>
    %select_n3A_1220 = arith.select %eq3A_1215, %broadcast_in_dim3A_1218, %broadcast_in_dim3A_1219 : vector<128x128xi1>, vector<128x128xf32>
    %min3A_1221 = arith.minimumf %min3A_1211, %select_n3A_1220 : vector<128x128xf32>
    %get3A_1222 = arith.constant 1152 : index
    %get3A_1223 = arith.constant 512 : index
    %get3A_1224 = vector.load %arg1[%get3A_1222, %get3A_1223] : memref<4096x1024xf32, #tpu.memory_space<vmem>>, vector<128x128xf32>
    %eq3A_1225 = arith.cmpf oeq, %get3A_1224, %max3A_1179 : vector<128x128xf32>
    %jit3A_1226 = arith.constant 4.000000e+00 : f32
    %jit3A_1227 = arith.constant 8.000000e+00 : f32
    %broadcast_in_dim3A_1228 = vector.broadcast %jit3A_1226 : f32 to vector<128x128xf32>
    %broadcast_in_dim3A_1229 = vector.broadcast %jit3A_1227 : f32 to vector<128x128xf32>
    %select_n3A_1230 = arith.select %eq3A_1225, %broadcast_in_dim3A_1228, %broadcast_in_dim3A_1229 : vector<128x128xi1>, vector<128x128xf32>
    %min3A_1231 = arith.minimumf %min3A_1221, %select_n3A_1230 : vector<128x128xf32>
    %get3A_1232 = arith.constant 1152 : index
    %get3A_1233 = arith.constant 640 : index
    %get3A_1234 = vector.load %arg1[%get3A_1232, %get3A_1233] : memref<4096x1024xf32, #tpu.memory_space<vmem>>, vector<128x128xf32>
    %eq3A_1235 = arith.cmpf oeq, %get3A_1234, %max3A_1179 : vector<128x128xf32>
    %jit3A_1236 = arith.constant 5.000000e+00 : f32
    %jit3A_1237 = arith.constant 8.000000e+00 : f32
    %broadcast_in_dim3A_1238 = vector.broadcast %jit3A_1236 : f32 to vector<128x128xf32>
    %broadcast_in_dim3A_1239 = vector.broadcast %jit3A_1237 : f32 to vector<128x128xf32>
    %select_n3A_1240 = arith.select %eq3A_1235, %broadcast_in_dim3A_1238, %broadcast_in_dim3A_1239 : vector<128x128xi1>, vector<128x128xf32>
    %min3A_1241 = arith.minimumf %min3A_1231, %select_n3A_1240 : vector<128x128xf32>
    %get3A_1242 = arith.constant 1152 : index
    %get3A_1243 = arith.constant 768 : index
    %get3A_1244 = vector.load %arg1[%get3A_1242, %get3A_1243] : memref<4096x1024xf32, #tpu.memory_space<vmem>>, vector<128x128xf32>
    %eq3A_1245 = arith.cmpf oeq, %get3A_1244, %max3A_1179 : vector<128x128xf32>
    %jit3A_1246 = arith.constant 6.000000e+00 : f32
    %jit3A_1247 = arith.constant 8.000000e+00 : f32
    %broadcast_in_dim3A_1248 = vector.broadcast %jit3A_1246 : f32 to vector<128x128xf32>
    %broadcast_in_dim3A_1249 = vector.broadcast %jit3A_1247 : f32 to vector<128x128xf32>
    %select_n3A_1250 = arith.select %eq3A_1245, %broadcast_in_dim3A_1248, %broadcast_in_dim3A_1249 : vector<128x128xi1>, vector<128x128xf32>
    %min3A_1251 = arith.minimumf %min3A_1241, %select_n3A_1250 : vector<128x128xf32>
    %get3A_1252 = arith.constant 1152 : index
    %get3A_1253 = arith.constant 896 : index
    %get3A_1254 = vector.load %arg1[%get3A_1252, %get3A_1253] : memref<4096x1024xf32, #tpu.memory_space<vmem>>, vector<128x128xf32>
    %eq3A_1255 = arith.cmpf oeq, %get3A_1254, %max3A_1179 : vector<128x128xf32>
    %jit3A_1256 = arith.constant 7.000000e+00 : f32
    %jit3A_1257 = arith.constant 8.000000e+00 : f32
    %broadcast_in_dim3A_1258 = vector.broadcast %jit3A_1256 : f32 to vector<128x128xf32>
    %broadcast_in_dim3A_1259 = vector.broadcast %jit3A_1257 : f32 to vector<128x128xf32>
    %select_n3A_1260 = arith.select %eq3A_1255, %broadcast_in_dim3A_1258, %broadcast_in_dim3A_1259 : vector<128x128xi1>, vector<128x128xf32>
    %min3A_1261 = arith.minimumf %min3A_1251, %select_n3A_1260 : vector<128x128xf32>
    %reduce_max3A_1262 = arith.constant dense<0xFF800000> : vector<128xf32>
    %reduce_max3A_1263 = vector.multi_reduction <maximumf>, %max3A_1179, %reduce_max3A_1262 [1] : vector<128x128xf32> to vector<128xf32>
    %broadcast_in_dim3A_1264 = vector.shape_cast %reduce_max3A_1263 : vector<128xf32> to vector<128x1xf32>
    %eq3A_1265 = vector.broadcast %broadcast_in_dim3A_1264 : vector<128x1xf32> to vector<128x128xf32>
    %eq3A_1266 = arith.cmpf oeq, %max3A_1179, %eq3A_1265 : vector<128x128xf32>
    %mul3A_1267 = arith.constant 1.280000e+02 : f32
    %mul3A_1268 = vector.broadcast %mul3A_1267 : f32 to vector<128x128xf32>
    %mul3A_1269 = arith.mulf %min3A_1261, %mul3A_1268 : vector<128x128xf32>
    %add3A_1270 = arith.addf %mul3A_1269, %convert_element_type3A : vector<128x128xf32>
    %jit3A_1271 = arith.constant 2.048000e+03 : f32
    %broadcast_in_dim3A_1272 = vector.broadcast %jit3A_1271 : f32 to vector<128x128xf32>
    %select_n3A_1273 = arith.select %eq3A_1266, %add3A_1270, %broadcast_in_dim3A_1272 : vector<128x128xi1>, vector<128x128xf32>
    %reduce_min3A_1274 = arith.constant dense<0x7F800000> : vector<128xf32>
    %reduce_min3A_1275 = vector.multi_reduction <minimumf>, %select_n3A_1273, %reduce_min3A_1274 [1] : vector<128x128xf32> to vector<128xf32>
    %broadcast_in_dim3A_1276 = vector.shape_cast %reduce_min3A_1275 : vector<128xf32> to vector<128x1xf32>
    %transpose3A_1277 = tpu.transpose %broadcast_in_dim3A_1276, [1, 0] : vector<128x1xf32> -> vector<1x128xf32>
    %get3A_1278 = arith.constant 1280 : index
    %get3A_1279 = arith.constant 0 : index
    %get3A_1280 = vector.load %arg1[%get3A_1278, %get3A_1279] : memref<4096x1024xf32, #tpu.memory_space<vmem>>, vector<128x128xf32>
    %get3A_1281 = arith.constant 1280 : index
    %get3A_1282 = arith.constant 128 : index
    %get3A_1283 = vector.load %arg1[%get3A_1281, %get3A_1282] : memref<4096x1024xf32, #tpu.memory_space<vmem>>, vector<128x128xf32>
    %max3A_1284 = arith.maximumf %get3A_1280, %get3A_1283 : vector<128x128xf32>
    %get3A_1285 = arith.constant 1280 : index
    %get3A_1286 = arith.constant 256 : index
    %get3A_1287 = vector.load %arg1[%get3A_1285, %get3A_1286] : memref<4096x1024xf32, #tpu.memory_space<vmem>>, vector<128x128xf32>
    %max3A_1288 = arith.maximumf %max3A_1284, %get3A_1287 : vector<128x128xf32>
    %get3A_1289 = arith.constant 1280 : index
    %get3A_1290 = arith.constant 384 : index
    %get3A_1291 = vector.load %arg1[%get3A_1289, %get3A_1290] : memref<4096x1024xf32, #tpu.memory_space<vmem>>, vector<128x128xf32>
    %max3A_1292 = arith.maximumf %max3A_1288, %get3A_1291 : vector<128x128xf32>
    %get3A_1293 = arith.constant 1280 : index
    %get3A_1294 = arith.constant 512 : index
    %get3A_1295 = vector.load %arg1[%get3A_1293, %get3A_1294] : memref<4096x1024xf32, #tpu.memory_space<vmem>>, vector<128x128xf32>
    %max3A_1296 = arith.maximumf %max3A_1292, %get3A_1295 : vector<128x128xf32>
    %get3A_1297 = arith.constant 1280 : index
    %get3A_1298 = arith.constant 640 : index
    %get3A_1299 = vector.load %arg1[%get3A_1297, %get3A_1298] : memref<4096x1024xf32, #tpu.memory_space<vmem>>, vector<128x128xf32>
    %max3A_1300 = arith.maximumf %max3A_1296, %get3A_1299 : vector<128x128xf32>
    %get3A_1301 = arith.constant 1280 : index
    %get3A_1302 = arith.constant 768 : index
    %get3A_1303 = vector.load %arg1[%get3A_1301, %get3A_1302] : memref<4096x1024xf32, #tpu.memory_space<vmem>>, vector<128x128xf32>
    %max3A_1304 = arith.maximumf %max3A_1300, %get3A_1303 : vector<128x128xf32>
    %get3A_1305 = arith.constant 1280 : index
    %get3A_1306 = arith.constant 896 : index
    %get3A_1307 = vector.load %arg1[%get3A_1305, %get3A_1306] : memref<4096x1024xf32, #tpu.memory_space<vmem>>, vector<128x128xf32>
    %max3A_1308 = arith.maximumf %max3A_1304, %get3A_1307 : vector<128x128xf32>
    %broadcast_in_dim3A_1309 = arith.constant 8.000000e+00 : f32
    %broadcast_in_dim3A_1310 = vector.broadcast %broadcast_in_dim3A_1309 : f32 to vector<128x128xf32>
    %get3A_1311 = arith.constant 1280 : index
    %get3A_1312 = arith.constant 0 : index
    %get3A_1313 = vector.load %arg1[%get3A_1311, %get3A_1312] : memref<4096x1024xf32, #tpu.memory_space<vmem>>, vector<128x128xf32>
    %eq3A_1314 = arith.cmpf oeq, %get3A_1313, %max3A_1308 : vector<128x128xf32>
    %jit3A_1315 = arith.constant 0.000000e+00 : f32
    %jit3A_1316 = arith.constant 8.000000e+00 : f32
    %broadcast_in_dim3A_1317 = vector.broadcast %jit3A_1315 : f32 to vector<128x128xf32>
    %broadcast_in_dim3A_1318 = vector.broadcast %jit3A_1316 : f32 to vector<128x128xf32>
    %select_n3A_1319 = arith.select %eq3A_1314, %broadcast_in_dim3A_1317, %broadcast_in_dim3A_1318 : vector<128x128xi1>, vector<128x128xf32>
    %min3A_1320 = arith.minimumf %broadcast_in_dim3A_1310, %select_n3A_1319 : vector<128x128xf32>
    %get3A_1321 = arith.constant 1280 : index
    %get3A_1322 = arith.constant 128 : index
    %get3A_1323 = vector.load %arg1[%get3A_1321, %get3A_1322] : memref<4096x1024xf32, #tpu.memory_space<vmem>>, vector<128x128xf32>
    %eq3A_1324 = arith.cmpf oeq, %get3A_1323, %max3A_1308 : vector<128x128xf32>
    %jit3A_1325 = arith.constant 1.000000e+00 : f32
    %jit3A_1326 = arith.constant 8.000000e+00 : f32
    %broadcast_in_dim3A_1327 = vector.broadcast %jit3A_1325 : f32 to vector<128x128xf32>
    %broadcast_in_dim3A_1328 = vector.broadcast %jit3A_1326 : f32 to vector<128x128xf32>
    %select_n3A_1329 = arith.select %eq3A_1324, %broadcast_in_dim3A_1327, %broadcast_in_dim3A_1328 : vector<128x128xi1>, vector<128x128xf32>
    %min3A_1330 = arith.minimumf %min3A_1320, %select_n3A_1329 : vector<128x128xf32>
    %get3A_1331 = arith.constant 1280 : index
    %get3A_1332 = arith.constant 256 : index
    %get3A_1333 = vector.load %arg1[%get3A_1331, %get3A_1332] : memref<4096x1024xf32, #tpu.memory_space<vmem>>, vector<128x128xf32>
    %eq3A_1334 = arith.cmpf oeq, %get3A_1333, %max3A_1308 : vector<128x128xf32>
    %jit3A_1335 = arith.constant 2.000000e+00 : f32
    %jit3A_1336 = arith.constant 8.000000e+00 : f32
    %broadcast_in_dim3A_1337 = vector.broadcast %jit3A_1335 : f32 to vector<128x128xf32>
    %broadcast_in_dim3A_1338 = vector.broadcast %jit3A_1336 : f32 to vector<128x128xf32>
    %select_n3A_1339 = arith.select %eq3A_1334, %broadcast_in_dim3A_1337, %broadcast_in_dim3A_1338 : vector<128x128xi1>, vector<128x128xf32>
    %min3A_1340 = arith.minimumf %min3A_1330, %select_n3A_1339 : vector<128x128xf32>
    %get3A_1341 = arith.constant 1280 : index
    %get3A_1342 = arith.constant 384 : index
    %get3A_1343 = vector.load %arg1[%get3A_1341, %get3A_1342] : memref<4096x1024xf32, #tpu.memory_space<vmem>>, vector<128x128xf32>
    %eq3A_1344 = arith.cmpf oeq, %get3A_1343, %max3A_1308 : vector<128x128xf32>
    %jit3A_1345 = arith.constant 3.000000e+00 : f32
    %jit3A_1346 = arith.constant 8.000000e+00 : f32
    %broadcast_in_dim3A_1347 = vector.broadcast %jit3A_1345 : f32 to vector<128x128xf32>
    %broadcast_in_dim3A_1348 = vector.broadcast %jit3A_1346 : f32 to vector<128x128xf32>
    %select_n3A_1349 = arith.select %eq3A_1344, %broadcast_in_dim3A_1347, %broadcast_in_dim3A_1348 : vector<128x128xi1>, vector<128x128xf32>
    %min3A_1350 = arith.minimumf %min3A_1340, %select_n3A_1349 : vector<128x128xf32>
    %get3A_1351 = arith.constant 1280 : index
    %get3A_1352 = arith.constant 512 : index
    %get3A_1353 = vector.load %arg1[%get3A_1351, %get3A_1352] : memref<4096x1024xf32, #tpu.memory_space<vmem>>, vector<128x128xf32>
    %eq3A_1354 = arith.cmpf oeq, %get3A_1353, %max3A_1308 : vector<128x128xf32>
    %jit3A_1355 = arith.constant 4.000000e+00 : f32
    %jit3A_1356 = arith.constant 8.000000e+00 : f32
    %broadcast_in_dim3A_1357 = vector.broadcast %jit3A_1355 : f32 to vector<128x128xf32>
    %broadcast_in_dim3A_1358 = vector.broadcast %jit3A_1356 : f32 to vector<128x128xf32>
    %select_n3A_1359 = arith.select %eq3A_1354, %broadcast_in_dim3A_1357, %broadcast_in_dim3A_1358 : vector<128x128xi1>, vector<128x128xf32>
    %min3A_1360 = arith.minimumf %min3A_1350, %select_n3A_1359 : vector<128x128xf32>
    %get3A_1361 = arith.constant 1280 : index
    %get3A_1362 = arith.constant 640 : index
    %get3A_1363 = vector.load %arg1[%get3A_1361, %get3A_1362] : memref<4096x1024xf32, #tpu.memory_space<vmem>>, vector<128x128xf32>
    %eq3A_1364 = arith.cmpf oeq, %get3A_1363, %max3A_1308 : vector<128x128xf32>
    %jit3A_1365 = arith.constant 5.000000e+00 : f32
    %jit3A_1366 = arith.constant 8.000000e+00 : f32
    %broadcast_in_dim3A_1367 = vector.broadcast %jit3A_1365 : f32 to vector<128x128xf32>
    %broadcast_in_dim3A_1368 = vector.broadcast %jit3A_1366 : f32 to vector<128x128xf32>
    %select_n3A_1369 = arith.select %eq3A_1364, %broadcast_in_dim3A_1367, %broadcast_in_dim3A_1368 : vector<128x128xi1>, vector<128x128xf32>
    %min3A_1370 = arith.minimumf %min3A_1360, %select_n3A_1369 : vector<128x128xf32>
    %get3A_1371 = arith.constant 1280 : index
    %get3A_1372 = arith.constant 768 : index
    %get3A_1373 = vector.load %arg1[%get3A_1371, %get3A_1372] : memref<4096x1024xf32, #tpu.memory_space<vmem>>, vector<128x128xf32>
    %eq3A_1374 = arith.cmpf oeq, %get3A_1373, %max3A_1308 : vector<128x128xf32>
    %jit3A_1375 = arith.constant 6.000000e+00 : f32
    %jit3A_1376 = arith.constant 8.000000e+00 : f32
    %broadcast_in_dim3A_1377 = vector.broadcast %jit3A_1375 : f32 to vector<128x128xf32>
    %broadcast_in_dim3A_1378 = vector.broadcast %jit3A_1376 : f32 to vector<128x128xf32>
    %select_n3A_1379 = arith.select %eq3A_1374, %broadcast_in_dim3A_1377, %broadcast_in_dim3A_1378 : vector<128x128xi1>, vector<128x128xf32>
    %min3A_1380 = arith.minimumf %min3A_1370, %select_n3A_1379 : vector<128x128xf32>
    %get3A_1381 = arith.constant 1280 : index
    %get3A_1382 = arith.constant 896 : index
    %get3A_1383 = vector.load %arg1[%get3A_1381, %get3A_1382] : memref<4096x1024xf32, #tpu.memory_space<vmem>>, vector<128x128xf32>
    %eq3A_1384 = arith.cmpf oeq, %get3A_1383, %max3A_1308 : vector<128x128xf32>
    %jit3A_1385 = arith.constant 7.000000e+00 : f32
    %jit3A_1386 = arith.constant 8.000000e+00 : f32
    %broadcast_in_dim3A_1387 = vector.broadcast %jit3A_1385 : f32 to vector<128x128xf32>
    %broadcast_in_dim3A_1388 = vector.broadcast %jit3A_1386 : f32 to vector<128x128xf32>
    %select_n3A_1389 = arith.select %eq3A_1384, %broadcast_in_dim3A_1387, %broadcast_in_dim3A_1388 : vector<128x128xi1>, vector<128x128xf32>
    %min3A_1390 = arith.minimumf %min3A_1380, %select_n3A_1389 : vector<128x128xf32>
    %reduce_max3A_1391 = arith.constant dense<0xFF800000> : vector<128xf32>
    %reduce_max3A_1392 = vector.multi_reduction <maximumf>, %max3A_1308, %reduce_max3A_1391 [1] : vector<128x128xf32> to vector<128xf32>
    %broadcast_in_dim3A_1393 = vector.shape_cast %reduce_max3A_1392 : vector<128xf32> to vector<128x1xf32>
    %eq3A_1394 = vector.broadcast %broadcast_in_dim3A_1393 : vector<128x1xf32> to vector<128x128xf32>
    %eq3A_1395 = arith.cmpf oeq, %max3A_1308, %eq3A_1394 : vector<128x128xf32>
    %mul3A_1396 = arith.constant 1.280000e+02 : f32
    %mul3A_1397 = vector.broadcast %mul3A_1396 : f32 to vector<128x128xf32>
    %mul3A_1398 = arith.mulf %min3A_1390, %mul3A_1397 : vector<128x128xf32>
    %add3A_1399 = arith.addf %mul3A_1398, %convert_element_type3A : vector<128x128xf32>
    %jit3A_1400 = arith.constant 2.048000e+03 : f32
    %broadcast_in_dim3A_1401 = vector.broadcast %jit3A_1400 : f32 to vector<128x128xf32>
    %select_n3A_1402 = arith.select %eq3A_1395, %add3A_1399, %broadcast_in_dim3A_1401 : vector<128x128xi1>, vector<128x128xf32>
    %reduce_min3A_1403 = arith.constant dense<0x7F800000> : vector<128xf32>
    %reduce_min3A_1404 = vector.multi_reduction <minimumf>, %select_n3A_1402, %reduce_min3A_1403 [1] : vector<128x128xf32> to vector<128xf32>
    %broadcast_in_dim3A_1405 = vector.shape_cast %reduce_min3A_1404 : vector<128xf32> to vector<128x1xf32>
    %transpose3A_1406 = tpu.transpose %broadcast_in_dim3A_1405, [1, 0] : vector<128x1xf32> -> vector<1x128xf32>
    %get3A_1407 = arith.constant 1408 : index
    %get3A_1408 = arith.constant 0 : index
    %get3A_1409 = vector.load %arg1[%get3A_1407, %get3A_1408] : memref<4096x1024xf32, #tpu.memory_space<vmem>>, vector<128x128xf32>
    %get3A_1410 = arith.constant 1408 : index
    %get3A_1411 = arith.constant 128 : index
    %get3A_1412 = vector.load %arg1[%get3A_1410, %get3A_1411] : memref<4096x1024xf32, #tpu.memory_space<vmem>>, vector<128x128xf32>
    %max3A_1413 = arith.maximumf %get3A_1409, %get3A_1412 : vector<128x128xf32>
    %get3A_1414 = arith.constant 1408 : index
    %get3A_1415 = arith.constant 256 : index
    %get3A_1416 = vector.load %arg1[%get3A_1414, %get3A_1415] : memref<4096x1024xf32, #tpu.memory_space<vmem>>, vector<128x128xf32>
    %max3A_1417 = arith.maximumf %max3A_1413, %get3A_1416 : vector<128x128xf32>
    %get3A_1418 = arith.constant 1408 : index
    %get3A_1419 = arith.constant 384 : index
    %get3A_1420 = vector.load %arg1[%get3A_1418, %get3A_1419] : memref<4096x1024xf32, #tpu.memory_space<vmem>>, vector<128x128xf32>
    %max3A_1421 = arith.maximumf %max3A_1417, %get3A_1420 : vector<128x128xf32>
    %get3A_1422 = arith.constant 1408 : index
    %get3A_1423 = arith.constant 512 : index
    %get3A_1424 = vector.load %arg1[%get3A_1422, %get3A_1423] : memref<4096x1024xf32, #tpu.memory_space<vmem>>, vector<128x128xf32>
    %max3A_1425 = arith.maximumf %max3A_1421, %get3A_1424 : vector<128x128xf32>
    %get3A_1426 = arith.constant 1408 : index
    %get3A_1427 = arith.constant 640 : index
    %get3A_1428 = vector.load %arg1[%get3A_1426, %get3A_1427] : memref<4096x1024xf32, #tpu.memory_space<vmem>>, vector<128x128xf32>
    %max3A_1429 = arith.maximumf %max3A_1425, %get3A_1428 : vector<128x128xf32>
    %get3A_1430 = arith.constant 1408 : index
    %get3A_1431 = arith.constant 768 : index
    %get3A_1432 = vector.load %arg1[%get3A_1430, %get3A_1431] : memref<4096x1024xf32, #tpu.memory_space<vmem>>, vector<128x128xf32>
    %max3A_1433 = arith.maximumf %max3A_1429, %get3A_1432 : vector<128x128xf32>
    %get3A_1434 = arith.constant 1408 : index
    %get3A_1435 = arith.constant 896 : index
    %get3A_1436 = vector.load %arg1[%get3A_1434, %get3A_1435] : memref<4096x1024xf32, #tpu.memory_space<vmem>>, vector<128x128xf32>
    %max3A_1437 = arith.maximumf %max3A_1433, %get3A_1436 : vector<128x128xf32>
    %broadcast_in_dim3A_1438 = arith.constant 8.000000e+00 : f32
    %broadcast_in_dim3A_1439 = vector.broadcast %broadcast_in_dim3A_1438 : f32 to vector<128x128xf32>
    %get3A_1440 = arith.constant 1408 : index
    %get3A_1441 = arith.constant 0 : index
    %get3A_1442 = vector.load %arg1[%get3A_1440, %get3A_1441] : memref<4096x1024xf32, #tpu.memory_space<vmem>>, vector<128x128xf32>
    %eq3A_1443 = arith.cmpf oeq, %get3A_1442, %max3A_1437 : vector<128x128xf32>
    %jit3A_1444 = arith.constant 0.000000e+00 : f32
    %jit3A_1445 = arith.constant 8.000000e+00 : f32
    %broadcast_in_dim3A_1446 = vector.broadcast %jit3A_1444 : f32 to vector<128x128xf32>
    %broadcast_in_dim3A_1447 = vector.broadcast %jit3A_1445 : f32 to vector<128x128xf32>
    %select_n3A_1448 = arith.select %eq3A_1443, %broadcast_in_dim3A_1446, %broadcast_in_dim3A_1447 : vector<128x128xi1>, vector<128x128xf32>
    %min3A_1449 = arith.minimumf %broadcast_in_dim3A_1439, %select_n3A_1448 : vector<128x128xf32>
    %get3A_1450 = arith.constant 1408 : index
    %get3A_1451 = arith.constant 128 : index
    %get3A_1452 = vector.load %arg1[%get3A_1450, %get3A_1451] : memref<4096x1024xf32, #tpu.memory_space<vmem>>, vector<128x128xf32>
    %eq3A_1453 = arith.cmpf oeq, %get3A_1452, %max3A_1437 : vector<128x128xf32>
    %jit3A_1454 = arith.constant 1.000000e+00 : f32
    %jit3A_1455 = arith.constant 8.000000e+00 : f32
    %broadcast_in_dim3A_1456 = vector.broadcast %jit3A_1454 : f32 to vector<128x128xf32>
    %broadcast_in_dim3A_1457 = vector.broadcast %jit3A_1455 : f32 to vector<128x128xf32>
    %select_n3A_1458 = arith.select %eq3A_1453, %broadcast_in_dim3A_1456, %broadcast_in_dim3A_1457 : vector<128x128xi1>, vector<128x128xf32>
    %min3A_1459 = arith.minimumf %min3A_1449, %select_n3A_1458 : vector<128x128xf32>
    %get3A_1460 = arith.constant 1408 : index
    %get3A_1461 = arith.constant 256 : index
    %get3A_1462 = vector.load %arg1[%get3A_1460, %get3A_1461] : memref<4096x1024xf32, #tpu.memory_space<vmem>>, vector<128x128xf32>
    %eq3A_1463 = arith.cmpf oeq, %get3A_1462, %max3A_1437 : vector<128x128xf32>
    %jit3A_1464 = arith.constant 2.000000e+00 : f32
    %jit3A_1465 = arith.constant 8.000000e+00 : f32
    %broadcast_in_dim3A_1466 = vector.broadcast %jit3A_1464 : f32 to vector<128x128xf32>
    %broadcast_in_dim3A_1467 = vector.broadcast %jit3A_1465 : f32 to vector<128x128xf32>
    %select_n3A_1468 = arith.select %eq3A_1463, %broadcast_in_dim3A_1466, %broadcast_in_dim3A_1467 : vector<128x128xi1>, vector<128x128xf32>
    %min3A_1469 = arith.minimumf %min3A_1459, %select_n3A_1468 : vector<128x128xf32>
    %get3A_1470 = arith.constant 1408 : index
    %get3A_1471 = arith.constant 384 : index
    %get3A_1472 = vector.load %arg1[%get3A_1470, %get3A_1471] : memref<4096x1024xf32, #tpu.memory_space<vmem>>, vector<128x128xf32>
    %eq3A_1473 = arith.cmpf oeq, %get3A_1472, %max3A_1437 : vector<128x128xf32>
    %jit3A_1474 = arith.constant 3.000000e+00 : f32
    %jit3A_1475 = arith.constant 8.000000e+00 : f32
    %broadcast_in_dim3A_1476 = vector.broadcast %jit3A_1474 : f32 to vector<128x128xf32>
    %broadcast_in_dim3A_1477 = vector.broadcast %jit3A_1475 : f32 to vector<128x128xf32>
    %select_n3A_1478 = arith.select %eq3A_1473, %broadcast_in_dim3A_1476, %broadcast_in_dim3A_1477 : vector<128x128xi1>, vector<128x128xf32>
    %min3A_1479 = arith.minimumf %min3A_1469, %select_n3A_1478 : vector<128x128xf32>
    %get3A_1480 = arith.constant 1408 : index
    %get3A_1481 = arith.constant 512 : index
    %get3A_1482 = vector.load %arg1[%get3A_1480, %get3A_1481] : memref<4096x1024xf32, #tpu.memory_space<vmem>>, vector<128x128xf32>
    %eq3A_1483 = arith.cmpf oeq, %get3A_1482, %max3A_1437 : vector<128x128xf32>
    %jit3A_1484 = arith.constant 4.000000e+00 : f32
    %jit3A_1485 = arith.constant 8.000000e+00 : f32
    %broadcast_in_dim3A_1486 = vector.broadcast %jit3A_1484 : f32 to vector<128x128xf32>
    %broadcast_in_dim3A_1487 = vector.broadcast %jit3A_1485 : f32 to vector<128x128xf32>
    %select_n3A_1488 = arith.select %eq3A_1483, %broadcast_in_dim3A_1486, %broadcast_in_dim3A_1487 : vector<128x128xi1>, vector<128x128xf32>
    %min3A_1489 = arith.minimumf %min3A_1479, %select_n3A_1488 : vector<128x128xf32>
    %get3A_1490 = arith.constant 1408 : index
    %get3A_1491 = arith.constant 640 : index
    %get3A_1492 = vector.load %arg1[%get3A_1490, %get3A_1491] : memref<4096x1024xf32, #tpu.memory_space<vmem>>, vector<128x128xf32>
    %eq3A_1493 = arith.cmpf oeq, %get3A_1492, %max3A_1437 : vector<128x128xf32>
    %jit3A_1494 = arith.constant 5.000000e+00 : f32
    %jit3A_1495 = arith.constant 8.000000e+00 : f32
    %broadcast_in_dim3A_1496 = vector.broadcast %jit3A_1494 : f32 to vector<128x128xf32>
    %broadcast_in_dim3A_1497 = vector.broadcast %jit3A_1495 : f32 to vector<128x128xf32>
    %select_n3A_1498 = arith.select %eq3A_1493, %broadcast_in_dim3A_1496, %broadcast_in_dim3A_1497 : vector<128x128xi1>, vector<128x128xf32>
    %min3A_1499 = arith.minimumf %min3A_1489, %select_n3A_1498 : vector<128x128xf32>
    %get3A_1500 = arith.constant 1408 : index
    %get3A_1501 = arith.constant 768 : index
    %get3A_1502 = vector.load %arg1[%get3A_1500, %get3A_1501] : memref<4096x1024xf32, #tpu.memory_space<vmem>>, vector<128x128xf32>
    %eq3A_1503 = arith.cmpf oeq, %get3A_1502, %max3A_1437 : vector<128x128xf32>
    %jit3A_1504 = arith.constant 6.000000e+00 : f32
    %jit3A_1505 = arith.constant 8.000000e+00 : f32
    %broadcast_in_dim3A_1506 = vector.broadcast %jit3A_1504 : f32 to vector<128x128xf32>
    %broadcast_in_dim3A_1507 = vector.broadcast %jit3A_1505 : f32 to vector<128x128xf32>
    %select_n3A_1508 = arith.select %eq3A_1503, %broadcast_in_dim3A_1506, %broadcast_in_dim3A_1507 : vector<128x128xi1>, vector<128x128xf32>
    %min3A_1509 = arith.minimumf %min3A_1499, %select_n3A_1508 : vector<128x128xf32>
    %get3A_1510 = arith.constant 1408 : index
    %get3A_1511 = arith.constant 896 : index
    %get3A_1512 = vector.load %arg1[%get3A_1510, %get3A_1511] : memref<4096x1024xf32, #tpu.memory_space<vmem>>, vector<128x128xf32>
    %eq3A_1513 = arith.cmpf oeq, %get3A_1512, %max3A_1437 : vector<128x128xf32>
    %jit3A_1514 = arith.constant 7.000000e+00 : f32
    %jit3A_1515 = arith.constant 8.000000e+00 : f32
    %broadcast_in_dim3A_1516 = vector.broadcast %jit3A_1514 : f32 to vector<128x128xf32>
    %broadcast_in_dim3A_1517 = vector.broadcast %jit3A_1515 : f32 to vector<128x128xf32>
    %select_n3A_1518 = arith.select %eq3A_1513, %broadcast_in_dim3A_1516, %broadcast_in_dim3A_1517 : vector<128x128xi1>, vector<128x128xf32>
    %min3A_1519 = arith.minimumf %min3A_1509, %select_n3A_1518 : vector<128x128xf32>
    %reduce_max3A_1520 = arith.constant dense<0xFF800000> : vector<128xf32>
    %reduce_max3A_1521 = vector.multi_reduction <maximumf>, %max3A_1437, %reduce_max3A_1520 [1] : vector<128x128xf32> to vector<128xf32>
    %broadcast_in_dim3A_1522 = vector.shape_cast %reduce_max3A_1521 : vector<128xf32> to vector<128x1xf32>
    %eq3A_1523 = vector.broadcast %broadcast_in_dim3A_1522 : vector<128x1xf32> to vector<128x128xf32>
    %eq3A_1524 = arith.cmpf oeq, %max3A_1437, %eq3A_1523 : vector<128x128xf32>
    %mul3A_1525 = arith.constant 1.280000e+02 : f32
    %mul3A_1526 = vector.broadcast %mul3A_1525 : f32 to vector<128x128xf32>
    %mul3A_1527 = arith.mulf %min3A_1519, %mul3A_1526 : vector<128x128xf32>
    %add3A_1528 = arith.addf %mul3A_1527, %convert_element_type3A : vector<128x128xf32>
    %jit3A_1529 = arith.constant 2.048000e+03 : f32
    %broadcast_in_dim3A_1530 = vector.broadcast %jit3A_1529 : f32 to vector<128x128xf32>
    %select_n3A_1531 = arith.select %eq3A_1524, %add3A_1528, %broadcast_in_dim3A_1530 : vector<128x128xi1>, vector<128x128xf32>
    %reduce_min3A_1532 = arith.constant dense<0x7F800000> : vector<128xf32>
    %reduce_min3A_1533 = vector.multi_reduction <minimumf>, %select_n3A_1531, %reduce_min3A_1532 [1] : vector<128x128xf32> to vector<128xf32>
    %broadcast_in_dim3A_1534 = vector.shape_cast %reduce_min3A_1533 : vector<128xf32> to vector<128x1xf32>
    %transpose3A_1535 = tpu.transpose %broadcast_in_dim3A_1534, [1, 0] : vector<128x1xf32> -> vector<1x128xf32>
    %get3A_1536 = arith.constant 1536 : index
    %get3A_1537 = arith.constant 0 : index
    %get3A_1538 = vector.load %arg1[%get3A_1536, %get3A_1537] : memref<4096x1024xf32, #tpu.memory_space<vmem>>, vector<128x128xf32>
    %get3A_1539 = arith.constant 1536 : index
    %get3A_1540 = arith.constant 128 : index
    %get3A_1541 = vector.load %arg1[%get3A_1539, %get3A_1540] : memref<4096x1024xf32, #tpu.memory_space<vmem>>, vector<128x128xf32>
    %max3A_1542 = arith.maximumf %get3A_1538, %get3A_1541 : vector<128x128xf32>
    %get3A_1543 = arith.constant 1536 : index
    %get3A_1544 = arith.constant 256 : index
    %get3A_1545 = vector.load %arg1[%get3A_1543, %get3A_1544] : memref<4096x1024xf32, #tpu.memory_space<vmem>>, vector<128x128xf32>
    %max3A_1546 = arith.maximumf %max3A_1542, %get3A_1545 : vector<128x128xf32>
    %get3A_1547 = arith.constant 1536 : index
    %get3A_1548 = arith.constant 384 : index
    %get3A_1549 = vector.load %arg1[%get3A_1547, %get3A_1548] : memref<4096x1024xf32, #tpu.memory_space<vmem>>, vector<128x128xf32>
    %max3A_1550 = arith.maximumf %max3A_1546, %get3A_1549 : vector<128x128xf32>
    %get3A_1551 = arith.constant 1536 : index
    %get3A_1552 = arith.constant 512 : index
    %get3A_1553 = vector.load %arg1[%get3A_1551, %get3A_1552] : memref<4096x1024xf32, #tpu.memory_space<vmem>>, vector<128x128xf32>
    %max3A_1554 = arith.maximumf %max3A_1550, %get3A_1553 : vector<128x128xf32>
    %get3A_1555 = arith.constant 1536 : index
    %get3A_1556 = arith.constant 640 : index
    %get3A_1557 = vector.load %arg1[%get3A_1555, %get3A_1556] : memref<4096x1024xf32, #tpu.memory_space<vmem>>, vector<128x128xf32>
    %max3A_1558 = arith.maximumf %max3A_1554, %get3A_1557 : vector<128x128xf32>
    %get3A_1559 = arith.constant 1536 : index
    %get3A_1560 = arith.constant 768 : index
    %get3A_1561 = vector.load %arg1[%get3A_1559, %get3A_1560] : memref<4096x1024xf32, #tpu.memory_space<vmem>>, vector<128x128xf32>
    %max3A_1562 = arith.maximumf %max3A_1558, %get3A_1561 : vector<128x128xf32>
    %get3A_1563 = arith.constant 1536 : index
    %get3A_1564 = arith.constant 896 : index
    %get3A_1565 = vector.load %arg1[%get3A_1563, %get3A_1564] : memref<4096x1024xf32, #tpu.memory_space<vmem>>, vector<128x128xf32>
    %max3A_1566 = arith.maximumf %max3A_1562, %get3A_1565 : vector<128x128xf32>
    %broadcast_in_dim3A_1567 = arith.constant 8.000000e+00 : f32
    %broadcast_in_dim3A_1568 = vector.broadcast %broadcast_in_dim3A_1567 : f32 to vector<128x128xf32>
    %get3A_1569 = arith.constant 1536 : index
    %get3A_1570 = arith.constant 0 : index
    %get3A_1571 = vector.load %arg1[%get3A_1569, %get3A_1570] : memref<4096x1024xf32, #tpu.memory_space<vmem>>, vector<128x128xf32>
    %eq3A_1572 = arith.cmpf oeq, %get3A_1571, %max3A_1566 : vector<128x128xf32>
    %jit3A_1573 = arith.constant 0.000000e+00 : f32
    %jit3A_1574 = arith.constant 8.000000e+00 : f32
    %broadcast_in_dim3A_1575 = vector.broadcast %jit3A_1573 : f32 to vector<128x128xf32>
    %broadcast_in_dim3A_1576 = vector.broadcast %jit3A_1574 : f32 to vector<128x128xf32>
    %select_n3A_1577 = arith.select %eq3A_1572, %broadcast_in_dim3A_1575, %broadcast_in_dim3A_1576 : vector<128x128xi1>, vector<128x128xf32>
    %min3A_1578 = arith.minimumf %broadcast_in_dim3A_1568, %select_n3A_1577 : vector<128x128xf32>
    %get3A_1579 = arith.constant 1536 : index
    %get3A_1580 = arith.constant 128 : index
    %get3A_1581 = vector.load %arg1[%get3A_1579, %get3A_1580] : memref<4096x1024xf32, #tpu.memory_space<vmem>>, vector<128x128xf32>
    %eq3A_1582 = arith.cmpf oeq, %get3A_1581, %max3A_1566 : vector<128x128xf32>
    %jit3A_1583 = arith.constant 1.000000e+00 : f32
    %jit3A_1584 = arith.constant 8.000000e+00 : f32
    %broadcast_in_dim3A_1585 = vector.broadcast %jit3A_1583 : f32 to vector<128x128xf32>
    %broadcast_in_dim3A_1586 = vector.broadcast %jit3A_1584 : f32 to vector<128x128xf32>
    %select_n3A_1587 = arith.select %eq3A_1582, %broadcast_in_dim3A_1585, %broadcast_in_dim3A_1586 : vector<128x128xi1>, vector<128x128xf32>
    %min3A_1588 = arith.minimumf %min3A_1578, %select_n3A_1587 : vector<128x128xf32>
    %get3A_1589 = arith.constant 1536 : index
    %get3A_1590 = arith.constant 256 : index
    %get3A_1591 = vector.load %arg1[%get3A_1589, %get3A_1590] : memref<4096x1024xf32, #tpu.memory_space<vmem>>, vector<128x128xf32>
    %eq3A_1592 = arith.cmpf oeq, %get3A_1591, %max3A_1566 : vector<128x128xf32>
    %jit3A_1593 = arith.constant 2.000000e+00 : f32
    %jit3A_1594 = arith.constant 8.000000e+00 : f32
    %broadcast_in_dim3A_1595 = vector.broadcast %jit3A_1593 : f32 to vector<128x128xf32>
    %broadcast_in_dim3A_1596 = vector.broadcast %jit3A_1594 : f32 to vector<128x128xf32>
    %select_n3A_1597 = arith.select %eq3A_1592, %broadcast_in_dim3A_1595, %broadcast_in_dim3A_1596 : vector<128x128xi1>, vector<128x128xf32>
    %min3A_1598 = arith.minimumf %min3A_1588, %select_n3A_1597 : vector<128x128xf32>
    %get3A_1599 = arith.constant 1536 : index
    %get3A_1600 = arith.constant 384 : index
    %get3A_1601 = vector.load %arg1[%get3A_1599, %get3A_1600] : memref<4096x1024xf32, #tpu.memory_space<vmem>>, vector<128x128xf32>
    %eq3A_1602 = arith.cmpf oeq, %get3A_1601, %max3A_1566 : vector<128x128xf32>
    %jit3A_1603 = arith.constant 3.000000e+00 : f32
    %jit3A_1604 = arith.constant 8.000000e+00 : f32
    %broadcast_in_dim3A_1605 = vector.broadcast %jit3A_1603 : f32 to vector<128x128xf32>
    %broadcast_in_dim3A_1606 = vector.broadcast %jit3A_1604 : f32 to vector<128x128xf32>
    %select_n3A_1607 = arith.select %eq3A_1602, %broadcast_in_dim3A_1605, %broadcast_in_dim3A_1606 : vector<128x128xi1>, vector<128x128xf32>
    %min3A_1608 = arith.minimumf %min3A_1598, %select_n3A_1607 : vector<128x128xf32>
    %get3A_1609 = arith.constant 1536 : index
    %get3A_1610 = arith.constant 512 : index
    %get3A_1611 = vector.load %arg1[%get3A_1609, %get3A_1610] : memref<4096x1024xf32, #tpu.memory_space<vmem>>, vector<128x128xf32>
    %eq3A_1612 = arith.cmpf oeq, %get3A_1611, %max3A_1566 : vector<128x128xf32>
    %jit3A_1613 = arith.constant 4.000000e+00 : f32
    %jit3A_1614 = arith.constant 8.000000e+00 : f32
    %broadcast_in_dim3A_1615 = vector.broadcast %jit3A_1613 : f32 to vector<128x128xf32>
    %broadcast_in_dim3A_1616 = vector.broadcast %jit3A_1614 : f32 to vector<128x128xf32>
    %select_n3A_1617 = arith.select %eq3A_1612, %broadcast_in_dim3A_1615, %broadcast_in_dim3A_1616 : vector<128x128xi1>, vector<128x128xf32>
    %min3A_1618 = arith.minimumf %min3A_1608, %select_n3A_1617 : vector<128x128xf32>
    %get3A_1619 = arith.constant 1536 : index
    %get3A_1620 = arith.constant 640 : index
    %get3A_1621 = vector.load %arg1[%get3A_1619, %get3A_1620] : memref<4096x1024xf32, #tpu.memory_space<vmem>>, vector<128x128xf32>
    %eq3A_1622 = arith.cmpf oeq, %get3A_1621, %max3A_1566 : vector<128x128xf32>
    %jit3A_1623 = arith.constant 5.000000e+00 : f32
    %jit3A_1624 = arith.constant 8.000000e+00 : f32
    %broadcast_in_dim3A_1625 = vector.broadcast %jit3A_1623 : f32 to vector<128x128xf32>
    %broadcast_in_dim3A_1626 = vector.broadcast %jit3A_1624 : f32 to vector<128x128xf32>
    %select_n3A_1627 = arith.select %eq3A_1622, %broadcast_in_dim3A_1625, %broadcast_in_dim3A_1626 : vector<128x128xi1>, vector<128x128xf32>
    %min3A_1628 = arith.minimumf %min3A_1618, %select_n3A_1627 : vector<128x128xf32>
    %get3A_1629 = arith.constant 1536 : index
    %get3A_1630 = arith.constant 768 : index
    %get3A_1631 = vector.load %arg1[%get3A_1629, %get3A_1630] : memref<4096x1024xf32, #tpu.memory_space<vmem>>, vector<128x128xf32>
    %eq3A_1632 = arith.cmpf oeq, %get3A_1631, %max3A_1566 : vector<128x128xf32>
    %jit3A_1633 = arith.constant 6.000000e+00 : f32
    %jit3A_1634 = arith.constant 8.000000e+00 : f32
    %broadcast_in_dim3A_1635 = vector.broadcast %jit3A_1633 : f32 to vector<128x128xf32>
    %broadcast_in_dim3A_1636 = vector.broadcast %jit3A_1634 : f32 to vector<128x128xf32>
    %select_n3A_1637 = arith.select %eq3A_1632, %broadcast_in_dim3A_1635, %broadcast_in_dim3A_1636 : vector<128x128xi1>, vector<128x128xf32>
    %min3A_1638 = arith.minimumf %min3A_1628, %select_n3A_1637 : vector<128x128xf32>
    %get3A_1639 = arith.constant 1536 : index
    %get3A_1640 = arith.constant 896 : index
    %get3A_1641 = vector.load %arg1[%get3A_1639, %get3A_1640] : memref<4096x1024xf32, #tpu.memory_space<vmem>>, vector<128x128xf32>
    %eq3A_1642 = arith.cmpf oeq, %get3A_1641, %max3A_1566 : vector<128x128xf32>
    %jit3A_1643 = arith.constant 7.000000e+00 : f32
    %jit3A_1644 = arith.constant 8.000000e+00 : f32
    %broadcast_in_dim3A_1645 = vector.broadcast %jit3A_1643 : f32 to vector<128x128xf32>
    %broadcast_in_dim3A_1646 = vector.broadcast %jit3A_1644 : f32 to vector<128x128xf32>
    %select_n3A_1647 = arith.select %eq3A_1642, %broadcast_in_dim3A_1645, %broadcast_in_dim3A_1646 : vector<128x128xi1>, vector<128x128xf32>
    %min3A_1648 = arith.minimumf %min3A_1638, %select_n3A_1647 : vector<128x128xf32>
    %reduce_max3A_1649 = arith.constant dense<0xFF800000> : vector<128xf32>
    %reduce_max3A_1650 = vector.multi_reduction <maximumf>, %max3A_1566, %reduce_max3A_1649 [1] : vector<128x128xf32> to vector<128xf32>
    %broadcast_in_dim3A_1651 = vector.shape_cast %reduce_max3A_1650 : vector<128xf32> to vector<128x1xf32>
    %eq3A_1652 = vector.broadcast %broadcast_in_dim3A_1651 : vector<128x1xf32> to vector<128x128xf32>
    %eq3A_1653 = arith.cmpf oeq, %max3A_1566, %eq3A_1652 : vector<128x128xf32>
    %mul3A_1654 = arith.constant 1.280000e+02 : f32
    %mul3A_1655 = vector.broadcast %mul3A_1654 : f32 to vector<128x128xf32>
    %mul3A_1656 = arith.mulf %min3A_1648, %mul3A_1655 : vector<128x128xf32>
    %add3A_1657 = arith.addf %mul3A_1656, %convert_element_type3A : vector<128x128xf32>
    %jit3A_1658 = arith.constant 2.048000e+03 : f32
    %broadcast_in_dim3A_1659 = vector.broadcast %jit3A_1658 : f32 to vector<128x128xf32>
    %select_n3A_1660 = arith.select %eq3A_1653, %add3A_1657, %broadcast_in_dim3A_1659 : vector<128x128xi1>, vector<128x128xf32>
    %reduce_min3A_1661 = arith.constant dense<0x7F800000> : vector<128xf32>
    %reduce_min3A_1662 = vector.multi_reduction <minimumf>, %select_n3A_1660, %reduce_min3A_1661 [1] : vector<128x128xf32> to vector<128xf32>
    %broadcast_in_dim3A_1663 = vector.shape_cast %reduce_min3A_1662 : vector<128xf32> to vector<128x1xf32>
    %transpose3A_1664 = tpu.transpose %broadcast_in_dim3A_1663, [1, 0] : vector<128x1xf32> -> vector<1x128xf32>
    %get3A_1665 = arith.constant 1664 : index
    %get3A_1666 = arith.constant 0 : index
    %get3A_1667 = vector.load %arg1[%get3A_1665, %get3A_1666] : memref<4096x1024xf32, #tpu.memory_space<vmem>>, vector<128x128xf32>
    %get3A_1668 = arith.constant 1664 : index
    %get3A_1669 = arith.constant 128 : index
    %get3A_1670 = vector.load %arg1[%get3A_1668, %get3A_1669] : memref<4096x1024xf32, #tpu.memory_space<vmem>>, vector<128x128xf32>
    %max3A_1671 = arith.maximumf %get3A_1667, %get3A_1670 : vector<128x128xf32>
    %get3A_1672 = arith.constant 1664 : index
    %get3A_1673 = arith.constant 256 : index
    %get3A_1674 = vector.load %arg1[%get3A_1672, %get3A_1673] : memref<4096x1024xf32, #tpu.memory_space<vmem>>, vector<128x128xf32>
    %max3A_1675 = arith.maximumf %max3A_1671, %get3A_1674 : vector<128x128xf32>
    %get3A_1676 = arith.constant 1664 : index
    %get3A_1677 = arith.constant 384 : index
    %get3A_1678 = vector.load %arg1[%get3A_1676, %get3A_1677] : memref<4096x1024xf32, #tpu.memory_space<vmem>>, vector<128x128xf32>
    %max3A_1679 = arith.maximumf %max3A_1675, %get3A_1678 : vector<128x128xf32>
    %get3A_1680 = arith.constant 1664 : index
    %get3A_1681 = arith.constant 512 : index
    %get3A_1682 = vector.load %arg1[%get3A_1680, %get3A_1681] : memref<4096x1024xf32, #tpu.memory_space<vmem>>, vector<128x128xf32>
    %max3A_1683 = arith.maximumf %max3A_1679, %get3A_1682 : vector<128x128xf32>
    %get3A_1684 = arith.constant 1664 : index
    %get3A_1685 = arith.constant 640 : index
    %get3A_1686 = vector.load %arg1[%get3A_1684, %get3A_1685] : memref<4096x1024xf32, #tpu.memory_space<vmem>>, vector<128x128xf32>
    %max3A_1687 = arith.maximumf %max3A_1683, %get3A_1686 : vector<128x128xf32>
    %get3A_1688 = arith.constant 1664 : index
    %get3A_1689 = arith.constant 768 : index
    %get3A_1690 = vector.load %arg1[%get3A_1688, %get3A_1689] : memref<4096x1024xf32, #tpu.memory_space<vmem>>, vector<128x128xf32>
    %max3A_1691 = arith.maximumf %max3A_1687, %get3A_1690 : vector<128x128xf32>
    %get3A_1692 = arith.constant 1664 : index
    %get3A_1693 = arith.constant 896 : index
    %get3A_1694 = vector.load %arg1[%get3A_1692, %get3A_1693] : memref<4096x1024xf32, #tpu.memory_space<vmem>>, vector<128x128xf32>
    %max3A_1695 = arith.maximumf %max3A_1691, %get3A_1694 : vector<128x128xf32>
    %broadcast_in_dim3A_1696 = arith.constant 8.000000e+00 : f32
    %broadcast_in_dim3A_1697 = vector.broadcast %broadcast_in_dim3A_1696 : f32 to vector<128x128xf32>
    %get3A_1698 = arith.constant 1664 : index
    %get3A_1699 = arith.constant 0 : index
    %get3A_1700 = vector.load %arg1[%get3A_1698, %get3A_1699] : memref<4096x1024xf32, #tpu.memory_space<vmem>>, vector<128x128xf32>
    %eq3A_1701 = arith.cmpf oeq, %get3A_1700, %max3A_1695 : vector<128x128xf32>
    %jit3A_1702 = arith.constant 0.000000e+00 : f32
    %jit3A_1703 = arith.constant 8.000000e+00 : f32
    %broadcast_in_dim3A_1704 = vector.broadcast %jit3A_1702 : f32 to vector<128x128xf32>
    %broadcast_in_dim3A_1705 = vector.broadcast %jit3A_1703 : f32 to vector<128x128xf32>
    %select_n3A_1706 = arith.select %eq3A_1701, %broadcast_in_dim3A_1704, %broadcast_in_dim3A_1705 : vector<128x128xi1>, vector<128x128xf32>
    %min3A_1707 = arith.minimumf %broadcast_in_dim3A_1697, %select_n3A_1706 : vector<128x128xf32>
    %get3A_1708 = arith.constant 1664 : index
    %get3A_1709 = arith.constant 128 : index
    %get3A_1710 = vector.load %arg1[%get3A_1708, %get3A_1709] : memref<4096x1024xf32, #tpu.memory_space<vmem>>, vector<128x128xf32>
    %eq3A_1711 = arith.cmpf oeq, %get3A_1710, %max3A_1695 : vector<128x128xf32>
    %jit3A_1712 = arith.constant 1.000000e+00 : f32
    %jit3A_1713 = arith.constant 8.000000e+00 : f32
    %broadcast_in_dim3A_1714 = vector.broadcast %jit3A_1712 : f32 to vector<128x128xf32>
    %broadcast_in_dim3A_1715 = vector.broadcast %jit3A_1713 : f32 to vector<128x128xf32>
    %select_n3A_1716 = arith.select %eq3A_1711, %broadcast_in_dim3A_1714, %broadcast_in_dim3A_1715 : vector<128x128xi1>, vector<128x128xf32>
    %min3A_1717 = arith.minimumf %min3A_1707, %select_n3A_1716 : vector<128x128xf32>
    %get3A_1718 = arith.constant 1664 : index
    %get3A_1719 = arith.constant 256 : index
    %get3A_1720 = vector.load %arg1[%get3A_1718, %get3A_1719] : memref<4096x1024xf32, #tpu.memory_space<vmem>>, vector<128x128xf32>
    %eq3A_1721 = arith.cmpf oeq, %get3A_1720, %max3A_1695 : vector<128x128xf32>
    %jit3A_1722 = arith.constant 2.000000e+00 : f32
    %jit3A_1723 = arith.constant 8.000000e+00 : f32
    %broadcast_in_dim3A_1724 = vector.broadcast %jit3A_1722 : f32 to vector<128x128xf32>
    %broadcast_in_dim3A_1725 = vector.broadcast %jit3A_1723 : f32 to vector<128x128xf32>
    %select_n3A_1726 = arith.select %eq3A_1721, %broadcast_in_dim3A_1724, %broadcast_in_dim3A_1725 : vector<128x128xi1>, vector<128x128xf32>
    %min3A_1727 = arith.minimumf %min3A_1717, %select_n3A_1726 : vector<128x128xf32>
    %get3A_1728 = arith.constant 1664 : index
    %get3A_1729 = arith.constant 384 : index
    %get3A_1730 = vector.load %arg1[%get3A_1728, %get3A_1729] : memref<4096x1024xf32, #tpu.memory_space<vmem>>, vector<128x128xf32>
    %eq3A_1731 = arith.cmpf oeq, %get3A_1730, %max3A_1695 : vector<128x128xf32>
    %jit3A_1732 = arith.constant 3.000000e+00 : f32
    %jit3A_1733 = arith.constant 8.000000e+00 : f32
    %broadcast_in_dim3A_1734 = vector.broadcast %jit3A_1732 : f32 to vector<128x128xf32>
    %broadcast_in_dim3A_1735 = vector.broadcast %jit3A_1733 : f32 to vector<128x128xf32>
    %select_n3A_1736 = arith.select %eq3A_1731, %broadcast_in_dim3A_1734, %broadcast_in_dim3A_1735 : vector<128x128xi1>, vector<128x128xf32>
    %min3A_1737 = arith.minimumf %min3A_1727, %select_n3A_1736 : vector<128x128xf32>
    %get3A_1738 = arith.constant 1664 : index
    %get3A_1739 = arith.constant 512 : index
    %get3A_1740 = vector.load %arg1[%get3A_1738, %get3A_1739] : memref<4096x1024xf32, #tpu.memory_space<vmem>>, vector<128x128xf32>
    %eq3A_1741 = arith.cmpf oeq, %get3A_1740, %max3A_1695 : vector<128x128xf32>
    %jit3A_1742 = arith.constant 4.000000e+00 : f32
    %jit3A_1743 = arith.constant 8.000000e+00 : f32
    %broadcast_in_dim3A_1744 = vector.broadcast %jit3A_1742 : f32 to vector<128x128xf32>
    %broadcast_in_dim3A_1745 = vector.broadcast %jit3A_1743 : f32 to vector<128x128xf32>
    %select_n3A_1746 = arith.select %eq3A_1741, %broadcast_in_dim3A_1744, %broadcast_in_dim3A_1745 : vector<128x128xi1>, vector<128x128xf32>
    %min3A_1747 = arith.minimumf %min3A_1737, %select_n3A_1746 : vector<128x128xf32>
    %get3A_1748 = arith.constant 1664 : index
    %get3A_1749 = arith.constant 640 : index
    %get3A_1750 = vector.load %arg1[%get3A_1748, %get3A_1749] : memref<4096x1024xf32, #tpu.memory_space<vmem>>, vector<128x128xf32>
    %eq3A_1751 = arith.cmpf oeq, %get3A_1750, %max3A_1695 : vector<128x128xf32>
    %jit3A_1752 = arith.constant 5.000000e+00 : f32
    %jit3A_1753 = arith.constant 8.000000e+00 : f32
    %broadcast_in_dim3A_1754 = vector.broadcast %jit3A_1752 : f32 to vector<128x128xf32>
    %broadcast_in_dim3A_1755 = vector.broadcast %jit3A_1753 : f32 to vector<128x128xf32>
    %select_n3A_1756 = arith.select %eq3A_1751, %broadcast_in_dim3A_1754, %broadcast_in_dim3A_1755 : vector<128x128xi1>, vector<128x128xf32>
    %min3A_1757 = arith.minimumf %min3A_1747, %select_n3A_1756 : vector<128x128xf32>
    %get3A_1758 = arith.constant 1664 : index
    %get3A_1759 = arith.constant 768 : index
    %get3A_1760 = vector.load %arg1[%get3A_1758, %get3A_1759] : memref<4096x1024xf32, #tpu.memory_space<vmem>>, vector<128x128xf32>
    %eq3A_1761 = arith.cmpf oeq, %get3A_1760, %max3A_1695 : vector<128x128xf32>
    %jit3A_1762 = arith.constant 6.000000e+00 : f32
    %jit3A_1763 = arith.constant 8.000000e+00 : f32
    %broadcast_in_dim3A_1764 = vector.broadcast %jit3A_1762 : f32 to vector<128x128xf32>
    %broadcast_in_dim3A_1765 = vector.broadcast %jit3A_1763 : f32 to vector<128x128xf32>
    %select_n3A_1766 = arith.select %eq3A_1761, %broadcast_in_dim3A_1764, %broadcast_in_dim3A_1765 : vector<128x128xi1>, vector<128x128xf32>
    %min3A_1767 = arith.minimumf %min3A_1757, %select_n3A_1766 : vector<128x128xf32>
    %get3A_1768 = arith.constant 1664 : index
    %get3A_1769 = arith.constant 896 : index
    %get3A_1770 = vector.load %arg1[%get3A_1768, %get3A_1769] : memref<4096x1024xf32, #tpu.memory_space<vmem>>, vector<128x128xf32>
    %eq3A_1771 = arith.cmpf oeq, %get3A_1770, %max3A_1695 : vector<128x128xf32>
    %jit3A_1772 = arith.constant 7.000000e+00 : f32
    %jit3A_1773 = arith.constant 8.000000e+00 : f32
    %broadcast_in_dim3A_1774 = vector.broadcast %jit3A_1772 : f32 to vector<128x128xf32>
    %broadcast_in_dim3A_1775 = vector.broadcast %jit3A_1773 : f32 to vector<128x128xf32>
    %select_n3A_1776 = arith.select %eq3A_1771, %broadcast_in_dim3A_1774, %broadcast_in_dim3A_1775 : vector<128x128xi1>, vector<128x128xf32>
    %min3A_1777 = arith.minimumf %min3A_1767, %select_n3A_1776 : vector<128x128xf32>
    %reduce_max3A_1778 = arith.constant dense<0xFF800000> : vector<128xf32>
    %reduce_max3A_1779 = vector.multi_reduction <maximumf>, %max3A_1695, %reduce_max3A_1778 [1] : vector<128x128xf32> to vector<128xf32>
    %broadcast_in_dim3A_1780 = vector.shape_cast %reduce_max3A_1779 : vector<128xf32> to vector<128x1xf32>
    %eq3A_1781 = vector.broadcast %broadcast_in_dim3A_1780 : vector<128x1xf32> to vector<128x128xf32>
    %eq3A_1782 = arith.cmpf oeq, %max3A_1695, %eq3A_1781 : vector<128x128xf32>
    %mul3A_1783 = arith.constant 1.280000e+02 : f32
    %mul3A_1784 = vector.broadcast %mul3A_1783 : f32 to vector<128x128xf32>
    %mul3A_1785 = arith.mulf %min3A_1777, %mul3A_1784 : vector<128x128xf32>
    %add3A_1786 = arith.addf %mul3A_1785, %convert_element_type3A : vector<128x128xf32>
    %jit3A_1787 = arith.constant 2.048000e+03 : f32
    %broadcast_in_dim3A_1788 = vector.broadcast %jit3A_1787 : f32 to vector<128x128xf32>
    %select_n3A_1789 = arith.select %eq3A_1782, %add3A_1786, %broadcast_in_dim3A_1788 : vector<128x128xi1>, vector<128x128xf32>
    %reduce_min3A_1790 = arith.constant dense<0x7F800000> : vector<128xf32>
    %reduce_min3A_1791 = vector.multi_reduction <minimumf>, %select_n3A_1789, %reduce_min3A_1790 [1] : vector<128x128xf32> to vector<128xf32>
    %broadcast_in_dim3A_1792 = vector.shape_cast %reduce_min3A_1791 : vector<128xf32> to vector<128x1xf32>
    %transpose3A_1793 = tpu.transpose %broadcast_in_dim3A_1792, [1, 0] : vector<128x1xf32> -> vector<1x128xf32>
    %get3A_1794 = arith.constant 1792 : index
    %get3A_1795 = arith.constant 0 : index
    %get3A_1796 = vector.load %arg1[%get3A_1794, %get3A_1795] : memref<4096x1024xf32, #tpu.memory_space<vmem>>, vector<128x128xf32>
    %get3A_1797 = arith.constant 1792 : index
    %get3A_1798 = arith.constant 128 : index
    %get3A_1799 = vector.load %arg1[%get3A_1797, %get3A_1798] : memref<4096x1024xf32, #tpu.memory_space<vmem>>, vector<128x128xf32>
    %max3A_1800 = arith.maximumf %get3A_1796, %get3A_1799 : vector<128x128xf32>
    %get3A_1801 = arith.constant 1792 : index
    %get3A_1802 = arith.constant 256 : index
    %get3A_1803 = vector.load %arg1[%get3A_1801, %get3A_1802] : memref<4096x1024xf32, #tpu.memory_space<vmem>>, vector<128x128xf32>
    %max3A_1804 = arith.maximumf %max3A_1800, %get3A_1803 : vector<128x128xf32>
    %get3A_1805 = arith.constant 1792 : index
    %get3A_1806 = arith.constant 384 : index
    %get3A_1807 = vector.load %arg1[%get3A_1805, %get3A_1806] : memref<4096x1024xf32, #tpu.memory_space<vmem>>, vector<128x128xf32>
    %max3A_1808 = arith.maximumf %max3A_1804, %get3A_1807 : vector<128x128xf32>
    %get3A_1809 = arith.constant 1792 : index
    %get3A_1810 = arith.constant 512 : index
    %get3A_1811 = vector.load %arg1[%get3A_1809, %get3A_1810] : memref<4096x1024xf32, #tpu.memory_space<vmem>>, vector<128x128xf32>
    %max3A_1812 = arith.maximumf %max3A_1808, %get3A_1811 : vector<128x128xf32>
    %get3A_1813 = arith.constant 1792 : index
    %get3A_1814 = arith.constant 640 : index
    %get3A_1815 = vector.load %arg1[%get3A_1813, %get3A_1814] : memref<4096x1024xf32, #tpu.memory_space<vmem>>, vector<128x128xf32>
    %max3A_1816 = arith.maximumf %max3A_1812, %get3A_1815 : vector<128x128xf32>
    %get3A_1817 = arith.constant 1792 : index
    %get3A_1818 = arith.constant 768 : index
    %get3A_1819 = vector.load %arg1[%get3A_1817, %get3A_1818] : memref<4096x1024xf32, #tpu.memory_space<vmem>>, vector<128x128xf32>
    %max3A_1820 = arith.maximumf %max3A_1816, %get3A_1819 : vector<128x128xf32>
    %get3A_1821 = arith.constant 1792 : index
    %get3A_1822 = arith.constant 896 : index
    %get3A_1823 = vector.load %arg1[%get3A_1821, %get3A_1822] : memref<4096x1024xf32, #tpu.memory_space<vmem>>, vector<128x128xf32>
    %max3A_1824 = arith.maximumf %max3A_1820, %get3A_1823 : vector<128x128xf32>
    %broadcast_in_dim3A_1825 = arith.constant 8.000000e+00 : f32
    %broadcast_in_dim3A_1826 = vector.broadcast %broadcast_in_dim3A_1825 : f32 to vector<128x128xf32>
    %get3A_1827 = arith.constant 1792 : index
    %get3A_1828 = arith.constant 0 : index
    %get3A_1829 = vector.load %arg1[%get3A_1827, %get3A_1828] : memref<4096x1024xf32, #tpu.memory_space<vmem>>, vector<128x128xf32>
    %eq3A_1830 = arith.cmpf oeq, %get3A_1829, %max3A_1824 : vector<128x128xf32>
    %jit3A_1831 = arith.constant 0.000000e+00 : f32
    %jit3A_1832 = arith.constant 8.000000e+00 : f32
    %broadcast_in_dim3A_1833 = vector.broadcast %jit3A_1831 : f32 to vector<128x128xf32>
    %broadcast_in_dim3A_1834 = vector.broadcast %jit3A_1832 : f32 to vector<128x128xf32>
    %select_n3A_1835 = arith.select %eq3A_1830, %broadcast_in_dim3A_1833, %broadcast_in_dim3A_1834 : vector<128x128xi1>, vector<128x128xf32>
    %min3A_1836 = arith.minimumf %broadcast_in_dim3A_1826, %select_n3A_1835 : vector<128x128xf32>
    %get3A_1837 = arith.constant 1792 : index
    %get3A_1838 = arith.constant 128 : index
    %get3A_1839 = vector.load %arg1[%get3A_1837, %get3A_1838] : memref<4096x1024xf32, #tpu.memory_space<vmem>>, vector<128x128xf32>
    %eq3A_1840 = arith.cmpf oeq, %get3A_1839, %max3A_1824 : vector<128x128xf32>
    %jit3A_1841 = arith.constant 1.000000e+00 : f32
    %jit3A_1842 = arith.constant 8.000000e+00 : f32
    %broadcast_in_dim3A_1843 = vector.broadcast %jit3A_1841 : f32 to vector<128x128xf32>
    %broadcast_in_dim3A_1844 = vector.broadcast %jit3A_1842 : f32 to vector<128x128xf32>
    %select_n3A_1845 = arith.select %eq3A_1840, %broadcast_in_dim3A_1843, %broadcast_in_dim3A_1844 : vector<128x128xi1>, vector<128x128xf32>
    %min3A_1846 = arith.minimumf %min3A_1836, %select_n3A_1845 : vector<128x128xf32>
    %get3A_1847 = arith.constant 1792 : index
    %get3A_1848 = arith.constant 256 : index
    %get3A_1849 = vector.load %arg1[%get3A_1847, %get3A_1848] : memref<4096x1024xf32, #tpu.memory_space<vmem>>, vector<128x128xf32>
    %eq3A_1850 = arith.cmpf oeq, %get3A_1849, %max3A_1824 : vector<128x128xf32>
    %jit3A_1851 = arith.constant 2.000000e+00 : f32
    %jit3A_1852 = arith.constant 8.000000e+00 : f32
    %broadcast_in_dim3A_1853 = vector.broadcast %jit3A_1851 : f32 to vector<128x128xf32>
    %broadcast_in_dim3A_1854 = vector.broadcast %jit3A_1852 : f32 to vector<128x128xf32>
    %select_n3A_1855 = arith.select %eq3A_1850, %broadcast_in_dim3A_1853, %broadcast_in_dim3A_1854 : vector<128x128xi1>, vector<128x128xf32>
    %min3A_1856 = arith.minimumf %min3A_1846, %select_n3A_1855 : vector<128x128xf32>
    %get3A_1857 = arith.constant 1792 : index
    %get3A_1858 = arith.constant 384 : index
    %get3A_1859 = vector.load %arg1[%get3A_1857, %get3A_1858] : memref<4096x1024xf32, #tpu.memory_space<vmem>>, vector<128x128xf32>
    %eq3A_1860 = arith.cmpf oeq, %get3A_1859, %max3A_1824 : vector<128x128xf32>
    %jit3A_1861 = arith.constant 3.000000e+00 : f32
    %jit3A_1862 = arith.constant 8.000000e+00 : f32
    %broadcast_in_dim3A_1863 = vector.broadcast %jit3A_1861 : f32 to vector<128x128xf32>
    %broadcast_in_dim3A_1864 = vector.broadcast %jit3A_1862 : f32 to vector<128x128xf32>
    %select_n3A_1865 = arith.select %eq3A_1860, %broadcast_in_dim3A_1863, %broadcast_in_dim3A_1864 : vector<128x128xi1>, vector<128x128xf32>
    %min3A_1866 = arith.minimumf %min3A_1856, %select_n3A_1865 : vector<128x128xf32>
    %get3A_1867 = arith.constant 1792 : index
    %get3A_1868 = arith.constant 512 : index
    %get3A_1869 = vector.load %arg1[%get3A_1867, %get3A_1868] : memref<4096x1024xf32, #tpu.memory_space<vmem>>, vector<128x128xf32>
    %eq3A_1870 = arith.cmpf oeq, %get3A_1869, %max3A_1824 : vector<128x128xf32>
    %jit3A_1871 = arith.constant 4.000000e+00 : f32
    %jit3A_1872 = arith.constant 8.000000e+00 : f32
    %broadcast_in_dim3A_1873 = vector.broadcast %jit3A_1871 : f32 to vector<128x128xf32>
    %broadcast_in_dim3A_1874 = vector.broadcast %jit3A_1872 : f32 to vector<128x128xf32>
    %select_n3A_1875 = arith.select %eq3A_1870, %broadcast_in_dim3A_1873, %broadcast_in_dim3A_1874 : vector<128x128xi1>, vector<128x128xf32>
    %min3A_1876 = arith.minimumf %min3A_1866, %select_n3A_1875 : vector<128x128xf32>
    %get3A_1877 = arith.constant 1792 : index
    %get3A_1878 = arith.constant 640 : index
    %get3A_1879 = vector.load %arg1[%get3A_1877, %get3A_1878] : memref<4096x1024xf32, #tpu.memory_space<vmem>>, vector<128x128xf32>
    %eq3A_1880 = arith.cmpf oeq, %get3A_1879, %max3A_1824 : vector<128x128xf32>
    %jit3A_1881 = arith.constant 5.000000e+00 : f32
    %jit3A_1882 = arith.constant 8.000000e+00 : f32
    %broadcast_in_dim3A_1883 = vector.broadcast %jit3A_1881 : f32 to vector<128x128xf32>
    %broadcast_in_dim3A_1884 = vector.broadcast %jit3A_1882 : f32 to vector<128x128xf32>
    %select_n3A_1885 = arith.select %eq3A_1880, %broadcast_in_dim3A_1883, %broadcast_in_dim3A_1884 : vector<128x128xi1>, vector<128x128xf32>
    %min3A_1886 = arith.minimumf %min3A_1876, %select_n3A_1885 : vector<128x128xf32>
    %get3A_1887 = arith.constant 1792 : index
    %get3A_1888 = arith.constant 768 : index
    %get3A_1889 = vector.load %arg1[%get3A_1887, %get3A_1888] : memref<4096x1024xf32, #tpu.memory_space<vmem>>, vector<128x128xf32>
    %eq3A_1890 = arith.cmpf oeq, %get3A_1889, %max3A_1824 : vector<128x128xf32>
    %jit3A_1891 = arith.constant 6.000000e+00 : f32
    %jit3A_1892 = arith.constant 8.000000e+00 : f32
    %broadcast_in_dim3A_1893 = vector.broadcast %jit3A_1891 : f32 to vector<128x128xf32>
    %broadcast_in_dim3A_1894 = vector.broadcast %jit3A_1892 : f32 to vector<128x128xf32>
    %select_n3A_1895 = arith.select %eq3A_1890, %broadcast_in_dim3A_1893, %broadcast_in_dim3A_1894 : vector<128x128xi1>, vector<128x128xf32>
    %min3A_1896 = arith.minimumf %min3A_1886, %select_n3A_1895 : vector<128x128xf32>
    %get3A_1897 = arith.constant 1792 : index
    %get3A_1898 = arith.constant 896 : index
    %get3A_1899 = vector.load %arg1[%get3A_1897, %get3A_1898] : memref<4096x1024xf32, #tpu.memory_space<vmem>>, vector<128x128xf32>
    %eq3A_1900 = arith.cmpf oeq, %get3A_1899, %max3A_1824 : vector<128x128xf32>
    %jit3A_1901 = arith.constant 7.000000e+00 : f32
    %jit3A_1902 = arith.constant 8.000000e+00 : f32
    %broadcast_in_dim3A_1903 = vector.broadcast %jit3A_1901 : f32 to vector<128x128xf32>
    %broadcast_in_dim3A_1904 = vector.broadcast %jit3A_1902 : f32 to vector<128x128xf32>
    %select_n3A_1905 = arith.select %eq3A_1900, %broadcast_in_dim3A_1903, %broadcast_in_dim3A_1904 : vector<128x128xi1>, vector<128x128xf32>
    %min3A_1906 = arith.minimumf %min3A_1896, %select_n3A_1905 : vector<128x128xf32>
    %reduce_max3A_1907 = arith.constant dense<0xFF800000> : vector<128xf32>
    %reduce_max3A_1908 = vector.multi_reduction <maximumf>, %max3A_1824, %reduce_max3A_1907 [1] : vector<128x128xf32> to vector<128xf32>
    %broadcast_in_dim3A_1909 = vector.shape_cast %reduce_max3A_1908 : vector<128xf32> to vector<128x1xf32>
    %eq3A_1910 = vector.broadcast %broadcast_in_dim3A_1909 : vector<128x1xf32> to vector<128x128xf32>
    %eq3A_1911 = arith.cmpf oeq, %max3A_1824, %eq3A_1910 : vector<128x128xf32>
    %mul3A_1912 = arith.constant 1.280000e+02 : f32
    %mul3A_1913 = vector.broadcast %mul3A_1912 : f32 to vector<128x128xf32>
    %mul3A_1914 = arith.mulf %min3A_1906, %mul3A_1913 : vector<128x128xf32>
    %add3A_1915 = arith.addf %mul3A_1914, %convert_element_type3A : vector<128x128xf32>
    %jit3A_1916 = arith.constant 2.048000e+03 : f32
    %broadcast_in_dim3A_1917 = vector.broadcast %jit3A_1916 : f32 to vector<128x128xf32>
    %select_n3A_1918 = arith.select %eq3A_1911, %add3A_1915, %broadcast_in_dim3A_1917 : vector<128x128xi1>, vector<128x128xf32>
    %reduce_min3A_1919 = arith.constant dense<0x7F800000> : vector<128xf32>
    %reduce_min3A_1920 = vector.multi_reduction <minimumf>, %select_n3A_1918, %reduce_min3A_1919 [1] : vector<128x128xf32> to vector<128xf32>
    %broadcast_in_dim3A_1921 = vector.shape_cast %reduce_min3A_1920 : vector<128xf32> to vector<128x1xf32>
    %transpose3A_1922 = tpu.transpose %broadcast_in_dim3A_1921, [1, 0] : vector<128x1xf32> -> vector<1x128xf32>
    %get3A_1923 = arith.constant 1920 : index
    %get3A_1924 = arith.constant 0 : index
    %get3A_1925 = vector.load %arg1[%get3A_1923, %get3A_1924] : memref<4096x1024xf32, #tpu.memory_space<vmem>>, vector<128x128xf32>
    %get3A_1926 = arith.constant 1920 : index
    %get3A_1927 = arith.constant 128 : index
    %get3A_1928 = vector.load %arg1[%get3A_1926, %get3A_1927] : memref<4096x1024xf32, #tpu.memory_space<vmem>>, vector<128x128xf32>
    %max3A_1929 = arith.maximumf %get3A_1925, %get3A_1928 : vector<128x128xf32>
    %get3A_1930 = arith.constant 1920 : index
    %get3A_1931 = arith.constant 256 : index
    %get3A_1932 = vector.load %arg1[%get3A_1930, %get3A_1931] : memref<4096x1024xf32, #tpu.memory_space<vmem>>, vector<128x128xf32>
    %max3A_1933 = arith.maximumf %max3A_1929, %get3A_1932 : vector<128x128xf32>
    %get3A_1934 = arith.constant 1920 : index
    %get3A_1935 = arith.constant 384 : index
    %get3A_1936 = vector.load %arg1[%get3A_1934, %get3A_1935] : memref<4096x1024xf32, #tpu.memory_space<vmem>>, vector<128x128xf32>
    %max3A_1937 = arith.maximumf %max3A_1933, %get3A_1936 : vector<128x128xf32>
    %get3A_1938 = arith.constant 1920 : index
    %get3A_1939 = arith.constant 512 : index
    %get3A_1940 = vector.load %arg1[%get3A_1938, %get3A_1939] : memref<4096x1024xf32, #tpu.memory_space<vmem>>, vector<128x128xf32>
    %max3A_1941 = arith.maximumf %max3A_1937, %get3A_1940 : vector<128x128xf32>
    %get3A_1942 = arith.constant 1920 : index
    %get3A_1943 = arith.constant 640 : index
    %get3A_1944 = vector.load %arg1[%get3A_1942, %get3A_1943] : memref<4096x1024xf32, #tpu.memory_space<vmem>>, vector<128x128xf32>
    %max3A_1945 = arith.maximumf %max3A_1941, %get3A_1944 : vector<128x128xf32>
    %get3A_1946 = arith.constant 1920 : index
    %get3A_1947 = arith.constant 768 : index
    %get3A_1948 = vector.load %arg1[%get3A_1946, %get3A_1947] : memref<4096x1024xf32, #tpu.memory_space<vmem>>, vector<128x128xf32>
    %max3A_1949 = arith.maximumf %max3A_1945, %get3A_1948 : vector<128x128xf32>
    %get3A_1950 = arith.constant 1920 : index
    %get3A_1951 = arith.constant 896 : index
    %get3A_1952 = vector.load %arg1[%get3A_1950, %get3A_1951] : memref<4096x1024xf32, #tpu.memory_space<vmem>>, vector<128x128xf32>
    %max3A_1953 = arith.maximumf %max3A_1949, %get3A_1952 : vector<128x128xf32>
    %broadcast_in_dim3A_1954 = arith.constant 8.000000e+00 : f32
    %broadcast_in_dim3A_1955 = vector.broadcast %broadcast_in_dim3A_1954 : f32 to vector<128x128xf32>
    %get3A_1956 = arith.constant 1920 : index
    %get3A_1957 = arith.constant 0 : index
    %get3A_1958 = vector.load %arg1[%get3A_1956, %get3A_1957] : memref<4096x1024xf32, #tpu.memory_space<vmem>>, vector<128x128xf32>
    %eq3A_1959 = arith.cmpf oeq, %get3A_1958, %max3A_1953 : vector<128x128xf32>
    %jit3A_1960 = arith.constant 0.000000e+00 : f32
    %jit3A_1961 = arith.constant 8.000000e+00 : f32
    %broadcast_in_dim3A_1962 = vector.broadcast %jit3A_1960 : f32 to vector<128x128xf32>
    %broadcast_in_dim3A_1963 = vector.broadcast %jit3A_1961 : f32 to vector<128x128xf32>
    %select_n3A_1964 = arith.select %eq3A_1959, %broadcast_in_dim3A_1962, %broadcast_in_dim3A_1963 : vector<128x128xi1>, vector<128x128xf32>
    %min3A_1965 = arith.minimumf %broadcast_in_dim3A_1955, %select_n3A_1964 : vector<128x128xf32>
    %get3A_1966 = arith.constant 1920 : index
    %get3A_1967 = arith.constant 128 : index
    %get3A_1968 = vector.load %arg1[%get3A_1966, %get3A_1967] : memref<4096x1024xf32, #tpu.memory_space<vmem>>, vector<128x128xf32>
    %eq3A_1969 = arith.cmpf oeq, %get3A_1968, %max3A_1953 : vector<128x128xf32>
    %jit3A_1970 = arith.constant 1.000000e+00 : f32
    %jit3A_1971 = arith.constant 8.000000e+00 : f32
    %broadcast_in_dim3A_1972 = vector.broadcast %jit3A_1970 : f32 to vector<128x128xf32>
    %broadcast_in_dim3A_1973 = vector.broadcast %jit3A_1971 : f32 to vector<128x128xf32>
    %select_n3A_1974 = arith.select %eq3A_1969, %broadcast_in_dim3A_1972, %broadcast_in_dim3A_1973 : vector<128x128xi1>, vector<128x128xf32>
    %min3A_1975 = arith.minimumf %min3A_1965, %select_n3A_1974 : vector<128x128xf32>
    %get3A_1976 = arith.constant 1920 : index
    %get3A_1977 = arith.constant 256 : index
    %get3A_1978 = vector.load %arg1[%get3A_1976, %get3A_1977] : memref<4096x1024xf32, #tpu.memory_space<vmem>>, vector<128x128xf32>
    %eq3A_1979 = arith.cmpf oeq, %get3A_1978, %max3A_1953 : vector<128x128xf32>
    %jit3A_1980 = arith.constant 2.000000e+00 : f32
    %jit3A_1981 = arith.constant 8.000000e+00 : f32
    %broadcast_in_dim3A_1982 = vector.broadcast %jit3A_1980 : f32 to vector<128x128xf32>
    %broadcast_in_dim3A_1983 = vector.broadcast %jit3A_1981 : f32 to vector<128x128xf32>
    %select_n3A_1984 = arith.select %eq3A_1979, %broadcast_in_dim3A_1982, %broadcast_in_dim3A_1983 : vector<128x128xi1>, vector<128x128xf32>
    %min3A_1985 = arith.minimumf %min3A_1975, %select_n3A_1984 : vector<128x128xf32>
    %get3A_1986 = arith.constant 1920 : index
    %get3A_1987 = arith.constant 384 : index
    %get3A_1988 = vector.load %arg1[%get3A_1986, %get3A_1987] : memref<4096x1024xf32, #tpu.memory_space<vmem>>, vector<128x128xf32>
    %eq3A_1989 = arith.cmpf oeq, %get3A_1988, %max3A_1953 : vector<128x128xf32>
    %jit3A_1990 = arith.constant 3.000000e+00 : f32
    %jit3A_1991 = arith.constant 8.000000e+00 : f32
    %broadcast_in_dim3A_1992 = vector.broadcast %jit3A_1990 : f32 to vector<128x128xf32>
    %broadcast_in_dim3A_1993 = vector.broadcast %jit3A_1991 : f32 to vector<128x128xf32>
    %select_n3A_1994 = arith.select %eq3A_1989, %broadcast_in_dim3A_1992, %broadcast_in_dim3A_1993 : vector<128x128xi1>, vector<128x128xf32>
    %min3A_1995 = arith.minimumf %min3A_1985, %select_n3A_1994 : vector<128x128xf32>
    %get3A_1996 = arith.constant 1920 : index
    %get3A_1997 = arith.constant 512 : index
    %get3A_1998 = vector.load %arg1[%get3A_1996, %get3A_1997] : memref<4096x1024xf32, #tpu.memory_space<vmem>>, vector<128x128xf32>
    %eq3A_1999 = arith.cmpf oeq, %get3A_1998, %max3A_1953 : vector<128x128xf32>
    %jit3A_2000 = arith.constant 4.000000e+00 : f32
    %jit3A_2001 = arith.constant 8.000000e+00 : f32
    %broadcast_in_dim3A_2002 = vector.broadcast %jit3A_2000 : f32 to vector<128x128xf32>
    %broadcast_in_dim3A_2003 = vector.broadcast %jit3A_2001 : f32 to vector<128x128xf32>
    %select_n3A_2004 = arith.select %eq3A_1999, %broadcast_in_dim3A_2002, %broadcast_in_dim3A_2003 : vector<128x128xi1>, vector<128x128xf32>
    %min3A_2005 = arith.minimumf %min3A_1995, %select_n3A_2004 : vector<128x128xf32>
    %get3A_2006 = arith.constant 1920 : index
    %get3A_2007 = arith.constant 640 : index
    %get3A_2008 = vector.load %arg1[%get3A_2006, %get3A_2007] : memref<4096x1024xf32, #tpu.memory_space<vmem>>, vector<128x128xf32>
    %eq3A_2009 = arith.cmpf oeq, %get3A_2008, %max3A_1953 : vector<128x128xf32>
    %jit3A_2010 = arith.constant 5.000000e+00 : f32
    %jit3A_2011 = arith.constant 8.000000e+00 : f32
    %broadcast_in_dim3A_2012 = vector.broadcast %jit3A_2010 : f32 to vector<128x128xf32>
    %broadcast_in_dim3A_2013 = vector.broadcast %jit3A_2011 : f32 to vector<128x128xf32>
    %select_n3A_2014 = arith.select %eq3A_2009, %broadcast_in_dim3A_2012, %broadcast_in_dim3A_2013 : vector<128x128xi1>, vector<128x128xf32>
    %min3A_2015 = arith.minimumf %min3A_2005, %select_n3A_2014 : vector<128x128xf32>
    %get3A_2016 = arith.constant 1920 : index
    %get3A_2017 = arith.constant 768 : index
    %get3A_2018 = vector.load %arg1[%get3A_2016, %get3A_2017] : memref<4096x1024xf32, #tpu.memory_space<vmem>>, vector<128x128xf32>
    %eq3A_2019 = arith.cmpf oeq, %get3A_2018, %max3A_1953 : vector<128x128xf32>
    %jit3A_2020 = arith.constant 6.000000e+00 : f32
    %jit3A_2021 = arith.constant 8.000000e+00 : f32
    %broadcast_in_dim3A_2022 = vector.broadcast %jit3A_2020 : f32 to vector<128x128xf32>
    %broadcast_in_dim3A_2023 = vector.broadcast %jit3A_2021 : f32 to vector<128x128xf32>
    %select_n3A_2024 = arith.select %eq3A_2019, %broadcast_in_dim3A_2022, %broadcast_in_dim3A_2023 : vector<128x128xi1>, vector<128x128xf32>
    %min3A_2025 = arith.minimumf %min3A_2015, %select_n3A_2024 : vector<128x128xf32>
    %get3A_2026 = arith.constant 1920 : index
    %get3A_2027 = arith.constant 896 : index
    %get3A_2028 = vector.load %arg1[%get3A_2026, %get3A_2027] : memref<4096x1024xf32, #tpu.memory_space<vmem>>, vector<128x128xf32>
    %eq3A_2029 = arith.cmpf oeq, %get3A_2028, %max3A_1953 : vector<128x128xf32>
    %jit3A_2030 = arith.constant 7.000000e+00 : f32
    %jit3A_2031 = arith.constant 8.000000e+00 : f32
    %broadcast_in_dim3A_2032 = vector.broadcast %jit3A_2030 : f32 to vector<128x128xf32>
    %broadcast_in_dim3A_2033 = vector.broadcast %jit3A_2031 : f32 to vector<128x128xf32>
    %select_n3A_2034 = arith.select %eq3A_2029, %broadcast_in_dim3A_2032, %broadcast_in_dim3A_2033 : vector<128x128xi1>, vector<128x128xf32>
    %min3A_2035 = arith.minimumf %min3A_2025, %select_n3A_2034 : vector<128x128xf32>
    %reduce_max3A_2036 = arith.constant dense<0xFF800000> : vector<128xf32>
    %reduce_max3A_2037 = vector.multi_reduction <maximumf>, %max3A_1953, %reduce_max3A_2036 [1] : vector<128x128xf32> to vector<128xf32>
    %broadcast_in_dim3A_2038 = vector.shape_cast %reduce_max3A_2037 : vector<128xf32> to vector<128x1xf32>
    %eq3A_2039 = vector.broadcast %broadcast_in_dim3A_2038 : vector<128x1xf32> to vector<128x128xf32>
    %eq3A_2040 = arith.cmpf oeq, %max3A_1953, %eq3A_2039 : vector<128x128xf32>
    %mul3A_2041 = arith.constant 1.280000e+02 : f32
    %mul3A_2042 = vector.broadcast %mul3A_2041 : f32 to vector<128x128xf32>
    %mul3A_2043 = arith.mulf %min3A_2035, %mul3A_2042 : vector<128x128xf32>
    %add3A_2044 = arith.addf %mul3A_2043, %convert_element_type3A : vector<128x128xf32>
    %jit3A_2045 = arith.constant 2.048000e+03 : f32
    %broadcast_in_dim3A_2046 = vector.broadcast %jit3A_2045 : f32 to vector<128x128xf32>
    %select_n3A_2047 = arith.select %eq3A_2040, %add3A_2044, %broadcast_in_dim3A_2046 : vector<128x128xi1>, vector<128x128xf32>
    %reduce_min3A_2048 = arith.constant dense<0x7F800000> : vector<128xf32>
    %reduce_min3A_2049 = vector.multi_reduction <minimumf>, %select_n3A_2047, %reduce_min3A_2048 [1] : vector<128x128xf32> to vector<128xf32>
    %broadcast_in_dim3A_2050 = vector.shape_cast %reduce_min3A_2049 : vector<128xf32> to vector<128x1xf32>
    %transpose3A_2051 = tpu.transpose %broadcast_in_dim3A_2050, [1, 0] : vector<128x1xf32> -> vector<1x128xf32>
    %get3A_2052 = arith.constant 2048 : index
    %get3A_2053 = arith.constant 0 : index
    %get3A_2054 = vector.load %arg1[%get3A_2052, %get3A_2053] : memref<4096x1024xf32, #tpu.memory_space<vmem>>, vector<128x128xf32>
    %get3A_2055 = arith.constant 2048 : index
    %get3A_2056 = arith.constant 128 : index
    %get3A_2057 = vector.load %arg1[%get3A_2055, %get3A_2056] : memref<4096x1024xf32, #tpu.memory_space<vmem>>, vector<128x128xf32>
    %max3A_2058 = arith.maximumf %get3A_2054, %get3A_2057 : vector<128x128xf32>
    %get3A_2059 = arith.constant 2048 : index
    %get3A_2060 = arith.constant 256 : index
    %get3A_2061 = vector.load %arg1[%get3A_2059, %get3A_2060] : memref<4096x1024xf32, #tpu.memory_space<vmem>>, vector<128x128xf32>
    %max3A_2062 = arith.maximumf %max3A_2058, %get3A_2061 : vector<128x128xf32>
    %get3A_2063 = arith.constant 2048 : index
    %get3A_2064 = arith.constant 384 : index
    %get3A_2065 = vector.load %arg1[%get3A_2063, %get3A_2064] : memref<4096x1024xf32, #tpu.memory_space<vmem>>, vector<128x128xf32>
    %max3A_2066 = arith.maximumf %max3A_2062, %get3A_2065 : vector<128x128xf32>
    %get3A_2067 = arith.constant 2048 : index
    %get3A_2068 = arith.constant 512 : index
    %get3A_2069 = vector.load %arg1[%get3A_2067, %get3A_2068] : memref<4096x1024xf32, #tpu.memory_space<vmem>>, vector<128x128xf32>
    %max3A_2070 = arith.maximumf %max3A_2066, %get3A_2069 : vector<128x128xf32>
    %get3A_2071 = arith.constant 2048 : index
    %get3A_2072 = arith.constant 640 : index
    %get3A_2073 = vector.load %arg1[%get3A_2071, %get3A_2072] : memref<4096x1024xf32, #tpu.memory_space<vmem>>, vector<128x128xf32>
    %max3A_2074 = arith.maximumf %max3A_2070, %get3A_2073 : vector<128x128xf32>
    %get3A_2075 = arith.constant 2048 : index
    %get3A_2076 = arith.constant 768 : index
    %get3A_2077 = vector.load %arg1[%get3A_2075, %get3A_2076] : memref<4096x1024xf32, #tpu.memory_space<vmem>>, vector<128x128xf32>
    %max3A_2078 = arith.maximumf %max3A_2074, %get3A_2077 : vector<128x128xf32>
    %get3A_2079 = arith.constant 2048 : index
    %get3A_2080 = arith.constant 896 : index
    %get3A_2081 = vector.load %arg1[%get3A_2079, %get3A_2080] : memref<4096x1024xf32, #tpu.memory_space<vmem>>, vector<128x128xf32>
    %max3A_2082 = arith.maximumf %max3A_2078, %get3A_2081 : vector<128x128xf32>
    %broadcast_in_dim3A_2083 = arith.constant 8.000000e+00 : f32
    %broadcast_in_dim3A_2084 = vector.broadcast %broadcast_in_dim3A_2083 : f32 to vector<128x128xf32>
    %get3A_2085 = arith.constant 2048 : index
    %get3A_2086 = arith.constant 0 : index
    %get3A_2087 = vector.load %arg1[%get3A_2085, %get3A_2086] : memref<4096x1024xf32, #tpu.memory_space<vmem>>, vector<128x128xf32>
    %eq3A_2088 = arith.cmpf oeq, %get3A_2087, %max3A_2082 : vector<128x128xf32>
    %jit3A_2089 = arith.constant 0.000000e+00 : f32
    %jit3A_2090 = arith.constant 8.000000e+00 : f32
    %broadcast_in_dim3A_2091 = vector.broadcast %jit3A_2089 : f32 to vector<128x128xf32>
    %broadcast_in_dim3A_2092 = vector.broadcast %jit3A_2090 : f32 to vector<128x128xf32>
    %select_n3A_2093 = arith.select %eq3A_2088, %broadcast_in_dim3A_2091, %broadcast_in_dim3A_2092 : vector<128x128xi1>, vector<128x128xf32>
    %min3A_2094 = arith.minimumf %broadcast_in_dim3A_2084, %select_n3A_2093 : vector<128x128xf32>
    %get3A_2095 = arith.constant 2048 : index
    %get3A_2096 = arith.constant 128 : index
    %get3A_2097 = vector.load %arg1[%get3A_2095, %get3A_2096] : memref<4096x1024xf32, #tpu.memory_space<vmem>>, vector<128x128xf32>
    %eq3A_2098 = arith.cmpf oeq, %get3A_2097, %max3A_2082 : vector<128x128xf32>
    %jit3A_2099 = arith.constant 1.000000e+00 : f32
    %jit3A_2100 = arith.constant 8.000000e+00 : f32
    %broadcast_in_dim3A_2101 = vector.broadcast %jit3A_2099 : f32 to vector<128x128xf32>
    %broadcast_in_dim3A_2102 = vector.broadcast %jit3A_2100 : f32 to vector<128x128xf32>
    %select_n3A_2103 = arith.select %eq3A_2098, %broadcast_in_dim3A_2101, %broadcast_in_dim3A_2102 : vector<128x128xi1>, vector<128x128xf32>
    %min3A_2104 = arith.minimumf %min3A_2094, %select_n3A_2103 : vector<128x128xf32>
    %get3A_2105 = arith.constant 2048 : index
    %get3A_2106 = arith.constant 256 : index
    %get3A_2107 = vector.load %arg1[%get3A_2105, %get3A_2106] : memref<4096x1024xf32, #tpu.memory_space<vmem>>, vector<128x128xf32>
    %eq3A_2108 = arith.cmpf oeq, %get3A_2107, %max3A_2082 : vector<128x128xf32>
    %jit3A_2109 = arith.constant 2.000000e+00 : f32
    %jit3A_2110 = arith.constant 8.000000e+00 : f32
    %broadcast_in_dim3A_2111 = vector.broadcast %jit3A_2109 : f32 to vector<128x128xf32>
    %broadcast_in_dim3A_2112 = vector.broadcast %jit3A_2110 : f32 to vector<128x128xf32>
    %select_n3A_2113 = arith.select %eq3A_2108, %broadcast_in_dim3A_2111, %broadcast_in_dim3A_2112 : vector<128x128xi1>, vector<128x128xf32>
    %min3A_2114 = arith.minimumf %min3A_2104, %select_n3A_2113 : vector<128x128xf32>
    %get3A_2115 = arith.constant 2048 : index
    %get3A_2116 = arith.constant 384 : index
    %get3A_2117 = vector.load %arg1[%get3A_2115, %get3A_2116] : memref<4096x1024xf32, #tpu.memory_space<vmem>>, vector<128x128xf32>
    %eq3A_2118 = arith.cmpf oeq, %get3A_2117, %max3A_2082 : vector<128x128xf32>
    %jit3A_2119 = arith.constant 3.000000e+00 : f32
    %jit3A_2120 = arith.constant 8.000000e+00 : f32
    %broadcast_in_dim3A_2121 = vector.broadcast %jit3A_2119 : f32 to vector<128x128xf32>
    %broadcast_in_dim3A_2122 = vector.broadcast %jit3A_2120 : f32 to vector<128x128xf32>
    %select_n3A_2123 = arith.select %eq3A_2118, %broadcast_in_dim3A_2121, %broadcast_in_dim3A_2122 : vector<128x128xi1>, vector<128x128xf32>
    %min3A_2124 = arith.minimumf %min3A_2114, %select_n3A_2123 : vector<128x128xf32>
    %get3A_2125 = arith.constant 2048 : index
    %get3A_2126 = arith.constant 512 : index
    %get3A_2127 = vector.load %arg1[%get3A_2125, %get3A_2126] : memref<4096x1024xf32, #tpu.memory_space<vmem>>, vector<128x128xf32>
    %eq3A_2128 = arith.cmpf oeq, %get3A_2127, %max3A_2082 : vector<128x128xf32>
    %jit3A_2129 = arith.constant 4.000000e+00 : f32
    %jit3A_2130 = arith.constant 8.000000e+00 : f32
    %broadcast_in_dim3A_2131 = vector.broadcast %jit3A_2129 : f32 to vector<128x128xf32>
    %broadcast_in_dim3A_2132 = vector.broadcast %jit3A_2130 : f32 to vector<128x128xf32>
    %select_n3A_2133 = arith.select %eq3A_2128, %broadcast_in_dim3A_2131, %broadcast_in_dim3A_2132 : vector<128x128xi1>, vector<128x128xf32>
    %min3A_2134 = arith.minimumf %min3A_2124, %select_n3A_2133 : vector<128x128xf32>
    %get3A_2135 = arith.constant 2048 : index
    %get3A_2136 = arith.constant 640 : index
    %get3A_2137 = vector.load %arg1[%get3A_2135, %get3A_2136] : memref<4096x1024xf32, #tpu.memory_space<vmem>>, vector<128x128xf32>
    %eq3A_2138 = arith.cmpf oeq, %get3A_2137, %max3A_2082 : vector<128x128xf32>
    %jit3A_2139 = arith.constant 5.000000e+00 : f32
    %jit3A_2140 = arith.constant 8.000000e+00 : f32
    %broadcast_in_dim3A_2141 = vector.broadcast %jit3A_2139 : f32 to vector<128x128xf32>
    %broadcast_in_dim3A_2142 = vector.broadcast %jit3A_2140 : f32 to vector<128x128xf32>
    %select_n3A_2143 = arith.select %eq3A_2138, %broadcast_in_dim3A_2141, %broadcast_in_dim3A_2142 : vector<128x128xi1>, vector<128x128xf32>
    %min3A_2144 = arith.minimumf %min3A_2134, %select_n3A_2143 : vector<128x128xf32>
    %get3A_2145 = arith.constant 2048 : index
    %get3A_2146 = arith.constant 768 : index
    %get3A_2147 = vector.load %arg1[%get3A_2145, %get3A_2146] : memref<4096x1024xf32, #tpu.memory_space<vmem>>, vector<128x128xf32>
    %eq3A_2148 = arith.cmpf oeq, %get3A_2147, %max3A_2082 : vector<128x128xf32>
    %jit3A_2149 = arith.constant 6.000000e+00 : f32
    %jit3A_2150 = arith.constant 8.000000e+00 : f32
    %broadcast_in_dim3A_2151 = vector.broadcast %jit3A_2149 : f32 to vector<128x128xf32>
    %broadcast_in_dim3A_2152 = vector.broadcast %jit3A_2150 : f32 to vector<128x128xf32>
    %select_n3A_2153 = arith.select %eq3A_2148, %broadcast_in_dim3A_2151, %broadcast_in_dim3A_2152 : vector<128x128xi1>, vector<128x128xf32>
    %min3A_2154 = arith.minimumf %min3A_2144, %select_n3A_2153 : vector<128x128xf32>
    %get3A_2155 = arith.constant 2048 : index
    %get3A_2156 = arith.constant 896 : index
    %get3A_2157 = vector.load %arg1[%get3A_2155, %get3A_2156] : memref<4096x1024xf32, #tpu.memory_space<vmem>>, vector<128x128xf32>
    %eq3A_2158 = arith.cmpf oeq, %get3A_2157, %max3A_2082 : vector<128x128xf32>
    %jit3A_2159 = arith.constant 7.000000e+00 : f32
    %jit3A_2160 = arith.constant 8.000000e+00 : f32
    %broadcast_in_dim3A_2161 = vector.broadcast %jit3A_2159 : f32 to vector<128x128xf32>
    %broadcast_in_dim3A_2162 = vector.broadcast %jit3A_2160 : f32 to vector<128x128xf32>
    %select_n3A_2163 = arith.select %eq3A_2158, %broadcast_in_dim3A_2161, %broadcast_in_dim3A_2162 : vector<128x128xi1>, vector<128x128xf32>
    %min3A_2164 = arith.minimumf %min3A_2154, %select_n3A_2163 : vector<128x128xf32>
    %reduce_max3A_2165 = arith.constant dense<0xFF800000> : vector<128xf32>
    %reduce_max3A_2166 = vector.multi_reduction <maximumf>, %max3A_2082, %reduce_max3A_2165 [1] : vector<128x128xf32> to vector<128xf32>
    %broadcast_in_dim3A_2167 = vector.shape_cast %reduce_max3A_2166 : vector<128xf32> to vector<128x1xf32>
    %eq3A_2168 = vector.broadcast %broadcast_in_dim3A_2167 : vector<128x1xf32> to vector<128x128xf32>
    %eq3A_2169 = arith.cmpf oeq, %max3A_2082, %eq3A_2168 : vector<128x128xf32>
    %mul3A_2170 = arith.constant 1.280000e+02 : f32
    %mul3A_2171 = vector.broadcast %mul3A_2170 : f32 to vector<128x128xf32>
    %mul3A_2172 = arith.mulf %min3A_2164, %mul3A_2171 : vector<128x128xf32>
    %add3A_2173 = arith.addf %mul3A_2172, %convert_element_type3A : vector<128x128xf32>
    %jit3A_2174 = arith.constant 2.048000e+03 : f32
    %broadcast_in_dim3A_2175 = vector.broadcast %jit3A_2174 : f32 to vector<128x128xf32>
    %select_n3A_2176 = arith.select %eq3A_2169, %add3A_2173, %broadcast_in_dim3A_2175 : vector<128x128xi1>, vector<128x128xf32>
    %reduce_min3A_2177 = arith.constant dense<0x7F800000> : vector<128xf32>
    %reduce_min3A_2178 = vector.multi_reduction <minimumf>, %select_n3A_2176, %reduce_min3A_2177 [1] : vector<128x128xf32> to vector<128xf32>
    %broadcast_in_dim3A_2179 = vector.shape_cast %reduce_min3A_2178 : vector<128xf32> to vector<128x1xf32>
    %transpose3A_2180 = tpu.transpose %broadcast_in_dim3A_2179, [1, 0] : vector<128x1xf32> -> vector<1x128xf32>
    %get3A_2181 = arith.constant 2176 : index
    %get3A_2182 = arith.constant 0 : index
    %get3A_2183 = vector.load %arg1[%get3A_2181, %get3A_2182] : memref<4096x1024xf32, #tpu.memory_space<vmem>>, vector<128x128xf32>
    %get3A_2184 = arith.constant 2176 : index
    %get3A_2185 = arith.constant 128 : index
    %get3A_2186 = vector.load %arg1[%get3A_2184, %get3A_2185] : memref<4096x1024xf32, #tpu.memory_space<vmem>>, vector<128x128xf32>
    %max3A_2187 = arith.maximumf %get3A_2183, %get3A_2186 : vector<128x128xf32>
    %get3A_2188 = arith.constant 2176 : index
    %get3A_2189 = arith.constant 256 : index
    %get3A_2190 = vector.load %arg1[%get3A_2188, %get3A_2189] : memref<4096x1024xf32, #tpu.memory_space<vmem>>, vector<128x128xf32>
    %max3A_2191 = arith.maximumf %max3A_2187, %get3A_2190 : vector<128x128xf32>
    %get3A_2192 = arith.constant 2176 : index
    %get3A_2193 = arith.constant 384 : index
    %get3A_2194 = vector.load %arg1[%get3A_2192, %get3A_2193] : memref<4096x1024xf32, #tpu.memory_space<vmem>>, vector<128x128xf32>
    %max3A_2195 = arith.maximumf %max3A_2191, %get3A_2194 : vector<128x128xf32>
    %get3A_2196 = arith.constant 2176 : index
    %get3A_2197 = arith.constant 512 : index
    %get3A_2198 = vector.load %arg1[%get3A_2196, %get3A_2197] : memref<4096x1024xf32, #tpu.memory_space<vmem>>, vector<128x128xf32>
    %max3A_2199 = arith.maximumf %max3A_2195, %get3A_2198 : vector<128x128xf32>
    %get3A_2200 = arith.constant 2176 : index
    %get3A_2201 = arith.constant 640 : index
    %get3A_2202 = vector.load %arg1[%get3A_2200, %get3A_2201] : memref<4096x1024xf32, #tpu.memory_space<vmem>>, vector<128x128xf32>
    %max3A_2203 = arith.maximumf %max3A_2199, %get3A_2202 : vector<128x128xf32>
    %get3A_2204 = arith.constant 2176 : index
    %get3A_2205 = arith.constant 768 : index
    %get3A_2206 = vector.load %arg1[%get3A_2204, %get3A_2205] : memref<4096x1024xf32, #tpu.memory_space<vmem>>, vector<128x128xf32>
    %max3A_2207 = arith.maximumf %max3A_2203, %get3A_2206 : vector<128x128xf32>
    %get3A_2208 = arith.constant 2176 : index
    %get3A_2209 = arith.constant 896 : index
    %get3A_2210 = vector.load %arg1[%get3A_2208, %get3A_2209] : memref<4096x1024xf32, #tpu.memory_space<vmem>>, vector<128x128xf32>
    %max3A_2211 = arith.maximumf %max3A_2207, %get3A_2210 : vector<128x128xf32>
    %broadcast_in_dim3A_2212 = arith.constant 8.000000e+00 : f32
    %broadcast_in_dim3A_2213 = vector.broadcast %broadcast_in_dim3A_2212 : f32 to vector<128x128xf32>
    %get3A_2214 = arith.constant 2176 : index
    %get3A_2215 = arith.constant 0 : index
    %get3A_2216 = vector.load %arg1[%get3A_2214, %get3A_2215] : memref<4096x1024xf32, #tpu.memory_space<vmem>>, vector<128x128xf32>
    %eq3A_2217 = arith.cmpf oeq, %get3A_2216, %max3A_2211 : vector<128x128xf32>
    %jit3A_2218 = arith.constant 0.000000e+00 : f32
    %jit3A_2219 = arith.constant 8.000000e+00 : f32
    %broadcast_in_dim3A_2220 = vector.broadcast %jit3A_2218 : f32 to vector<128x128xf32>
    %broadcast_in_dim3A_2221 = vector.broadcast %jit3A_2219 : f32 to vector<128x128xf32>
    %select_n3A_2222 = arith.select %eq3A_2217, %broadcast_in_dim3A_2220, %broadcast_in_dim3A_2221 : vector<128x128xi1>, vector<128x128xf32>
    %min3A_2223 = arith.minimumf %broadcast_in_dim3A_2213, %select_n3A_2222 : vector<128x128xf32>
    %get3A_2224 = arith.constant 2176 : index
    %get3A_2225 = arith.constant 128 : index
    %get3A_2226 = vector.load %arg1[%get3A_2224, %get3A_2225] : memref<4096x1024xf32, #tpu.memory_space<vmem>>, vector<128x128xf32>
    %eq3A_2227 = arith.cmpf oeq, %get3A_2226, %max3A_2211 : vector<128x128xf32>
    %jit3A_2228 = arith.constant 1.000000e+00 : f32
    %jit3A_2229 = arith.constant 8.000000e+00 : f32
    %broadcast_in_dim3A_2230 = vector.broadcast %jit3A_2228 : f32 to vector<128x128xf32>
    %broadcast_in_dim3A_2231 = vector.broadcast %jit3A_2229 : f32 to vector<128x128xf32>
    %select_n3A_2232 = arith.select %eq3A_2227, %broadcast_in_dim3A_2230, %broadcast_in_dim3A_2231 : vector<128x128xi1>, vector<128x128xf32>
    %min3A_2233 = arith.minimumf %min3A_2223, %select_n3A_2232 : vector<128x128xf32>
    %get3A_2234 = arith.constant 2176 : index
    %get3A_2235 = arith.constant 256 : index
    %get3A_2236 = vector.load %arg1[%get3A_2234, %get3A_2235] : memref<4096x1024xf32, #tpu.memory_space<vmem>>, vector<128x128xf32>
    %eq3A_2237 = arith.cmpf oeq, %get3A_2236, %max3A_2211 : vector<128x128xf32>
    %jit3A_2238 = arith.constant 2.000000e+00 : f32
    %jit3A_2239 = arith.constant 8.000000e+00 : f32
    %broadcast_in_dim3A_2240 = vector.broadcast %jit3A_2238 : f32 to vector<128x128xf32>
    %broadcast_in_dim3A_2241 = vector.broadcast %jit3A_2239 : f32 to vector<128x128xf32>
    %select_n3A_2242 = arith.select %eq3A_2237, %broadcast_in_dim3A_2240, %broadcast_in_dim3A_2241 : vector<128x128xi1>, vector<128x128xf32>
    %min3A_2243 = arith.minimumf %min3A_2233, %select_n3A_2242 : vector<128x128xf32>
    %get3A_2244 = arith.constant 2176 : index
    %get3A_2245 = arith.constant 384 : index
    %get3A_2246 = vector.load %arg1[%get3A_2244, %get3A_2245] : memref<4096x1024xf32, #tpu.memory_space<vmem>>, vector<128x128xf32>
    %eq3A_2247 = arith.cmpf oeq, %get3A_2246, %max3A_2211 : vector<128x128xf32>
    %jit3A_2248 = arith.constant 3.000000e+00 : f32
    %jit3A_2249 = arith.constant 8.000000e+00 : f32
    %broadcast_in_dim3A_2250 = vector.broadcast %jit3A_2248 : f32 to vector<128x128xf32>
    %broadcast_in_dim3A_2251 = vector.broadcast %jit3A_2249 : f32 to vector<128x128xf32>
    %select_n3A_2252 = arith.select %eq3A_2247, %broadcast_in_dim3A_2250, %broadcast_in_dim3A_2251 : vector<128x128xi1>, vector<128x128xf32>
    %min3A_2253 = arith.minimumf %min3A_2243, %select_n3A_2252 : vector<128x128xf32>
    %get3A_2254 = arith.constant 2176 : index
    %get3A_2255 = arith.constant 512 : index
    %get3A_2256 = vector.load %arg1[%get3A_2254, %get3A_2255] : memref<4096x1024xf32, #tpu.memory_space<vmem>>, vector<128x128xf32>
    %eq3A_2257 = arith.cmpf oeq, %get3A_2256, %max3A_2211 : vector<128x128xf32>
    %jit3A_2258 = arith.constant 4.000000e+00 : f32
    %jit3A_2259 = arith.constant 8.000000e+00 : f32
    %broadcast_in_dim3A_2260 = vector.broadcast %jit3A_2258 : f32 to vector<128x128xf32>
    %broadcast_in_dim3A_2261 = vector.broadcast %jit3A_2259 : f32 to vector<128x128xf32>
    %select_n3A_2262 = arith.select %eq3A_2257, %broadcast_in_dim3A_2260, %broadcast_in_dim3A_2261 : vector<128x128xi1>, vector<128x128xf32>
    %min3A_2263 = arith.minimumf %min3A_2253, %select_n3A_2262 : vector<128x128xf32>
    %get3A_2264 = arith.constant 2176 : index
    %get3A_2265 = arith.constant 640 : index
    %get3A_2266 = vector.load %arg1[%get3A_2264, %get3A_2265] : memref<4096x1024xf32, #tpu.memory_space<vmem>>, vector<128x128xf32>
    %eq3A_2267 = arith.cmpf oeq, %get3A_2266, %max3A_2211 : vector<128x128xf32>
    %jit3A_2268 = arith.constant 5.000000e+00 : f32
    %jit3A_2269 = arith.constant 8.000000e+00 : f32
    %broadcast_in_dim3A_2270 = vector.broadcast %jit3A_2268 : f32 to vector<128x128xf32>
    %broadcast_in_dim3A_2271 = vector.broadcast %jit3A_2269 : f32 to vector<128x128xf32>
    %select_n3A_2272 = arith.select %eq3A_2267, %broadcast_in_dim3A_2270, %broadcast_in_dim3A_2271 : vector<128x128xi1>, vector<128x128xf32>
    %min3A_2273 = arith.minimumf %min3A_2263, %select_n3A_2272 : vector<128x128xf32>
    %get3A_2274 = arith.constant 2176 : index
    %get3A_2275 = arith.constant 768 : index
    %get3A_2276 = vector.load %arg1[%get3A_2274, %get3A_2275] : memref<4096x1024xf32, #tpu.memory_space<vmem>>, vector<128x128xf32>
    %eq3A_2277 = arith.cmpf oeq, %get3A_2276, %max3A_2211 : vector<128x128xf32>
    %jit3A_2278 = arith.constant 6.000000e+00 : f32
    %jit3A_2279 = arith.constant 8.000000e+00 : f32
    %broadcast_in_dim3A_2280 = vector.broadcast %jit3A_2278 : f32 to vector<128x128xf32>
    %broadcast_in_dim3A_2281 = vector.broadcast %jit3A_2279 : f32 to vector<128x128xf32>
    %select_n3A_2282 = arith.select %eq3A_2277, %broadcast_in_dim3A_2280, %broadcast_in_dim3A_2281 : vector<128x128xi1>, vector<128x128xf32>
    %min3A_2283 = arith.minimumf %min3A_2273, %select_n3A_2282 : vector<128x128xf32>
    %get3A_2284 = arith.constant 2176 : index
    %get3A_2285 = arith.constant 896 : index
    %get3A_2286 = vector.load %arg1[%get3A_2284, %get3A_2285] : memref<4096x1024xf32, #tpu.memory_space<vmem>>, vector<128x128xf32>
    %eq3A_2287 = arith.cmpf oeq, %get3A_2286, %max3A_2211 : vector<128x128xf32>
    %jit3A_2288 = arith.constant 7.000000e+00 : f32
    %jit3A_2289 = arith.constant 8.000000e+00 : f32
    %broadcast_in_dim3A_2290 = vector.broadcast %jit3A_2288 : f32 to vector<128x128xf32>
    %broadcast_in_dim3A_2291 = vector.broadcast %jit3A_2289 : f32 to vector<128x128xf32>
    %select_n3A_2292 = arith.select %eq3A_2287, %broadcast_in_dim3A_2290, %broadcast_in_dim3A_2291 : vector<128x128xi1>, vector<128x128xf32>
    %min3A_2293 = arith.minimumf %min3A_2283, %select_n3A_2292 : vector<128x128xf32>
    %reduce_max3A_2294 = arith.constant dense<0xFF800000> : vector<128xf32>
    %reduce_max3A_2295 = vector.multi_reduction <maximumf>, %max3A_2211, %reduce_max3A_2294 [1] : vector<128x128xf32> to vector<128xf32>
    %broadcast_in_dim3A_2296 = vector.shape_cast %reduce_max3A_2295 : vector<128xf32> to vector<128x1xf32>
    %eq3A_2297 = vector.broadcast %broadcast_in_dim3A_2296 : vector<128x1xf32> to vector<128x128xf32>
    %eq3A_2298 = arith.cmpf oeq, %max3A_2211, %eq3A_2297 : vector<128x128xf32>
    %mul3A_2299 = arith.constant 1.280000e+02 : f32
    %mul3A_2300 = vector.broadcast %mul3A_2299 : f32 to vector<128x128xf32>
    %mul3A_2301 = arith.mulf %min3A_2293, %mul3A_2300 : vector<128x128xf32>
    %add3A_2302 = arith.addf %mul3A_2301, %convert_element_type3A : vector<128x128xf32>
    %jit3A_2303 = arith.constant 2.048000e+03 : f32
    %broadcast_in_dim3A_2304 = vector.broadcast %jit3A_2303 : f32 to vector<128x128xf32>
    %select_n3A_2305 = arith.select %eq3A_2298, %add3A_2302, %broadcast_in_dim3A_2304 : vector<128x128xi1>, vector<128x128xf32>
    %reduce_min3A_2306 = arith.constant dense<0x7F800000> : vector<128xf32>
    %reduce_min3A_2307 = vector.multi_reduction <minimumf>, %select_n3A_2305, %reduce_min3A_2306 [1] : vector<128x128xf32> to vector<128xf32>
    %broadcast_in_dim3A_2308 = vector.shape_cast %reduce_min3A_2307 : vector<128xf32> to vector<128x1xf32>
    %transpose3A_2309 = tpu.transpose %broadcast_in_dim3A_2308, [1, 0] : vector<128x1xf32> -> vector<1x128xf32>
    %get3A_2310 = arith.constant 2304 : index
    %get3A_2311 = arith.constant 0 : index
    %get3A_2312 = vector.load %arg1[%get3A_2310, %get3A_2311] : memref<4096x1024xf32, #tpu.memory_space<vmem>>, vector<128x128xf32>
    %get3A_2313 = arith.constant 2304 : index
    %get3A_2314 = arith.constant 128 : index
    %get3A_2315 = vector.load %arg1[%get3A_2313, %get3A_2314] : memref<4096x1024xf32, #tpu.memory_space<vmem>>, vector<128x128xf32>
    %max3A_2316 = arith.maximumf %get3A_2312, %get3A_2315 : vector<128x128xf32>
    %get3A_2317 = arith.constant 2304 : index
    %get3A_2318 = arith.constant 256 : index
    %get3A_2319 = vector.load %arg1[%get3A_2317, %get3A_2318] : memref<4096x1024xf32, #tpu.memory_space<vmem>>, vector<128x128xf32>
    %max3A_2320 = arith.maximumf %max3A_2316, %get3A_2319 : vector<128x128xf32>
    %get3A_2321 = arith.constant 2304 : index
    %get3A_2322 = arith.constant 384 : index
    %get3A_2323 = vector.load %arg1[%get3A_2321, %get3A_2322] : memref<4096x1024xf32, #tpu.memory_space<vmem>>, vector<128x128xf32>
    %max3A_2324 = arith.maximumf %max3A_2320, %get3A_2323 : vector<128x128xf32>
    %get3A_2325 = arith.constant 2304 : index
    %get3A_2326 = arith.constant 512 : index
    %get3A_2327 = vector.load %arg1[%get3A_2325, %get3A_2326] : memref<4096x1024xf32, #tpu.memory_space<vmem>>, vector<128x128xf32>
    %max3A_2328 = arith.maximumf %max3A_2324, %get3A_2327 : vector<128x128xf32>
    %get3A_2329 = arith.constant 2304 : index
    %get3A_2330 = arith.constant 640 : index
    %get3A_2331 = vector.load %arg1[%get3A_2329, %get3A_2330] : memref<4096x1024xf32, #tpu.memory_space<vmem>>, vector<128x128xf32>
    %max3A_2332 = arith.maximumf %max3A_2328, %get3A_2331 : vector<128x128xf32>
    %get3A_2333 = arith.constant 2304 : index
    %get3A_2334 = arith.constant 768 : index
    %get3A_2335 = vector.load %arg1[%get3A_2333, %get3A_2334] : memref<4096x1024xf32, #tpu.memory_space<vmem>>, vector<128x128xf32>
    %max3A_2336 = arith.maximumf %max3A_2332, %get3A_2335 : vector<128x128xf32>
    %get3A_2337 = arith.constant 2304 : index
    %get3A_2338 = arith.constant 896 : index
    %get3A_2339 = vector.load %arg1[%get3A_2337, %get3A_2338] : memref<4096x1024xf32, #tpu.memory_space<vmem>>, vector<128x128xf32>
    %max3A_2340 = arith.maximumf %max3A_2336, %get3A_2339 : vector<128x128xf32>
    %broadcast_in_dim3A_2341 = arith.constant 8.000000e+00 : f32
    %broadcast_in_dim3A_2342 = vector.broadcast %broadcast_in_dim3A_2341 : f32 to vector<128x128xf32>
    %get3A_2343 = arith.constant 2304 : index
    %get3A_2344 = arith.constant 0 : index
    %get3A_2345 = vector.load %arg1[%get3A_2343, %get3A_2344] : memref<4096x1024xf32, #tpu.memory_space<vmem>>, vector<128x128xf32>
    %eq3A_2346 = arith.cmpf oeq, %get3A_2345, %max3A_2340 : vector<128x128xf32>
    %jit3A_2347 = arith.constant 0.000000e+00 : f32
    %jit3A_2348 = arith.constant 8.000000e+00 : f32
    %broadcast_in_dim3A_2349 = vector.broadcast %jit3A_2347 : f32 to vector<128x128xf32>
    %broadcast_in_dim3A_2350 = vector.broadcast %jit3A_2348 : f32 to vector<128x128xf32>
    %select_n3A_2351 = arith.select %eq3A_2346, %broadcast_in_dim3A_2349, %broadcast_in_dim3A_2350 : vector<128x128xi1>, vector<128x128xf32>
    %min3A_2352 = arith.minimumf %broadcast_in_dim3A_2342, %select_n3A_2351 : vector<128x128xf32>
    %get3A_2353 = arith.constant 2304 : index
    %get3A_2354 = arith.constant 128 : index
    %get3A_2355 = vector.load %arg1[%get3A_2353, %get3A_2354] : memref<4096x1024xf32, #tpu.memory_space<vmem>>, vector<128x128xf32>
    %eq3A_2356 = arith.cmpf oeq, %get3A_2355, %max3A_2340 : vector<128x128xf32>
    %jit3A_2357 = arith.constant 1.000000e+00 : f32
    %jit3A_2358 = arith.constant 8.000000e+00 : f32
    %broadcast_in_dim3A_2359 = vector.broadcast %jit3A_2357 : f32 to vector<128x128xf32>
    %broadcast_in_dim3A_2360 = vector.broadcast %jit3A_2358 : f32 to vector<128x128xf32>
    %select_n3A_2361 = arith.select %eq3A_2356, %broadcast_in_dim3A_2359, %broadcast_in_dim3A_2360 : vector<128x128xi1>, vector<128x128xf32>
    %min3A_2362 = arith.minimumf %min3A_2352, %select_n3A_2361 : vector<128x128xf32>
    %get3A_2363 = arith.constant 2304 : index
    %get3A_2364 = arith.constant 256 : index
    %get3A_2365 = vector.load %arg1[%get3A_2363, %get3A_2364] : memref<4096x1024xf32, #tpu.memory_space<vmem>>, vector<128x128xf32>
    %eq3A_2366 = arith.cmpf oeq, %get3A_2365, %max3A_2340 : vector<128x128xf32>
    %jit3A_2367 = arith.constant 2.000000e+00 : f32
    %jit3A_2368 = arith.constant 8.000000e+00 : f32
    %broadcast_in_dim3A_2369 = vector.broadcast %jit3A_2367 : f32 to vector<128x128xf32>
    %broadcast_in_dim3A_2370 = vector.broadcast %jit3A_2368 : f32 to vector<128x128xf32>
    %select_n3A_2371 = arith.select %eq3A_2366, %broadcast_in_dim3A_2369, %broadcast_in_dim3A_2370 : vector<128x128xi1>, vector<128x128xf32>
    %min3A_2372 = arith.minimumf %min3A_2362, %select_n3A_2371 : vector<128x128xf32>
    %get3A_2373 = arith.constant 2304 : index
    %get3A_2374 = arith.constant 384 : index
    %get3A_2375 = vector.load %arg1[%get3A_2373, %get3A_2374] : memref<4096x1024xf32, #tpu.memory_space<vmem>>, vector<128x128xf32>
    %eq3A_2376 = arith.cmpf oeq, %get3A_2375, %max3A_2340 : vector<128x128xf32>
    %jit3A_2377 = arith.constant 3.000000e+00 : f32
    %jit3A_2378 = arith.constant 8.000000e+00 : f32
    %broadcast_in_dim3A_2379 = vector.broadcast %jit3A_2377 : f32 to vector<128x128xf32>
    %broadcast_in_dim3A_2380 = vector.broadcast %jit3A_2378 : f32 to vector<128x128xf32>
    %select_n3A_2381 = arith.select %eq3A_2376, %broadcast_in_dim3A_2379, %broadcast_in_dim3A_2380 : vector<128x128xi1>, vector<128x128xf32>
    %min3A_2382 = arith.minimumf %min3A_2372, %select_n3A_2381 : vector<128x128xf32>
    %get3A_2383 = arith.constant 2304 : index
    %get3A_2384 = arith.constant 512 : index
    %get3A_2385 = vector.load %arg1[%get3A_2383, %get3A_2384] : memref<4096x1024xf32, #tpu.memory_space<vmem>>, vector<128x128xf32>
    %eq3A_2386 = arith.cmpf oeq, %get3A_2385, %max3A_2340 : vector<128x128xf32>
    %jit3A_2387 = arith.constant 4.000000e+00 : f32
    %jit3A_2388 = arith.constant 8.000000e+00 : f32
    %broadcast_in_dim3A_2389 = vector.broadcast %jit3A_2387 : f32 to vector<128x128xf32>
    %broadcast_in_dim3A_2390 = vector.broadcast %jit3A_2388 : f32 to vector<128x128xf32>
    %select_n3A_2391 = arith.select %eq3A_2386, %broadcast_in_dim3A_2389, %broadcast_in_dim3A_2390 : vector<128x128xi1>, vector<128x128xf32>
    %min3A_2392 = arith.minimumf %min3A_2382, %select_n3A_2391 : vector<128x128xf32>
    %get3A_2393 = arith.constant 2304 : index
    %get3A_2394 = arith.constant 640 : index
    %get3A_2395 = vector.load %arg1[%get3A_2393, %get3A_2394] : memref<4096x1024xf32, #tpu.memory_space<vmem>>, vector<128x128xf32>
    %eq3A_2396 = arith.cmpf oeq, %get3A_2395, %max3A_2340 : vector<128x128xf32>
    %jit3A_2397 = arith.constant 5.000000e+00 : f32
    %jit3A_2398 = arith.constant 8.000000e+00 : f32
    %broadcast_in_dim3A_2399 = vector.broadcast %jit3A_2397 : f32 to vector<128x128xf32>
    %broadcast_in_dim3A_2400 = vector.broadcast %jit3A_2398 : f32 to vector<128x128xf32>
    %select_n3A_2401 = arith.select %eq3A_2396, %broadcast_in_dim3A_2399, %broadcast_in_dim3A_2400 : vector<128x128xi1>, vector<128x128xf32>
    %min3A_2402 = arith.minimumf %min3A_2392, %select_n3A_2401 : vector<128x128xf32>
    %get3A_2403 = arith.constant 2304 : index
    %get3A_2404 = arith.constant 768 : index
    %get3A_2405 = vector.load %arg1[%get3A_2403, %get3A_2404] : memref<4096x1024xf32, #tpu.memory_space<vmem>>, vector<128x128xf32>
    %eq3A_2406 = arith.cmpf oeq, %get3A_2405, %max3A_2340 : vector<128x128xf32>
    %jit3A_2407 = arith.constant 6.000000e+00 : f32
    %jit3A_2408 = arith.constant 8.000000e+00 : f32
    %broadcast_in_dim3A_2409 = vector.broadcast %jit3A_2407 : f32 to vector<128x128xf32>
    %broadcast_in_dim3A_2410 = vector.broadcast %jit3A_2408 : f32 to vector<128x128xf32>
    %select_n3A_2411 = arith.select %eq3A_2406, %broadcast_in_dim3A_2409, %broadcast_in_dim3A_2410 : vector<128x128xi1>, vector<128x128xf32>
    %min3A_2412 = arith.minimumf %min3A_2402, %select_n3A_2411 : vector<128x128xf32>
    %get3A_2413 = arith.constant 2304 : index
    %get3A_2414 = arith.constant 896 : index
    %get3A_2415 = vector.load %arg1[%get3A_2413, %get3A_2414] : memref<4096x1024xf32, #tpu.memory_space<vmem>>, vector<128x128xf32>
    %eq3A_2416 = arith.cmpf oeq, %get3A_2415, %max3A_2340 : vector<128x128xf32>
    %jit3A_2417 = arith.constant 7.000000e+00 : f32
    %jit3A_2418 = arith.constant 8.000000e+00 : f32
    %broadcast_in_dim3A_2419 = vector.broadcast %jit3A_2417 : f32 to vector<128x128xf32>
    %broadcast_in_dim3A_2420 = vector.broadcast %jit3A_2418 : f32 to vector<128x128xf32>
    %select_n3A_2421 = arith.select %eq3A_2416, %broadcast_in_dim3A_2419, %broadcast_in_dim3A_2420 : vector<128x128xi1>, vector<128x128xf32>
    %min3A_2422 = arith.minimumf %min3A_2412, %select_n3A_2421 : vector<128x128xf32>
    %reduce_max3A_2423 = arith.constant dense<0xFF800000> : vector<128xf32>
    %reduce_max3A_2424 = vector.multi_reduction <maximumf>, %max3A_2340, %reduce_max3A_2423 [1] : vector<128x128xf32> to vector<128xf32>
    %broadcast_in_dim3A_2425 = vector.shape_cast %reduce_max3A_2424 : vector<128xf32> to vector<128x1xf32>
    %eq3A_2426 = vector.broadcast %broadcast_in_dim3A_2425 : vector<128x1xf32> to vector<128x128xf32>
    %eq3A_2427 = arith.cmpf oeq, %max3A_2340, %eq3A_2426 : vector<128x128xf32>
    %mul3A_2428 = arith.constant 1.280000e+02 : f32
    %mul3A_2429 = vector.broadcast %mul3A_2428 : f32 to vector<128x128xf32>
    %mul3A_2430 = arith.mulf %min3A_2422, %mul3A_2429 : vector<128x128xf32>
    %add3A_2431 = arith.addf %mul3A_2430, %convert_element_type3A : vector<128x128xf32>
    %jit3A_2432 = arith.constant 2.048000e+03 : f32
    %broadcast_in_dim3A_2433 = vector.broadcast %jit3A_2432 : f32 to vector<128x128xf32>
    %select_n3A_2434 = arith.select %eq3A_2427, %add3A_2431, %broadcast_in_dim3A_2433 : vector<128x128xi1>, vector<128x128xf32>
    %reduce_min3A_2435 = arith.constant dense<0x7F800000> : vector<128xf32>
    %reduce_min3A_2436 = vector.multi_reduction <minimumf>, %select_n3A_2434, %reduce_min3A_2435 [1] : vector<128x128xf32> to vector<128xf32>
    %broadcast_in_dim3A_2437 = vector.shape_cast %reduce_min3A_2436 : vector<128xf32> to vector<128x1xf32>
    %transpose3A_2438 = tpu.transpose %broadcast_in_dim3A_2437, [1, 0] : vector<128x1xf32> -> vector<1x128xf32>
    %get3A_2439 = arith.constant 2432 : index
    %get3A_2440 = arith.constant 0 : index
    %get3A_2441 = vector.load %arg1[%get3A_2439, %get3A_2440] : memref<4096x1024xf32, #tpu.memory_space<vmem>>, vector<128x128xf32>
    %get3A_2442 = arith.constant 2432 : index
    %get3A_2443 = arith.constant 128 : index
    %get3A_2444 = vector.load %arg1[%get3A_2442, %get3A_2443] : memref<4096x1024xf32, #tpu.memory_space<vmem>>, vector<128x128xf32>
    %max3A_2445 = arith.maximumf %get3A_2441, %get3A_2444 : vector<128x128xf32>
    %get3A_2446 = arith.constant 2432 : index
    %get3A_2447 = arith.constant 256 : index
    %get3A_2448 = vector.load %arg1[%get3A_2446, %get3A_2447] : memref<4096x1024xf32, #tpu.memory_space<vmem>>, vector<128x128xf32>
    %max3A_2449 = arith.maximumf %max3A_2445, %get3A_2448 : vector<128x128xf32>
    %get3A_2450 = arith.constant 2432 : index
    %get3A_2451 = arith.constant 384 : index
    %get3A_2452 = vector.load %arg1[%get3A_2450, %get3A_2451] : memref<4096x1024xf32, #tpu.memory_space<vmem>>, vector<128x128xf32>
    %max3A_2453 = arith.maximumf %max3A_2449, %get3A_2452 : vector<128x128xf32>
    %get3A_2454 = arith.constant 2432 : index
    %get3A_2455 = arith.constant 512 : index
    %get3A_2456 = vector.load %arg1[%get3A_2454, %get3A_2455] : memref<4096x1024xf32, #tpu.memory_space<vmem>>, vector<128x128xf32>
    %max3A_2457 = arith.maximumf %max3A_2453, %get3A_2456 : vector<128x128xf32>
    %get3A_2458 = arith.constant 2432 : index
    %get3A_2459 = arith.constant 640 : index
    %get3A_2460 = vector.load %arg1[%get3A_2458, %get3A_2459] : memref<4096x1024xf32, #tpu.memory_space<vmem>>, vector<128x128xf32>
    %max3A_2461 = arith.maximumf %max3A_2457, %get3A_2460 : vector<128x128xf32>
    %get3A_2462 = arith.constant 2432 : index
    %get3A_2463 = arith.constant 768 : index
    %get3A_2464 = vector.load %arg1[%get3A_2462, %get3A_2463] : memref<4096x1024xf32, #tpu.memory_space<vmem>>, vector<128x128xf32>
    %max3A_2465 = arith.maximumf %max3A_2461, %get3A_2464 : vector<128x128xf32>
    %get3A_2466 = arith.constant 2432 : index
    %get3A_2467 = arith.constant 896 : index
    %get3A_2468 = vector.load %arg1[%get3A_2466, %get3A_2467] : memref<4096x1024xf32, #tpu.memory_space<vmem>>, vector<128x128xf32>
    %max3A_2469 = arith.maximumf %max3A_2465, %get3A_2468 : vector<128x128xf32>
    %broadcast_in_dim3A_2470 = arith.constant 8.000000e+00 : f32
    %broadcast_in_dim3A_2471 = vector.broadcast %broadcast_in_dim3A_2470 : f32 to vector<128x128xf32>
    %get3A_2472 = arith.constant 2432 : index
    %get3A_2473 = arith.constant 0 : index
    %get3A_2474 = vector.load %arg1[%get3A_2472, %get3A_2473] : memref<4096x1024xf32, #tpu.memory_space<vmem>>, vector<128x128xf32>
    %eq3A_2475 = arith.cmpf oeq, %get3A_2474, %max3A_2469 : vector<128x128xf32>
    %jit3A_2476 = arith.constant 0.000000e+00 : f32
    %jit3A_2477 = arith.constant 8.000000e+00 : f32
    %broadcast_in_dim3A_2478 = vector.broadcast %jit3A_2476 : f32 to vector<128x128xf32>
    %broadcast_in_dim3A_2479 = vector.broadcast %jit3A_2477 : f32 to vector<128x128xf32>
    %select_n3A_2480 = arith.select %eq3A_2475, %broadcast_in_dim3A_2478, %broadcast_in_dim3A_2479 : vector<128x128xi1>, vector<128x128xf32>
    %min3A_2481 = arith.minimumf %broadcast_in_dim3A_2471, %select_n3A_2480 : vector<128x128xf32>
    %get3A_2482 = arith.constant 2432 : index
    %get3A_2483 = arith.constant 128 : index
    %get3A_2484 = vector.load %arg1[%get3A_2482, %get3A_2483] : memref<4096x1024xf32, #tpu.memory_space<vmem>>, vector<128x128xf32>
    %eq3A_2485 = arith.cmpf oeq, %get3A_2484, %max3A_2469 : vector<128x128xf32>
    %jit3A_2486 = arith.constant 1.000000e+00 : f32
    %jit3A_2487 = arith.constant 8.000000e+00 : f32
    %broadcast_in_dim3A_2488 = vector.broadcast %jit3A_2486 : f32 to vector<128x128xf32>
    %broadcast_in_dim3A_2489 = vector.broadcast %jit3A_2487 : f32 to vector<128x128xf32>
    %select_n3A_2490 = arith.select %eq3A_2485, %broadcast_in_dim3A_2488, %broadcast_in_dim3A_2489 : vector<128x128xi1>, vector<128x128xf32>
    %min3A_2491 = arith.minimumf %min3A_2481, %select_n3A_2490 : vector<128x128xf32>
    %get3A_2492 = arith.constant 2432 : index
    %get3A_2493 = arith.constant 256 : index
    %get3A_2494 = vector.load %arg1[%get3A_2492, %get3A_2493] : memref<4096x1024xf32, #tpu.memory_space<vmem>>, vector<128x128xf32>
    %eq3A_2495 = arith.cmpf oeq, %get3A_2494, %max3A_2469 : vector<128x128xf32>
    %jit3A_2496 = arith.constant 2.000000e+00 : f32
    %jit3A_2497 = arith.constant 8.000000e+00 : f32
    %broadcast_in_dim3A_2498 = vector.broadcast %jit3A_2496 : f32 to vector<128x128xf32>
    %broadcast_in_dim3A_2499 = vector.broadcast %jit3A_2497 : f32 to vector<128x128xf32>
    %select_n3A_2500 = arith.select %eq3A_2495, %broadcast_in_dim3A_2498, %broadcast_in_dim3A_2499 : vector<128x128xi1>, vector<128x128xf32>
    %min3A_2501 = arith.minimumf %min3A_2491, %select_n3A_2500 : vector<128x128xf32>
    %get3A_2502 = arith.constant 2432 : index
    %get3A_2503 = arith.constant 384 : index
    %get3A_2504 = vector.load %arg1[%get3A_2502, %get3A_2503] : memref<4096x1024xf32, #tpu.memory_space<vmem>>, vector<128x128xf32>
    %eq3A_2505 = arith.cmpf oeq, %get3A_2504, %max3A_2469 : vector<128x128xf32>
    %jit3A_2506 = arith.constant 3.000000e+00 : f32
    %jit3A_2507 = arith.constant 8.000000e+00 : f32
    %broadcast_in_dim3A_2508 = vector.broadcast %jit3A_2506 : f32 to vector<128x128xf32>
    %broadcast_in_dim3A_2509 = vector.broadcast %jit3A_2507 : f32 to vector<128x128xf32>
    %select_n3A_2510 = arith.select %eq3A_2505, %broadcast_in_dim3A_2508, %broadcast_in_dim3A_2509 : vector<128x128xi1>, vector<128x128xf32>
    %min3A_2511 = arith.minimumf %min3A_2501, %select_n3A_2510 : vector<128x128xf32>
    %get3A_2512 = arith.constant 2432 : index
    %get3A_2513 = arith.constant 512 : index
    %get3A_2514 = vector.load %arg1[%get3A_2512, %get3A_2513] : memref<4096x1024xf32, #tpu.memory_space<vmem>>, vector<128x128xf32>
    %eq3A_2515 = arith.cmpf oeq, %get3A_2514, %max3A_2469 : vector<128x128xf32>
    %jit3A_2516 = arith.constant 4.000000e+00 : f32
    %jit3A_2517 = arith.constant 8.000000e+00 : f32
    %broadcast_in_dim3A_2518 = vector.broadcast %jit3A_2516 : f32 to vector<128x128xf32>
    %broadcast_in_dim3A_2519 = vector.broadcast %jit3A_2517 : f32 to vector<128x128xf32>
    %select_n3A_2520 = arith.select %eq3A_2515, %broadcast_in_dim3A_2518, %broadcast_in_dim3A_2519 : vector<128x128xi1>, vector<128x128xf32>
    %min3A_2521 = arith.minimumf %min3A_2511, %select_n3A_2520 : vector<128x128xf32>
    %get3A_2522 = arith.constant 2432 : index
    %get3A_2523 = arith.constant 640 : index
    %get3A_2524 = vector.load %arg1[%get3A_2522, %get3A_2523] : memref<4096x1024xf32, #tpu.memory_space<vmem>>, vector<128x128xf32>
    %eq3A_2525 = arith.cmpf oeq, %get3A_2524, %max3A_2469 : vector<128x128xf32>
    %jit3A_2526 = arith.constant 5.000000e+00 : f32
    %jit3A_2527 = arith.constant 8.000000e+00 : f32
    %broadcast_in_dim3A_2528 = vector.broadcast %jit3A_2526 : f32 to vector<128x128xf32>
    %broadcast_in_dim3A_2529 = vector.broadcast %jit3A_2527 : f32 to vector<128x128xf32>
    %select_n3A_2530 = arith.select %eq3A_2525, %broadcast_in_dim3A_2528, %broadcast_in_dim3A_2529 : vector<128x128xi1>, vector<128x128xf32>
    %min3A_2531 = arith.minimumf %min3A_2521, %select_n3A_2530 : vector<128x128xf32>
    %get3A_2532 = arith.constant 2432 : index
    %get3A_2533 = arith.constant 768 : index
    %get3A_2534 = vector.load %arg1[%get3A_2532, %get3A_2533] : memref<4096x1024xf32, #tpu.memory_space<vmem>>, vector<128x128xf32>
    %eq3A_2535 = arith.cmpf oeq, %get3A_2534, %max3A_2469 : vector<128x128xf32>
    %jit3A_2536 = arith.constant 6.000000e+00 : f32
    %jit3A_2537 = arith.constant 8.000000e+00 : f32
    %broadcast_in_dim3A_2538 = vector.broadcast %jit3A_2536 : f32 to vector<128x128xf32>
    %broadcast_in_dim3A_2539 = vector.broadcast %jit3A_2537 : f32 to vector<128x128xf32>
    %select_n3A_2540 = arith.select %eq3A_2535, %broadcast_in_dim3A_2538, %broadcast_in_dim3A_2539 : vector<128x128xi1>, vector<128x128xf32>
    %min3A_2541 = arith.minimumf %min3A_2531, %select_n3A_2540 : vector<128x128xf32>
    %get3A_2542 = arith.constant 2432 : index
    %get3A_2543 = arith.constant 896 : index
    %get3A_2544 = vector.load %arg1[%get3A_2542, %get3A_2543] : memref<4096x1024xf32, #tpu.memory_space<vmem>>, vector<128x128xf32>
    %eq3A_2545 = arith.cmpf oeq, %get3A_2544, %max3A_2469 : vector<128x128xf32>
    %jit3A_2546 = arith.constant 7.000000e+00 : f32
    %jit3A_2547 = arith.constant 8.000000e+00 : f32
    %broadcast_in_dim3A_2548 = vector.broadcast %jit3A_2546 : f32 to vector<128x128xf32>
    %broadcast_in_dim3A_2549 = vector.broadcast %jit3A_2547 : f32 to vector<128x128xf32>
    %select_n3A_2550 = arith.select %eq3A_2545, %broadcast_in_dim3A_2548, %broadcast_in_dim3A_2549 : vector<128x128xi1>, vector<128x128xf32>
    %min3A_2551 = arith.minimumf %min3A_2541, %select_n3A_2550 : vector<128x128xf32>
    %reduce_max3A_2552 = arith.constant dense<0xFF800000> : vector<128xf32>
    %reduce_max3A_2553 = vector.multi_reduction <maximumf>, %max3A_2469, %reduce_max3A_2552 [1] : vector<128x128xf32> to vector<128xf32>
    %broadcast_in_dim3A_2554 = vector.shape_cast %reduce_max3A_2553 : vector<128xf32> to vector<128x1xf32>
    %eq3A_2555 = vector.broadcast %broadcast_in_dim3A_2554 : vector<128x1xf32> to vector<128x128xf32>
    %eq3A_2556 = arith.cmpf oeq, %max3A_2469, %eq3A_2555 : vector<128x128xf32>
    %mul3A_2557 = arith.constant 1.280000e+02 : f32
    %mul3A_2558 = vector.broadcast %mul3A_2557 : f32 to vector<128x128xf32>
    %mul3A_2559 = arith.mulf %min3A_2551, %mul3A_2558 : vector<128x128xf32>
    %add3A_2560 = arith.addf %mul3A_2559, %convert_element_type3A : vector<128x128xf32>
    %jit3A_2561 = arith.constant 2.048000e+03 : f32
    %broadcast_in_dim3A_2562 = vector.broadcast %jit3A_2561 : f32 to vector<128x128xf32>
    %select_n3A_2563 = arith.select %eq3A_2556, %add3A_2560, %broadcast_in_dim3A_2562 : vector<128x128xi1>, vector<128x128xf32>
    %reduce_min3A_2564 = arith.constant dense<0x7F800000> : vector<128xf32>
    %reduce_min3A_2565 = vector.multi_reduction <minimumf>, %select_n3A_2563, %reduce_min3A_2564 [1] : vector<128x128xf32> to vector<128xf32>
    %broadcast_in_dim3A_2566 = vector.shape_cast %reduce_min3A_2565 : vector<128xf32> to vector<128x1xf32>
    %transpose3A_2567 = tpu.transpose %broadcast_in_dim3A_2566, [1, 0] : vector<128x1xf32> -> vector<1x128xf32>
    %get3A_2568 = arith.constant 2560 : index
    %get3A_2569 = arith.constant 0 : index
    %get3A_2570 = vector.load %arg1[%get3A_2568, %get3A_2569] : memref<4096x1024xf32, #tpu.memory_space<vmem>>, vector<128x128xf32>
    %get3A_2571 = arith.constant 2560 : index
    %get3A_2572 = arith.constant 128 : index
    %get3A_2573 = vector.load %arg1[%get3A_2571, %get3A_2572] : memref<4096x1024xf32, #tpu.memory_space<vmem>>, vector<128x128xf32>
    %max3A_2574 = arith.maximumf %get3A_2570, %get3A_2573 : vector<128x128xf32>
    %get3A_2575 = arith.constant 2560 : index
    %get3A_2576 = arith.constant 256 : index
    %get3A_2577 = vector.load %arg1[%get3A_2575, %get3A_2576] : memref<4096x1024xf32, #tpu.memory_space<vmem>>, vector<128x128xf32>
    %max3A_2578 = arith.maximumf %max3A_2574, %get3A_2577 : vector<128x128xf32>
    %get3A_2579 = arith.constant 2560 : index
    %get3A_2580 = arith.constant 384 : index
    %get3A_2581 = vector.load %arg1[%get3A_2579, %get3A_2580] : memref<4096x1024xf32, #tpu.memory_space<vmem>>, vector<128x128xf32>
    %max3A_2582 = arith.maximumf %max3A_2578, %get3A_2581 : vector<128x128xf32>
    %get3A_2583 = arith.constant 2560 : index
    %get3A_2584 = arith.constant 512 : index
    %get3A_2585 = vector.load %arg1[%get3A_2583, %get3A_2584] : memref<4096x1024xf32, #tpu.memory_space<vmem>>, vector<128x128xf32>
    %max3A_2586 = arith.maximumf %max3A_2582, %get3A_2585 : vector<128x128xf32>
    %get3A_2587 = arith.constant 2560 : index
    %get3A_2588 = arith.constant 640 : index
    %get3A_2589 = vector.load %arg1[%get3A_2587, %get3A_2588] : memref<4096x1024xf32, #tpu.memory_space<vmem>>, vector<128x128xf32>
    %max3A_2590 = arith.maximumf %max3A_2586, %get3A_2589 : vector<128x128xf32>
    %get3A_2591 = arith.constant 2560 : index
    %get3A_2592 = arith.constant 768 : index
    %get3A_2593 = vector.load %arg1[%get3A_2591, %get3A_2592] : memref<4096x1024xf32, #tpu.memory_space<vmem>>, vector<128x128xf32>
    %max3A_2594 = arith.maximumf %max3A_2590, %get3A_2593 : vector<128x128xf32>
    %get3A_2595 = arith.constant 2560 : index
    %get3A_2596 = arith.constant 896 : index
    %get3A_2597 = vector.load %arg1[%get3A_2595, %get3A_2596] : memref<4096x1024xf32, #tpu.memory_space<vmem>>, vector<128x128xf32>
    %max3A_2598 = arith.maximumf %max3A_2594, %get3A_2597 : vector<128x128xf32>
    %broadcast_in_dim3A_2599 = arith.constant 8.000000e+00 : f32
    %broadcast_in_dim3A_2600 = vector.broadcast %broadcast_in_dim3A_2599 : f32 to vector<128x128xf32>
    %get3A_2601 = arith.constant 2560 : index
    %get3A_2602 = arith.constant 0 : index
    %get3A_2603 = vector.load %arg1[%get3A_2601, %get3A_2602] : memref<4096x1024xf32, #tpu.memory_space<vmem>>, vector<128x128xf32>
    %eq3A_2604 = arith.cmpf oeq, %get3A_2603, %max3A_2598 : vector<128x128xf32>
    %jit3A_2605 = arith.constant 0.000000e+00 : f32
    %jit3A_2606 = arith.constant 8.000000e+00 : f32
    %broadcast_in_dim3A_2607 = vector.broadcast %jit3A_2605 : f32 to vector<128x128xf32>
    %broadcast_in_dim3A_2608 = vector.broadcast %jit3A_2606 : f32 to vector<128x128xf32>
    %select_n3A_2609 = arith.select %eq3A_2604, %broadcast_in_dim3A_2607, %broadcast_in_dim3A_2608 : vector<128x128xi1>, vector<128x128xf32>
    %min3A_2610 = arith.minimumf %broadcast_in_dim3A_2600, %select_n3A_2609 : vector<128x128xf32>
    %get3A_2611 = arith.constant 2560 : index
    %get3A_2612 = arith.constant 128 : index
    %get3A_2613 = vector.load %arg1[%get3A_2611, %get3A_2612] : memref<4096x1024xf32, #tpu.memory_space<vmem>>, vector<128x128xf32>
    %eq3A_2614 = arith.cmpf oeq, %get3A_2613, %max3A_2598 : vector<128x128xf32>
    %jit3A_2615 = arith.constant 1.000000e+00 : f32
    %jit3A_2616 = arith.constant 8.000000e+00 : f32
    %broadcast_in_dim3A_2617 = vector.broadcast %jit3A_2615 : f32 to vector<128x128xf32>
    %broadcast_in_dim3A_2618 = vector.broadcast %jit3A_2616 : f32 to vector<128x128xf32>
    %select_n3A_2619 = arith.select %eq3A_2614, %broadcast_in_dim3A_2617, %broadcast_in_dim3A_2618 : vector<128x128xi1>, vector<128x128xf32>
    %min3A_2620 = arith.minimumf %min3A_2610, %select_n3A_2619 : vector<128x128xf32>
    %get3A_2621 = arith.constant 2560 : index
    %get3A_2622 = arith.constant 256 : index
    %get3A_2623 = vector.load %arg1[%get3A_2621, %get3A_2622] : memref<4096x1024xf32, #tpu.memory_space<vmem>>, vector<128x128xf32>
    %eq3A_2624 = arith.cmpf oeq, %get3A_2623, %max3A_2598 : vector<128x128xf32>
    %jit3A_2625 = arith.constant 2.000000e+00 : f32
    %jit3A_2626 = arith.constant 8.000000e+00 : f32
    %broadcast_in_dim3A_2627 = vector.broadcast %jit3A_2625 : f32 to vector<128x128xf32>
    %broadcast_in_dim3A_2628 = vector.broadcast %jit3A_2626 : f32 to vector<128x128xf32>
    %select_n3A_2629 = arith.select %eq3A_2624, %broadcast_in_dim3A_2627, %broadcast_in_dim3A_2628 : vector<128x128xi1>, vector<128x128xf32>
    %min3A_2630 = arith.minimumf %min3A_2620, %select_n3A_2629 : vector<128x128xf32>
    %get3A_2631 = arith.constant 2560 : index
    %get3A_2632 = arith.constant 384 : index
    %get3A_2633 = vector.load %arg1[%get3A_2631, %get3A_2632] : memref<4096x1024xf32, #tpu.memory_space<vmem>>, vector<128x128xf32>
    %eq3A_2634 = arith.cmpf oeq, %get3A_2633, %max3A_2598 : vector<128x128xf32>
    %jit3A_2635 = arith.constant 3.000000e+00 : f32
    %jit3A_2636 = arith.constant 8.000000e+00 : f32
    %broadcast_in_dim3A_2637 = vector.broadcast %jit3A_2635 : f32 to vector<128x128xf32>
    %broadcast_in_dim3A_2638 = vector.broadcast %jit3A_2636 : f32 to vector<128x128xf32>
    %select_n3A_2639 = arith.select %eq3A_2634, %broadcast_in_dim3A_2637, %broadcast_in_dim3A_2638 : vector<128x128xi1>, vector<128x128xf32>
    %min3A_2640 = arith.minimumf %min3A_2630, %select_n3A_2639 : vector<128x128xf32>
    %get3A_2641 = arith.constant 2560 : index
    %get3A_2642 = arith.constant 512 : index
    %get3A_2643 = vector.load %arg1[%get3A_2641, %get3A_2642] : memref<4096x1024xf32, #tpu.memory_space<vmem>>, vector<128x128xf32>
    %eq3A_2644 = arith.cmpf oeq, %get3A_2643, %max3A_2598 : vector<128x128xf32>
    %jit3A_2645 = arith.constant 4.000000e+00 : f32
    %jit3A_2646 = arith.constant 8.000000e+00 : f32
    %broadcast_in_dim3A_2647 = vector.broadcast %jit3A_2645 : f32 to vector<128x128xf32>
    %broadcast_in_dim3A_2648 = vector.broadcast %jit3A_2646 : f32 to vector<128x128xf32>
    %select_n3A_2649 = arith.select %eq3A_2644, %broadcast_in_dim3A_2647, %broadcast_in_dim3A_2648 : vector<128x128xi1>, vector<128x128xf32>
    %min3A_2650 = arith.minimumf %min3A_2640, %select_n3A_2649 : vector<128x128xf32>
    %get3A_2651 = arith.constant 2560 : index
    %get3A_2652 = arith.constant 640 : index
    %get3A_2653 = vector.load %arg1[%get3A_2651, %get3A_2652] : memref<4096x1024xf32, #tpu.memory_space<vmem>>, vector<128x128xf32>
    %eq3A_2654 = arith.cmpf oeq, %get3A_2653, %max3A_2598 : vector<128x128xf32>
    %jit3A_2655 = arith.constant 5.000000e+00 : f32
    %jit3A_2656 = arith.constant 8.000000e+00 : f32
    %broadcast_in_dim3A_2657 = vector.broadcast %jit3A_2655 : f32 to vector<128x128xf32>
    %broadcast_in_dim3A_2658 = vector.broadcast %jit3A_2656 : f32 to vector<128x128xf32>
    %select_n3A_2659 = arith.select %eq3A_2654, %broadcast_in_dim3A_2657, %broadcast_in_dim3A_2658 : vector<128x128xi1>, vector<128x128xf32>
    %min3A_2660 = arith.minimumf %min3A_2650, %select_n3A_2659 : vector<128x128xf32>
    %get3A_2661 = arith.constant 2560 : index
    %get3A_2662 = arith.constant 768 : index
    %get3A_2663 = vector.load %arg1[%get3A_2661, %get3A_2662] : memref<4096x1024xf32, #tpu.memory_space<vmem>>, vector<128x128xf32>
    %eq3A_2664 = arith.cmpf oeq, %get3A_2663, %max3A_2598 : vector<128x128xf32>
    %jit3A_2665 = arith.constant 6.000000e+00 : f32
    %jit3A_2666 = arith.constant 8.000000e+00 : f32
    %broadcast_in_dim3A_2667 = vector.broadcast %jit3A_2665 : f32 to vector<128x128xf32>
    %broadcast_in_dim3A_2668 = vector.broadcast %jit3A_2666 : f32 to vector<128x128xf32>
    %select_n3A_2669 = arith.select %eq3A_2664, %broadcast_in_dim3A_2667, %broadcast_in_dim3A_2668 : vector<128x128xi1>, vector<128x128xf32>
    %min3A_2670 = arith.minimumf %min3A_2660, %select_n3A_2669 : vector<128x128xf32>
    %get3A_2671 = arith.constant 2560 : index
    %get3A_2672 = arith.constant 896 : index
    %get3A_2673 = vector.load %arg1[%get3A_2671, %get3A_2672] : memref<4096x1024xf32, #tpu.memory_space<vmem>>, vector<128x128xf32>
    %eq3A_2674 = arith.cmpf oeq, %get3A_2673, %max3A_2598 : vector<128x128xf32>
    %jit3A_2675 = arith.constant 7.000000e+00 : f32
    %jit3A_2676 = arith.constant 8.000000e+00 : f32
    %broadcast_in_dim3A_2677 = vector.broadcast %jit3A_2675 : f32 to vector<128x128xf32>
    %broadcast_in_dim3A_2678 = vector.broadcast %jit3A_2676 : f32 to vector<128x128xf32>
    %select_n3A_2679 = arith.select %eq3A_2674, %broadcast_in_dim3A_2677, %broadcast_in_dim3A_2678 : vector<128x128xi1>, vector<128x128xf32>
    %min3A_2680 = arith.minimumf %min3A_2670, %select_n3A_2679 : vector<128x128xf32>
    %reduce_max3A_2681 = arith.constant dense<0xFF800000> : vector<128xf32>
    %reduce_max3A_2682 = vector.multi_reduction <maximumf>, %max3A_2598, %reduce_max3A_2681 [1] : vector<128x128xf32> to vector<128xf32>
    %broadcast_in_dim3A_2683 = vector.shape_cast %reduce_max3A_2682 : vector<128xf32> to vector<128x1xf32>
    %eq3A_2684 = vector.broadcast %broadcast_in_dim3A_2683 : vector<128x1xf32> to vector<128x128xf32>
    %eq3A_2685 = arith.cmpf oeq, %max3A_2598, %eq3A_2684 : vector<128x128xf32>
    %mul3A_2686 = arith.constant 1.280000e+02 : f32
    %mul3A_2687 = vector.broadcast %mul3A_2686 : f32 to vector<128x128xf32>
    %mul3A_2688 = arith.mulf %min3A_2680, %mul3A_2687 : vector<128x128xf32>
    %add3A_2689 = arith.addf %mul3A_2688, %convert_element_type3A : vector<128x128xf32>
    %jit3A_2690 = arith.constant 2.048000e+03 : f32
    %broadcast_in_dim3A_2691 = vector.broadcast %jit3A_2690 : f32 to vector<128x128xf32>
    %select_n3A_2692 = arith.select %eq3A_2685, %add3A_2689, %broadcast_in_dim3A_2691 : vector<128x128xi1>, vector<128x128xf32>
    %reduce_min3A_2693 = arith.constant dense<0x7F800000> : vector<128xf32>
    %reduce_min3A_2694 = vector.multi_reduction <minimumf>, %select_n3A_2692, %reduce_min3A_2693 [1] : vector<128x128xf32> to vector<128xf32>
    %broadcast_in_dim3A_2695 = vector.shape_cast %reduce_min3A_2694 : vector<128xf32> to vector<128x1xf32>
    %transpose3A_2696 = tpu.transpose %broadcast_in_dim3A_2695, [1, 0] : vector<128x1xf32> -> vector<1x128xf32>
    %get3A_2697 = arith.constant 2688 : index
    %get3A_2698 = arith.constant 0 : index
    %get3A_2699 = vector.load %arg1[%get3A_2697, %get3A_2698] : memref<4096x1024xf32, #tpu.memory_space<vmem>>, vector<128x128xf32>
    %get3A_2700 = arith.constant 2688 : index
    %get3A_2701 = arith.constant 128 : index
    %get3A_2702 = vector.load %arg1[%get3A_2700, %get3A_2701] : memref<4096x1024xf32, #tpu.memory_space<vmem>>, vector<128x128xf32>
    %max3A_2703 = arith.maximumf %get3A_2699, %get3A_2702 : vector<128x128xf32>
    %get3A_2704 = arith.constant 2688 : index
    %get3A_2705 = arith.constant 256 : index
    %get3A_2706 = vector.load %arg1[%get3A_2704, %get3A_2705] : memref<4096x1024xf32, #tpu.memory_space<vmem>>, vector<128x128xf32>
    %max3A_2707 = arith.maximumf %max3A_2703, %get3A_2706 : vector<128x128xf32>
    %get3A_2708 = arith.constant 2688 : index
    %get3A_2709 = arith.constant 384 : index
    %get3A_2710 = vector.load %arg1[%get3A_2708, %get3A_2709] : memref<4096x1024xf32, #tpu.memory_space<vmem>>, vector<128x128xf32>
    %max3A_2711 = arith.maximumf %max3A_2707, %get3A_2710 : vector<128x128xf32>
    %get3A_2712 = arith.constant 2688 : index
    %get3A_2713 = arith.constant 512 : index
    %get3A_2714 = vector.load %arg1[%get3A_2712, %get3A_2713] : memref<4096x1024xf32, #tpu.memory_space<vmem>>, vector<128x128xf32>
    %max3A_2715 = arith.maximumf %max3A_2711, %get3A_2714 : vector<128x128xf32>
    %get3A_2716 = arith.constant 2688 : index
    %get3A_2717 = arith.constant 640 : index
    %get3A_2718 = vector.load %arg1[%get3A_2716, %get3A_2717] : memref<4096x1024xf32, #tpu.memory_space<vmem>>, vector<128x128xf32>
    %max3A_2719 = arith.maximumf %max3A_2715, %get3A_2718 : vector<128x128xf32>
    %get3A_2720 = arith.constant 2688 : index
    %get3A_2721 = arith.constant 768 : index
    %get3A_2722 = vector.load %arg1[%get3A_2720, %get3A_2721] : memref<4096x1024xf32, #tpu.memory_space<vmem>>, vector<128x128xf32>
    %max3A_2723 = arith.maximumf %max3A_2719, %get3A_2722 : vector<128x128xf32>
    %get3A_2724 = arith.constant 2688 : index
    %get3A_2725 = arith.constant 896 : index
    %get3A_2726 = vector.load %arg1[%get3A_2724, %get3A_2725] : memref<4096x1024xf32, #tpu.memory_space<vmem>>, vector<128x128xf32>
    %max3A_2727 = arith.maximumf %max3A_2723, %get3A_2726 : vector<128x128xf32>
    %broadcast_in_dim3A_2728 = arith.constant 8.000000e+00 : f32
    %broadcast_in_dim3A_2729 = vector.broadcast %broadcast_in_dim3A_2728 : f32 to vector<128x128xf32>
    %get3A_2730 = arith.constant 2688 : index
    %get3A_2731 = arith.constant 0 : index
    %get3A_2732 = vector.load %arg1[%get3A_2730, %get3A_2731] : memref<4096x1024xf32, #tpu.memory_space<vmem>>, vector<128x128xf32>
    %eq3A_2733 = arith.cmpf oeq, %get3A_2732, %max3A_2727 : vector<128x128xf32>
    %jit3A_2734 = arith.constant 0.000000e+00 : f32
    %jit3A_2735 = arith.constant 8.000000e+00 : f32
    %broadcast_in_dim3A_2736 = vector.broadcast %jit3A_2734 : f32 to vector<128x128xf32>
    %broadcast_in_dim3A_2737 = vector.broadcast %jit3A_2735 : f32 to vector<128x128xf32>
    %select_n3A_2738 = arith.select %eq3A_2733, %broadcast_in_dim3A_2736, %broadcast_in_dim3A_2737 : vector<128x128xi1>, vector<128x128xf32>
    %min3A_2739 = arith.minimumf %broadcast_in_dim3A_2729, %select_n3A_2738 : vector<128x128xf32>
    %get3A_2740 = arith.constant 2688 : index
    %get3A_2741 = arith.constant 128 : index
    %get3A_2742 = vector.load %arg1[%get3A_2740, %get3A_2741] : memref<4096x1024xf32, #tpu.memory_space<vmem>>, vector<128x128xf32>
    %eq3A_2743 = arith.cmpf oeq, %get3A_2742, %max3A_2727 : vector<128x128xf32>
    %jit3A_2744 = arith.constant 1.000000e+00 : f32
    %jit3A_2745 = arith.constant 8.000000e+00 : f32
    %broadcast_in_dim3A_2746 = vector.broadcast %jit3A_2744 : f32 to vector<128x128xf32>
    %broadcast_in_dim3A_2747 = vector.broadcast %jit3A_2745 : f32 to vector<128x128xf32>
    %select_n3A_2748 = arith.select %eq3A_2743, %broadcast_in_dim3A_2746, %broadcast_in_dim3A_2747 : vector<128x128xi1>, vector<128x128xf32>
    %min3A_2749 = arith.minimumf %min3A_2739, %select_n3A_2748 : vector<128x128xf32>
    %get3A_2750 = arith.constant 2688 : index
    %get3A_2751 = arith.constant 256 : index
    %get3A_2752 = vector.load %arg1[%get3A_2750, %get3A_2751] : memref<4096x1024xf32, #tpu.memory_space<vmem>>, vector<128x128xf32>
    %eq3A_2753 = arith.cmpf oeq, %get3A_2752, %max3A_2727 : vector<128x128xf32>
    %jit3A_2754 = arith.constant 2.000000e+00 : f32
    %jit3A_2755 = arith.constant 8.000000e+00 : f32
    %broadcast_in_dim3A_2756 = vector.broadcast %jit3A_2754 : f32 to vector<128x128xf32>
    %broadcast_in_dim3A_2757 = vector.broadcast %jit3A_2755 : f32 to vector<128x128xf32>
    %select_n3A_2758 = arith.select %eq3A_2753, %broadcast_in_dim3A_2756, %broadcast_in_dim3A_2757 : vector<128x128xi1>, vector<128x128xf32>
    %min3A_2759 = arith.minimumf %min3A_2749, %select_n3A_2758 : vector<128x128xf32>
    %get3A_2760 = arith.constant 2688 : index
    %get3A_2761 = arith.constant 384 : index
    %get3A_2762 = vector.load %arg1[%get3A_2760, %get3A_2761] : memref<4096x1024xf32, #tpu.memory_space<vmem>>, vector<128x128xf32>
    %eq3A_2763 = arith.cmpf oeq, %get3A_2762, %max3A_2727 : vector<128x128xf32>
    %jit3A_2764 = arith.constant 3.000000e+00 : f32
    %jit3A_2765 = arith.constant 8.000000e+00 : f32
    %broadcast_in_dim3A_2766 = vector.broadcast %jit3A_2764 : f32 to vector<128x128xf32>
    %broadcast_in_dim3A_2767 = vector.broadcast %jit3A_2765 : f32 to vector<128x128xf32>
    %select_n3A_2768 = arith.select %eq3A_2763, %broadcast_in_dim3A_2766, %broadcast_in_dim3A_2767 : vector<128x128xi1>, vector<128x128xf32>
    %min3A_2769 = arith.minimumf %min3A_2759, %select_n3A_2768 : vector<128x128xf32>
    %get3A_2770 = arith.constant 2688 : index
    %get3A_2771 = arith.constant 512 : index
    %get3A_2772 = vector.load %arg1[%get3A_2770, %get3A_2771] : memref<4096x1024xf32, #tpu.memory_space<vmem>>, vector<128x128xf32>
    %eq3A_2773 = arith.cmpf oeq, %get3A_2772, %max3A_2727 : vector<128x128xf32>
    %jit3A_2774 = arith.constant 4.000000e+00 : f32
    %jit3A_2775 = arith.constant 8.000000e+00 : f32
    %broadcast_in_dim3A_2776 = vector.broadcast %jit3A_2774 : f32 to vector<128x128xf32>
    %broadcast_in_dim3A_2777 = vector.broadcast %jit3A_2775 : f32 to vector<128x128xf32>
    %select_n3A_2778 = arith.select %eq3A_2773, %broadcast_in_dim3A_2776, %broadcast_in_dim3A_2777 : vector<128x128xi1>, vector<128x128xf32>
    %min3A_2779 = arith.minimumf %min3A_2769, %select_n3A_2778 : vector<128x128xf32>
    %get3A_2780 = arith.constant 2688 : index
    %get3A_2781 = arith.constant 640 : index
    %get3A_2782 = vector.load %arg1[%get3A_2780, %get3A_2781] : memref<4096x1024xf32, #tpu.memory_space<vmem>>, vector<128x128xf32>
    %eq3A_2783 = arith.cmpf oeq, %get3A_2782, %max3A_2727 : vector<128x128xf32>
    %jit3A_2784 = arith.constant 5.000000e+00 : f32
    %jit3A_2785 = arith.constant 8.000000e+00 : f32
    %broadcast_in_dim3A_2786 = vector.broadcast %jit3A_2784 : f32 to vector<128x128xf32>
    %broadcast_in_dim3A_2787 = vector.broadcast %jit3A_2785 : f32 to vector<128x128xf32>
    %select_n3A_2788 = arith.select %eq3A_2783, %broadcast_in_dim3A_2786, %broadcast_in_dim3A_2787 : vector<128x128xi1>, vector<128x128xf32>
    %min3A_2789 = arith.minimumf %min3A_2779, %select_n3A_2788 : vector<128x128xf32>
    %get3A_2790 = arith.constant 2688 : index
    %get3A_2791 = arith.constant 768 : index
    %get3A_2792 = vector.load %arg1[%get3A_2790, %get3A_2791] : memref<4096x1024xf32, #tpu.memory_space<vmem>>, vector<128x128xf32>
    %eq3A_2793 = arith.cmpf oeq, %get3A_2792, %max3A_2727 : vector<128x128xf32>
    %jit3A_2794 = arith.constant 6.000000e+00 : f32
    %jit3A_2795 = arith.constant 8.000000e+00 : f32
    %broadcast_in_dim3A_2796 = vector.broadcast %jit3A_2794 : f32 to vector<128x128xf32>
    %broadcast_in_dim3A_2797 = vector.broadcast %jit3A_2795 : f32 to vector<128x128xf32>
    %select_n3A_2798 = arith.select %eq3A_2793, %broadcast_in_dim3A_2796, %broadcast_in_dim3A_2797 : vector<128x128xi1>, vector<128x128xf32>
    %min3A_2799 = arith.minimumf %min3A_2789, %select_n3A_2798 : vector<128x128xf32>
    %get3A_2800 = arith.constant 2688 : index
    %get3A_2801 = arith.constant 896 : index
    %get3A_2802 = vector.load %arg1[%get3A_2800, %get3A_2801] : memref<4096x1024xf32, #tpu.memory_space<vmem>>, vector<128x128xf32>
    %eq3A_2803 = arith.cmpf oeq, %get3A_2802, %max3A_2727 : vector<128x128xf32>
    %jit3A_2804 = arith.constant 7.000000e+00 : f32
    %jit3A_2805 = arith.constant 8.000000e+00 : f32
    %broadcast_in_dim3A_2806 = vector.broadcast %jit3A_2804 : f32 to vector<128x128xf32>
    %broadcast_in_dim3A_2807 = vector.broadcast %jit3A_2805 : f32 to vector<128x128xf32>
    %select_n3A_2808 = arith.select %eq3A_2803, %broadcast_in_dim3A_2806, %broadcast_in_dim3A_2807 : vector<128x128xi1>, vector<128x128xf32>
    %min3A_2809 = arith.minimumf %min3A_2799, %select_n3A_2808 : vector<128x128xf32>
    %reduce_max3A_2810 = arith.constant dense<0xFF800000> : vector<128xf32>
    %reduce_max3A_2811 = vector.multi_reduction <maximumf>, %max3A_2727, %reduce_max3A_2810 [1] : vector<128x128xf32> to vector<128xf32>
    %broadcast_in_dim3A_2812 = vector.shape_cast %reduce_max3A_2811 : vector<128xf32> to vector<128x1xf32>
    %eq3A_2813 = vector.broadcast %broadcast_in_dim3A_2812 : vector<128x1xf32> to vector<128x128xf32>
    %eq3A_2814 = arith.cmpf oeq, %max3A_2727, %eq3A_2813 : vector<128x128xf32>
    %mul3A_2815 = arith.constant 1.280000e+02 : f32
    %mul3A_2816 = vector.broadcast %mul3A_2815 : f32 to vector<128x128xf32>
    %mul3A_2817 = arith.mulf %min3A_2809, %mul3A_2816 : vector<128x128xf32>
    %add3A_2818 = arith.addf %mul3A_2817, %convert_element_type3A : vector<128x128xf32>
    %jit3A_2819 = arith.constant 2.048000e+03 : f32
    %broadcast_in_dim3A_2820 = vector.broadcast %jit3A_2819 : f32 to vector<128x128xf32>
    %select_n3A_2821 = arith.select %eq3A_2814, %add3A_2818, %broadcast_in_dim3A_2820 : vector<128x128xi1>, vector<128x128xf32>
    %reduce_min3A_2822 = arith.constant dense<0x7F800000> : vector<128xf32>
    %reduce_min3A_2823 = vector.multi_reduction <minimumf>, %select_n3A_2821, %reduce_min3A_2822 [1] : vector<128x128xf32> to vector<128xf32>
    %broadcast_in_dim3A_2824 = vector.shape_cast %reduce_min3A_2823 : vector<128xf32> to vector<128x1xf32>
    %transpose3A_2825 = tpu.transpose %broadcast_in_dim3A_2824, [1, 0] : vector<128x1xf32> -> vector<1x128xf32>
    %get3A_2826 = arith.constant 2816 : index
    %get3A_2827 = arith.constant 0 : index
    %get3A_2828 = vector.load %arg1[%get3A_2826, %get3A_2827] : memref<4096x1024xf32, #tpu.memory_space<vmem>>, vector<128x128xf32>
    %get3A_2829 = arith.constant 2816 : index
    %get3A_2830 = arith.constant 128 : index
    %get3A_2831 = vector.load %arg1[%get3A_2829, %get3A_2830] : memref<4096x1024xf32, #tpu.memory_space<vmem>>, vector<128x128xf32>
    %max3A_2832 = arith.maximumf %get3A_2828, %get3A_2831 : vector<128x128xf32>
    %get3A_2833 = arith.constant 2816 : index
    %get3A_2834 = arith.constant 256 : index
    %get3A_2835 = vector.load %arg1[%get3A_2833, %get3A_2834] : memref<4096x1024xf32, #tpu.memory_space<vmem>>, vector<128x128xf32>
    %max3A_2836 = arith.maximumf %max3A_2832, %get3A_2835 : vector<128x128xf32>
    %get3A_2837 = arith.constant 2816 : index
    %get3A_2838 = arith.constant 384 : index
    %get3A_2839 = vector.load %arg1[%get3A_2837, %get3A_2838] : memref<4096x1024xf32, #tpu.memory_space<vmem>>, vector<128x128xf32>
    %max3A_2840 = arith.maximumf %max3A_2836, %get3A_2839 : vector<128x128xf32>
    %get3A_2841 = arith.constant 2816 : index
    %get3A_2842 = arith.constant 512 : index
    %get3A_2843 = vector.load %arg1[%get3A_2841, %get3A_2842] : memref<4096x1024xf32, #tpu.memory_space<vmem>>, vector<128x128xf32>
    %max3A_2844 = arith.maximumf %max3A_2840, %get3A_2843 : vector<128x128xf32>
    %get3A_2845 = arith.constant 2816 : index
    %get3A_2846 = arith.constant 640 : index
    %get3A_2847 = vector.load %arg1[%get3A_2845, %get3A_2846] : memref<4096x1024xf32, #tpu.memory_space<vmem>>, vector<128x128xf32>
    %max3A_2848 = arith.maximumf %max3A_2844, %get3A_2847 : vector<128x128xf32>
    %get3A_2849 = arith.constant 2816 : index
    %get3A_2850 = arith.constant 768 : index
    %get3A_2851 = vector.load %arg1[%get3A_2849, %get3A_2850] : memref<4096x1024xf32, #tpu.memory_space<vmem>>, vector<128x128xf32>
    %max3A_2852 = arith.maximumf %max3A_2848, %get3A_2851 : vector<128x128xf32>
    %get3A_2853 = arith.constant 2816 : index
    %get3A_2854 = arith.constant 896 : index
    %get3A_2855 = vector.load %arg1[%get3A_2853, %get3A_2854] : memref<4096x1024xf32, #tpu.memory_space<vmem>>, vector<128x128xf32>
    %max3A_2856 = arith.maximumf %max3A_2852, %get3A_2855 : vector<128x128xf32>
    %broadcast_in_dim3A_2857 = arith.constant 8.000000e+00 : f32
    %broadcast_in_dim3A_2858 = vector.broadcast %broadcast_in_dim3A_2857 : f32 to vector<128x128xf32>
    %get3A_2859 = arith.constant 2816 : index
    %get3A_2860 = arith.constant 0 : index
    %get3A_2861 = vector.load %arg1[%get3A_2859, %get3A_2860] : memref<4096x1024xf32, #tpu.memory_space<vmem>>, vector<128x128xf32>
    %eq3A_2862 = arith.cmpf oeq, %get3A_2861, %max3A_2856 : vector<128x128xf32>
    %jit3A_2863 = arith.constant 0.000000e+00 : f32
    %jit3A_2864 = arith.constant 8.000000e+00 : f32
    %broadcast_in_dim3A_2865 = vector.broadcast %jit3A_2863 : f32 to vector<128x128xf32>
    %broadcast_in_dim3A_2866 = vector.broadcast %jit3A_2864 : f32 to vector<128x128xf32>
    %select_n3A_2867 = arith.select %eq3A_2862, %broadcast_in_dim3A_2865, %broadcast_in_dim3A_2866 : vector<128x128xi1>, vector<128x128xf32>
    %min3A_2868 = arith.minimumf %broadcast_in_dim3A_2858, %select_n3A_2867 : vector<128x128xf32>
    %get3A_2869 = arith.constant 2816 : index
    %get3A_2870 = arith.constant 128 : index
    %get3A_2871 = vector.load %arg1[%get3A_2869, %get3A_2870] : memref<4096x1024xf32, #tpu.memory_space<vmem>>, vector<128x128xf32>
    %eq3A_2872 = arith.cmpf oeq, %get3A_2871, %max3A_2856 : vector<128x128xf32>
    %jit3A_2873 = arith.constant 1.000000e+00 : f32
    %jit3A_2874 = arith.constant 8.000000e+00 : f32
    %broadcast_in_dim3A_2875 = vector.broadcast %jit3A_2873 : f32 to vector<128x128xf32>
    %broadcast_in_dim3A_2876 = vector.broadcast %jit3A_2874 : f32 to vector<128x128xf32>
    %select_n3A_2877 = arith.select %eq3A_2872, %broadcast_in_dim3A_2875, %broadcast_in_dim3A_2876 : vector<128x128xi1>, vector<128x128xf32>
    %min3A_2878 = arith.minimumf %min3A_2868, %select_n3A_2877 : vector<128x128xf32>
    %get3A_2879 = arith.constant 2816 : index
    %get3A_2880 = arith.constant 256 : index
    %get3A_2881 = vector.load %arg1[%get3A_2879, %get3A_2880] : memref<4096x1024xf32, #tpu.memory_space<vmem>>, vector<128x128xf32>
    %eq3A_2882 = arith.cmpf oeq, %get3A_2881, %max3A_2856 : vector<128x128xf32>
    %jit3A_2883 = arith.constant 2.000000e+00 : f32
    %jit3A_2884 = arith.constant 8.000000e+00 : f32
    %broadcast_in_dim3A_2885 = vector.broadcast %jit3A_2883 : f32 to vector<128x128xf32>
    %broadcast_in_dim3A_2886 = vector.broadcast %jit3A_2884 : f32 to vector<128x128xf32>
    %select_n3A_2887 = arith.select %eq3A_2882, %broadcast_in_dim3A_2885, %broadcast_in_dim3A_2886 : vector<128x128xi1>, vector<128x128xf32>
    %min3A_2888 = arith.minimumf %min3A_2878, %select_n3A_2887 : vector<128x128xf32>
    %get3A_2889 = arith.constant 2816 : index
    %get3A_2890 = arith.constant 384 : index
    %get3A_2891 = vector.load %arg1[%get3A_2889, %get3A_2890] : memref<4096x1024xf32, #tpu.memory_space<vmem>>, vector<128x128xf32>
    %eq3A_2892 = arith.cmpf oeq, %get3A_2891, %max3A_2856 : vector<128x128xf32>
    %jit3A_2893 = arith.constant 3.000000e+00 : f32
    %jit3A_2894 = arith.constant 8.000000e+00 : f32
    %broadcast_in_dim3A_2895 = vector.broadcast %jit3A_2893 : f32 to vector<128x128xf32>
    %broadcast_in_dim3A_2896 = vector.broadcast %jit3A_2894 : f32 to vector<128x128xf32>
    %select_n3A_2897 = arith.select %eq3A_2892, %broadcast_in_dim3A_2895, %broadcast_in_dim3A_2896 : vector<128x128xi1>, vector<128x128xf32>
    %min3A_2898 = arith.minimumf %min3A_2888, %select_n3A_2897 : vector<128x128xf32>
    %get3A_2899 = arith.constant 2816 : index
    %get3A_2900 = arith.constant 512 : index
    %get3A_2901 = vector.load %arg1[%get3A_2899, %get3A_2900] : memref<4096x1024xf32, #tpu.memory_space<vmem>>, vector<128x128xf32>
    %eq3A_2902 = arith.cmpf oeq, %get3A_2901, %max3A_2856 : vector<128x128xf32>
    %jit3A_2903 = arith.constant 4.000000e+00 : f32
    %jit3A_2904 = arith.constant 8.000000e+00 : f32
    %broadcast_in_dim3A_2905 = vector.broadcast %jit3A_2903 : f32 to vector<128x128xf32>
    %broadcast_in_dim3A_2906 = vector.broadcast %jit3A_2904 : f32 to vector<128x128xf32>
    %select_n3A_2907 = arith.select %eq3A_2902, %broadcast_in_dim3A_2905, %broadcast_in_dim3A_2906 : vector<128x128xi1>, vector<128x128xf32>
    %min3A_2908 = arith.minimumf %min3A_2898, %select_n3A_2907 : vector<128x128xf32>
    %get3A_2909 = arith.constant 2816 : index
    %get3A_2910 = arith.constant 640 : index
    %get3A_2911 = vector.load %arg1[%get3A_2909, %get3A_2910] : memref<4096x1024xf32, #tpu.memory_space<vmem>>, vector<128x128xf32>
    %eq3A_2912 = arith.cmpf oeq, %get3A_2911, %max3A_2856 : vector<128x128xf32>
    %jit3A_2913 = arith.constant 5.000000e+00 : f32
    %jit3A_2914 = arith.constant 8.000000e+00 : f32
    %broadcast_in_dim3A_2915 = vector.broadcast %jit3A_2913 : f32 to vector<128x128xf32>
    %broadcast_in_dim3A_2916 = vector.broadcast %jit3A_2914 : f32 to vector<128x128xf32>
    %select_n3A_2917 = arith.select %eq3A_2912, %broadcast_in_dim3A_2915, %broadcast_in_dim3A_2916 : vector<128x128xi1>, vector<128x128xf32>
    %min3A_2918 = arith.minimumf %min3A_2908, %select_n3A_2917 : vector<128x128xf32>
    %get3A_2919 = arith.constant 2816 : index
    %get3A_2920 = arith.constant 768 : index
    %get3A_2921 = vector.load %arg1[%get3A_2919, %get3A_2920] : memref<4096x1024xf32, #tpu.memory_space<vmem>>, vector<128x128xf32>
    %eq3A_2922 = arith.cmpf oeq, %get3A_2921, %max3A_2856 : vector<128x128xf32>
    %jit3A_2923 = arith.constant 6.000000e+00 : f32
    %jit3A_2924 = arith.constant 8.000000e+00 : f32
    %broadcast_in_dim3A_2925 = vector.broadcast %jit3A_2923 : f32 to vector<128x128xf32>
    %broadcast_in_dim3A_2926 = vector.broadcast %jit3A_2924 : f32 to vector<128x128xf32>
    %select_n3A_2927 = arith.select %eq3A_2922, %broadcast_in_dim3A_2925, %broadcast_in_dim3A_2926 : vector<128x128xi1>, vector<128x128xf32>
    %min3A_2928 = arith.minimumf %min3A_2918, %select_n3A_2927 : vector<128x128xf32>
    %get3A_2929 = arith.constant 2816 : index
    %get3A_2930 = arith.constant 896 : index
    %get3A_2931 = vector.load %arg1[%get3A_2929, %get3A_2930] : memref<4096x1024xf32, #tpu.memory_space<vmem>>, vector<128x128xf32>
    %eq3A_2932 = arith.cmpf oeq, %get3A_2931, %max3A_2856 : vector<128x128xf32>
    %jit3A_2933 = arith.constant 7.000000e+00 : f32
    %jit3A_2934 = arith.constant 8.000000e+00 : f32
    %broadcast_in_dim3A_2935 = vector.broadcast %jit3A_2933 : f32 to vector<128x128xf32>
    %broadcast_in_dim3A_2936 = vector.broadcast %jit3A_2934 : f32 to vector<128x128xf32>
    %select_n3A_2937 = arith.select %eq3A_2932, %broadcast_in_dim3A_2935, %broadcast_in_dim3A_2936 : vector<128x128xi1>, vector<128x128xf32>
    %min3A_2938 = arith.minimumf %min3A_2928, %select_n3A_2937 : vector<128x128xf32>
    %reduce_max3A_2939 = arith.constant dense<0xFF800000> : vector<128xf32>
    %reduce_max3A_2940 = vector.multi_reduction <maximumf>, %max3A_2856, %reduce_max3A_2939 [1] : vector<128x128xf32> to vector<128xf32>
    %broadcast_in_dim3A_2941 = vector.shape_cast %reduce_max3A_2940 : vector<128xf32> to vector<128x1xf32>
    %eq3A_2942 = vector.broadcast %broadcast_in_dim3A_2941 : vector<128x1xf32> to vector<128x128xf32>
    %eq3A_2943 = arith.cmpf oeq, %max3A_2856, %eq3A_2942 : vector<128x128xf32>
    %mul3A_2944 = arith.constant 1.280000e+02 : f32
    %mul3A_2945 = vector.broadcast %mul3A_2944 : f32 to vector<128x128xf32>
    %mul3A_2946 = arith.mulf %min3A_2938, %mul3A_2945 : vector<128x128xf32>
    %add3A_2947 = arith.addf %mul3A_2946, %convert_element_type3A : vector<128x128xf32>
    %jit3A_2948 = arith.constant 2.048000e+03 : f32
    %broadcast_in_dim3A_2949 = vector.broadcast %jit3A_2948 : f32 to vector<128x128xf32>
    %select_n3A_2950 = arith.select %eq3A_2943, %add3A_2947, %broadcast_in_dim3A_2949 : vector<128x128xi1>, vector<128x128xf32>
    %reduce_min3A_2951 = arith.constant dense<0x7F800000> : vector<128xf32>
    %reduce_min3A_2952 = vector.multi_reduction <minimumf>, %select_n3A_2950, %reduce_min3A_2951 [1] : vector<128x128xf32> to vector<128xf32>
    %broadcast_in_dim3A_2953 = vector.shape_cast %reduce_min3A_2952 : vector<128xf32> to vector<128x1xf32>
    %transpose3A_2954 = tpu.transpose %broadcast_in_dim3A_2953, [1, 0] : vector<128x1xf32> -> vector<1x128xf32>
    %get3A_2955 = arith.constant 2944 : index
    %get3A_2956 = arith.constant 0 : index
    %get3A_2957 = vector.load %arg1[%get3A_2955, %get3A_2956] : memref<4096x1024xf32, #tpu.memory_space<vmem>>, vector<128x128xf32>
    %get3A_2958 = arith.constant 2944 : index
    %get3A_2959 = arith.constant 128 : index
    %get3A_2960 = vector.load %arg1[%get3A_2958, %get3A_2959] : memref<4096x1024xf32, #tpu.memory_space<vmem>>, vector<128x128xf32>
    %max3A_2961 = arith.maximumf %get3A_2957, %get3A_2960 : vector<128x128xf32>
    %get3A_2962 = arith.constant 2944 : index
    %get3A_2963 = arith.constant 256 : index
    %get3A_2964 = vector.load %arg1[%get3A_2962, %get3A_2963] : memref<4096x1024xf32, #tpu.memory_space<vmem>>, vector<128x128xf32>
    %max3A_2965 = arith.maximumf %max3A_2961, %get3A_2964 : vector<128x128xf32>
    %get3A_2966 = arith.constant 2944 : index
    %get3A_2967 = arith.constant 384 : index
    %get3A_2968 = vector.load %arg1[%get3A_2966, %get3A_2967] : memref<4096x1024xf32, #tpu.memory_space<vmem>>, vector<128x128xf32>
    %max3A_2969 = arith.maximumf %max3A_2965, %get3A_2968 : vector<128x128xf32>
    %get3A_2970 = arith.constant 2944 : index
    %get3A_2971 = arith.constant 512 : index
    %get3A_2972 = vector.load %arg1[%get3A_2970, %get3A_2971] : memref<4096x1024xf32, #tpu.memory_space<vmem>>, vector<128x128xf32>
    %max3A_2973 = arith.maximumf %max3A_2969, %get3A_2972 : vector<128x128xf32>
    %get3A_2974 = arith.constant 2944 : index
    %get3A_2975 = arith.constant 640 : index
    %get3A_2976 = vector.load %arg1[%get3A_2974, %get3A_2975] : memref<4096x1024xf32, #tpu.memory_space<vmem>>, vector<128x128xf32>
    %max3A_2977 = arith.maximumf %max3A_2973, %get3A_2976 : vector<128x128xf32>
    %get3A_2978 = arith.constant 2944 : index
    %get3A_2979 = arith.constant 768 : index
    %get3A_2980 = vector.load %arg1[%get3A_2978, %get3A_2979] : memref<4096x1024xf32, #tpu.memory_space<vmem>>, vector<128x128xf32>
    %max3A_2981 = arith.maximumf %max3A_2977, %get3A_2980 : vector<128x128xf32>
    %get3A_2982 = arith.constant 2944 : index
    %get3A_2983 = arith.constant 896 : index
    %get3A_2984 = vector.load %arg1[%get3A_2982, %get3A_2983] : memref<4096x1024xf32, #tpu.memory_space<vmem>>, vector<128x128xf32>
    %max3A_2985 = arith.maximumf %max3A_2981, %get3A_2984 : vector<128x128xf32>
    %broadcast_in_dim3A_2986 = arith.constant 8.000000e+00 : f32
    %broadcast_in_dim3A_2987 = vector.broadcast %broadcast_in_dim3A_2986 : f32 to vector<128x128xf32>
    %get3A_2988 = arith.constant 2944 : index
    %get3A_2989 = arith.constant 0 : index
    %get3A_2990 = vector.load %arg1[%get3A_2988, %get3A_2989] : memref<4096x1024xf32, #tpu.memory_space<vmem>>, vector<128x128xf32>
    %eq3A_2991 = arith.cmpf oeq, %get3A_2990, %max3A_2985 : vector<128x128xf32>
    %jit3A_2992 = arith.constant 0.000000e+00 : f32
    %jit3A_2993 = arith.constant 8.000000e+00 : f32
    %broadcast_in_dim3A_2994 = vector.broadcast %jit3A_2992 : f32 to vector<128x128xf32>
    %broadcast_in_dim3A_2995 = vector.broadcast %jit3A_2993 : f32 to vector<128x128xf32>
    %select_n3A_2996 = arith.select %eq3A_2991, %broadcast_in_dim3A_2994, %broadcast_in_dim3A_2995 : vector<128x128xi1>, vector<128x128xf32>
    %min3A_2997 = arith.minimumf %broadcast_in_dim3A_2987, %select_n3A_2996 : vector<128x128xf32>
    %get3A_2998 = arith.constant 2944 : index
    %get3A_2999 = arith.constant 128 : index
    %get3A_3000 = vector.load %arg1[%get3A_2998, %get3A_2999] : memref<4096x1024xf32, #tpu.memory_space<vmem>>, vector<128x128xf32>
    %eq3A_3001 = arith.cmpf oeq, %get3A_3000, %max3A_2985 : vector<128x128xf32>
    %jit3A_3002 = arith.constant 1.000000e+00 : f32
    %jit3A_3003 = arith.constant 8.000000e+00 : f32
    %broadcast_in_dim3A_3004 = vector.broadcast %jit3A_3002 : f32 to vector<128x128xf32>
    %broadcast_in_dim3A_3005 = vector.broadcast %jit3A_3003 : f32 to vector<128x128xf32>
    %select_n3A_3006 = arith.select %eq3A_3001, %broadcast_in_dim3A_3004, %broadcast_in_dim3A_3005 : vector<128x128xi1>, vector<128x128xf32>
    %min3A_3007 = arith.minimumf %min3A_2997, %select_n3A_3006 : vector<128x128xf32>
    %get3A_3008 = arith.constant 2944 : index
    %get3A_3009 = arith.constant 256 : index
    %get3A_3010 = vector.load %arg1[%get3A_3008, %get3A_3009] : memref<4096x1024xf32, #tpu.memory_space<vmem>>, vector<128x128xf32>
    %eq3A_3011 = arith.cmpf oeq, %get3A_3010, %max3A_2985 : vector<128x128xf32>
    %jit3A_3012 = arith.constant 2.000000e+00 : f32
    %jit3A_3013 = arith.constant 8.000000e+00 : f32
    %broadcast_in_dim3A_3014 = vector.broadcast %jit3A_3012 : f32 to vector<128x128xf32>
    %broadcast_in_dim3A_3015 = vector.broadcast %jit3A_3013 : f32 to vector<128x128xf32>
    %select_n3A_3016 = arith.select %eq3A_3011, %broadcast_in_dim3A_3014, %broadcast_in_dim3A_3015 : vector<128x128xi1>, vector<128x128xf32>
    %min3A_3017 = arith.minimumf %min3A_3007, %select_n3A_3016 : vector<128x128xf32>
    %get3A_3018 = arith.constant 2944 : index
    %get3A_3019 = arith.constant 384 : index
    %get3A_3020 = vector.load %arg1[%get3A_3018, %get3A_3019] : memref<4096x1024xf32, #tpu.memory_space<vmem>>, vector<128x128xf32>
    %eq3A_3021 = arith.cmpf oeq, %get3A_3020, %max3A_2985 : vector<128x128xf32>
    %jit3A_3022 = arith.constant 3.000000e+00 : f32
    %jit3A_3023 = arith.constant 8.000000e+00 : f32
    %broadcast_in_dim3A_3024 = vector.broadcast %jit3A_3022 : f32 to vector<128x128xf32>
    %broadcast_in_dim3A_3025 = vector.broadcast %jit3A_3023 : f32 to vector<128x128xf32>
    %select_n3A_3026 = arith.select %eq3A_3021, %broadcast_in_dim3A_3024, %broadcast_in_dim3A_3025 : vector<128x128xi1>, vector<128x128xf32>
    %min3A_3027 = arith.minimumf %min3A_3017, %select_n3A_3026 : vector<128x128xf32>
    %get3A_3028 = arith.constant 2944 : index
    %get3A_3029 = arith.constant 512 : index
    %get3A_3030 = vector.load %arg1[%get3A_3028, %get3A_3029] : memref<4096x1024xf32, #tpu.memory_space<vmem>>, vector<128x128xf32>
    %eq3A_3031 = arith.cmpf oeq, %get3A_3030, %max3A_2985 : vector<128x128xf32>
    %jit3A_3032 = arith.constant 4.000000e+00 : f32
    %jit3A_3033 = arith.constant 8.000000e+00 : f32
    %broadcast_in_dim3A_3034 = vector.broadcast %jit3A_3032 : f32 to vector<128x128xf32>
    %broadcast_in_dim3A_3035 = vector.broadcast %jit3A_3033 : f32 to vector<128x128xf32>
    %select_n3A_3036 = arith.select %eq3A_3031, %broadcast_in_dim3A_3034, %broadcast_in_dim3A_3035 : vector<128x128xi1>, vector<128x128xf32>
    %min3A_3037 = arith.minimumf %min3A_3027, %select_n3A_3036 : vector<128x128xf32>
    %get3A_3038 = arith.constant 2944 : index
    %get3A_3039 = arith.constant 640 : index
    %get3A_3040 = vector.load %arg1[%get3A_3038, %get3A_3039] : memref<4096x1024xf32, #tpu.memory_space<vmem>>, vector<128x128xf32>
    %eq3A_3041 = arith.cmpf oeq, %get3A_3040, %max3A_2985 : vector<128x128xf32>
    %jit3A_3042 = arith.constant 5.000000e+00 : f32
    %jit3A_3043 = arith.constant 8.000000e+00 : f32
    %broadcast_in_dim3A_3044 = vector.broadcast %jit3A_3042 : f32 to vector<128x128xf32>
    %broadcast_in_dim3A_3045 = vector.broadcast %jit3A_3043 : f32 to vector<128x128xf32>
    %select_n3A_3046 = arith.select %eq3A_3041, %broadcast_in_dim3A_3044, %broadcast_in_dim3A_3045 : vector<128x128xi1>, vector<128x128xf32>
    %min3A_3047 = arith.minimumf %min3A_3037, %select_n3A_3046 : vector<128x128xf32>
    %get3A_3048 = arith.constant 2944 : index
    %get3A_3049 = arith.constant 768 : index
    %get3A_3050 = vector.load %arg1[%get3A_3048, %get3A_3049] : memref<4096x1024xf32, #tpu.memory_space<vmem>>, vector<128x128xf32>
    %eq3A_3051 = arith.cmpf oeq, %get3A_3050, %max3A_2985 : vector<128x128xf32>
    %jit3A_3052 = arith.constant 6.000000e+00 : f32
    %jit3A_3053 = arith.constant 8.000000e+00 : f32
    %broadcast_in_dim3A_3054 = vector.broadcast %jit3A_3052 : f32 to vector<128x128xf32>
    %broadcast_in_dim3A_3055 = vector.broadcast %jit3A_3053 : f32 to vector<128x128xf32>
    %select_n3A_3056 = arith.select %eq3A_3051, %broadcast_in_dim3A_3054, %broadcast_in_dim3A_3055 : vector<128x128xi1>, vector<128x128xf32>
    %min3A_3057 = arith.minimumf %min3A_3047, %select_n3A_3056 : vector<128x128xf32>
    %get3A_3058 = arith.constant 2944 : index
    %get3A_3059 = arith.constant 896 : index
    %get3A_3060 = vector.load %arg1[%get3A_3058, %get3A_3059] : memref<4096x1024xf32, #tpu.memory_space<vmem>>, vector<128x128xf32>
    %eq3A_3061 = arith.cmpf oeq, %get3A_3060, %max3A_2985 : vector<128x128xf32>
    %jit3A_3062 = arith.constant 7.000000e+00 : f32
    %jit3A_3063 = arith.constant 8.000000e+00 : f32
    %broadcast_in_dim3A_3064 = vector.broadcast %jit3A_3062 : f32 to vector<128x128xf32>
    %broadcast_in_dim3A_3065 = vector.broadcast %jit3A_3063 : f32 to vector<128x128xf32>
    %select_n3A_3066 = arith.select %eq3A_3061, %broadcast_in_dim3A_3064, %broadcast_in_dim3A_3065 : vector<128x128xi1>, vector<128x128xf32>
    %min3A_3067 = arith.minimumf %min3A_3057, %select_n3A_3066 : vector<128x128xf32>
    %reduce_max3A_3068 = arith.constant dense<0xFF800000> : vector<128xf32>
    %reduce_max3A_3069 = vector.multi_reduction <maximumf>, %max3A_2985, %reduce_max3A_3068 [1] : vector<128x128xf32> to vector<128xf32>
    %broadcast_in_dim3A_3070 = vector.shape_cast %reduce_max3A_3069 : vector<128xf32> to vector<128x1xf32>
    %eq3A_3071 = vector.broadcast %broadcast_in_dim3A_3070 : vector<128x1xf32> to vector<128x128xf32>
    %eq3A_3072 = arith.cmpf oeq, %max3A_2985, %eq3A_3071 : vector<128x128xf32>
    %mul3A_3073 = arith.constant 1.280000e+02 : f32
    %mul3A_3074 = vector.broadcast %mul3A_3073 : f32 to vector<128x128xf32>
    %mul3A_3075 = arith.mulf %min3A_3067, %mul3A_3074 : vector<128x128xf32>
    %add3A_3076 = arith.addf %mul3A_3075, %convert_element_type3A : vector<128x128xf32>
    %jit3A_3077 = arith.constant 2.048000e+03 : f32
    %broadcast_in_dim3A_3078 = vector.broadcast %jit3A_3077 : f32 to vector<128x128xf32>
    %select_n3A_3079 = arith.select %eq3A_3072, %add3A_3076, %broadcast_in_dim3A_3078 : vector<128x128xi1>, vector<128x128xf32>
    %reduce_min3A_3080 = arith.constant dense<0x7F800000> : vector<128xf32>
    %reduce_min3A_3081 = vector.multi_reduction <minimumf>, %select_n3A_3079, %reduce_min3A_3080 [1] : vector<128x128xf32> to vector<128xf32>
    %broadcast_in_dim3A_3082 = vector.shape_cast %reduce_min3A_3081 : vector<128xf32> to vector<128x1xf32>
    %transpose3A_3083 = tpu.transpose %broadcast_in_dim3A_3082, [1, 0] : vector<128x1xf32> -> vector<1x128xf32>
    %get3A_3084 = arith.constant 3072 : index
    %get3A_3085 = arith.constant 0 : index
    %get3A_3086 = vector.load %arg1[%get3A_3084, %get3A_3085] : memref<4096x1024xf32, #tpu.memory_space<vmem>>, vector<128x128xf32>
    %get3A_3087 = arith.constant 3072 : index
    %get3A_3088 = arith.constant 128 : index
    %get3A_3089 = vector.load %arg1[%get3A_3087, %get3A_3088] : memref<4096x1024xf32, #tpu.memory_space<vmem>>, vector<128x128xf32>
    %max3A_3090 = arith.maximumf %get3A_3086, %get3A_3089 : vector<128x128xf32>
    %get3A_3091 = arith.constant 3072 : index
    %get3A_3092 = arith.constant 256 : index
    %get3A_3093 = vector.load %arg1[%get3A_3091, %get3A_3092] : memref<4096x1024xf32, #tpu.memory_space<vmem>>, vector<128x128xf32>
    %max3A_3094 = arith.maximumf %max3A_3090, %get3A_3093 : vector<128x128xf32>
    %get3A_3095 = arith.constant 3072 : index
    %get3A_3096 = arith.constant 384 : index
    %get3A_3097 = vector.load %arg1[%get3A_3095, %get3A_3096] : memref<4096x1024xf32, #tpu.memory_space<vmem>>, vector<128x128xf32>
    %max3A_3098 = arith.maximumf %max3A_3094, %get3A_3097 : vector<128x128xf32>
    %get3A_3099 = arith.constant 3072 : index
    %get3A_3100 = arith.constant 512 : index
    %get3A_3101 = vector.load %arg1[%get3A_3099, %get3A_3100] : memref<4096x1024xf32, #tpu.memory_space<vmem>>, vector<128x128xf32>
    %max3A_3102 = arith.maximumf %max3A_3098, %get3A_3101 : vector<128x128xf32>
    %get3A_3103 = arith.constant 3072 : index
    %get3A_3104 = arith.constant 640 : index
    %get3A_3105 = vector.load %arg1[%get3A_3103, %get3A_3104] : memref<4096x1024xf32, #tpu.memory_space<vmem>>, vector<128x128xf32>
    %max3A_3106 = arith.maximumf %max3A_3102, %get3A_3105 : vector<128x128xf32>
    %get3A_3107 = arith.constant 3072 : index
    %get3A_3108 = arith.constant 768 : index
    %get3A_3109 = vector.load %arg1[%get3A_3107, %get3A_3108] : memref<4096x1024xf32, #tpu.memory_space<vmem>>, vector<128x128xf32>
    %max3A_3110 = arith.maximumf %max3A_3106, %get3A_3109 : vector<128x128xf32>
    %get3A_3111 = arith.constant 3072 : index
    %get3A_3112 = arith.constant 896 : index
    %get3A_3113 = vector.load %arg1[%get3A_3111, %get3A_3112] : memref<4096x1024xf32, #tpu.memory_space<vmem>>, vector<128x128xf32>
    %max3A_3114 = arith.maximumf %max3A_3110, %get3A_3113 : vector<128x128xf32>
    %broadcast_in_dim3A_3115 = arith.constant 8.000000e+00 : f32
    %broadcast_in_dim3A_3116 = vector.broadcast %broadcast_in_dim3A_3115 : f32 to vector<128x128xf32>
    %get3A_3117 = arith.constant 3072 : index
    %get3A_3118 = arith.constant 0 : index
    %get3A_3119 = vector.load %arg1[%get3A_3117, %get3A_3118] : memref<4096x1024xf32, #tpu.memory_space<vmem>>, vector<128x128xf32>
    %eq3A_3120 = arith.cmpf oeq, %get3A_3119, %max3A_3114 : vector<128x128xf32>
    %jit3A_3121 = arith.constant 0.000000e+00 : f32
    %jit3A_3122 = arith.constant 8.000000e+00 : f32
    %broadcast_in_dim3A_3123 = vector.broadcast %jit3A_3121 : f32 to vector<128x128xf32>
    %broadcast_in_dim3A_3124 = vector.broadcast %jit3A_3122 : f32 to vector<128x128xf32>
    %select_n3A_3125 = arith.select %eq3A_3120, %broadcast_in_dim3A_3123, %broadcast_in_dim3A_3124 : vector<128x128xi1>, vector<128x128xf32>
    %min3A_3126 = arith.minimumf %broadcast_in_dim3A_3116, %select_n3A_3125 : vector<128x128xf32>
    %get3A_3127 = arith.constant 3072 : index
    %get3A_3128 = arith.constant 128 : index
    %get3A_3129 = vector.load %arg1[%get3A_3127, %get3A_3128] : memref<4096x1024xf32, #tpu.memory_space<vmem>>, vector<128x128xf32>
    %eq3A_3130 = arith.cmpf oeq, %get3A_3129, %max3A_3114 : vector<128x128xf32>
    %jit3A_3131 = arith.constant 1.000000e+00 : f32
    %jit3A_3132 = arith.constant 8.000000e+00 : f32
    %broadcast_in_dim3A_3133 = vector.broadcast %jit3A_3131 : f32 to vector<128x128xf32>
    %broadcast_in_dim3A_3134 = vector.broadcast %jit3A_3132 : f32 to vector<128x128xf32>
    %select_n3A_3135 = arith.select %eq3A_3130, %broadcast_in_dim3A_3133, %broadcast_in_dim3A_3134 : vector<128x128xi1>, vector<128x128xf32>
    %min3A_3136 = arith.minimumf %min3A_3126, %select_n3A_3135 : vector<128x128xf32>
    %get3A_3137 = arith.constant 3072 : index
    %get3A_3138 = arith.constant 256 : index
    %get3A_3139 = vector.load %arg1[%get3A_3137, %get3A_3138] : memref<4096x1024xf32, #tpu.memory_space<vmem>>, vector<128x128xf32>
    %eq3A_3140 = arith.cmpf oeq, %get3A_3139, %max3A_3114 : vector<128x128xf32>
    %jit3A_3141 = arith.constant 2.000000e+00 : f32
    %jit3A_3142 = arith.constant 8.000000e+00 : f32
    %broadcast_in_dim3A_3143 = vector.broadcast %jit3A_3141 : f32 to vector<128x128xf32>
    %broadcast_in_dim3A_3144 = vector.broadcast %jit3A_3142 : f32 to vector<128x128xf32>
    %select_n3A_3145 = arith.select %eq3A_3140, %broadcast_in_dim3A_3143, %broadcast_in_dim3A_3144 : vector<128x128xi1>, vector<128x128xf32>
    %min3A_3146 = arith.minimumf %min3A_3136, %select_n3A_3145 : vector<128x128xf32>
    %get3A_3147 = arith.constant 3072 : index
    %get3A_3148 = arith.constant 384 : index
    %get3A_3149 = vector.load %arg1[%get3A_3147, %get3A_3148] : memref<4096x1024xf32, #tpu.memory_space<vmem>>, vector<128x128xf32>
    %eq3A_3150 = arith.cmpf oeq, %get3A_3149, %max3A_3114 : vector<128x128xf32>
    %jit3A_3151 = arith.constant 3.000000e+00 : f32
    %jit3A_3152 = arith.constant 8.000000e+00 : f32
    %broadcast_in_dim3A_3153 = vector.broadcast %jit3A_3151 : f32 to vector<128x128xf32>
    %broadcast_in_dim3A_3154 = vector.broadcast %jit3A_3152 : f32 to vector<128x128xf32>
    %select_n3A_3155 = arith.select %eq3A_3150, %broadcast_in_dim3A_3153, %broadcast_in_dim3A_3154 : vector<128x128xi1>, vector<128x128xf32>
    %min3A_3156 = arith.minimumf %min3A_3146, %select_n3A_3155 : vector<128x128xf32>
    %get3A_3157 = arith.constant 3072 : index
    %get3A_3158 = arith.constant 512 : index
    %get3A_3159 = vector.load %arg1[%get3A_3157, %get3A_3158] : memref<4096x1024xf32, #tpu.memory_space<vmem>>, vector<128x128xf32>
    %eq3A_3160 = arith.cmpf oeq, %get3A_3159, %max3A_3114 : vector<128x128xf32>
    %jit3A_3161 = arith.constant 4.000000e+00 : f32
    %jit3A_3162 = arith.constant 8.000000e+00 : f32
    %broadcast_in_dim3A_3163 = vector.broadcast %jit3A_3161 : f32 to vector<128x128xf32>
    %broadcast_in_dim3A_3164 = vector.broadcast %jit3A_3162 : f32 to vector<128x128xf32>
    %select_n3A_3165 = arith.select %eq3A_3160, %broadcast_in_dim3A_3163, %broadcast_in_dim3A_3164 : vector<128x128xi1>, vector<128x128xf32>
    %min3A_3166 = arith.minimumf %min3A_3156, %select_n3A_3165 : vector<128x128xf32>
    %get3A_3167 = arith.constant 3072 : index
    %get3A_3168 = arith.constant 640 : index
    %get3A_3169 = vector.load %arg1[%get3A_3167, %get3A_3168] : memref<4096x1024xf32, #tpu.memory_space<vmem>>, vector<128x128xf32>
    %eq3A_3170 = arith.cmpf oeq, %get3A_3169, %max3A_3114 : vector<128x128xf32>
    %jit3A_3171 = arith.constant 5.000000e+00 : f32
    %jit3A_3172 = arith.constant 8.000000e+00 : f32
    %broadcast_in_dim3A_3173 = vector.broadcast %jit3A_3171 : f32 to vector<128x128xf32>
    %broadcast_in_dim3A_3174 = vector.broadcast %jit3A_3172 : f32 to vector<128x128xf32>
    %select_n3A_3175 = arith.select %eq3A_3170, %broadcast_in_dim3A_3173, %broadcast_in_dim3A_3174 : vector<128x128xi1>, vector<128x128xf32>
    %min3A_3176 = arith.minimumf %min3A_3166, %select_n3A_3175 : vector<128x128xf32>
    %get3A_3177 = arith.constant 3072 : index
    %get3A_3178 = arith.constant 768 : index
    %get3A_3179 = vector.load %arg1[%get3A_3177, %get3A_3178] : memref<4096x1024xf32, #tpu.memory_space<vmem>>, vector<128x128xf32>
    %eq3A_3180 = arith.cmpf oeq, %get3A_3179, %max3A_3114 : vector<128x128xf32>
    %jit3A_3181 = arith.constant 6.000000e+00 : f32
    %jit3A_3182 = arith.constant 8.000000e+00 : f32
    %broadcast_in_dim3A_3183 = vector.broadcast %jit3A_3181 : f32 to vector<128x128xf32>
    %broadcast_in_dim3A_3184 = vector.broadcast %jit3A_3182 : f32 to vector<128x128xf32>
    %select_n3A_3185 = arith.select %eq3A_3180, %broadcast_in_dim3A_3183, %broadcast_in_dim3A_3184 : vector<128x128xi1>, vector<128x128xf32>
    %min3A_3186 = arith.minimumf %min3A_3176, %select_n3A_3185 : vector<128x128xf32>
    %get3A_3187 = arith.constant 3072 : index
    %get3A_3188 = arith.constant 896 : index
    %get3A_3189 = vector.load %arg1[%get3A_3187, %get3A_3188] : memref<4096x1024xf32, #tpu.memory_space<vmem>>, vector<128x128xf32>
    %eq3A_3190 = arith.cmpf oeq, %get3A_3189, %max3A_3114 : vector<128x128xf32>
    %jit3A_3191 = arith.constant 7.000000e+00 : f32
    %jit3A_3192 = arith.constant 8.000000e+00 : f32
    %broadcast_in_dim3A_3193 = vector.broadcast %jit3A_3191 : f32 to vector<128x128xf32>
    %broadcast_in_dim3A_3194 = vector.broadcast %jit3A_3192 : f32 to vector<128x128xf32>
    %select_n3A_3195 = arith.select %eq3A_3190, %broadcast_in_dim3A_3193, %broadcast_in_dim3A_3194 : vector<128x128xi1>, vector<128x128xf32>
    %min3A_3196 = arith.minimumf %min3A_3186, %select_n3A_3195 : vector<128x128xf32>
    %reduce_max3A_3197 = arith.constant dense<0xFF800000> : vector<128xf32>
    %reduce_max3A_3198 = vector.multi_reduction <maximumf>, %max3A_3114, %reduce_max3A_3197 [1] : vector<128x128xf32> to vector<128xf32>
    %broadcast_in_dim3A_3199 = vector.shape_cast %reduce_max3A_3198 : vector<128xf32> to vector<128x1xf32>
    %eq3A_3200 = vector.broadcast %broadcast_in_dim3A_3199 : vector<128x1xf32> to vector<128x128xf32>
    %eq3A_3201 = arith.cmpf oeq, %max3A_3114, %eq3A_3200 : vector<128x128xf32>
    %mul3A_3202 = arith.constant 1.280000e+02 : f32
    %mul3A_3203 = vector.broadcast %mul3A_3202 : f32 to vector<128x128xf32>
    %mul3A_3204 = arith.mulf %min3A_3196, %mul3A_3203 : vector<128x128xf32>
    %add3A_3205 = arith.addf %mul3A_3204, %convert_element_type3A : vector<128x128xf32>
    %jit3A_3206 = arith.constant 2.048000e+03 : f32
    %broadcast_in_dim3A_3207 = vector.broadcast %jit3A_3206 : f32 to vector<128x128xf32>
    %select_n3A_3208 = arith.select %eq3A_3201, %add3A_3205, %broadcast_in_dim3A_3207 : vector<128x128xi1>, vector<128x128xf32>
    %reduce_min3A_3209 = arith.constant dense<0x7F800000> : vector<128xf32>
    %reduce_min3A_3210 = vector.multi_reduction <minimumf>, %select_n3A_3208, %reduce_min3A_3209 [1] : vector<128x128xf32> to vector<128xf32>
    %broadcast_in_dim3A_3211 = vector.shape_cast %reduce_min3A_3210 : vector<128xf32> to vector<128x1xf32>
    %transpose3A_3212 = tpu.transpose %broadcast_in_dim3A_3211, [1, 0] : vector<128x1xf32> -> vector<1x128xf32>
    %get3A_3213 = arith.constant 3200 : index
    %get3A_3214 = arith.constant 0 : index
    %get3A_3215 = vector.load %arg1[%get3A_3213, %get3A_3214] : memref<4096x1024xf32, #tpu.memory_space<vmem>>, vector<128x128xf32>
    %get3A_3216 = arith.constant 3200 : index
    %get3A_3217 = arith.constant 128 : index
    %get3A_3218 = vector.load %arg1[%get3A_3216, %get3A_3217] : memref<4096x1024xf32, #tpu.memory_space<vmem>>, vector<128x128xf32>
    %max3A_3219 = arith.maximumf %get3A_3215, %get3A_3218 : vector<128x128xf32>
    %get3A_3220 = arith.constant 3200 : index
    %get3A_3221 = arith.constant 256 : index
    %get3A_3222 = vector.load %arg1[%get3A_3220, %get3A_3221] : memref<4096x1024xf32, #tpu.memory_space<vmem>>, vector<128x128xf32>
    %max3A_3223 = arith.maximumf %max3A_3219, %get3A_3222 : vector<128x128xf32>
    %get3A_3224 = arith.constant 3200 : index
    %get3A_3225 = arith.constant 384 : index
    %get3A_3226 = vector.load %arg1[%get3A_3224, %get3A_3225] : memref<4096x1024xf32, #tpu.memory_space<vmem>>, vector<128x128xf32>
    %max3A_3227 = arith.maximumf %max3A_3223, %get3A_3226 : vector<128x128xf32>
    %get3A_3228 = arith.constant 3200 : index
    %get3A_3229 = arith.constant 512 : index
    %get3A_3230 = vector.load %arg1[%get3A_3228, %get3A_3229] : memref<4096x1024xf32, #tpu.memory_space<vmem>>, vector<128x128xf32>
    %max3A_3231 = arith.maximumf %max3A_3227, %get3A_3230 : vector<128x128xf32>
    %get3A_3232 = arith.constant 3200 : index
    %get3A_3233 = arith.constant 640 : index
    %get3A_3234 = vector.load %arg1[%get3A_3232, %get3A_3233] : memref<4096x1024xf32, #tpu.memory_space<vmem>>, vector<128x128xf32>
    %max3A_3235 = arith.maximumf %max3A_3231, %get3A_3234 : vector<128x128xf32>
    %get3A_3236 = arith.constant 3200 : index
    %get3A_3237 = arith.constant 768 : index
    %get3A_3238 = vector.load %arg1[%get3A_3236, %get3A_3237] : memref<4096x1024xf32, #tpu.memory_space<vmem>>, vector<128x128xf32>
    %max3A_3239 = arith.maximumf %max3A_3235, %get3A_3238 : vector<128x128xf32>
    %get3A_3240 = arith.constant 3200 : index
    %get3A_3241 = arith.constant 896 : index
    %get3A_3242 = vector.load %arg1[%get3A_3240, %get3A_3241] : memref<4096x1024xf32, #tpu.memory_space<vmem>>, vector<128x128xf32>
    %max3A_3243 = arith.maximumf %max3A_3239, %get3A_3242 : vector<128x128xf32>
    %broadcast_in_dim3A_3244 = arith.constant 8.000000e+00 : f32
    %broadcast_in_dim3A_3245 = vector.broadcast %broadcast_in_dim3A_3244 : f32 to vector<128x128xf32>
    %get3A_3246 = arith.constant 3200 : index
    %get3A_3247 = arith.constant 0 : index
    %get3A_3248 = vector.load %arg1[%get3A_3246, %get3A_3247] : memref<4096x1024xf32, #tpu.memory_space<vmem>>, vector<128x128xf32>
    %eq3A_3249 = arith.cmpf oeq, %get3A_3248, %max3A_3243 : vector<128x128xf32>
    %jit3A_3250 = arith.constant 0.000000e+00 : f32
    %jit3A_3251 = arith.constant 8.000000e+00 : f32
    %broadcast_in_dim3A_3252 = vector.broadcast %jit3A_3250 : f32 to vector<128x128xf32>
    %broadcast_in_dim3A_3253 = vector.broadcast %jit3A_3251 : f32 to vector<128x128xf32>
    %select_n3A_3254 = arith.select %eq3A_3249, %broadcast_in_dim3A_3252, %broadcast_in_dim3A_3253 : vector<128x128xi1>, vector<128x128xf32>
    %min3A_3255 = arith.minimumf %broadcast_in_dim3A_3245, %select_n3A_3254 : vector<128x128xf32>
    %get3A_3256 = arith.constant 3200 : index
    %get3A_3257 = arith.constant 128 : index
    %get3A_3258 = vector.load %arg1[%get3A_3256, %get3A_3257] : memref<4096x1024xf32, #tpu.memory_space<vmem>>, vector<128x128xf32>
    %eq3A_3259 = arith.cmpf oeq, %get3A_3258, %max3A_3243 : vector<128x128xf32>
    %jit3A_3260 = arith.constant 1.000000e+00 : f32
    %jit3A_3261 = arith.constant 8.000000e+00 : f32
    %broadcast_in_dim3A_3262 = vector.broadcast %jit3A_3260 : f32 to vector<128x128xf32>
    %broadcast_in_dim3A_3263 = vector.broadcast %jit3A_3261 : f32 to vector<128x128xf32>
    %select_n3A_3264 = arith.select %eq3A_3259, %broadcast_in_dim3A_3262, %broadcast_in_dim3A_3263 : vector<128x128xi1>, vector<128x128xf32>
    %min3A_3265 = arith.minimumf %min3A_3255, %select_n3A_3264 : vector<128x128xf32>
    %get3A_3266 = arith.constant 3200 : index
    %get3A_3267 = arith.constant 256 : index
    %get3A_3268 = vector.load %arg1[%get3A_3266, %get3A_3267] : memref<4096x1024xf32, #tpu.memory_space<vmem>>, vector<128x128xf32>
    %eq3A_3269 = arith.cmpf oeq, %get3A_3268, %max3A_3243 : vector<128x128xf32>
    %jit3A_3270 = arith.constant 2.000000e+00 : f32
    %jit3A_3271 = arith.constant 8.000000e+00 : f32
    %broadcast_in_dim3A_3272 = vector.broadcast %jit3A_3270 : f32 to vector<128x128xf32>
    %broadcast_in_dim3A_3273 = vector.broadcast %jit3A_3271 : f32 to vector<128x128xf32>
    %select_n3A_3274 = arith.select %eq3A_3269, %broadcast_in_dim3A_3272, %broadcast_in_dim3A_3273 : vector<128x128xi1>, vector<128x128xf32>
    %min3A_3275 = arith.minimumf %min3A_3265, %select_n3A_3274 : vector<128x128xf32>
    %get3A_3276 = arith.constant 3200 : index
    %get3A_3277 = arith.constant 384 : index
    %get3A_3278 = vector.load %arg1[%get3A_3276, %get3A_3277] : memref<4096x1024xf32, #tpu.memory_space<vmem>>, vector<128x128xf32>
    %eq3A_3279 = arith.cmpf oeq, %get3A_3278, %max3A_3243 : vector<128x128xf32>
    %jit3A_3280 = arith.constant 3.000000e+00 : f32
    %jit3A_3281 = arith.constant 8.000000e+00 : f32
    %broadcast_in_dim3A_3282 = vector.broadcast %jit3A_3280 : f32 to vector<128x128xf32>
    %broadcast_in_dim3A_3283 = vector.broadcast %jit3A_3281 : f32 to vector<128x128xf32>
    %select_n3A_3284 = arith.select %eq3A_3279, %broadcast_in_dim3A_3282, %broadcast_in_dim3A_3283 : vector<128x128xi1>, vector<128x128xf32>
    %min3A_3285 = arith.minimumf %min3A_3275, %select_n3A_3284 : vector<128x128xf32>
    %get3A_3286 = arith.constant 3200 : index
    %get3A_3287 = arith.constant 512 : index
    %get3A_3288 = vector.load %arg1[%get3A_3286, %get3A_3287] : memref<4096x1024xf32, #tpu.memory_space<vmem>>, vector<128x128xf32>
    %eq3A_3289 = arith.cmpf oeq, %get3A_3288, %max3A_3243 : vector<128x128xf32>
    %jit3A_3290 = arith.constant 4.000000e+00 : f32
    %jit3A_3291 = arith.constant 8.000000e+00 : f32
    %broadcast_in_dim3A_3292 = vector.broadcast %jit3A_3290 : f32 to vector<128x128xf32>
    %broadcast_in_dim3A_3293 = vector.broadcast %jit3A_3291 : f32 to vector<128x128xf32>
    %select_n3A_3294 = arith.select %eq3A_3289, %broadcast_in_dim3A_3292, %broadcast_in_dim3A_3293 : vector<128x128xi1>, vector<128x128xf32>
    %min3A_3295 = arith.minimumf %min3A_3285, %select_n3A_3294 : vector<128x128xf32>
    %get3A_3296 = arith.constant 3200 : index
    %get3A_3297 = arith.constant 640 : index
    %get3A_3298 = vector.load %arg1[%get3A_3296, %get3A_3297] : memref<4096x1024xf32, #tpu.memory_space<vmem>>, vector<128x128xf32>
    %eq3A_3299 = arith.cmpf oeq, %get3A_3298, %max3A_3243 : vector<128x128xf32>
    %jit3A_3300 = arith.constant 5.000000e+00 : f32
    %jit3A_3301 = arith.constant 8.000000e+00 : f32
    %broadcast_in_dim3A_3302 = vector.broadcast %jit3A_3300 : f32 to vector<128x128xf32>
    %broadcast_in_dim3A_3303 = vector.broadcast %jit3A_3301 : f32 to vector<128x128xf32>
    %select_n3A_3304 = arith.select %eq3A_3299, %broadcast_in_dim3A_3302, %broadcast_in_dim3A_3303 : vector<128x128xi1>, vector<128x128xf32>
    %min3A_3305 = arith.minimumf %min3A_3295, %select_n3A_3304 : vector<128x128xf32>
    %get3A_3306 = arith.constant 3200 : index
    %get3A_3307 = arith.constant 768 : index
    %get3A_3308 = vector.load %arg1[%get3A_3306, %get3A_3307] : memref<4096x1024xf32, #tpu.memory_space<vmem>>, vector<128x128xf32>
    %eq3A_3309 = arith.cmpf oeq, %get3A_3308, %max3A_3243 : vector<128x128xf32>
    %jit3A_3310 = arith.constant 6.000000e+00 : f32
    %jit3A_3311 = arith.constant 8.000000e+00 : f32
    %broadcast_in_dim3A_3312 = vector.broadcast %jit3A_3310 : f32 to vector<128x128xf32>
    %broadcast_in_dim3A_3313 = vector.broadcast %jit3A_3311 : f32 to vector<128x128xf32>
    %select_n3A_3314 = arith.select %eq3A_3309, %broadcast_in_dim3A_3312, %broadcast_in_dim3A_3313 : vector<128x128xi1>, vector<128x128xf32>
    %min3A_3315 = arith.minimumf %min3A_3305, %select_n3A_3314 : vector<128x128xf32>
    %get3A_3316 = arith.constant 3200 : index
    %get3A_3317 = arith.constant 896 : index
    %get3A_3318 = vector.load %arg1[%get3A_3316, %get3A_3317] : memref<4096x1024xf32, #tpu.memory_space<vmem>>, vector<128x128xf32>
    %eq3A_3319 = arith.cmpf oeq, %get3A_3318, %max3A_3243 : vector<128x128xf32>
    %jit3A_3320 = arith.constant 7.000000e+00 : f32
    %jit3A_3321 = arith.constant 8.000000e+00 : f32
    %broadcast_in_dim3A_3322 = vector.broadcast %jit3A_3320 : f32 to vector<128x128xf32>
    %broadcast_in_dim3A_3323 = vector.broadcast %jit3A_3321 : f32 to vector<128x128xf32>
    %select_n3A_3324 = arith.select %eq3A_3319, %broadcast_in_dim3A_3322, %broadcast_in_dim3A_3323 : vector<128x128xi1>, vector<128x128xf32>
    %min3A_3325 = arith.minimumf %min3A_3315, %select_n3A_3324 : vector<128x128xf32>
    %reduce_max3A_3326 = arith.constant dense<0xFF800000> : vector<128xf32>
    %reduce_max3A_3327 = vector.multi_reduction <maximumf>, %max3A_3243, %reduce_max3A_3326 [1] : vector<128x128xf32> to vector<128xf32>
    %broadcast_in_dim3A_3328 = vector.shape_cast %reduce_max3A_3327 : vector<128xf32> to vector<128x1xf32>
    %eq3A_3329 = vector.broadcast %broadcast_in_dim3A_3328 : vector<128x1xf32> to vector<128x128xf32>
    %eq3A_3330 = arith.cmpf oeq, %max3A_3243, %eq3A_3329 : vector<128x128xf32>
    %mul3A_3331 = arith.constant 1.280000e+02 : f32
    %mul3A_3332 = vector.broadcast %mul3A_3331 : f32 to vector<128x128xf32>
    %mul3A_3333 = arith.mulf %min3A_3325, %mul3A_3332 : vector<128x128xf32>
    %add3A_3334 = arith.addf %mul3A_3333, %convert_element_type3A : vector<128x128xf32>
    %jit3A_3335 = arith.constant 2.048000e+03 : f32
    %broadcast_in_dim3A_3336 = vector.broadcast %jit3A_3335 : f32 to vector<128x128xf32>
    %select_n3A_3337 = arith.select %eq3A_3330, %add3A_3334, %broadcast_in_dim3A_3336 : vector<128x128xi1>, vector<128x128xf32>
    %reduce_min3A_3338 = arith.constant dense<0x7F800000> : vector<128xf32>
    %reduce_min3A_3339 = vector.multi_reduction <minimumf>, %select_n3A_3337, %reduce_min3A_3338 [1] : vector<128x128xf32> to vector<128xf32>
    %broadcast_in_dim3A_3340 = vector.shape_cast %reduce_min3A_3339 : vector<128xf32> to vector<128x1xf32>
    %transpose3A_3341 = tpu.transpose %broadcast_in_dim3A_3340, [1, 0] : vector<128x1xf32> -> vector<1x128xf32>
    %get3A_3342 = arith.constant 3328 : index
    %get3A_3343 = arith.constant 0 : index
    %get3A_3344 = vector.load %arg1[%get3A_3342, %get3A_3343] : memref<4096x1024xf32, #tpu.memory_space<vmem>>, vector<128x128xf32>
    %get3A_3345 = arith.constant 3328 : index
    %get3A_3346 = arith.constant 128 : index
    %get3A_3347 = vector.load %arg1[%get3A_3345, %get3A_3346] : memref<4096x1024xf32, #tpu.memory_space<vmem>>, vector<128x128xf32>
    %max3A_3348 = arith.maximumf %get3A_3344, %get3A_3347 : vector<128x128xf32>
    %get3A_3349 = arith.constant 3328 : index
    %get3A_3350 = arith.constant 256 : index
    %get3A_3351 = vector.load %arg1[%get3A_3349, %get3A_3350] : memref<4096x1024xf32, #tpu.memory_space<vmem>>, vector<128x128xf32>
    %max3A_3352 = arith.maximumf %max3A_3348, %get3A_3351 : vector<128x128xf32>
    %get3A_3353 = arith.constant 3328 : index
    %get3A_3354 = arith.constant 384 : index
    %get3A_3355 = vector.load %arg1[%get3A_3353, %get3A_3354] : memref<4096x1024xf32, #tpu.memory_space<vmem>>, vector<128x128xf32>
    %max3A_3356 = arith.maximumf %max3A_3352, %get3A_3355 : vector<128x128xf32>
    %get3A_3357 = arith.constant 3328 : index
    %get3A_3358 = arith.constant 512 : index
    %get3A_3359 = vector.load %arg1[%get3A_3357, %get3A_3358] : memref<4096x1024xf32, #tpu.memory_space<vmem>>, vector<128x128xf32>
    %max3A_3360 = arith.maximumf %max3A_3356, %get3A_3359 : vector<128x128xf32>
    %get3A_3361 = arith.constant 3328 : index
    %get3A_3362 = arith.constant 640 : index
    %get3A_3363 = vector.load %arg1[%get3A_3361, %get3A_3362] : memref<4096x1024xf32, #tpu.memory_space<vmem>>, vector<128x128xf32>
    %max3A_3364 = arith.maximumf %max3A_3360, %get3A_3363 : vector<128x128xf32>
    %get3A_3365 = arith.constant 3328 : index
    %get3A_3366 = arith.constant 768 : index
    %get3A_3367 = vector.load %arg1[%get3A_3365, %get3A_3366] : memref<4096x1024xf32, #tpu.memory_space<vmem>>, vector<128x128xf32>
    %max3A_3368 = arith.maximumf %max3A_3364, %get3A_3367 : vector<128x128xf32>
    %get3A_3369 = arith.constant 3328 : index
    %get3A_3370 = arith.constant 896 : index
    %get3A_3371 = vector.load %arg1[%get3A_3369, %get3A_3370] : memref<4096x1024xf32, #tpu.memory_space<vmem>>, vector<128x128xf32>
    %max3A_3372 = arith.maximumf %max3A_3368, %get3A_3371 : vector<128x128xf32>
    %broadcast_in_dim3A_3373 = arith.constant 8.000000e+00 : f32
    %broadcast_in_dim3A_3374 = vector.broadcast %broadcast_in_dim3A_3373 : f32 to vector<128x128xf32>
    %get3A_3375 = arith.constant 3328 : index
    %get3A_3376 = arith.constant 0 : index
    %get3A_3377 = vector.load %arg1[%get3A_3375, %get3A_3376] : memref<4096x1024xf32, #tpu.memory_space<vmem>>, vector<128x128xf32>
    %eq3A_3378 = arith.cmpf oeq, %get3A_3377, %max3A_3372 : vector<128x128xf32>
    %jit3A_3379 = arith.constant 0.000000e+00 : f32
    %jit3A_3380 = arith.constant 8.000000e+00 : f32
    %broadcast_in_dim3A_3381 = vector.broadcast %jit3A_3379 : f32 to vector<128x128xf32>
    %broadcast_in_dim3A_3382 = vector.broadcast %jit3A_3380 : f32 to vector<128x128xf32>
    %select_n3A_3383 = arith.select %eq3A_3378, %broadcast_in_dim3A_3381, %broadcast_in_dim3A_3382 : vector<128x128xi1>, vector<128x128xf32>
    %min3A_3384 = arith.minimumf %broadcast_in_dim3A_3374, %select_n3A_3383 : vector<128x128xf32>
    %get3A_3385 = arith.constant 3328 : index
    %get3A_3386 = arith.constant 128 : index
    %get3A_3387 = vector.load %arg1[%get3A_3385, %get3A_3386] : memref<4096x1024xf32, #tpu.memory_space<vmem>>, vector<128x128xf32>
    %eq3A_3388 = arith.cmpf oeq, %get3A_3387, %max3A_3372 : vector<128x128xf32>
    %jit3A_3389 = arith.constant 1.000000e+00 : f32
    %jit3A_3390 = arith.constant 8.000000e+00 : f32
    %broadcast_in_dim3A_3391 = vector.broadcast %jit3A_3389 : f32 to vector<128x128xf32>
    %broadcast_in_dim3A_3392 = vector.broadcast %jit3A_3390 : f32 to vector<128x128xf32>
    %select_n3A_3393 = arith.select %eq3A_3388, %broadcast_in_dim3A_3391, %broadcast_in_dim3A_3392 : vector<128x128xi1>, vector<128x128xf32>
    %min3A_3394 = arith.minimumf %min3A_3384, %select_n3A_3393 : vector<128x128xf32>
    %get3A_3395 = arith.constant 3328 : index
    %get3A_3396 = arith.constant 256 : index
    %get3A_3397 = vector.load %arg1[%get3A_3395, %get3A_3396] : memref<4096x1024xf32, #tpu.memory_space<vmem>>, vector<128x128xf32>
    %eq3A_3398 = arith.cmpf oeq, %get3A_3397, %max3A_3372 : vector<128x128xf32>
    %jit3A_3399 = arith.constant 2.000000e+00 : f32
    %jit3A_3400 = arith.constant 8.000000e+00 : f32
    %broadcast_in_dim3A_3401 = vector.broadcast %jit3A_3399 : f32 to vector<128x128xf32>
    %broadcast_in_dim3A_3402 = vector.broadcast %jit3A_3400 : f32 to vector<128x128xf32>
    %select_n3A_3403 = arith.select %eq3A_3398, %broadcast_in_dim3A_3401, %broadcast_in_dim3A_3402 : vector<128x128xi1>, vector<128x128xf32>
    %min3A_3404 = arith.minimumf %min3A_3394, %select_n3A_3403 : vector<128x128xf32>
    %get3A_3405 = arith.constant 3328 : index
    %get3A_3406 = arith.constant 384 : index
    %get3A_3407 = vector.load %arg1[%get3A_3405, %get3A_3406] : memref<4096x1024xf32, #tpu.memory_space<vmem>>, vector<128x128xf32>
    %eq3A_3408 = arith.cmpf oeq, %get3A_3407, %max3A_3372 : vector<128x128xf32>
    %jit3A_3409 = arith.constant 3.000000e+00 : f32
    %jit3A_3410 = arith.constant 8.000000e+00 : f32
    %broadcast_in_dim3A_3411 = vector.broadcast %jit3A_3409 : f32 to vector<128x128xf32>
    %broadcast_in_dim3A_3412 = vector.broadcast %jit3A_3410 : f32 to vector<128x128xf32>
    %select_n3A_3413 = arith.select %eq3A_3408, %broadcast_in_dim3A_3411, %broadcast_in_dim3A_3412 : vector<128x128xi1>, vector<128x128xf32>
    %min3A_3414 = arith.minimumf %min3A_3404, %select_n3A_3413 : vector<128x128xf32>
    %get3A_3415 = arith.constant 3328 : index
    %get3A_3416 = arith.constant 512 : index
    %get3A_3417 = vector.load %arg1[%get3A_3415, %get3A_3416] : memref<4096x1024xf32, #tpu.memory_space<vmem>>, vector<128x128xf32>
    %eq3A_3418 = arith.cmpf oeq, %get3A_3417, %max3A_3372 : vector<128x128xf32>
    %jit3A_3419 = arith.constant 4.000000e+00 : f32
    %jit3A_3420 = arith.constant 8.000000e+00 : f32
    %broadcast_in_dim3A_3421 = vector.broadcast %jit3A_3419 : f32 to vector<128x128xf32>
    %broadcast_in_dim3A_3422 = vector.broadcast %jit3A_3420 : f32 to vector<128x128xf32>
    %select_n3A_3423 = arith.select %eq3A_3418, %broadcast_in_dim3A_3421, %broadcast_in_dim3A_3422 : vector<128x128xi1>, vector<128x128xf32>
    %min3A_3424 = arith.minimumf %min3A_3414, %select_n3A_3423 : vector<128x128xf32>
    %get3A_3425 = arith.constant 3328 : index
    %get3A_3426 = arith.constant 640 : index
    %get3A_3427 = vector.load %arg1[%get3A_3425, %get3A_3426] : memref<4096x1024xf32, #tpu.memory_space<vmem>>, vector<128x128xf32>
    %eq3A_3428 = arith.cmpf oeq, %get3A_3427, %max3A_3372 : vector<128x128xf32>
    %jit3A_3429 = arith.constant 5.000000e+00 : f32
    %jit3A_3430 = arith.constant 8.000000e+00 : f32
    %broadcast_in_dim3A_3431 = vector.broadcast %jit3A_3429 : f32 to vector<128x128xf32>
    %broadcast_in_dim3A_3432 = vector.broadcast %jit3A_3430 : f32 to vector<128x128xf32>
    %select_n3A_3433 = arith.select %eq3A_3428, %broadcast_in_dim3A_3431, %broadcast_in_dim3A_3432 : vector<128x128xi1>, vector<128x128xf32>
    %min3A_3434 = arith.minimumf %min3A_3424, %select_n3A_3433 : vector<128x128xf32>
    %get3A_3435 = arith.constant 3328 : index
    %get3A_3436 = arith.constant 768 : index
    %get3A_3437 = vector.load %arg1[%get3A_3435, %get3A_3436] : memref<4096x1024xf32, #tpu.memory_space<vmem>>, vector<128x128xf32>
    %eq3A_3438 = arith.cmpf oeq, %get3A_3437, %max3A_3372 : vector<128x128xf32>
    %jit3A_3439 = arith.constant 6.000000e+00 : f32
    %jit3A_3440 = arith.constant 8.000000e+00 : f32
    %broadcast_in_dim3A_3441 = vector.broadcast %jit3A_3439 : f32 to vector<128x128xf32>
    %broadcast_in_dim3A_3442 = vector.broadcast %jit3A_3440 : f32 to vector<128x128xf32>
    %select_n3A_3443 = arith.select %eq3A_3438, %broadcast_in_dim3A_3441, %broadcast_in_dim3A_3442 : vector<128x128xi1>, vector<128x128xf32>
    %min3A_3444 = arith.minimumf %min3A_3434, %select_n3A_3443 : vector<128x128xf32>
    %get3A_3445 = arith.constant 3328 : index
    %get3A_3446 = arith.constant 896 : index
    %get3A_3447 = vector.load %arg1[%get3A_3445, %get3A_3446] : memref<4096x1024xf32, #tpu.memory_space<vmem>>, vector<128x128xf32>
    %eq3A_3448 = arith.cmpf oeq, %get3A_3447, %max3A_3372 : vector<128x128xf32>
    %jit3A_3449 = arith.constant 7.000000e+00 : f32
    %jit3A_3450 = arith.constant 8.000000e+00 : f32
    %broadcast_in_dim3A_3451 = vector.broadcast %jit3A_3449 : f32 to vector<128x128xf32>
    %broadcast_in_dim3A_3452 = vector.broadcast %jit3A_3450 : f32 to vector<128x128xf32>
    %select_n3A_3453 = arith.select %eq3A_3448, %broadcast_in_dim3A_3451, %broadcast_in_dim3A_3452 : vector<128x128xi1>, vector<128x128xf32>
    %min3A_3454 = arith.minimumf %min3A_3444, %select_n3A_3453 : vector<128x128xf32>
    %reduce_max3A_3455 = arith.constant dense<0xFF800000> : vector<128xf32>
    %reduce_max3A_3456 = vector.multi_reduction <maximumf>, %max3A_3372, %reduce_max3A_3455 [1] : vector<128x128xf32> to vector<128xf32>
    %broadcast_in_dim3A_3457 = vector.shape_cast %reduce_max3A_3456 : vector<128xf32> to vector<128x1xf32>
    %eq3A_3458 = vector.broadcast %broadcast_in_dim3A_3457 : vector<128x1xf32> to vector<128x128xf32>
    %eq3A_3459 = arith.cmpf oeq, %max3A_3372, %eq3A_3458 : vector<128x128xf32>
    %mul3A_3460 = arith.constant 1.280000e+02 : f32
    %mul3A_3461 = vector.broadcast %mul3A_3460 : f32 to vector<128x128xf32>
    %mul3A_3462 = arith.mulf %min3A_3454, %mul3A_3461 : vector<128x128xf32>
    %add3A_3463 = arith.addf %mul3A_3462, %convert_element_type3A : vector<128x128xf32>
    %jit3A_3464 = arith.constant 2.048000e+03 : f32
    %broadcast_in_dim3A_3465 = vector.broadcast %jit3A_3464 : f32 to vector<128x128xf32>
    %select_n3A_3466 = arith.select %eq3A_3459, %add3A_3463, %broadcast_in_dim3A_3465 : vector<128x128xi1>, vector<128x128xf32>
    %reduce_min3A_3467 = arith.constant dense<0x7F800000> : vector<128xf32>
    %reduce_min3A_3468 = vector.multi_reduction <minimumf>, %select_n3A_3466, %reduce_min3A_3467 [1] : vector<128x128xf32> to vector<128xf32>
    %broadcast_in_dim3A_3469 = vector.shape_cast %reduce_min3A_3468 : vector<128xf32> to vector<128x1xf32>
    %transpose3A_3470 = tpu.transpose %broadcast_in_dim3A_3469, [1, 0] : vector<128x1xf32> -> vector<1x128xf32>
    %get3A_3471 = arith.constant 3456 : index
    %get3A_3472 = arith.constant 0 : index
    %get3A_3473 = vector.load %arg1[%get3A_3471, %get3A_3472] : memref<4096x1024xf32, #tpu.memory_space<vmem>>, vector<128x128xf32>
    %get3A_3474 = arith.constant 3456 : index
    %get3A_3475 = arith.constant 128 : index
    %get3A_3476 = vector.load %arg1[%get3A_3474, %get3A_3475] : memref<4096x1024xf32, #tpu.memory_space<vmem>>, vector<128x128xf32>
    %max3A_3477 = arith.maximumf %get3A_3473, %get3A_3476 : vector<128x128xf32>
    %get3A_3478 = arith.constant 3456 : index
    %get3A_3479 = arith.constant 256 : index
    %get3A_3480 = vector.load %arg1[%get3A_3478, %get3A_3479] : memref<4096x1024xf32, #tpu.memory_space<vmem>>, vector<128x128xf32>
    %max3A_3481 = arith.maximumf %max3A_3477, %get3A_3480 : vector<128x128xf32>
    %get3A_3482 = arith.constant 3456 : index
    %get3A_3483 = arith.constant 384 : index
    %get3A_3484 = vector.load %arg1[%get3A_3482, %get3A_3483] : memref<4096x1024xf32, #tpu.memory_space<vmem>>, vector<128x128xf32>
    %max3A_3485 = arith.maximumf %max3A_3481, %get3A_3484 : vector<128x128xf32>
    %get3A_3486 = arith.constant 3456 : index
    %get3A_3487 = arith.constant 512 : index
    %get3A_3488 = vector.load %arg1[%get3A_3486, %get3A_3487] : memref<4096x1024xf32, #tpu.memory_space<vmem>>, vector<128x128xf32>
    %max3A_3489 = arith.maximumf %max3A_3485, %get3A_3488 : vector<128x128xf32>
    %get3A_3490 = arith.constant 3456 : index
    %get3A_3491 = arith.constant 640 : index
    %get3A_3492 = vector.load %arg1[%get3A_3490, %get3A_3491] : memref<4096x1024xf32, #tpu.memory_space<vmem>>, vector<128x128xf32>
    %max3A_3493 = arith.maximumf %max3A_3489, %get3A_3492 : vector<128x128xf32>
    %get3A_3494 = arith.constant 3456 : index
    %get3A_3495 = arith.constant 768 : index
    %get3A_3496 = vector.load %arg1[%get3A_3494, %get3A_3495] : memref<4096x1024xf32, #tpu.memory_space<vmem>>, vector<128x128xf32>
    %max3A_3497 = arith.maximumf %max3A_3493, %get3A_3496 : vector<128x128xf32>
    %get3A_3498 = arith.constant 3456 : index
    %get3A_3499 = arith.constant 896 : index
    %get3A_3500 = vector.load %arg1[%get3A_3498, %get3A_3499] : memref<4096x1024xf32, #tpu.memory_space<vmem>>, vector<128x128xf32>
    %max3A_3501 = arith.maximumf %max3A_3497, %get3A_3500 : vector<128x128xf32>
    %broadcast_in_dim3A_3502 = arith.constant 8.000000e+00 : f32
    %broadcast_in_dim3A_3503 = vector.broadcast %broadcast_in_dim3A_3502 : f32 to vector<128x128xf32>
    %get3A_3504 = arith.constant 3456 : index
    %get3A_3505 = arith.constant 0 : index
    %get3A_3506 = vector.load %arg1[%get3A_3504, %get3A_3505] : memref<4096x1024xf32, #tpu.memory_space<vmem>>, vector<128x128xf32>
    %eq3A_3507 = arith.cmpf oeq, %get3A_3506, %max3A_3501 : vector<128x128xf32>
    %jit3A_3508 = arith.constant 0.000000e+00 : f32
    %jit3A_3509 = arith.constant 8.000000e+00 : f32
    %broadcast_in_dim3A_3510 = vector.broadcast %jit3A_3508 : f32 to vector<128x128xf32>
    %broadcast_in_dim3A_3511 = vector.broadcast %jit3A_3509 : f32 to vector<128x128xf32>
    %select_n3A_3512 = arith.select %eq3A_3507, %broadcast_in_dim3A_3510, %broadcast_in_dim3A_3511 : vector<128x128xi1>, vector<128x128xf32>
    %min3A_3513 = arith.minimumf %broadcast_in_dim3A_3503, %select_n3A_3512 : vector<128x128xf32>
    %get3A_3514 = arith.constant 3456 : index
    %get3A_3515 = arith.constant 128 : index
    %get3A_3516 = vector.load %arg1[%get3A_3514, %get3A_3515] : memref<4096x1024xf32, #tpu.memory_space<vmem>>, vector<128x128xf32>
    %eq3A_3517 = arith.cmpf oeq, %get3A_3516, %max3A_3501 : vector<128x128xf32>
    %jit3A_3518 = arith.constant 1.000000e+00 : f32
    %jit3A_3519 = arith.constant 8.000000e+00 : f32
    %broadcast_in_dim3A_3520 = vector.broadcast %jit3A_3518 : f32 to vector<128x128xf32>
    %broadcast_in_dim3A_3521 = vector.broadcast %jit3A_3519 : f32 to vector<128x128xf32>
    %select_n3A_3522 = arith.select %eq3A_3517, %broadcast_in_dim3A_3520, %broadcast_in_dim3A_3521 : vector<128x128xi1>, vector<128x128xf32>
    %min3A_3523 = arith.minimumf %min3A_3513, %select_n3A_3522 : vector<128x128xf32>
    %get3A_3524 = arith.constant 3456 : index
    %get3A_3525 = arith.constant 256 : index
    %get3A_3526 = vector.load %arg1[%get3A_3524, %get3A_3525] : memref<4096x1024xf32, #tpu.memory_space<vmem>>, vector<128x128xf32>
    %eq3A_3527 = arith.cmpf oeq, %get3A_3526, %max3A_3501 : vector<128x128xf32>
    %jit3A_3528 = arith.constant 2.000000e+00 : f32
    %jit3A_3529 = arith.constant 8.000000e+00 : f32
    %broadcast_in_dim3A_3530 = vector.broadcast %jit3A_3528 : f32 to vector<128x128xf32>
    %broadcast_in_dim3A_3531 = vector.broadcast %jit3A_3529 : f32 to vector<128x128xf32>
    %select_n3A_3532 = arith.select %eq3A_3527, %broadcast_in_dim3A_3530, %broadcast_in_dim3A_3531 : vector<128x128xi1>, vector<128x128xf32>
    %min3A_3533 = arith.minimumf %min3A_3523, %select_n3A_3532 : vector<128x128xf32>
    %get3A_3534 = arith.constant 3456 : index
    %get3A_3535 = arith.constant 384 : index
    %get3A_3536 = vector.load %arg1[%get3A_3534, %get3A_3535] : memref<4096x1024xf32, #tpu.memory_space<vmem>>, vector<128x128xf32>
    %eq3A_3537 = arith.cmpf oeq, %get3A_3536, %max3A_3501 : vector<128x128xf32>
    %jit3A_3538 = arith.constant 3.000000e+00 : f32
    %jit3A_3539 = arith.constant 8.000000e+00 : f32
    %broadcast_in_dim3A_3540 = vector.broadcast %jit3A_3538 : f32 to vector<128x128xf32>
    %broadcast_in_dim3A_3541 = vector.broadcast %jit3A_3539 : f32 to vector<128x128xf32>
    %select_n3A_3542 = arith.select %eq3A_3537, %broadcast_in_dim3A_3540, %broadcast_in_dim3A_3541 : vector<128x128xi1>, vector<128x128xf32>
    %min3A_3543 = arith.minimumf %min3A_3533, %select_n3A_3542 : vector<128x128xf32>
    %get3A_3544 = arith.constant 3456 : index
    %get3A_3545 = arith.constant 512 : index
    %get3A_3546 = vector.load %arg1[%get3A_3544, %get3A_3545] : memref<4096x1024xf32, #tpu.memory_space<vmem>>, vector<128x128xf32>
    %eq3A_3547 = arith.cmpf oeq, %get3A_3546, %max3A_3501 : vector<128x128xf32>
    %jit3A_3548 = arith.constant 4.000000e+00 : f32
    %jit3A_3549 = arith.constant 8.000000e+00 : f32
    %broadcast_in_dim3A_3550 = vector.broadcast %jit3A_3548 : f32 to vector<128x128xf32>
    %broadcast_in_dim3A_3551 = vector.broadcast %jit3A_3549 : f32 to vector<128x128xf32>
    %select_n3A_3552 = arith.select %eq3A_3547, %broadcast_in_dim3A_3550, %broadcast_in_dim3A_3551 : vector<128x128xi1>, vector<128x128xf32>
    %min3A_3553 = arith.minimumf %min3A_3543, %select_n3A_3552 : vector<128x128xf32>
    %get3A_3554 = arith.constant 3456 : index
    %get3A_3555 = arith.constant 640 : index
    %get3A_3556 = vector.load %arg1[%get3A_3554, %get3A_3555] : memref<4096x1024xf32, #tpu.memory_space<vmem>>, vector<128x128xf32>
    %eq3A_3557 = arith.cmpf oeq, %get3A_3556, %max3A_3501 : vector<128x128xf32>
    %jit3A_3558 = arith.constant 5.000000e+00 : f32
    %jit3A_3559 = arith.constant 8.000000e+00 : f32
    %broadcast_in_dim3A_3560 = vector.broadcast %jit3A_3558 : f32 to vector<128x128xf32>
    %broadcast_in_dim3A_3561 = vector.broadcast %jit3A_3559 : f32 to vector<128x128xf32>
    %select_n3A_3562 = arith.select %eq3A_3557, %broadcast_in_dim3A_3560, %broadcast_in_dim3A_3561 : vector<128x128xi1>, vector<128x128xf32>
    %min3A_3563 = arith.minimumf %min3A_3553, %select_n3A_3562 : vector<128x128xf32>
    %get3A_3564 = arith.constant 3456 : index
    %get3A_3565 = arith.constant 768 : index
    %get3A_3566 = vector.load %arg1[%get3A_3564, %get3A_3565] : memref<4096x1024xf32, #tpu.memory_space<vmem>>, vector<128x128xf32>
    %eq3A_3567 = arith.cmpf oeq, %get3A_3566, %max3A_3501 : vector<128x128xf32>
    %jit3A_3568 = arith.constant 6.000000e+00 : f32
    %jit3A_3569 = arith.constant 8.000000e+00 : f32
    %broadcast_in_dim3A_3570 = vector.broadcast %jit3A_3568 : f32 to vector<128x128xf32>
    %broadcast_in_dim3A_3571 = vector.broadcast %jit3A_3569 : f32 to vector<128x128xf32>
    %select_n3A_3572 = arith.select %eq3A_3567, %broadcast_in_dim3A_3570, %broadcast_in_dim3A_3571 : vector<128x128xi1>, vector<128x128xf32>
    %min3A_3573 = arith.minimumf %min3A_3563, %select_n3A_3572 : vector<128x128xf32>
    %get3A_3574 = arith.constant 3456 : index
    %get3A_3575 = arith.constant 896 : index
    %get3A_3576 = vector.load %arg1[%get3A_3574, %get3A_3575] : memref<4096x1024xf32, #tpu.memory_space<vmem>>, vector<128x128xf32>
    %eq3A_3577 = arith.cmpf oeq, %get3A_3576, %max3A_3501 : vector<128x128xf32>
    %jit3A_3578 = arith.constant 7.000000e+00 : f32
    %jit3A_3579 = arith.constant 8.000000e+00 : f32
    %broadcast_in_dim3A_3580 = vector.broadcast %jit3A_3578 : f32 to vector<128x128xf32>
    %broadcast_in_dim3A_3581 = vector.broadcast %jit3A_3579 : f32 to vector<128x128xf32>
    %select_n3A_3582 = arith.select %eq3A_3577, %broadcast_in_dim3A_3580, %broadcast_in_dim3A_3581 : vector<128x128xi1>, vector<128x128xf32>
    %min3A_3583 = arith.minimumf %min3A_3573, %select_n3A_3582 : vector<128x128xf32>
    %reduce_max3A_3584 = arith.constant dense<0xFF800000> : vector<128xf32>
    %reduce_max3A_3585 = vector.multi_reduction <maximumf>, %max3A_3501, %reduce_max3A_3584 [1] : vector<128x128xf32> to vector<128xf32>
    %broadcast_in_dim3A_3586 = vector.shape_cast %reduce_max3A_3585 : vector<128xf32> to vector<128x1xf32>
    %eq3A_3587 = vector.broadcast %broadcast_in_dim3A_3586 : vector<128x1xf32> to vector<128x128xf32>
    %eq3A_3588 = arith.cmpf oeq, %max3A_3501, %eq3A_3587 : vector<128x128xf32>
    %mul3A_3589 = arith.constant 1.280000e+02 : f32
    %mul3A_3590 = vector.broadcast %mul3A_3589 : f32 to vector<128x128xf32>
    %mul3A_3591 = arith.mulf %min3A_3583, %mul3A_3590 : vector<128x128xf32>
    %add3A_3592 = arith.addf %mul3A_3591, %convert_element_type3A : vector<128x128xf32>
    %jit3A_3593 = arith.constant 2.048000e+03 : f32
    %broadcast_in_dim3A_3594 = vector.broadcast %jit3A_3593 : f32 to vector<128x128xf32>
    %select_n3A_3595 = arith.select %eq3A_3588, %add3A_3592, %broadcast_in_dim3A_3594 : vector<128x128xi1>, vector<128x128xf32>
    %reduce_min3A_3596 = arith.constant dense<0x7F800000> : vector<128xf32>
    %reduce_min3A_3597 = vector.multi_reduction <minimumf>, %select_n3A_3595, %reduce_min3A_3596 [1] : vector<128x128xf32> to vector<128xf32>
    %broadcast_in_dim3A_3598 = vector.shape_cast %reduce_min3A_3597 : vector<128xf32> to vector<128x1xf32>
    %transpose3A_3599 = tpu.transpose %broadcast_in_dim3A_3598, [1, 0] : vector<128x1xf32> -> vector<1x128xf32>
    %get3A_3600 = arith.constant 3584 : index
    %get3A_3601 = arith.constant 0 : index
    %get3A_3602 = vector.load %arg1[%get3A_3600, %get3A_3601] : memref<4096x1024xf32, #tpu.memory_space<vmem>>, vector<128x128xf32>
    %get3A_3603 = arith.constant 3584 : index
    %get3A_3604 = arith.constant 128 : index
    %get3A_3605 = vector.load %arg1[%get3A_3603, %get3A_3604] : memref<4096x1024xf32, #tpu.memory_space<vmem>>, vector<128x128xf32>
    %max3A_3606 = arith.maximumf %get3A_3602, %get3A_3605 : vector<128x128xf32>
    %get3A_3607 = arith.constant 3584 : index
    %get3A_3608 = arith.constant 256 : index
    %get3A_3609 = vector.load %arg1[%get3A_3607, %get3A_3608] : memref<4096x1024xf32, #tpu.memory_space<vmem>>, vector<128x128xf32>
    %max3A_3610 = arith.maximumf %max3A_3606, %get3A_3609 : vector<128x128xf32>
    %get3A_3611 = arith.constant 3584 : index
    %get3A_3612 = arith.constant 384 : index
    %get3A_3613 = vector.load %arg1[%get3A_3611, %get3A_3612] : memref<4096x1024xf32, #tpu.memory_space<vmem>>, vector<128x128xf32>
    %max3A_3614 = arith.maximumf %max3A_3610, %get3A_3613 : vector<128x128xf32>
    %get3A_3615 = arith.constant 3584 : index
    %get3A_3616 = arith.constant 512 : index
    %get3A_3617 = vector.load %arg1[%get3A_3615, %get3A_3616] : memref<4096x1024xf32, #tpu.memory_space<vmem>>, vector<128x128xf32>
    %max3A_3618 = arith.maximumf %max3A_3614, %get3A_3617 : vector<128x128xf32>
    %get3A_3619 = arith.constant 3584 : index
    %get3A_3620 = arith.constant 640 : index
    %get3A_3621 = vector.load %arg1[%get3A_3619, %get3A_3620] : memref<4096x1024xf32, #tpu.memory_space<vmem>>, vector<128x128xf32>
    %max3A_3622 = arith.maximumf %max3A_3618, %get3A_3621 : vector<128x128xf32>
    %get3A_3623 = arith.constant 3584 : index
    %get3A_3624 = arith.constant 768 : index
    %get3A_3625 = vector.load %arg1[%get3A_3623, %get3A_3624] : memref<4096x1024xf32, #tpu.memory_space<vmem>>, vector<128x128xf32>
    %max3A_3626 = arith.maximumf %max3A_3622, %get3A_3625 : vector<128x128xf32>
    %get3A_3627 = arith.constant 3584 : index
    %get3A_3628 = arith.constant 896 : index
    %get3A_3629 = vector.load %arg1[%get3A_3627, %get3A_3628] : memref<4096x1024xf32, #tpu.memory_space<vmem>>, vector<128x128xf32>
    %max3A_3630 = arith.maximumf %max3A_3626, %get3A_3629 : vector<128x128xf32>
    %broadcast_in_dim3A_3631 = arith.constant 8.000000e+00 : f32
    %broadcast_in_dim3A_3632 = vector.broadcast %broadcast_in_dim3A_3631 : f32 to vector<128x128xf32>
    %get3A_3633 = arith.constant 3584 : index
    %get3A_3634 = arith.constant 0 : index
    %get3A_3635 = vector.load %arg1[%get3A_3633, %get3A_3634] : memref<4096x1024xf32, #tpu.memory_space<vmem>>, vector<128x128xf32>
    %eq3A_3636 = arith.cmpf oeq, %get3A_3635, %max3A_3630 : vector<128x128xf32>
    %jit3A_3637 = arith.constant 0.000000e+00 : f32
    %jit3A_3638 = arith.constant 8.000000e+00 : f32
    %broadcast_in_dim3A_3639 = vector.broadcast %jit3A_3637 : f32 to vector<128x128xf32>
    %broadcast_in_dim3A_3640 = vector.broadcast %jit3A_3638 : f32 to vector<128x128xf32>
    %select_n3A_3641 = arith.select %eq3A_3636, %broadcast_in_dim3A_3639, %broadcast_in_dim3A_3640 : vector<128x128xi1>, vector<128x128xf32>
    %min3A_3642 = arith.minimumf %broadcast_in_dim3A_3632, %select_n3A_3641 : vector<128x128xf32>
    %get3A_3643 = arith.constant 3584 : index
    %get3A_3644 = arith.constant 128 : index
    %get3A_3645 = vector.load %arg1[%get3A_3643, %get3A_3644] : memref<4096x1024xf32, #tpu.memory_space<vmem>>, vector<128x128xf32>
    %eq3A_3646 = arith.cmpf oeq, %get3A_3645, %max3A_3630 : vector<128x128xf32>
    %jit3A_3647 = arith.constant 1.000000e+00 : f32
    %jit3A_3648 = arith.constant 8.000000e+00 : f32
    %broadcast_in_dim3A_3649 = vector.broadcast %jit3A_3647 : f32 to vector<128x128xf32>
    %broadcast_in_dim3A_3650 = vector.broadcast %jit3A_3648 : f32 to vector<128x128xf32>
    %select_n3A_3651 = arith.select %eq3A_3646, %broadcast_in_dim3A_3649, %broadcast_in_dim3A_3650 : vector<128x128xi1>, vector<128x128xf32>
    %min3A_3652 = arith.minimumf %min3A_3642, %select_n3A_3651 : vector<128x128xf32>
    %get3A_3653 = arith.constant 3584 : index
    %get3A_3654 = arith.constant 256 : index
    %get3A_3655 = vector.load %arg1[%get3A_3653, %get3A_3654] : memref<4096x1024xf32, #tpu.memory_space<vmem>>, vector<128x128xf32>
    %eq3A_3656 = arith.cmpf oeq, %get3A_3655, %max3A_3630 : vector<128x128xf32>
    %jit3A_3657 = arith.constant 2.000000e+00 : f32
    %jit3A_3658 = arith.constant 8.000000e+00 : f32
    %broadcast_in_dim3A_3659 = vector.broadcast %jit3A_3657 : f32 to vector<128x128xf32>
    %broadcast_in_dim3A_3660 = vector.broadcast %jit3A_3658 : f32 to vector<128x128xf32>
    %select_n3A_3661 = arith.select %eq3A_3656, %broadcast_in_dim3A_3659, %broadcast_in_dim3A_3660 : vector<128x128xi1>, vector<128x128xf32>
    %min3A_3662 = arith.minimumf %min3A_3652, %select_n3A_3661 : vector<128x128xf32>
    %get3A_3663 = arith.constant 3584 : index
    %get3A_3664 = arith.constant 384 : index
    %get3A_3665 = vector.load %arg1[%get3A_3663, %get3A_3664] : memref<4096x1024xf32, #tpu.memory_space<vmem>>, vector<128x128xf32>
    %eq3A_3666 = arith.cmpf oeq, %get3A_3665, %max3A_3630 : vector<128x128xf32>
    %jit3A_3667 = arith.constant 3.000000e+00 : f32
    %jit3A_3668 = arith.constant 8.000000e+00 : f32
    %broadcast_in_dim3A_3669 = vector.broadcast %jit3A_3667 : f32 to vector<128x128xf32>
    %broadcast_in_dim3A_3670 = vector.broadcast %jit3A_3668 : f32 to vector<128x128xf32>
    %select_n3A_3671 = arith.select %eq3A_3666, %broadcast_in_dim3A_3669, %broadcast_in_dim3A_3670 : vector<128x128xi1>, vector<128x128xf32>
    %min3A_3672 = arith.minimumf %min3A_3662, %select_n3A_3671 : vector<128x128xf32>
    %get3A_3673 = arith.constant 3584 : index
    %get3A_3674 = arith.constant 512 : index
    %get3A_3675 = vector.load %arg1[%get3A_3673, %get3A_3674] : memref<4096x1024xf32, #tpu.memory_space<vmem>>, vector<128x128xf32>
    %eq3A_3676 = arith.cmpf oeq, %get3A_3675, %max3A_3630 : vector<128x128xf32>
    %jit3A_3677 = arith.constant 4.000000e+00 : f32
    %jit3A_3678 = arith.constant 8.000000e+00 : f32
    %broadcast_in_dim3A_3679 = vector.broadcast %jit3A_3677 : f32 to vector<128x128xf32>
    %broadcast_in_dim3A_3680 = vector.broadcast %jit3A_3678 : f32 to vector<128x128xf32>
    %select_n3A_3681 = arith.select %eq3A_3676, %broadcast_in_dim3A_3679, %broadcast_in_dim3A_3680 : vector<128x128xi1>, vector<128x128xf32>
    %min3A_3682 = arith.minimumf %min3A_3672, %select_n3A_3681 : vector<128x128xf32>
    %get3A_3683 = arith.constant 3584 : index
    %get3A_3684 = arith.constant 640 : index
    %get3A_3685 = vector.load %arg1[%get3A_3683, %get3A_3684] : memref<4096x1024xf32, #tpu.memory_space<vmem>>, vector<128x128xf32>
    %eq3A_3686 = arith.cmpf oeq, %get3A_3685, %max3A_3630 : vector<128x128xf32>
    %jit3A_3687 = arith.constant 5.000000e+00 : f32
    %jit3A_3688 = arith.constant 8.000000e+00 : f32
    %broadcast_in_dim3A_3689 = vector.broadcast %jit3A_3687 : f32 to vector<128x128xf32>
    %broadcast_in_dim3A_3690 = vector.broadcast %jit3A_3688 : f32 to vector<128x128xf32>
    %select_n3A_3691 = arith.select %eq3A_3686, %broadcast_in_dim3A_3689, %broadcast_in_dim3A_3690 : vector<128x128xi1>, vector<128x128xf32>
    %min3A_3692 = arith.minimumf %min3A_3682, %select_n3A_3691 : vector<128x128xf32>
    %get3A_3693 = arith.constant 3584 : index
    %get3A_3694 = arith.constant 768 : index
    %get3A_3695 = vector.load %arg1[%get3A_3693, %get3A_3694] : memref<4096x1024xf32, #tpu.memory_space<vmem>>, vector<128x128xf32>
    %eq3A_3696 = arith.cmpf oeq, %get3A_3695, %max3A_3630 : vector<128x128xf32>
    %jit3A_3697 = arith.constant 6.000000e+00 : f32
    %jit3A_3698 = arith.constant 8.000000e+00 : f32
    %broadcast_in_dim3A_3699 = vector.broadcast %jit3A_3697 : f32 to vector<128x128xf32>
    %broadcast_in_dim3A_3700 = vector.broadcast %jit3A_3698 : f32 to vector<128x128xf32>
    %select_n3A_3701 = arith.select %eq3A_3696, %broadcast_in_dim3A_3699, %broadcast_in_dim3A_3700 : vector<128x128xi1>, vector<128x128xf32>
    %min3A_3702 = arith.minimumf %min3A_3692, %select_n3A_3701 : vector<128x128xf32>
    %get3A_3703 = arith.constant 3584 : index
    %get3A_3704 = arith.constant 896 : index
    %get3A_3705 = vector.load %arg1[%get3A_3703, %get3A_3704] : memref<4096x1024xf32, #tpu.memory_space<vmem>>, vector<128x128xf32>
    %eq3A_3706 = arith.cmpf oeq, %get3A_3705, %max3A_3630 : vector<128x128xf32>
    %jit3A_3707 = arith.constant 7.000000e+00 : f32
    %jit3A_3708 = arith.constant 8.000000e+00 : f32
    %broadcast_in_dim3A_3709 = vector.broadcast %jit3A_3707 : f32 to vector<128x128xf32>
    %broadcast_in_dim3A_3710 = vector.broadcast %jit3A_3708 : f32 to vector<128x128xf32>
    %select_n3A_3711 = arith.select %eq3A_3706, %broadcast_in_dim3A_3709, %broadcast_in_dim3A_3710 : vector<128x128xi1>, vector<128x128xf32>
    %min3A_3712 = arith.minimumf %min3A_3702, %select_n3A_3711 : vector<128x128xf32>
    %reduce_max3A_3713 = arith.constant dense<0xFF800000> : vector<128xf32>
    %reduce_max3A_3714 = vector.multi_reduction <maximumf>, %max3A_3630, %reduce_max3A_3713 [1] : vector<128x128xf32> to vector<128xf32>
    %broadcast_in_dim3A_3715 = vector.shape_cast %reduce_max3A_3714 : vector<128xf32> to vector<128x1xf32>
    %eq3A_3716 = vector.broadcast %broadcast_in_dim3A_3715 : vector<128x1xf32> to vector<128x128xf32>
    %eq3A_3717 = arith.cmpf oeq, %max3A_3630, %eq3A_3716 : vector<128x128xf32>
    %mul3A_3718 = arith.constant 1.280000e+02 : f32
    %mul3A_3719 = vector.broadcast %mul3A_3718 : f32 to vector<128x128xf32>
    %mul3A_3720 = arith.mulf %min3A_3712, %mul3A_3719 : vector<128x128xf32>
    %add3A_3721 = arith.addf %mul3A_3720, %convert_element_type3A : vector<128x128xf32>
    %jit3A_3722 = arith.constant 2.048000e+03 : f32
    %broadcast_in_dim3A_3723 = vector.broadcast %jit3A_3722 : f32 to vector<128x128xf32>
    %select_n3A_3724 = arith.select %eq3A_3717, %add3A_3721, %broadcast_in_dim3A_3723 : vector<128x128xi1>, vector<128x128xf32>
    %reduce_min3A_3725 = arith.constant dense<0x7F800000> : vector<128xf32>
    %reduce_min3A_3726 = vector.multi_reduction <minimumf>, %select_n3A_3724, %reduce_min3A_3725 [1] : vector<128x128xf32> to vector<128xf32>
    %broadcast_in_dim3A_3727 = vector.shape_cast %reduce_min3A_3726 : vector<128xf32> to vector<128x1xf32>
    %transpose3A_3728 = tpu.transpose %broadcast_in_dim3A_3727, [1, 0] : vector<128x1xf32> -> vector<1x128xf32>
    %get3A_3729 = arith.constant 3712 : index
    %get3A_3730 = arith.constant 0 : index
    %get3A_3731 = vector.load %arg1[%get3A_3729, %get3A_3730] : memref<4096x1024xf32, #tpu.memory_space<vmem>>, vector<128x128xf32>
    %get3A_3732 = arith.constant 3712 : index
    %get3A_3733 = arith.constant 128 : index
    %get3A_3734 = vector.load %arg1[%get3A_3732, %get3A_3733] : memref<4096x1024xf32, #tpu.memory_space<vmem>>, vector<128x128xf32>
    %max3A_3735 = arith.maximumf %get3A_3731, %get3A_3734 : vector<128x128xf32>
    %get3A_3736 = arith.constant 3712 : index
    %get3A_3737 = arith.constant 256 : index
    %get3A_3738 = vector.load %arg1[%get3A_3736, %get3A_3737] : memref<4096x1024xf32, #tpu.memory_space<vmem>>, vector<128x128xf32>
    %max3A_3739 = arith.maximumf %max3A_3735, %get3A_3738 : vector<128x128xf32>
    %get3A_3740 = arith.constant 3712 : index
    %get3A_3741 = arith.constant 384 : index
    %get3A_3742 = vector.load %arg1[%get3A_3740, %get3A_3741] : memref<4096x1024xf32, #tpu.memory_space<vmem>>, vector<128x128xf32>
    %max3A_3743 = arith.maximumf %max3A_3739, %get3A_3742 : vector<128x128xf32>
    %get3A_3744 = arith.constant 3712 : index
    %get3A_3745 = arith.constant 512 : index
    %get3A_3746 = vector.load %arg1[%get3A_3744, %get3A_3745] : memref<4096x1024xf32, #tpu.memory_space<vmem>>, vector<128x128xf32>
    %max3A_3747 = arith.maximumf %max3A_3743, %get3A_3746 : vector<128x128xf32>
    %get3A_3748 = arith.constant 3712 : index
    %get3A_3749 = arith.constant 640 : index
    %get3A_3750 = vector.load %arg1[%get3A_3748, %get3A_3749] : memref<4096x1024xf32, #tpu.memory_space<vmem>>, vector<128x128xf32>
    %max3A_3751 = arith.maximumf %max3A_3747, %get3A_3750 : vector<128x128xf32>
    %get3A_3752 = arith.constant 3712 : index
    %get3A_3753 = arith.constant 768 : index
    %get3A_3754 = vector.load %arg1[%get3A_3752, %get3A_3753] : memref<4096x1024xf32, #tpu.memory_space<vmem>>, vector<128x128xf32>
    %max3A_3755 = arith.maximumf %max3A_3751, %get3A_3754 : vector<128x128xf32>
    %get3A_3756 = arith.constant 3712 : index
    %get3A_3757 = arith.constant 896 : index
    %get3A_3758 = vector.load %arg1[%get3A_3756, %get3A_3757] : memref<4096x1024xf32, #tpu.memory_space<vmem>>, vector<128x128xf32>
    %max3A_3759 = arith.maximumf %max3A_3755, %get3A_3758 : vector<128x128xf32>
    %broadcast_in_dim3A_3760 = arith.constant 8.000000e+00 : f32
    %broadcast_in_dim3A_3761 = vector.broadcast %broadcast_in_dim3A_3760 : f32 to vector<128x128xf32>
    %get3A_3762 = arith.constant 3712 : index
    %get3A_3763 = arith.constant 0 : index
    %get3A_3764 = vector.load %arg1[%get3A_3762, %get3A_3763] : memref<4096x1024xf32, #tpu.memory_space<vmem>>, vector<128x128xf32>
    %eq3A_3765 = arith.cmpf oeq, %get3A_3764, %max3A_3759 : vector<128x128xf32>
    %jit3A_3766 = arith.constant 0.000000e+00 : f32
    %jit3A_3767 = arith.constant 8.000000e+00 : f32
    %broadcast_in_dim3A_3768 = vector.broadcast %jit3A_3766 : f32 to vector<128x128xf32>
    %broadcast_in_dim3A_3769 = vector.broadcast %jit3A_3767 : f32 to vector<128x128xf32>
    %select_n3A_3770 = arith.select %eq3A_3765, %broadcast_in_dim3A_3768, %broadcast_in_dim3A_3769 : vector<128x128xi1>, vector<128x128xf32>
    %min3A_3771 = arith.minimumf %broadcast_in_dim3A_3761, %select_n3A_3770 : vector<128x128xf32>
    %get3A_3772 = arith.constant 3712 : index
    %get3A_3773 = arith.constant 128 : index
    %get3A_3774 = vector.load %arg1[%get3A_3772, %get3A_3773] : memref<4096x1024xf32, #tpu.memory_space<vmem>>, vector<128x128xf32>
    %eq3A_3775 = arith.cmpf oeq, %get3A_3774, %max3A_3759 : vector<128x128xf32>
    %jit3A_3776 = arith.constant 1.000000e+00 : f32
    %jit3A_3777 = arith.constant 8.000000e+00 : f32
    %broadcast_in_dim3A_3778 = vector.broadcast %jit3A_3776 : f32 to vector<128x128xf32>
    %broadcast_in_dim3A_3779 = vector.broadcast %jit3A_3777 : f32 to vector<128x128xf32>
    %select_n3A_3780 = arith.select %eq3A_3775, %broadcast_in_dim3A_3778, %broadcast_in_dim3A_3779 : vector<128x128xi1>, vector<128x128xf32>
    %min3A_3781 = arith.minimumf %min3A_3771, %select_n3A_3780 : vector<128x128xf32>
    %get3A_3782 = arith.constant 3712 : index
    %get3A_3783 = arith.constant 256 : index
    %get3A_3784 = vector.load %arg1[%get3A_3782, %get3A_3783] : memref<4096x1024xf32, #tpu.memory_space<vmem>>, vector<128x128xf32>
    %eq3A_3785 = arith.cmpf oeq, %get3A_3784, %max3A_3759 : vector<128x128xf32>
    %jit3A_3786 = arith.constant 2.000000e+00 : f32
    %jit3A_3787 = arith.constant 8.000000e+00 : f32
    %broadcast_in_dim3A_3788 = vector.broadcast %jit3A_3786 : f32 to vector<128x128xf32>
    %broadcast_in_dim3A_3789 = vector.broadcast %jit3A_3787 : f32 to vector<128x128xf32>
    %select_n3A_3790 = arith.select %eq3A_3785, %broadcast_in_dim3A_3788, %broadcast_in_dim3A_3789 : vector<128x128xi1>, vector<128x128xf32>
    %min3A_3791 = arith.minimumf %min3A_3781, %select_n3A_3790 : vector<128x128xf32>
    %get3A_3792 = arith.constant 3712 : index
    %get3A_3793 = arith.constant 384 : index
    %get3A_3794 = vector.load %arg1[%get3A_3792, %get3A_3793] : memref<4096x1024xf32, #tpu.memory_space<vmem>>, vector<128x128xf32>
    %eq3A_3795 = arith.cmpf oeq, %get3A_3794, %max3A_3759 : vector<128x128xf32>
    %jit3A_3796 = arith.constant 3.000000e+00 : f32
    %jit3A_3797 = arith.constant 8.000000e+00 : f32
    %broadcast_in_dim3A_3798 = vector.broadcast %jit3A_3796 : f32 to vector<128x128xf32>
    %broadcast_in_dim3A_3799 = vector.broadcast %jit3A_3797 : f32 to vector<128x128xf32>
    %select_n3A_3800 = arith.select %eq3A_3795, %broadcast_in_dim3A_3798, %broadcast_in_dim3A_3799 : vector<128x128xi1>, vector<128x128xf32>
    %min3A_3801 = arith.minimumf %min3A_3791, %select_n3A_3800 : vector<128x128xf32>
    %get3A_3802 = arith.constant 3712 : index
    %get3A_3803 = arith.constant 512 : index
    %get3A_3804 = vector.load %arg1[%get3A_3802, %get3A_3803] : memref<4096x1024xf32, #tpu.memory_space<vmem>>, vector<128x128xf32>
    %eq3A_3805 = arith.cmpf oeq, %get3A_3804, %max3A_3759 : vector<128x128xf32>
    %jit3A_3806 = arith.constant 4.000000e+00 : f32
    %jit3A_3807 = arith.constant 8.000000e+00 : f32
    %broadcast_in_dim3A_3808 = vector.broadcast %jit3A_3806 : f32 to vector<128x128xf32>
    %broadcast_in_dim3A_3809 = vector.broadcast %jit3A_3807 : f32 to vector<128x128xf32>
    %select_n3A_3810 = arith.select %eq3A_3805, %broadcast_in_dim3A_3808, %broadcast_in_dim3A_3809 : vector<128x128xi1>, vector<128x128xf32>
    %min3A_3811 = arith.minimumf %min3A_3801, %select_n3A_3810 : vector<128x128xf32>
    %get3A_3812 = arith.constant 3712 : index
    %get3A_3813 = arith.constant 640 : index
    %get3A_3814 = vector.load %arg1[%get3A_3812, %get3A_3813] : memref<4096x1024xf32, #tpu.memory_space<vmem>>, vector<128x128xf32>
    %eq3A_3815 = arith.cmpf oeq, %get3A_3814, %max3A_3759 : vector<128x128xf32>
    %jit3A_3816 = arith.constant 5.000000e+00 : f32
    %jit3A_3817 = arith.constant 8.000000e+00 : f32
    %broadcast_in_dim3A_3818 = vector.broadcast %jit3A_3816 : f32 to vector<128x128xf32>
    %broadcast_in_dim3A_3819 = vector.broadcast %jit3A_3817 : f32 to vector<128x128xf32>
    %select_n3A_3820 = arith.select %eq3A_3815, %broadcast_in_dim3A_3818, %broadcast_in_dim3A_3819 : vector<128x128xi1>, vector<128x128xf32>
    %min3A_3821 = arith.minimumf %min3A_3811, %select_n3A_3820 : vector<128x128xf32>
    %get3A_3822 = arith.constant 3712 : index
    %get3A_3823 = arith.constant 768 : index
    %get3A_3824 = vector.load %arg1[%get3A_3822, %get3A_3823] : memref<4096x1024xf32, #tpu.memory_space<vmem>>, vector<128x128xf32>
    %eq3A_3825 = arith.cmpf oeq, %get3A_3824, %max3A_3759 : vector<128x128xf32>
    %jit3A_3826 = arith.constant 6.000000e+00 : f32
    %jit3A_3827 = arith.constant 8.000000e+00 : f32
    %broadcast_in_dim3A_3828 = vector.broadcast %jit3A_3826 : f32 to vector<128x128xf32>
    %broadcast_in_dim3A_3829 = vector.broadcast %jit3A_3827 : f32 to vector<128x128xf32>
    %select_n3A_3830 = arith.select %eq3A_3825, %broadcast_in_dim3A_3828, %broadcast_in_dim3A_3829 : vector<128x128xi1>, vector<128x128xf32>
    %min3A_3831 = arith.minimumf %min3A_3821, %select_n3A_3830 : vector<128x128xf32>
    %get3A_3832 = arith.constant 3712 : index
    %get3A_3833 = arith.constant 896 : index
    %get3A_3834 = vector.load %arg1[%get3A_3832, %get3A_3833] : memref<4096x1024xf32, #tpu.memory_space<vmem>>, vector<128x128xf32>
    %eq3A_3835 = arith.cmpf oeq, %get3A_3834, %max3A_3759 : vector<128x128xf32>
    %jit3A_3836 = arith.constant 7.000000e+00 : f32
    %jit3A_3837 = arith.constant 8.000000e+00 : f32
    %broadcast_in_dim3A_3838 = vector.broadcast %jit3A_3836 : f32 to vector<128x128xf32>
    %broadcast_in_dim3A_3839 = vector.broadcast %jit3A_3837 : f32 to vector<128x128xf32>
    %select_n3A_3840 = arith.select %eq3A_3835, %broadcast_in_dim3A_3838, %broadcast_in_dim3A_3839 : vector<128x128xi1>, vector<128x128xf32>
    %min3A_3841 = arith.minimumf %min3A_3831, %select_n3A_3840 : vector<128x128xf32>
    %reduce_max3A_3842 = arith.constant dense<0xFF800000> : vector<128xf32>
    %reduce_max3A_3843 = vector.multi_reduction <maximumf>, %max3A_3759, %reduce_max3A_3842 [1] : vector<128x128xf32> to vector<128xf32>
    %broadcast_in_dim3A_3844 = vector.shape_cast %reduce_max3A_3843 : vector<128xf32> to vector<128x1xf32>
    %eq3A_3845 = vector.broadcast %broadcast_in_dim3A_3844 : vector<128x1xf32> to vector<128x128xf32>
    %eq3A_3846 = arith.cmpf oeq, %max3A_3759, %eq3A_3845 : vector<128x128xf32>
    %mul3A_3847 = arith.constant 1.280000e+02 : f32
    %mul3A_3848 = vector.broadcast %mul3A_3847 : f32 to vector<128x128xf32>
    %mul3A_3849 = arith.mulf %min3A_3841, %mul3A_3848 : vector<128x128xf32>
    %add3A_3850 = arith.addf %mul3A_3849, %convert_element_type3A : vector<128x128xf32>
    %jit3A_3851 = arith.constant 2.048000e+03 : f32
    %broadcast_in_dim3A_3852 = vector.broadcast %jit3A_3851 : f32 to vector<128x128xf32>
    %select_n3A_3853 = arith.select %eq3A_3846, %add3A_3850, %broadcast_in_dim3A_3852 : vector<128x128xi1>, vector<128x128xf32>
    %reduce_min3A_3854 = arith.constant dense<0x7F800000> : vector<128xf32>
    %reduce_min3A_3855 = vector.multi_reduction <minimumf>, %select_n3A_3853, %reduce_min3A_3854 [1] : vector<128x128xf32> to vector<128xf32>
    %broadcast_in_dim3A_3856 = vector.shape_cast %reduce_min3A_3855 : vector<128xf32> to vector<128x1xf32>
    %transpose3A_3857 = tpu.transpose %broadcast_in_dim3A_3856, [1, 0] : vector<128x1xf32> -> vector<1x128xf32>
    %get3A_3858 = arith.constant 3840 : index
    %get3A_3859 = arith.constant 0 : index
    %get3A_3860 = vector.load %arg1[%get3A_3858, %get3A_3859] : memref<4096x1024xf32, #tpu.memory_space<vmem>>, vector<128x128xf32>
    %get3A_3861 = arith.constant 3840 : index
    %get3A_3862 = arith.constant 128 : index
    %get3A_3863 = vector.load %arg1[%get3A_3861, %get3A_3862] : memref<4096x1024xf32, #tpu.memory_space<vmem>>, vector<128x128xf32>
    %max3A_3864 = arith.maximumf %get3A_3860, %get3A_3863 : vector<128x128xf32>
    %get3A_3865 = arith.constant 3840 : index
    %get3A_3866 = arith.constant 256 : index
    %get3A_3867 = vector.load %arg1[%get3A_3865, %get3A_3866] : memref<4096x1024xf32, #tpu.memory_space<vmem>>, vector<128x128xf32>
    %max3A_3868 = arith.maximumf %max3A_3864, %get3A_3867 : vector<128x128xf32>
    %get3A_3869 = arith.constant 3840 : index
    %get3A_3870 = arith.constant 384 : index
    %get3A_3871 = vector.load %arg1[%get3A_3869, %get3A_3870] : memref<4096x1024xf32, #tpu.memory_space<vmem>>, vector<128x128xf32>
    %max3A_3872 = arith.maximumf %max3A_3868, %get3A_3871 : vector<128x128xf32>
    %get3A_3873 = arith.constant 3840 : index
    %get3A_3874 = arith.constant 512 : index
    %get3A_3875 = vector.load %arg1[%get3A_3873, %get3A_3874] : memref<4096x1024xf32, #tpu.memory_space<vmem>>, vector<128x128xf32>
    %max3A_3876 = arith.maximumf %max3A_3872, %get3A_3875 : vector<128x128xf32>
    %get3A_3877 = arith.constant 3840 : index
    %get3A_3878 = arith.constant 640 : index
    %get3A_3879 = vector.load %arg1[%get3A_3877, %get3A_3878] : memref<4096x1024xf32, #tpu.memory_space<vmem>>, vector<128x128xf32>
    %max3A_3880 = arith.maximumf %max3A_3876, %get3A_3879 : vector<128x128xf32>
    %get3A_3881 = arith.constant 3840 : index
    %get3A_3882 = arith.constant 768 : index
    %get3A_3883 = vector.load %arg1[%get3A_3881, %get3A_3882] : memref<4096x1024xf32, #tpu.memory_space<vmem>>, vector<128x128xf32>
    %max3A_3884 = arith.maximumf %max3A_3880, %get3A_3883 : vector<128x128xf32>
    %get3A_3885 = arith.constant 3840 : index
    %get3A_3886 = arith.constant 896 : index
    %get3A_3887 = vector.load %arg1[%get3A_3885, %get3A_3886] : memref<4096x1024xf32, #tpu.memory_space<vmem>>, vector<128x128xf32>
    %max3A_3888 = arith.maximumf %max3A_3884, %get3A_3887 : vector<128x128xf32>
    %broadcast_in_dim3A_3889 = arith.constant 8.000000e+00 : f32
    %broadcast_in_dim3A_3890 = vector.broadcast %broadcast_in_dim3A_3889 : f32 to vector<128x128xf32>
    %get3A_3891 = arith.constant 3840 : index
    %get3A_3892 = arith.constant 0 : index
    %get3A_3893 = vector.load %arg1[%get3A_3891, %get3A_3892] : memref<4096x1024xf32, #tpu.memory_space<vmem>>, vector<128x128xf32>
    %eq3A_3894 = arith.cmpf oeq, %get3A_3893, %max3A_3888 : vector<128x128xf32>
    %jit3A_3895 = arith.constant 0.000000e+00 : f32
    %jit3A_3896 = arith.constant 8.000000e+00 : f32
    %broadcast_in_dim3A_3897 = vector.broadcast %jit3A_3895 : f32 to vector<128x128xf32>
    %broadcast_in_dim3A_3898 = vector.broadcast %jit3A_3896 : f32 to vector<128x128xf32>
    %select_n3A_3899 = arith.select %eq3A_3894, %broadcast_in_dim3A_3897, %broadcast_in_dim3A_3898 : vector<128x128xi1>, vector<128x128xf32>
    %min3A_3900 = arith.minimumf %broadcast_in_dim3A_3890, %select_n3A_3899 : vector<128x128xf32>
    %get3A_3901 = arith.constant 3840 : index
    %get3A_3902 = arith.constant 128 : index
    %get3A_3903 = vector.load %arg1[%get3A_3901, %get3A_3902] : memref<4096x1024xf32, #tpu.memory_space<vmem>>, vector<128x128xf32>
    %eq3A_3904 = arith.cmpf oeq, %get3A_3903, %max3A_3888 : vector<128x128xf32>
    %jit3A_3905 = arith.constant 1.000000e+00 : f32
    %jit3A_3906 = arith.constant 8.000000e+00 : f32
    %broadcast_in_dim3A_3907 = vector.broadcast %jit3A_3905 : f32 to vector<128x128xf32>
    %broadcast_in_dim3A_3908 = vector.broadcast %jit3A_3906 : f32 to vector<128x128xf32>
    %select_n3A_3909 = arith.select %eq3A_3904, %broadcast_in_dim3A_3907, %broadcast_in_dim3A_3908 : vector<128x128xi1>, vector<128x128xf32>
    %min3A_3910 = arith.minimumf %min3A_3900, %select_n3A_3909 : vector<128x128xf32>
    %get3A_3911 = arith.constant 3840 : index
    %get3A_3912 = arith.constant 256 : index
    %get3A_3913 = vector.load %arg1[%get3A_3911, %get3A_3912] : memref<4096x1024xf32, #tpu.memory_space<vmem>>, vector<128x128xf32>
    %eq3A_3914 = arith.cmpf oeq, %get3A_3913, %max3A_3888 : vector<128x128xf32>
    %jit3A_3915 = arith.constant 2.000000e+00 : f32
    %jit3A_3916 = arith.constant 8.000000e+00 : f32
    %broadcast_in_dim3A_3917 = vector.broadcast %jit3A_3915 : f32 to vector<128x128xf32>
    %broadcast_in_dim3A_3918 = vector.broadcast %jit3A_3916 : f32 to vector<128x128xf32>
    %select_n3A_3919 = arith.select %eq3A_3914, %broadcast_in_dim3A_3917, %broadcast_in_dim3A_3918 : vector<128x128xi1>, vector<128x128xf32>
    %min3A_3920 = arith.minimumf %min3A_3910, %select_n3A_3919 : vector<128x128xf32>
    %get3A_3921 = arith.constant 3840 : index
    %get3A_3922 = arith.constant 384 : index
    %get3A_3923 = vector.load %arg1[%get3A_3921, %get3A_3922] : memref<4096x1024xf32, #tpu.memory_space<vmem>>, vector<128x128xf32>
    %eq3A_3924 = arith.cmpf oeq, %get3A_3923, %max3A_3888 : vector<128x128xf32>
    %jit3A_3925 = arith.constant 3.000000e+00 : f32
    %jit3A_3926 = arith.constant 8.000000e+00 : f32
    %broadcast_in_dim3A_3927 = vector.broadcast %jit3A_3925 : f32 to vector<128x128xf32>
    %broadcast_in_dim3A_3928 = vector.broadcast %jit3A_3926 : f32 to vector<128x128xf32>
    %select_n3A_3929 = arith.select %eq3A_3924, %broadcast_in_dim3A_3927, %broadcast_in_dim3A_3928 : vector<128x128xi1>, vector<128x128xf32>
    %min3A_3930 = arith.minimumf %min3A_3920, %select_n3A_3929 : vector<128x128xf32>
    %get3A_3931 = arith.constant 3840 : index
    %get3A_3932 = arith.constant 512 : index
    %get3A_3933 = vector.load %arg1[%get3A_3931, %get3A_3932] : memref<4096x1024xf32, #tpu.memory_space<vmem>>, vector<128x128xf32>
    %eq3A_3934 = arith.cmpf oeq, %get3A_3933, %max3A_3888 : vector<128x128xf32>
    %jit3A_3935 = arith.constant 4.000000e+00 : f32
    %jit3A_3936 = arith.constant 8.000000e+00 : f32
    %broadcast_in_dim3A_3937 = vector.broadcast %jit3A_3935 : f32 to vector<128x128xf32>
    %broadcast_in_dim3A_3938 = vector.broadcast %jit3A_3936 : f32 to vector<128x128xf32>
    %select_n3A_3939 = arith.select %eq3A_3934, %broadcast_in_dim3A_3937, %broadcast_in_dim3A_3938 : vector<128x128xi1>, vector<128x128xf32>
    %min3A_3940 = arith.minimumf %min3A_3930, %select_n3A_3939 : vector<128x128xf32>
    %get3A_3941 = arith.constant 3840 : index
    %get3A_3942 = arith.constant 640 : index
    %get3A_3943 = vector.load %arg1[%get3A_3941, %get3A_3942] : memref<4096x1024xf32, #tpu.memory_space<vmem>>, vector<128x128xf32>
    %eq3A_3944 = arith.cmpf oeq, %get3A_3943, %max3A_3888 : vector<128x128xf32>
    %jit3A_3945 = arith.constant 5.000000e+00 : f32
    %jit3A_3946 = arith.constant 8.000000e+00 : f32
    %broadcast_in_dim3A_3947 = vector.broadcast %jit3A_3945 : f32 to vector<128x128xf32>
    %broadcast_in_dim3A_3948 = vector.broadcast %jit3A_3946 : f32 to vector<128x128xf32>
    %select_n3A_3949 = arith.select %eq3A_3944, %broadcast_in_dim3A_3947, %broadcast_in_dim3A_3948 : vector<128x128xi1>, vector<128x128xf32>
    %min3A_3950 = arith.minimumf %min3A_3940, %select_n3A_3949 : vector<128x128xf32>
    %get3A_3951 = arith.constant 3840 : index
    %get3A_3952 = arith.constant 768 : index
    %get3A_3953 = vector.load %arg1[%get3A_3951, %get3A_3952] : memref<4096x1024xf32, #tpu.memory_space<vmem>>, vector<128x128xf32>
    %eq3A_3954 = arith.cmpf oeq, %get3A_3953, %max3A_3888 : vector<128x128xf32>
    %jit3A_3955 = arith.constant 6.000000e+00 : f32
    %jit3A_3956 = arith.constant 8.000000e+00 : f32
    %broadcast_in_dim3A_3957 = vector.broadcast %jit3A_3955 : f32 to vector<128x128xf32>
    %broadcast_in_dim3A_3958 = vector.broadcast %jit3A_3956 : f32 to vector<128x128xf32>
    %select_n3A_3959 = arith.select %eq3A_3954, %broadcast_in_dim3A_3957, %broadcast_in_dim3A_3958 : vector<128x128xi1>, vector<128x128xf32>
    %min3A_3960 = arith.minimumf %min3A_3950, %select_n3A_3959 : vector<128x128xf32>
    %get3A_3961 = arith.constant 3840 : index
    %get3A_3962 = arith.constant 896 : index
    %get3A_3963 = vector.load %arg1[%get3A_3961, %get3A_3962] : memref<4096x1024xf32, #tpu.memory_space<vmem>>, vector<128x128xf32>
    %eq3A_3964 = arith.cmpf oeq, %get3A_3963, %max3A_3888 : vector<128x128xf32>
    %jit3A_3965 = arith.constant 7.000000e+00 : f32
    %jit3A_3966 = arith.constant 8.000000e+00 : f32
    %broadcast_in_dim3A_3967 = vector.broadcast %jit3A_3965 : f32 to vector<128x128xf32>
    %broadcast_in_dim3A_3968 = vector.broadcast %jit3A_3966 : f32 to vector<128x128xf32>
    %select_n3A_3969 = arith.select %eq3A_3964, %broadcast_in_dim3A_3967, %broadcast_in_dim3A_3968 : vector<128x128xi1>, vector<128x128xf32>
    %min3A_3970 = arith.minimumf %min3A_3960, %select_n3A_3969 : vector<128x128xf32>
    %reduce_max3A_3971 = arith.constant dense<0xFF800000> : vector<128xf32>
    %reduce_max3A_3972 = vector.multi_reduction <maximumf>, %max3A_3888, %reduce_max3A_3971 [1] : vector<128x128xf32> to vector<128xf32>
    %broadcast_in_dim3A_3973 = vector.shape_cast %reduce_max3A_3972 : vector<128xf32> to vector<128x1xf32>
    %eq3A_3974 = vector.broadcast %broadcast_in_dim3A_3973 : vector<128x1xf32> to vector<128x128xf32>
    %eq3A_3975 = arith.cmpf oeq, %max3A_3888, %eq3A_3974 : vector<128x128xf32>
    %mul3A_3976 = arith.constant 1.280000e+02 : f32
    %mul3A_3977 = vector.broadcast %mul3A_3976 : f32 to vector<128x128xf32>
    %mul3A_3978 = arith.mulf %min3A_3970, %mul3A_3977 : vector<128x128xf32>
    %add3A_3979 = arith.addf %mul3A_3978, %convert_element_type3A : vector<128x128xf32>
    %jit3A_3980 = arith.constant 2.048000e+03 : f32
    %broadcast_in_dim3A_3981 = vector.broadcast %jit3A_3980 : f32 to vector<128x128xf32>
    %select_n3A_3982 = arith.select %eq3A_3975, %add3A_3979, %broadcast_in_dim3A_3981 : vector<128x128xi1>, vector<128x128xf32>
    %reduce_min3A_3983 = arith.constant dense<0x7F800000> : vector<128xf32>
    %reduce_min3A_3984 = vector.multi_reduction <minimumf>, %select_n3A_3982, %reduce_min3A_3983 [1] : vector<128x128xf32> to vector<128xf32>
    %broadcast_in_dim3A_3985 = vector.shape_cast %reduce_min3A_3984 : vector<128xf32> to vector<128x1xf32>
    %transpose3A_3986 = tpu.transpose %broadcast_in_dim3A_3985, [1, 0] : vector<128x1xf32> -> vector<1x128xf32>
    %get3A_3987 = arith.constant 3968 : index
    %get3A_3988 = arith.constant 0 : index
    %get3A_3989 = vector.load %arg1[%get3A_3987, %get3A_3988] : memref<4096x1024xf32, #tpu.memory_space<vmem>>, vector<128x128xf32>
    %get3A_3990 = arith.constant 3968 : index
    %get3A_3991 = arith.constant 128 : index
    %get3A_3992 = vector.load %arg1[%get3A_3990, %get3A_3991] : memref<4096x1024xf32, #tpu.memory_space<vmem>>, vector<128x128xf32>
    %max3A_3993 = arith.maximumf %get3A_3989, %get3A_3992 : vector<128x128xf32>
    %get3A_3994 = arith.constant 3968 : index
    %get3A_3995 = arith.constant 256 : index
    %get3A_3996 = vector.load %arg1[%get3A_3994, %get3A_3995] : memref<4096x1024xf32, #tpu.memory_space<vmem>>, vector<128x128xf32>
    %max3A_3997 = arith.maximumf %max3A_3993, %get3A_3996 : vector<128x128xf32>
    %get3A_3998 = arith.constant 3968 : index
    %get3A_3999 = arith.constant 384 : index
    %get3A_4000 = vector.load %arg1[%get3A_3998, %get3A_3999] : memref<4096x1024xf32, #tpu.memory_space<vmem>>, vector<128x128xf32>
    %max3A_4001 = arith.maximumf %max3A_3997, %get3A_4000 : vector<128x128xf32>
    %get3A_4002 = arith.constant 3968 : index
    %get3A_4003 = arith.constant 512 : index
    %get3A_4004 = vector.load %arg1[%get3A_4002, %get3A_4003] : memref<4096x1024xf32, #tpu.memory_space<vmem>>, vector<128x128xf32>
    %max3A_4005 = arith.maximumf %max3A_4001, %get3A_4004 : vector<128x128xf32>
    %get3A_4006 = arith.constant 3968 : index
    %get3A_4007 = arith.constant 640 : index
    %get3A_4008 = vector.load %arg1[%get3A_4006, %get3A_4007] : memref<4096x1024xf32, #tpu.memory_space<vmem>>, vector<128x128xf32>
    %max3A_4009 = arith.maximumf %max3A_4005, %get3A_4008 : vector<128x128xf32>
    %get3A_4010 = arith.constant 3968 : index
    %get3A_4011 = arith.constant 768 : index
    %get3A_4012 = vector.load %arg1[%get3A_4010, %get3A_4011] : memref<4096x1024xf32, #tpu.memory_space<vmem>>, vector<128x128xf32>
    %max3A_4013 = arith.maximumf %max3A_4009, %get3A_4012 : vector<128x128xf32>
    %get3A_4014 = arith.constant 3968 : index
    %get3A_4015 = arith.constant 896 : index
    %get3A_4016 = vector.load %arg1[%get3A_4014, %get3A_4015] : memref<4096x1024xf32, #tpu.memory_space<vmem>>, vector<128x128xf32>
    %max3A_4017 = arith.maximumf %max3A_4013, %get3A_4016 : vector<128x128xf32>
    %broadcast_in_dim3A_4018 = arith.constant 8.000000e+00 : f32
    %broadcast_in_dim3A_4019 = vector.broadcast %broadcast_in_dim3A_4018 : f32 to vector<128x128xf32>
    %get3A_4020 = arith.constant 3968 : index
    %get3A_4021 = arith.constant 0 : index
    %get3A_4022 = vector.load %arg1[%get3A_4020, %get3A_4021] : memref<4096x1024xf32, #tpu.memory_space<vmem>>, vector<128x128xf32>
    %eq3A_4023 = arith.cmpf oeq, %get3A_4022, %max3A_4017 : vector<128x128xf32>
    %jit3A_4024 = arith.constant 0.000000e+00 : f32
    %jit3A_4025 = arith.constant 8.000000e+00 : f32
    %broadcast_in_dim3A_4026 = vector.broadcast %jit3A_4024 : f32 to vector<128x128xf32>
    %broadcast_in_dim3A_4027 = vector.broadcast %jit3A_4025 : f32 to vector<128x128xf32>
    %select_n3A_4028 = arith.select %eq3A_4023, %broadcast_in_dim3A_4026, %broadcast_in_dim3A_4027 : vector<128x128xi1>, vector<128x128xf32>
    %min3A_4029 = arith.minimumf %broadcast_in_dim3A_4019, %select_n3A_4028 : vector<128x128xf32>
    %get3A_4030 = arith.constant 3968 : index
    %get3A_4031 = arith.constant 128 : index
    %get3A_4032 = vector.load %arg1[%get3A_4030, %get3A_4031] : memref<4096x1024xf32, #tpu.memory_space<vmem>>, vector<128x128xf32>
    %eq3A_4033 = arith.cmpf oeq, %get3A_4032, %max3A_4017 : vector<128x128xf32>
    %jit3A_4034 = arith.constant 1.000000e+00 : f32
    %jit3A_4035 = arith.constant 8.000000e+00 : f32
    %broadcast_in_dim3A_4036 = vector.broadcast %jit3A_4034 : f32 to vector<128x128xf32>
    %broadcast_in_dim3A_4037 = vector.broadcast %jit3A_4035 : f32 to vector<128x128xf32>
    %select_n3A_4038 = arith.select %eq3A_4033, %broadcast_in_dim3A_4036, %broadcast_in_dim3A_4037 : vector<128x128xi1>, vector<128x128xf32>
    %min3A_4039 = arith.minimumf %min3A_4029, %select_n3A_4038 : vector<128x128xf32>
    %get3A_4040 = arith.constant 3968 : index
    %get3A_4041 = arith.constant 256 : index
    %get3A_4042 = vector.load %arg1[%get3A_4040, %get3A_4041] : memref<4096x1024xf32, #tpu.memory_space<vmem>>, vector<128x128xf32>
    %eq3A_4043 = arith.cmpf oeq, %get3A_4042, %max3A_4017 : vector<128x128xf32>
    %jit3A_4044 = arith.constant 2.000000e+00 : f32
    %jit3A_4045 = arith.constant 8.000000e+00 : f32
    %broadcast_in_dim3A_4046 = vector.broadcast %jit3A_4044 : f32 to vector<128x128xf32>
    %broadcast_in_dim3A_4047 = vector.broadcast %jit3A_4045 : f32 to vector<128x128xf32>
    %select_n3A_4048 = arith.select %eq3A_4043, %broadcast_in_dim3A_4046, %broadcast_in_dim3A_4047 : vector<128x128xi1>, vector<128x128xf32>
    %min3A_4049 = arith.minimumf %min3A_4039, %select_n3A_4048 : vector<128x128xf32>
    %get3A_4050 = arith.constant 3968 : index
    %get3A_4051 = arith.constant 384 : index
    %get3A_4052 = vector.load %arg1[%get3A_4050, %get3A_4051] : memref<4096x1024xf32, #tpu.memory_space<vmem>>, vector<128x128xf32>
    %eq3A_4053 = arith.cmpf oeq, %get3A_4052, %max3A_4017 : vector<128x128xf32>
    %jit3A_4054 = arith.constant 3.000000e+00 : f32
    %jit3A_4055 = arith.constant 8.000000e+00 : f32
    %broadcast_in_dim3A_4056 = vector.broadcast %jit3A_4054 : f32 to vector<128x128xf32>
    %broadcast_in_dim3A_4057 = vector.broadcast %jit3A_4055 : f32 to vector<128x128xf32>
    %select_n3A_4058 = arith.select %eq3A_4053, %broadcast_in_dim3A_4056, %broadcast_in_dim3A_4057 : vector<128x128xi1>, vector<128x128xf32>
    %min3A_4059 = arith.minimumf %min3A_4049, %select_n3A_4058 : vector<128x128xf32>
    %get3A_4060 = arith.constant 3968 : index
    %get3A_4061 = arith.constant 512 : index
    %get3A_4062 = vector.load %arg1[%get3A_4060, %get3A_4061] : memref<4096x1024xf32, #tpu.memory_space<vmem>>, vector<128x128xf32>
    %eq3A_4063 = arith.cmpf oeq, %get3A_4062, %max3A_4017 : vector<128x128xf32>
    %jit3A_4064 = arith.constant 4.000000e+00 : f32
    %jit3A_4065 = arith.constant 8.000000e+00 : f32
    %broadcast_in_dim3A_4066 = vector.broadcast %jit3A_4064 : f32 to vector<128x128xf32>
    %broadcast_in_dim3A_4067 = vector.broadcast %jit3A_4065 : f32 to vector<128x128xf32>
    %select_n3A_4068 = arith.select %eq3A_4063, %broadcast_in_dim3A_4066, %broadcast_in_dim3A_4067 : vector<128x128xi1>, vector<128x128xf32>
    %min3A_4069 = arith.minimumf %min3A_4059, %select_n3A_4068 : vector<128x128xf32>
    %get3A_4070 = arith.constant 3968 : index
    %get3A_4071 = arith.constant 640 : index
    %get3A_4072 = vector.load %arg1[%get3A_4070, %get3A_4071] : memref<4096x1024xf32, #tpu.memory_space<vmem>>, vector<128x128xf32>
    %eq3A_4073 = arith.cmpf oeq, %get3A_4072, %max3A_4017 : vector<128x128xf32>
    %jit3A_4074 = arith.constant 5.000000e+00 : f32
    %jit3A_4075 = arith.constant 8.000000e+00 : f32
    %broadcast_in_dim3A_4076 = vector.broadcast %jit3A_4074 : f32 to vector<128x128xf32>
    %broadcast_in_dim3A_4077 = vector.broadcast %jit3A_4075 : f32 to vector<128x128xf32>
    %select_n3A_4078 = arith.select %eq3A_4073, %broadcast_in_dim3A_4076, %broadcast_in_dim3A_4077 : vector<128x128xi1>, vector<128x128xf32>
    %min3A_4079 = arith.minimumf %min3A_4069, %select_n3A_4078 : vector<128x128xf32>
    %get3A_4080 = arith.constant 3968 : index
    %get3A_4081 = arith.constant 768 : index
    %get3A_4082 = vector.load %arg1[%get3A_4080, %get3A_4081] : memref<4096x1024xf32, #tpu.memory_space<vmem>>, vector<128x128xf32>
    %eq3A_4083 = arith.cmpf oeq, %get3A_4082, %max3A_4017 : vector<128x128xf32>
    %jit3A_4084 = arith.constant 6.000000e+00 : f32
    %jit3A_4085 = arith.constant 8.000000e+00 : f32
    %broadcast_in_dim3A_4086 = vector.broadcast %jit3A_4084 : f32 to vector<128x128xf32>
    %broadcast_in_dim3A_4087 = vector.broadcast %jit3A_4085 : f32 to vector<128x128xf32>
    %select_n3A_4088 = arith.select %eq3A_4083, %broadcast_in_dim3A_4086, %broadcast_in_dim3A_4087 : vector<128x128xi1>, vector<128x128xf32>
    %min3A_4089 = arith.minimumf %min3A_4079, %select_n3A_4088 : vector<128x128xf32>
    %get3A_4090 = arith.constant 3968 : index
    %get3A_4091 = arith.constant 896 : index
    %get3A_4092 = vector.load %arg1[%get3A_4090, %get3A_4091] : memref<4096x1024xf32, #tpu.memory_space<vmem>>, vector<128x128xf32>
    %eq3A_4093 = arith.cmpf oeq, %get3A_4092, %max3A_4017 : vector<128x128xf32>
    %jit3A_4094 = arith.constant 7.000000e+00 : f32
    %jit3A_4095 = arith.constant 8.000000e+00 : f32
    %broadcast_in_dim3A_4096 = vector.broadcast %jit3A_4094 : f32 to vector<128x128xf32>
    %broadcast_in_dim3A_4097 = vector.broadcast %jit3A_4095 : f32 to vector<128x128xf32>
    %select_n3A_4098 = arith.select %eq3A_4093, %broadcast_in_dim3A_4096, %broadcast_in_dim3A_4097 : vector<128x128xi1>, vector<128x128xf32>
    %min3A_4099 = arith.minimumf %min3A_4089, %select_n3A_4098 : vector<128x128xf32>
    %reduce_max3A_4100 = arith.constant dense<0xFF800000> : vector<128xf32>
    %reduce_max3A_4101 = vector.multi_reduction <maximumf>, %max3A_4017, %reduce_max3A_4100 [1] : vector<128x128xf32> to vector<128xf32>
    %broadcast_in_dim3A_4102 = vector.shape_cast %reduce_max3A_4101 : vector<128xf32> to vector<128x1xf32>
    %eq3A_4103 = vector.broadcast %broadcast_in_dim3A_4102 : vector<128x1xf32> to vector<128x128xf32>
    %eq3A_4104 = arith.cmpf oeq, %max3A_4017, %eq3A_4103 : vector<128x128xf32>
    %mul3A_4105 = arith.constant 1.280000e+02 : f32
    %mul3A_4106 = vector.broadcast %mul3A_4105 : f32 to vector<128x128xf32>
    %mul3A_4107 = arith.mulf %min3A_4099, %mul3A_4106 : vector<128x128xf32>
    %add3A_4108 = arith.addf %mul3A_4107, %convert_element_type3A : vector<128x128xf32>
    %jit3A_4109 = arith.constant 2.048000e+03 : f32
    %broadcast_in_dim3A_4110 = vector.broadcast %jit3A_4109 : f32 to vector<128x128xf32>
    %select_n3A_4111 = arith.select %eq3A_4104, %add3A_4108, %broadcast_in_dim3A_4110 : vector<128x128xi1>, vector<128x128xf32>
    %reduce_min3A_4112 = arith.constant dense<0x7F800000> : vector<128xf32>
    %reduce_min3A_4113 = vector.multi_reduction <minimumf>, %select_n3A_4111, %reduce_min3A_4112 [1] : vector<128x128xf32> to vector<128xf32>
    %broadcast_in_dim3A_4114 = vector.shape_cast %reduce_min3A_4113 : vector<128xf32> to vector<128x1xf32>
    %transpose3A_4115 = tpu.transpose %broadcast_in_dim3A_4114, [1, 0] : vector<128x1xf32> -> vector<1x128xf32>
    %concatenate3A = tpu.concatenate %transpose3A, %transpose3A_245, %transpose3A_374, %transpose3A_503, %transpose3A_632, %transpose3A_761, %transpose3A_890, %transpose3A_1019, %transpose3A_1148, %transpose3A_1277, %transpose3A_1406, %transpose3A_1535, %transpose3A_1664, %transpose3A_1793, %transpose3A_1922, %transpose3A_2051, %transpose3A_2180, %transpose3A_2309, %transpose3A_2438, %transpose3A_2567, %transpose3A_2696, %transpose3A_2825, %transpose3A_2954, %transpose3A_3083, %transpose3A_3212, %transpose3A_3341, %transpose3A_3470, %transpose3A_3599, %transpose3A_3728, %transpose3A_3857, %transpose3A_3986, %transpose3A_4115 in 0 : vector<1x128xf32>, vector<1x128xf32>, vector<1x128xf32>, vector<1x128xf32>, vector<1x128xf32>, vector<1x128xf32>, vector<1x128xf32>, vector<1x128xf32>, vector<1x128xf32>, vector<1x128xf32>, vector<1x128xf32>, vector<1x128xf32>, vector<1x128xf32>, vector<1x128xf32>, vector<1x128xf32>, vector<1x128xf32>, vector<1x128xf32>, vector<1x128xf32>, vector<1x128xf32>, vector<1x128xf32>, vector<1x128xf32>, vector<1x128xf32>, vector<1x128xf32>, vector<1x128xf32>, vector<1x128xf32>, vector<1x128xf32>, vector<1x128xf32>, vector<1x128xf32>, vector<1x128xf32>, vector<1x128xf32>, vector<1x128xf32>, vector<1x128xf32> -> vector<32x128xf32>
    %convert_element_type3A_4116 = arith.fptosi %concatenate3A : vector<32x128xf32> to vector<32x128xi32>
    %swap3A = arith.constant 0 : index
    %swap3A_4117 = arith.constant 0 : index
    %swap3A_4118 = vector.load %arg2[%swap3A, %swap3A_4117] : memref<32x128xi32, #tpu.memory_space<vmem>>, vector<32x128xi32>
    tpu.vector_store %arg2[%swap3A, %swap3A_4117], %convert_element_type3A_4116 {strides = array<i32>} : memref<32x128xi32, #tpu.memory_space<vmem>>, vector<32x128xi32>,
    return
  }
  func.func @transform_0(%arg0: i32) -> (i32, i32) {
    %c0_i32 = arith.constant 0 : i32
    %c0_i32_0 = arith.constant 0 : i32
    return %arg0, %c0_i32 : i32, i32
  }
  func.func @transform_1(%arg0: i32) -> (i32, i32) {
    %c0_i32 = arith.constant 0 : i32
    %c0_i32_0 = arith.constant 0 : i32
    return %arg0, %c0_i32 : i32, i32
  }
}

</mosaic_0001>

<sc_bundles>
// kernel: kernel.4.cloned.1.call-start
scs
__scs_entry_jumppad:
0x0: {  	(pc) =	sbr.rel $0x88, $3  }
0x1: {  	(tag) =	ssettag $0x0;
	lr =	simm.s32 $0x1  }
0x2: {  	[smem:$0x3F9F] =	sst lr;
	_ =	strace $0xD0000000  }
0x3: {  	_ = 	snop  }
0x4: {  	_ = 	snop  }
0x5: {  	_ = 	snop  }
0x6: {  	_ = 	snop  }
0x7: {  	_ = 	snop  }
__scs_overlays_trampoline_lowered:
0x8: {  	[smem:$0x3FAE] =	sst s0  }
0x9: {  	[smem:$0x3FAF] =	sst s1  }
0xa: {  	[smem:$0x3FB0] =	sst s2  }
0xb: {  	[smem:$0x3FB1] =	sst s3  }
0xc: {  	[smem:$0x3FB2] =	sst s4  }
0xd: {  	[smem:$0x3FB3] =	sst s5  }
0xe: {  	[smem:$0x3FB4] =	sst s6  }
0xf: {  	[smem:$0x3FB5] =	sst s7  }
0x10: {  	[smem:$0x3FB6] =	sst s8  }
0x11: {  	[smem:$0x3FB7] =	sst s9;
	s0 =	simm.s32 @!p0 $0x0  }
0x12: {  	s1 =	sld [smem:$0x3F9D];
	s0 =	simm.s32 @p0 $0x1  }
0x13: {  	[smem:$0x3FB8] =	sst s0;
	s0 =	simm.s32 @!p1 $0x0  }
0x14: {  	s2 =	sld [smem:$0x3F9C];
	s0 =	simm.s32 @p1 $0x1  }
0x15: {  	[smem:$0x3FB9] =	sst s0;
	s0 =	simm.s32 @!p2 $0x0  }
0x16: {  	s3 =	sld [smem:$0x3FDB];
	s0 =	simm.s32 @p2 $0x1  }
0x17: {  	s4 =	simm.s32 $0x1BF5;
	[smem:$0x3FBB] =	sst s0  }
0x18: {  	s0 =	sld [smem:$0x3F9E];
	_ =	swait.ge [sflag:s4], $0x0  }
0x19: {  	s7 =	sld [smem:$0x3F9F]  }
0x1a: {  	s8 =	sadd.s32 $0xFFFFE003, lr  }
0x1b: {  	s9 =	sadd.s32 $0xFFFFFEF7, lr;
	s5 =	simm.s32 $0xFFFFFFFF;
	p2 =	slt.u32 s8, $0xFFFFF086  }
0x1c: {  	p1 =	slt.u32 s9, $0xF7A;
	s5 =	simm.s32 @!p2 $0x0  }
0x1d: {  	s5 =	simm.s32 @p1 $0x1;
	p0 =	seq.s32 s7, s2  }
0x1e: {  	s7 =	smul.u32 @!p0 $0xF7A, s2;
	p2 =	seq.s32 @!p0 s5, $0x0  }
0x1f: {  	s9 =	smul.u32 $0xF7A, s1;
	s8 =	simm.s32 @!p0 $0x1BF5;
	p2 =	por !p2, p0  }
0x20: {  	[sflag:s8] =	ssyncset.s32 @!p0 $0xFFFFF086;
	s6 =	sadd.s32 @!p0 s3, s7;
	s7 =	simm.s32 @!p0 $0x108  }
0x21: {  	s3 =	sadd.s32 s3, s9;
	s6 =	sadd.s32 @!p0 $0x88, s6;
	s7 =	simm.s32 @p2 $0x1082  }
0x22: {  	[simem:s7], [sflag:s8] =	dma.local @!p0 [hbm:s6], $0xF7A  }
0x23: {  	s9 =	sor.u32 $0xD0000000, s2;
	s6 =	simm.s32 $0x108;
	_ =	swait.ge @!p0 [sflag:s8], $0x0  }
0x24: {  	s3 =	sadd.s32 $0x88, s3;
	s6 =	simm.s32 @!p1 $0x1082;
	[sflag:s4] =	ssyncset.s32 $0xFFFFF086  }
0x25: {  	[simem:s6], [sflag:s4] =	dma.local [hbm:s3], $0xF7A  }
0x26: {  	[smem:$0x3F9F] =	sst s1;
	(tag) =	ssettag s2;
	_ =	strace s9  }
0x27: {  	s1 =	sld [smem:$0x3FAF]  }
0x28: {  	s2 =	sld [smem:$0x3FB0]  }
0x29: {  	s4 =	sld [smem:$0x3FB2]  }
0x2a: {  	p0 =	seq.s32 s5, $0x0;
	s5 =	sld [smem:$0x3FB3]  }
0x2b: {  	s6 =	sld [smem:$0x3FB4]  }
0x2c: {  	s7 =	sld [smem:$0x3FB5]  }
0x2d: {  	s3 =	simm.s32 $0x108;
	s8 =	sld [smem:$0x3FB6]  }
0x2e: {  	s3 =	simm.s32 @!p0 $0x1082;
	s9 =	sld [smem:$0x3FB7]  }
0x2f: {  	lr =	sadd.s32 s0, s3;
	s0 =	sld [smem:$0x3FAE]  }
0x30: {  	s3 =	sld [smem:$0x3FB1]  }
0x31: {  	[smem:$0x3FBA] =	sst s10  }
0x32: {  	s10 =	sld [smem:$0x3FB8];
	_ =	sdelay $0x3  }
0x33: {  	p0 =	seq.s32 s10, $0x1;
	s10 =	sld [smem:$0x3FBA];
	_ =	sdelay $0x3  }
0x34: {  	[smem:$0x3FBA] =	sst s10  }
0x35: {  	s10 =	sld [smem:$0x3FB9];
	_ =	sdelay $0x3  }
0x36: {  	p1 =	seq.s32 s10, $0x1;
	s10 =	sld [smem:$0x3FBA];
	_ =	sdelay $0x3  }
0x37: {  	[smem:$0x3FBA] =	sst s10  }
0x38: {  	s10 =	sld [smem:$0x3FBB]  }
0x39: {  	_ = 	snop;
	(pc) =	sbr.ind lr, $3  }
0x3a: {  	_ = 	snop  }
0x3b: {  	_ = 	snop  }
0x3c: {  	p2 =	seq.s32 s10, $0x1;
	s10 =	sld [smem:$0x3FBA]  }
0x3d: {  	_ =	shalt  }
0x3e: {  	_ =	shalt  }
0x3f: {  	_ =	shalt  }
0x40: {  	_ =	shalt  }
0x41: {  	_ =	shalt  }
0x42: {  	_ =	shalt  }
0x43: {  	_ =	shalt  }
0x44: {  	_ =	shalt  }
0x45: {  	_ =	shalt  }
0x46: {  	_ =	shalt  }
0x47: {  	_ =	shalt  }
0x48: {  	_ =	shalt  }
0x49: {  	_ =	shalt  }
0x4a: {  	_ =	shalt  }
0x4b: {  	_ =	shalt  }
0x4c: {  	_ =	shalt  }
0x4d: {  	_ =	shalt  }
0x4e: {  	_ =	shalt  }
0x4f: {  	_ =	shalt  }
0x50: {  	_ =	shalt  }
0x51: {  	_ =	shalt  }
0x52: {  	_ =	shalt  }
0x53: {  	_ =	shalt  }
0x54: {  	_ =	shalt  }
0x55: {  	_ =	shalt  }
0x56: {  	_ =	shalt  }
0x57: {  	_ =	shalt  }
0x58: {  	_ =	shalt  }
0x59: {  	_ =	shalt  }
0x5a: {  	_ =	shalt  }
0x5b: {  	_ =	shalt  }
0x5c: {  	_ =	shalt  }
0x5d: {  	_ =	shalt  }
0x5e: {  	_ =	shalt  }
0x5f: {  	_ =	shalt  }
0x60: {  	_ =	shalt  }
0x61: {  	_ =	shalt  }
0x62: {  	_ =	shalt  }
0x63: {  	_ =	shalt  }
0x64: {  	_ =	shalt  }
0x65: {  	_ =	shalt  }
0x66: {  	_ =	shalt  }
0x67: {  	_ =	shalt  }
0x68: {  	_ =	shalt  }
0x69: {  	_ =	shalt  }
0x6a: {  	_ =	shalt  }
0x6b: {  	_ =	shalt  }
0x6c: {  	_ =	shalt  }
0x6d: {  	_ =	shalt  }
0x6e: {  	_ =	shalt  }
0x6f: {  	_ =	shalt  }
0x70: {  	_ =	shalt  }
0x71: {  	_ =	shalt  }
0x72: {  	_ =	shalt  }
0x73: {  	_ =	shalt  }
0x74: {  	_ =	shalt  }
0x75: {  	_ =	shalt  }
0x76: {  	_ =	shalt  }
0x77: {  	_ =	shalt  }
0x78: {  	_ =	shalt  }
0x79: {  	_ =	shalt  }
0x7a: {  	_ =	shalt  }
0x7b: {  	_ =	shalt  }
0x7c: {  	_ =	shalt  }
0x7d: {  	_ =	shalt  }
0x7e: {  	_ =	shalt  }
0x7f: {  	_ =	shalt  }
0x80: {  	_ =	shalt  }
0x81: {  	_ =	shalt  }
0x82: {  	_ =	shalt  }
0x83: {  	_ =	shalt  }
0x84: {  	_ =	shalt  }
0x85: {  	_ =	shalt  }
0x86: {  	_ =	shalt  }
0x87: {  	_ =	shalt  }
.Lfunc_end0:
.L_simem_size_0:
called_computation_lowered:
.L_overlay_start_0:
0x88: {  	s2 =	sld [smem:$0x3FD9]  }
0x89: {  	s3 =	sld [smem:$0x3FFE];
	_ =	sdelay $0x1  }
0x8a: {  	s1 =	srdreg.scid  }
0x8b: {  	s0 =	sand.u32 $0x1, s1  }
0x8c: {  	s17 =	sshll.u32 s0, $0xA;
	s2 =	sadd.s32 s3, s2  }
0x8d: {  	s2 =	sadd.s32 s2, s17  }
0x8e: {  	[smem:$0x3FC6] =	sst s2  }
0x8f: {  	_ = 	snop  }
0x90: {  	s2 =	sld [smem:$0x3FC9]  }
0x91: {  	s18 =	sld [smem:$0x3FD0];
	(tm) =	ssettm $0x1  }
0x92: {  	s4 =	sld [smem:$0x3FFB];
	_ =	sdelay $0x3  }
0x93: {  	_ =	strace s4  }
0x94: {  	s4 =	sld [smem:$0x3FFC];
	_ =	sdelay $0x3  }
0x95: {  	_ =	strace s4  }
0x96: {  	s4 =	sld [smem:$0x3FFD];
	_ =	sdelay $0x3  }
0x97: {  	_ =	strace s4  }
0x98: {  	_ =	strace $0x8FFFFFFF  }
0x99: {  	s19 =	sld [smem:$0x3FDB];
	_ =	sdelay $0x1  }
0x9a: {  	s5 =	simm.s32 $_scs_section_size  }
0x9b: {  	s6 =	simm.s32 $_size__tile_overlayer_lowered;
	s7 =	simm.s32 $_tile_overlayer_lowered  }
0x9c: {  	s22 =	simm.s32 $0x1BFF;
	s21 =	sshll.u32 s7, $0x1;
	s4 =	sadd.s32 s5, s19  }
0x9d: {  	s8 =	simm.s32 $0x0;
	s20 =	sshll.u32 s6, $0x1;
	s6 =	sadd.s32 s21, s4  }
0x9e: {  	[timem:s8], [sflag:s22] =	dma.local [hbm:s6], s20  }
0x9f: {  	_ =	swait.ge [sflag:s22], s20  }
0xa0: {  	s5 =	ssub.s32 $0x0, s20;
	[sflag:s22] =	ssyncset.done $0x0  }
0xa1: {  	[sflag:s22] =	ssyncadd.s32 s5;
	_ =	sdelay $0x1  }
0xa2: {  	s23 =	simm.s32 $0x1B8B  }
0xa3: {  	_ =	swait.ge [sflag:s23], $0x1  }
0xa4: {  	[sflag:s23] =	ssyncset.done $0x0  }
0xa5: {  	s25 =	simm.s32 $0x1B8E;
	s24 =	sld [smem:$0x3FFE];
	[sflag:s23] =	ssyncadd.s32 $0xFFFFFFFF  }
0xa6: {  	s26 =	simm.s32 $execute0_lowered;
	[smem:$0x3FD2] =	sst s25  }
0xa7: {  	s6 =	sshll.u32 s26, $0x1;
	_ =	strace $0x80000046;
	[dreg:$0x1] =	wrdreg $0xFFFFFFFF  }
0xa8: {  	s28 =	simm.s32 $_size_execute0_lowered;
	s4 =	sadd.s32 s4, s6;
	[dreg:$0x0] =	wrdreg $0x0  }
0xa9: {  	s6 =	sshll.u32 s28, $0x1;
	[dreg:$0x2] =	wrdreg s4  }
0xaa: {  	[dreg:$0x3] =	wrdreg s6  }
0xab: {  	[dreg:$0x4] =	wrdreg $0xC0  }
0xac: {  	_ =	task [dreg:s8], $0x5FFFF  }
0xad: {  	[dreg:$0x1] =	wrdreg $0xFFFFFFFF  }
0xae: {  	[dreg:$0x0] =	wrdreg $0x60  }
0xaf: {  	[dreg:$0x2] =	wrdreg s2  }
0xb0: {  	[dreg:$0x3] =	wrdreg s24  }
0xb1: {  	[dreg:$0x4] =	wrdreg s18  }
0xb2: {  	[dreg:$0x5] =	wrdreg $0x9  }
0xb3: {  	_ =	task.clear_ibuf [dreg:s8], $0x6FFFF;
	_ =	strace $0x90000046  }
0xb4: {  	s29 =	simm.s32 $0x9;
	_ =	strace $0x80000048  }
0xb5: {  	_ =	swait.ge [sflag:s29], $0x1  }
0xb6: {  	[sflag:s29] =	ssyncadd.s32 $0xFFFFFFFF  }
0xb7: {  	_ =	strace $0x90000048  }
0xb8: {  	_ =	sfence  }
0xb9: {  	s30 =	sld [smem:$0x0];
	_ =	sdelay $0x2  }
0xba: {  	s31 =	sshll.u32 s1, $0xD;
	s1 =	sshrl.u32 s1, $0x2  }
0xbb: {  	s3 =	sand.u32 $0x4000, s31;
	s1 =	sadd.s32 s1, s30  }
0xbc: {  	s0 =	sor.u32 s3, s0;
	s1 =	sshll.u32 s1, $0x11  }
0xbd: {  	s0 =	sor.u32 s1, s0  }
0xbe: {  	s0 =	sadd.s32 $0x8F2B, s0  }
0xbf: {  	[sflag:s0] =	ssyncadd.remote.s32 $0x1  }
0xc0: {  	_ =	sfence.sel $0xFFFF  }
0xc1: {  	[dreg:$0x0] =	wrdreg $0xFFFFFFFF;
	(pc) =	sbr.abs _section_cstart, $3  }
0xc2: {  	[dreg:$0x1] =	wrdreg $0xFFFFFFFF  }
0xc3: {  	_ =	task.clear_ibuf [dreg:s8], $0x2FFFF;
	_ =	strace $0x9FFFFFFF  }
0xc4: {  	(tm) =	ssettm $0x7FFFFFFF  }
0xc5: {  	_ =	shalt  }
tec
execute0_lowered:
.L_overlay_start_1:
0x0: {  	(tag) =	ssettag $0x1  }
0x1: {  	s1 =	rddreg [dreg:$0x0]  }
0x2: {  	s2 =	srdreg.scid;
	s5 =	rddreg [dreg:$0x1]  }
0x3: {  	s0 =	stileid.u32;
	s7 =	rddreg [dreg:$0x2]  }
0x4: {  	s3 =	simm.s32 $0x0;
	s10 =	simm.s32 $0x1000;
	s11 =	simm.s32 $0x1  }
0x5: {  	s12 =	simm.s32 $0x0;
	s6 =	sand.u32 $0x1, s2;
	s4 =	sshll.u32 s0, $0xC  }
0x6: {  	s2 =	rddreg [dreg:$0x3];
	s8 =	sshll.u32 s6, $0xB;
	s6 =	ssub.s32 $0x2, s6  }
0x7: {  	[smem:$0x7FF] =	sst s3;
	s4 =	sor.u32 s8, s4;
	s9 =	sshrl.u32 s6, $0x1  }
0x8: {  	v0 =	vlaneseq.u32;
	_ =	strace $0x80000047;
	s8 =	sshrl.u32 s4, $0x3;
	s9 =	ssub.s32 s6, s9  }
0x9: {  	v1 =	vand.u32 $0x7, v0;
	s5 =	sadd.s32 s8, s5;
	s6 =	sadd.s32 s7, s8;
	s7 =	smax.u32 s9, $0x1  }
0xa: {  	v0 =	vmul.u32 $0x400, v0;
	v1 =	vmul.u32 $0x80, v1;
	s8 =	simm.s32 $0x2;
	s9 =	simm.s32 $0x800;
	s5 =	sadd.s32 $0x400, s5  }
.LBB2_1:
0xb: {  	[tilespmem:s3], [sflag:$0x2] =	stream.linear.gather [hbm4b:s5+s3], $0x800, $0x38;
	[tilespmem:$0x1800] =	vst v63  }
0xc: {  	_ =	swait.ge [sflag:s8], $0x800  }
0xd: {  	s13 =	simm.s32 $0x0;
	s16 =	simm.s32 $0x1;
	[sflag:s8] =	ssyncset.done $0x0  }
0xe: {  	s15 =	simm.s32 $0x0;
	s14 =	simm.s32 $0x0;
	[sflag:s8] =	ssyncadd.s32 $0xFFFFF800  }
.LBB2_2:
0xf: {  	p0 =	sne.s32 s16, $0x7F;
	v2 =	vld [tilespmem:s15+$0x0];
	s17 =	sand.u32 $0xFFFFFF80, s13;
	s18 =	sand.u32 $0x70, s14  }
0x10: {  	s17 =	sor.u32 s18, s17  }
0x11: {  	s17 =	sadd.s32 s4, s17  }
0x12: {  	v3 =	vmov s17  }
0x13: {  	v3 =	vshll.u32 v3, $0xA  }
0x14: {  	v3 =	vor.u32 v0, v3;
	v4 =	vshll.u32 v2, $0x3  }
.Ltmp0:
0x15: {  	v3 =	vand.u32 $0xFFFFE000, v3;
	v4 =	vand.u32 $0xFFFFFC00, v4;
	(pc) =	sbr.rel @p0 .LBB2_2-.Ltmp0, $4  }
0x16: {  	v2 =	vand.u32 $0x7F, v2;
	v3 =	vadd.s32 v3, v4  }
0x17: {  	s13 =	sand.u32 $0x3FFFFF80, s13;
	v2 =	vor.u32 v2, v3  }
0x18: {  	s14 =	sadd.s32 $0x10, s14;
	s17 =	sor.u32 s18, s13;
	v2 =	vor.u32 v1, v2  }
0x19: {  	s15 =	sadd.s32 $0x10, s15;
	s13 =	sshll.u32 s16, $0x4;
	s16 =	sadd.s32 $0x1, s16;
	[tilespmem:s17+$0x800] =	vst v2  }
0x1a: {  	v2 =	vld [tilespmem:s15+$0x0];
	s30 =	sand.u32 $0xFFFFFF80, s13;
	s14 =	sand.u32 $0x70, s14  }
0x1b: {  	s15 =	sor.u32 s14, s30  }
0x1c: {  	s15 =	sadd.s32 s4, s15  }
0x1d: {  	v3 =	vmov s15  }
0x1e: {  	v3 =	vshll.u32 v3, $0xA  }
0x1f: {  	v3 =	vor.u32 v0, v3;
	v4 =	vshll.u32 v2, $0x3  }
0x20: {  	v3 =	vand.u32 $0xFFFFE000, v3;
	v4 =	vand.u32 $0xFFFFFC00, v4  }
0x21: {  	v2 =	vand.u32 $0x7F, v2;
	v3 =	vadd.s32 v3, v4  }
0x22: {  	s31 =	sand.u32 $0x3FFFFF80, s13;
	v2 =	vor.u32 v2, v3  }
0x23: {  	s13 =	sor.u32 s14, s31;
	v2 =	vor.u32 v1, v2  }
0x24: {  	[tilespmem:s13+$0x800] =	vst v2  }
0x25: {  	[tilespmem:s10], [sflag:$0x1] =	stream.indirect.gather [hbm4b:s1+s9], $0x1, s9, s9, $0xb8;
	[tilespmem:$0x1800] =	vst v63  }
0x26: {  	s12 =	sadd.s32 $0x1, s12;
	_ =	swait.ge [sflag:s11], $0x800  }
0x27: {  	p0 =	sne.s32 s12, s7;
	[sflag:s11] =	ssyncset.done $0x0  }
.Ltmp1:
0x28: {  	[sflag:s11] =	ssyncadd.s32 $0xFFFFF800;
	(pc) =	sbr.rel @p0 .LBB2_1-.Ltmp1, $4  }
0x29: {  	[hbm4b:s6+s3] =	stream.linear.scatter [tilespmem:s10], [sflag:$0x2], $0x800, $0x38;
	[tilespmem:$0x1800] =	vst v63  }
0x2a: {  	_ =	swait.ge [sflag:s8], $0x800  }
0x2b: {  	[sflag:s8] =	ssyncset.done $0x0  }
0x2c: {  	[sflag:s8] =	ssyncadd.s32 $0xFFFFF800  }
0x2d: {  	_ =	sfence.sel $0x180000  }
0x2e: {  	[bflag:$0x0] =	sbarrier.arrive $0xFFFF  }
0x2f: {  	p0 =	sne.s32 s0, $0x0;
	_ =	strace $0x90000047  }
0x30: {  	s0 =	sadd.s32 @!p0 $0x100000, s2;
	[bflag:$0x2] =	sbarrier.arrive $0xFFFF  }
0x31: {  	[sflag:s0] =	ssyncadd.tile.s32 @!p0 $0x1;
	_ =	shalt  }
.Lfunc_end2:
_tile_overlayer_lowered:
.L_overlay_start_2:
0x32: {  	(tag) =	ssettag $0x2  }
0x33: {  	s0 =	rddreg [dreg:$0x0];
	s2 =	stileid.u32  }
0x34: {  	s1 =	rddreg [dreg:$0x1];
	p0 =	sne.s32 s2, $0x0  }
0x35: {  	s3 =	rddreg [dreg:$0x2];
	[bflag:$0x3] =	sbarrier.arrive $0xFFFF;
	s2 =	simm.s32 @!p0 $0x1C02  }
0x36: {  	[timem:s3], [sflag:s2] =	dma.local @!p0 [hbm:s0], s1  }
0x37: {  	s0 =	simm.s32 @!p0 $0x2  }
0x38: {  	_ =	swait.ge @!p0 [sflag:s0], s1  }
0x39: {  	s1 =	ssub.s32 @!p0 $0x0, s1;
	[sflag:s0] =	ssyncset.done @!p0 $0x0  }
0x3a: {  	[sflag:s0] =	ssyncadd.s32 @!p0 s1  }
0x3b: {  	[bflag:$0x3] =	sbarrier.arrive $0xFFFF  }
0x3c: {  	_ =	shalt  }

</sc_bundles>
